<compile_context>
chip_gen: v7x
topology: tpu7x:2x2x1
jax: 0.10.2.dev20260603
libtpu: 0.0.44.dev20260713+nightly
codegen_flags: <defaults>
</compile_context>

<pallas_src>
import functools

import jax
import jax.numpy as jnp
from jax import lax
from jax.experimental import pallas as pl
from jax.experimental.pallas import tpu as pltpu
from jax.experimental.pallas import tpu_sc as plsc

BATCH = 16384
DIM = 16
LANES = 16
MU = 7.0

_info = plsc.get_sparse_core_info()
NC = _info.num_cores
NS = _info.num_subcores
NW = NC * NS
B_PER_W = BATCH // NW
N_GROUPS = B_PER_W // LANES

_mesh = plsc.VectorSubcoreMesh(core_axis_name="c", subcore_axis_name="s")


@functools.partial(
    pl.kernel,
    mesh=_mesh,
    compiler_params=pltpu.CompilerParams(
        needs_layout_passes=False, use_tc_tiling_on_sc=True),
    out_type=jax.ShapeDtypeStruct((BATCH,), jnp.float32),
    scratch_types=[
        pltpu.VMEM((B_PER_W,), jnp.int32),
        pltpu.VMEM((B_PER_W,), jnp.int32),
        pltpu.VMEM((LANES, DIM, 128), jnp.float32),
        pltpu.VMEM((LANES, DIM, 128), jnp.float32),
        pltpu.VMEM((B_PER_W,), jnp.float32),
        pltpu.VMEM((B_PER_W,), jnp.float32),
        pltpu.VMEM((B_PER_W,), jnp.float32),
        pltpu.SemaphoreType.DMA,
        pltpu.SemaphoreType.DMA,
    ],
)
def _mf_sc(uidx_hbm, iidx_hbm, ue_hbm, ie_hbm, ub_hbm, ib_hbm, out_hbm,
           uix, iix, ublk, iblk, ubv, ibv, outv, sem0, sem1):
    wid = lax.axis_index("s") * NC + lax.axis_index("c")
    base = wid * B_PER_W
    sems = (sem0, sem1)

    cu = pltpu.async_copy(uidx_hbm.at[pl.ds(base, B_PER_W)], uix, sem0)
    ci = pltpu.async_copy(iidx_hbm.at[pl.ds(base, B_PER_W)], iix, sem0)
    cu.wait()
    ci.wait()

    cps = []
    for c in range(B_PER_W // 128):
        rows = pl.ds(c * 128, 128)
        cps.append(pltpu.async_copy(ub_hbm.at[uix.at[rows]], ubv.at[rows], sem0))
        cps.append(pltpu.async_copy(ib_hbm.at[iix.at[rows]], ibv.at[rows], sem0))
    for cp in cps:
        cp.wait()

    lane = lax.iota(jnp.int32, LANES)

    def body(g, carry):
        s = pl.ds(g * LANES, LANES)
        vu = uix[s]
        vi = iix[s]
        for j in range(LANES):
            cu = pl.multiple_of((vu[j] >> 7) << 7, 128)
            ci = pl.multiple_of((vi[j] >> 7) << 7, 128)
            for h in range(2):
                rows = pl.ds(h * 8, 8)
                pltpu.async_copy(ue_hbm.at[rows, pl.ds(cu, 128)],
                                 ublk.at[j, rows], sem1)
                pltpu.async_copy(ie_hbm.at[rows, pl.ds(ci, 128)],
                                 iblk.at[j, rows], sem1)
        for _ in range(4 * LANES):
            pltpu.make_async_copy(ue_hbm.at[pl.ds(0, 8), pl.ds(0, 128)],
                                  ublk.at[0, pl.ds(0, 8)], sem1).wait()

        colu = vu & 127
        coli = vi & 127
        acc = jnp.zeros((LANES,), jnp.float32)
        for d in range(DIM):
            dd = jnp.full((LANES,), d, jnp.int32)
            u = plsc.load_gather(ublk, [lane, dd, colu])
            v = plsc.load_gather(iblk, [lane, dd, coli])
            acc = acc + u * v
        o = pl.multiple_of(g * LANES, LANES)
        outv[pl.ds(o, LANES)] = (acc + ubv[pl.ds(o, LANES)]
                                 + ibv[pl.ds(o, LANES)] + MU)
        return carry

    lax.fori_loop(0, N_GROUPS, body, 0)

    pltpu.sync_copy(outv, out_hbm.at[pl.ds(base, B_PER_W)])


def kernel(user_indices, item_indices, user_embedding, item_embedding,
           user_bias, item_bias):
    ui = user_indices.astype(jnp.int32)
    ii = item_indices.astype(jnp.int32)
    ub = user_bias.reshape(-1)
    ib = item_bias.reshape(-1)
    return _mf_sc(ui, ii, user_embedding.T, item_embedding.T, ub, ib)

# --- scband reference (transcript-rebuilt; emitter-appended) ---
"""Pipeline reference for scband-mf-80702435492018 (READ-ONLY COPY).

The authoritative reference and input builder live on the scoring server;
editing this copy changes nothing except your own understanding.
"""

import jax, jax.numpy as jnp
import numpy as np

NUM_USERS = 1000000
NUM_ITEMS = 1000000
LATENT_DIM = 16
BATCH = 16384
MU = 7.0


def setup_inputs(seed: int = 0) -> dict:
    key = jax.random.key(seed)
    k1, k2, k3, k4 = jax.random.split(key, 4)
    user_indices = jax.random.randint(k1, (BATCH,), 0, NUM_USERS, dtype=jnp.int64 if jax.config.jax_enable_x64 else jnp.int32)
    item_indices = jax.random.randint(k2, (BATCH,), 0, NUM_ITEMS, dtype=jnp.int64 if jax.config.jax_enable_x64 else jnp.int32)
    user_embedding = jax.random.normal(k3, (NUM_USERS, LATENT_DIM), dtype=jnp.float32)
    item_embedding = jax.random.normal(k4, (NUM_ITEMS, LATENT_DIM), dtype=jnp.float32)
    user_bias = jnp.zeros((NUM_USERS, 1), dtype=jnp.float32)
    item_bias = jnp.zeros((NUM_ITEMS, 1), dtype=jnp.float32)
    return {
        "user_indices": user_indices,
        "item_indices": item_indices,
        "user_embedding": user_embedding,
        "item_embedding": item_embedding,
        "user_bias": user_bias,
        "item_bias": item_bias,
    }


def reference(user_indices, item_indices, user_embedding, item_embedding, user_bias, item_bias):
    user_vec = jnp.take(user_embedding, user_indices, axis=0)
    item_vec = jnp.take(item_embedding, item_indices, axis=0)
    dot = jnp.sum(user_vec * item_vec, axis=1)
    ub = jnp.take(user_bias, user_indices, axis=0).reshape(-1)
    ib = jnp.take(item_bias, item_indices, axis=0).reshape(-1)
    rating = dot + MU + ub + ib
    return rating

if __name__ == "__main__":
    import jax
    _d = setup_inputs()
    print(jax.jit(kernel)(*tuple(_d.values())))

</pallas_src>

<mosaic_0001>
#map = affine_map<(d0, d1) -> (0)>
#map1 = affine_map<(d0, d1) -> (0, 0)>
module attributes {stable_mosaic.version = 14 : i64} {
  func.func @_mf_sc(%arg0: i32, %arg1: i32, %arg2: memref<16384xi32, #tpu.memory_space<hbm>>, %arg3: memref<16384xi32, #tpu.memory_space<hbm>>, %arg4: memref<16x1000000xf32, #tpu.memory_space<hbm>>, %arg5: memref<16x1000000xf32, #tpu.memory_space<hbm>>, %arg6: memref<1000000xf32, #tpu.memory_space<hbm>>, %arg7: memref<1000000xf32, #tpu.memory_space<hbm>>, %arg8: memref<16384xf32, #tpu.memory_space<hbm>>, %arg9: memref<512xi32, #tpu.memory_space<vmem>>, %arg10: memref<512xi32, #tpu.memory_space<vmem>>, %arg11: memref<16x16x128xf32, #tpu.memory_space<vmem>>, %arg12: memref<16x16x128xf32, #tpu.memory_space<vmem>>, %arg13: memref<512xf32, #tpu.memory_space<vmem>>, %arg14: memref<512xf32, #tpu.memory_space<vmem>>, %arg15: memref<512xf32, #tpu.memory_space<vmem>>, %arg16: memref<!tpu.dma_semaphore, #tpu.memory_space<semaphore_mem>>, %arg17: memref<!tpu.dma_semaphore, #tpu.memory_space<semaphore_mem>>) attributes {dimension_semantics = [#tpu.dimension_semantics<core_parallel>, #tpu.dimension_semantics<subcore_parallel>], iteration_bounds = array<i64: 2, 16>, scalar_prefetch = 0 : i64, scratch_operands = 9 : i64, tpu.core_type = #tpu.core_type<sc_vector_subcore>, window_params = [{transform_indices = #map}, {transform_indices = #map}, {transform_indices = #map1}, {transform_indices = #map1}, {transform_indices = #map}, {transform_indices = #map}, {transform_indices = #map}]} {
    %mul3A = arith.constant 2 : i32
    %mul3A_0 = arith.muli %arg1, %mul3A : i32
    %add3A = arith.addi %mul3A_0, %arg0 : i32
    %mul3A_1 = arith.constant 512 : i32
    %mul3A_2 = arith.muli %add3A, %mul3A_1 : i32
    %dma_start3A = tpu.memref_slice %arg2[%mul3A_2] : memref<16384xi32, #tpu.memory_space<hbm>> -> memref<512xi32, #tpu.memory_space<hbm>>
    %dma_start3A_3 = tpu.memref_slice %arg2[%mul3A_2] : memref<16384xi32, #tpu.memory_space<hbm>> -> memref<512xi32, #tpu.memory_space<hbm>>
    tpu.enqueue_dma source(%dma_start3A_3 : memref<512xi32, #tpu.memory_space<hbm>>) target(%arg9 : memref<512xi32, #tpu.memory_space<vmem>>) target_semaphore(%arg16 : memref<!tpu.dma_semaphore, #tpu.memory_space<semaphore_mem>>)
    %dma_start3A_4 = tpu.memref_slice %arg3[%mul3A_2] : memref<16384xi32, #tpu.memory_space<hbm>> -> memref<512xi32, #tpu.memory_space<hbm>>
    %dma_start3A_5 = tpu.memref_slice %arg3[%mul3A_2] : memref<16384xi32, #tpu.memory_space<hbm>> -> memref<512xi32, #tpu.memory_space<hbm>>
    tpu.enqueue_dma source(%dma_start3A_5 : memref<512xi32, #tpu.memory_space<hbm>>) target(%arg10 : memref<512xi32, #tpu.memory_space<vmem>>) target_semaphore(%arg16 : memref<!tpu.dma_semaphore, #tpu.memory_space<semaphore_mem>>)
    %dma_wait3A = tpu.memref_slice %arg2[%mul3A_2] : memref<16384xi32, #tpu.memory_space<hbm>> -> memref<512xi32, #tpu.memory_space<hbm>>
    %dma_wait3A_6 = tpu.memref_slice %arg2[%mul3A_2] : memref<16384xi32, #tpu.memory_space<hbm>> -> memref<512xi32, #tpu.memory_space<hbm>>
    tpu.wait_dma2 semaphore(%arg16 : memref<!tpu.dma_semaphore, #tpu.memory_space<semaphore_mem>>) src(%dma_wait3A_6 : memref<512xi32, #tpu.memory_space<hbm>>) dst(%arg9 : memref<512xi32, #tpu.memory_space<vmem>>)
    %dma_wait3A_7 = tpu.memref_slice %arg3[%mul3A_2] : memref<16384xi32, #tpu.memory_space<hbm>> -> memref<512xi32, #tpu.memory_space<hbm>>
    %dma_wait3A_8 = tpu.memref_slice %arg3[%mul3A_2] : memref<16384xi32, #tpu.memory_space<hbm>> -> memref<512xi32, #tpu.memory_space<hbm>>
    tpu.wait_dma2 semaphore(%arg16 : memref<!tpu.dma_semaphore, #tpu.memory_space<semaphore_mem>>) src(%dma_wait3A_8 : memref<512xi32, #tpu.memory_space<hbm>>) dst(%arg10 : memref<512xi32, #tpu.memory_space<vmem>>)
    %dma_start3A_9 = arith.constant 0 : i32
    %dma_start3A_10 = tpu.memref_slice %arg13[%dma_start3A_9] : memref<512xf32, #tpu.memory_space<vmem>> -> memref<128xf32, #tpu.memory_space<vmem>>
    %dma_start3A_11 = arith.constant 0 : i32
    %dma_start3A_12 = tpu.memref_slice %arg9[%dma_start3A_11] : memref<512xi32, #tpu.memory_space<vmem>> -> memref<128xi32, #tpu.memory_space<vmem>>
    %dma_start3A_13 = arith.constant 0 : i32
    %dma_start3A_14 = tpu.memref_slice %arg6[%dma_start3A_13] : memref<1000000xf32, #tpu.memory_space<hbm>> -> memref<1000000xf32, #tpu.memory_space<hbm>>
    tpu.enqueue_indirect_dma source(%dma_start3A_14 : memref<1000000xf32, #tpu.memory_space<hbm>>) target(%dma_start3A_10 : memref<128xf32, #tpu.memory_space<vmem>>) offsets(%dma_start3A_12 : memref<128xi32, #tpu.memory_space<vmem>>) semaphore(%arg16 : memref<!tpu.dma_semaphore, #tpu.memory_space<semaphore_mem>>)
    %dma_start3A_15 = arith.constant 0 : i32
    %dma_start3A_16 = tpu.memref_slice %arg14[%dma_start3A_15] : memref<512xf32, #tpu.memory_space<vmem>> -> memref<128xf32, #tpu.memory_space<vmem>>
    %dma_start3A_17 = arith.constant 0 : i32
    %dma_start3A_18 = tpu.memref_slice %arg10[%dma_start3A_17] : memref<512xi32, #tpu.memory_space<vmem>> -> memref<128xi32, #tpu.memory_space<vmem>>
    %dma_start3A_19 = arith.constant 0 : i32
    %dma_start3A_20 = tpu.memref_slice %arg7[%dma_start3A_19] : memref<1000000xf32, #tpu.memory_space<hbm>> -> memref<1000000xf32, #tpu.memory_space<hbm>>
    tpu.enqueue_indirect_dma source(%dma_start3A_20 : memref<1000000xf32, #tpu.memory_space<hbm>>) target(%dma_start3A_16 : memref<128xf32, #tpu.memory_space<vmem>>) offsets(%dma_start3A_18 : memref<128xi32, #tpu.memory_space<vmem>>) semaphore(%arg16 : memref<!tpu.dma_semaphore, #tpu.memory_space<semaphore_mem>>)
    %dma_start3A_21 = arith.constant 128 : i32
    %dma_start3A_22 = tpu.memref_slice %arg13[%dma_start3A_21] : memref<512xf32, #tpu.memory_space<vmem>> -> memref<128xf32, #tpu.memory_space<vmem>>
    %dma_start3A_23 = arith.constant 128 : i32
    %dma_start3A_24 = tpu.memref_slice %arg9[%dma_start3A_23] : memref<512xi32, #tpu.memory_space<vmem>> -> memref<128xi32, #tpu.memory_space<vmem>>
    %dma_start3A_25 = arith.constant 0 : i32
    %dma_start3A_26 = tpu.memref_slice %arg6[%dma_start3A_25] : memref<1000000xf32, #tpu.memory_space<hbm>> -> memref<1000000xf32, #tpu.memory_space<hbm>>
    tpu.enqueue_indirect_dma source(%dma_start3A_26 : memref<1000000xf32, #tpu.memory_space<hbm>>) target(%dma_start3A_22 : memref<128xf32, #tpu.memory_space<vmem>>) offsets(%dma_start3A_24 : memref<128xi32, #tpu.memory_space<vmem>>) semaphore(%arg16 : memref<!tpu.dma_semaphore, #tpu.memory_space<semaphore_mem>>)
    %dma_start3A_27 = arith.constant 128 : i32
    %dma_start3A_28 = tpu.memref_slice %arg14[%dma_start3A_27] : memref<512xf32, #tpu.memory_space<vmem>> -> memref<128xf32, #tpu.memory_space<vmem>>
    %dma_start3A_29 = arith.constant 128 : i32
    %dma_start3A_30 = tpu.memref_slice %arg10[%dma_start3A_29] : memref<512xi32, #tpu.memory_space<vmem>> -> memref<128xi32, #tpu.memory_space<vmem>>
    %dma_start3A_31 = arith.constant 0 : i32
    %dma_start3A_32 = tpu.memref_slice %arg7[%dma_start3A_31] : memref<1000000xf32, #tpu.memory_space<hbm>> -> memref<1000000xf32, #tpu.memory_space<hbm>>
    tpu.enqueue_indirect_dma source(%dma_start3A_32 : memref<1000000xf32, #tpu.memory_space<hbm>>) target(%dma_start3A_28 : memref<128xf32, #tpu.memory_space<vmem>>) offsets(%dma_start3A_30 : memref<128xi32, #tpu.memory_space<vmem>>) semaphore(%arg16 : memref<!tpu.dma_semaphore, #tpu.memory_space<semaphore_mem>>)
    %dma_start3A_33 = arith.constant 256 : i32
    %dma_start3A_34 = tpu.memref_slice %arg13[%dma_start3A_33] : memref<512xf32, #tpu.memory_space<vmem>> -> memref<128xf32, #tpu.memory_space<vmem>>
    %dma_start3A_35 = arith.constant 256 : i32
    %dma_start3A_36 = tpu.memref_slice %arg9[%dma_start3A_35] : memref<512xi32, #tpu.memory_space<vmem>> -> memref<128xi32, #tpu.memory_space<vmem>>
    %dma_start3A_37 = arith.constant 0 : i32
    %dma_start3A_38 = tpu.memref_slice %arg6[%dma_start3A_37] : memref<1000000xf32, #tpu.memory_space<hbm>> -> memref<1000000xf32, #tpu.memory_space<hbm>>
    tpu.enqueue_indirect_dma source(%dma_start3A_38 : memref<1000000xf32, #tpu.memory_space<hbm>>) target(%dma_start3A_34 : memref<128xf32, #tpu.memory_space<vmem>>) offsets(%dma_start3A_36 : memref<128xi32, #tpu.memory_space<vmem>>) semaphore(%arg16 : memref<!tpu.dma_semaphore, #tpu.memory_space<semaphore_mem>>)
    %dma_start3A_39 = arith.constant 256 : i32
    %dma_start3A_40 = tpu.memref_slice %arg14[%dma_start3A_39] : memref<512xf32, #tpu.memory_space<vmem>> -> memref<128xf32, #tpu.memory_space<vmem>>
    %dma_start3A_41 = arith.constant 256 : i32
    %dma_start3A_42 = tpu.memref_slice %arg10[%dma_start3A_41] : memref<512xi32, #tpu.memory_space<vmem>> -> memref<128xi32, #tpu.memory_space<vmem>>
    %dma_start3A_43 = arith.constant 0 : i32
    %dma_start3A_44 = tpu.memref_slice %arg7[%dma_start3A_43] : memref<1000000xf32, #tpu.memory_space<hbm>> -> memref<1000000xf32, #tpu.memory_space<hbm>>
    tpu.enqueue_indirect_dma source(%dma_start3A_44 : memref<1000000xf32, #tpu.memory_space<hbm>>) target(%dma_start3A_40 : memref<128xf32, #tpu.memory_space<vmem>>) offsets(%dma_start3A_42 : memref<128xi32, #tpu.memory_space<vmem>>) semaphore(%arg16 : memref<!tpu.dma_semaphore, #tpu.memory_space<semaphore_mem>>)
    %dma_start3A_45 = arith.constant 384 : i32
    %dma_start3A_46 = tpu.memref_slice %arg13[%dma_start3A_45] : memref<512xf32, #tpu.memory_space<vmem>> -> memref<128xf32, #tpu.memory_space<vmem>>
    %dma_start3A_47 = arith.constant 384 : i32
    %dma_start3A_48 = tpu.memref_slice %arg9[%dma_start3A_47] : memref<512xi32, #tpu.memory_space<vmem>> -> memref<128xi32, #tpu.memory_space<vmem>>
    %dma_start3A_49 = arith.constant 0 : i32
    %dma_start3A_50 = tpu.memref_slice %arg6[%dma_start3A_49] : memref<1000000xf32, #tpu.memory_space<hbm>> -> memref<1000000xf32, #tpu.memory_space<hbm>>
    tpu.enqueue_indirect_dma source(%dma_start3A_50 : memref<1000000xf32, #tpu.memory_space<hbm>>) target(%dma_start3A_46 : memref<128xf32, #tpu.memory_space<vmem>>) offsets(%dma_start3A_48 : memref<128xi32, #tpu.memory_space<vmem>>) semaphore(%arg16 : memref<!tpu.dma_semaphore, #tpu.memory_space<semaphore_mem>>)
    %dma_start3A_51 = arith.constant 384 : i32
    %dma_start3A_52 = tpu.memref_slice %arg14[%dma_start3A_51] : memref<512xf32, #tpu.memory_space<vmem>> -> memref<128xf32, #tpu.memory_space<vmem>>
    %dma_start3A_53 = arith.constant 384 : i32
    %dma_start3A_54 = tpu.memref_slice %arg10[%dma_start3A_53] : memref<512xi32, #tpu.memory_space<vmem>> -> memref<128xi32, #tpu.memory_space<vmem>>
    %dma_start3A_55 = arith.constant 0 : i32
    %dma_start3A_56 = tpu.memref_slice %arg7[%dma_start3A_55] : memref<1000000xf32, #tpu.memory_space<hbm>> -> memref<1000000xf32, #tpu.memory_space<hbm>>
    tpu.enqueue_indirect_dma source(%dma_start3A_56 : memref<1000000xf32, #tpu.memory_space<hbm>>) target(%dma_start3A_52 : memref<128xf32, #tpu.memory_space<vmem>>) offsets(%dma_start3A_54 : memref<128xi32, #tpu.memory_space<vmem>>) semaphore(%arg16 : memref<!tpu.dma_semaphore, #tpu.memory_space<semaphore_mem>>)
    %dma_wait3A_57 = arith.constant 0 : i32
    %dma_wait3A_58 = tpu.memref_slice %arg13[%dma_wait3A_57] : memref<512xf32, #tpu.memory_space<vmem>> -> memref<128xf32, #tpu.memory_space<vmem>>
    %dma_wait3A_59 = arith.constant 0 : i32
    %dma_wait3A_60 = tpu.memref_slice %arg9[%dma_wait3A_59] : memref<512xi32, #tpu.memory_space<vmem>> -> memref<128xi32, #tpu.memory_space<vmem>>
    %dma_wait3A_61 = arith.constant 0 : i32
    %dma_wait3A_62 = tpu.memref_slice %arg6[%dma_wait3A_61] : memref<1000000xf32, #tpu.memory_space<hbm>> -> memref<1000000xf32, #tpu.memory_space<hbm>>
    tpu.wait_indirect_dma semaphore(%arg16 : memref<!tpu.dma_semaphore, #tpu.memory_space<semaphore_mem>>) src(%dma_wait3A_62 : memref<1000000xf32, #tpu.memory_space<hbm>>) dst(%dma_wait3A_58 : memref<128xf32, #tpu.memory_space<vmem>>)
    %dma_wait3A_63 = arith.constant 0 : i32
    %dma_wait3A_64 = tpu.memref_slice %arg14[%dma_wait3A_63] : memref<512xf32, #tpu.memory_space<vmem>> -> memref<128xf32, #tpu.memory_space<vmem>>
    %dma_wait3A_65 = arith.constant 0 : i32
    %dma_wait3A_66 = tpu.memref_slice %arg10[%dma_wait3A_65] : memref<512xi32, #tpu.memory_space<vmem>> -> memref<128xi32, #tpu.memory_space<vmem>>
    %dma_wait3A_67 = arith.constant 0 : i32
    %dma_wait3A_68 = tpu.memref_slice %arg7[%dma_wait3A_67] : memref<1000000xf32, #tpu.memory_space<hbm>> -> memref<1000000xf32, #tpu.memory_space<hbm>>
    tpu.wait_indirect_dma semaphore(%arg16 : memref<!tpu.dma_semaphore, #tpu.memory_space<semaphore_mem>>) src(%dma_wait3A_68 : memref<1000000xf32, #tpu.memory_space<hbm>>) dst(%dma_wait3A_64 : memref<128xf32, #tpu.memory_space<vmem>>)
    %dma_wait3A_69 = arith.constant 128 : i32
    %dma_wait3A_70 = tpu.memref_slice %arg13[%dma_wait3A_69] : memref<512xf32, #tpu.memory_space<vmem>> -> memref<128xf32, #tpu.memory_space<vmem>>
    %dma_wait3A_71 = arith.constant 128 : i32
    %dma_wait3A_72 = tpu.memref_slice %arg9[%dma_wait3A_71] : memref<512xi32, #tpu.memory_space<vmem>> -> memref<128xi32, #tpu.memory_space<vmem>>
    %dma_wait3A_73 = arith.constant 0 : i32
    %dma_wait3A_74 = tpu.memref_slice %arg6[%dma_wait3A_73] : memref<1000000xf32, #tpu.memory_space<hbm>> -> memref<1000000xf32, #tpu.memory_space<hbm>>
    tpu.wait_indirect_dma semaphore(%arg16 : memref<!tpu.dma_semaphore, #tpu.memory_space<semaphore_mem>>) src(%dma_wait3A_74 : memref<1000000xf32, #tpu.memory_space<hbm>>) dst(%dma_wait3A_70 : memref<128xf32, #tpu.memory_space<vmem>>)
    %dma_wait3A_75 = arith.constant 128 : i32
    %dma_wait3A_76 = tpu.memref_slice %arg14[%dma_wait3A_75] : memref<512xf32, #tpu.memory_space<vmem>> -> memref<128xf32, #tpu.memory_space<vmem>>
    %dma_wait3A_77 = arith.constant 128 : i32
    %dma_wait3A_78 = tpu.memref_slice %arg10[%dma_wait3A_77] : memref<512xi32, #tpu.memory_space<vmem>> -> memref<128xi32, #tpu.memory_space<vmem>>
    %dma_wait3A_79 = arith.constant 0 : i32
    %dma_wait3A_80 = tpu.memref_slice %arg7[%dma_wait3A_79] : memref<1000000xf32, #tpu.memory_space<hbm>> -> memref<1000000xf32, #tpu.memory_space<hbm>>
    tpu.wait_indirect_dma semaphore(%arg16 : memref<!tpu.dma_semaphore, #tpu.memory_space<semaphore_mem>>) src(%dma_wait3A_80 : memref<1000000xf32, #tpu.memory_space<hbm>>) dst(%dma_wait3A_76 : memref<128xf32, #tpu.memory_space<vmem>>)
    %dma_wait3A_81 = arith.constant 256 : i32
    %dma_wait3A_82 = tpu.memref_slice %arg13[%dma_wait3A_81] : memref<512xf32, #tpu.memory_space<vmem>> -> memref<128xf32, #tpu.memory_space<vmem>>
    %dma_wait3A_83 = arith.constant 256 : i32
    %dma_wait3A_84 = tpu.memref_slice %arg9[%dma_wait3A_83] : memref<512xi32, #tpu.memory_space<vmem>> -> memref<128xi32, #tpu.memory_space<vmem>>
    %dma_wait3A_85 = arith.constant 0 : i32
    %dma_wait3A_86 = tpu.memref_slice %arg6[%dma_wait3A_85] : memref<1000000xf32, #tpu.memory_space<hbm>> -> memref<1000000xf32, #tpu.memory_space<hbm>>
    tpu.wait_indirect_dma semaphore(%arg16 : memref<!tpu.dma_semaphore, #tpu.memory_space<semaphore_mem>>) src(%dma_wait3A_86 : memref<1000000xf32, #tpu.memory_space<hbm>>) dst(%dma_wait3A_82 : memref<128xf32, #tpu.memory_space<vmem>>)
    %dma_wait3A_87 = arith.constant 256 : i32
    %dma_wait3A_88 = tpu.memref_slice %arg14[%dma_wait3A_87] : memref<512xf32, #tpu.memory_space<vmem>> -> memref<128xf32, #tpu.memory_space<vmem>>
    %dma_wait3A_89 = arith.constant 256 : i32
    %dma_wait3A_90 = tpu.memref_slice %arg10[%dma_wait3A_89] : memref<512xi32, #tpu.memory_space<vmem>> -> memref<128xi32, #tpu.memory_space<vmem>>
    %dma_wait3A_91 = arith.constant 0 : i32
    %dma_wait3A_92 = tpu.memref_slice %arg7[%dma_wait3A_91] : memref<1000000xf32, #tpu.memory_space<hbm>> -> memref<1000000xf32, #tpu.memory_space<hbm>>
    tpu.wait_indirect_dma semaphore(%arg16 : memref<!tpu.dma_semaphore, #tpu.memory_space<semaphore_mem>>) src(%dma_wait3A_92 : memref<1000000xf32, #tpu.memory_space<hbm>>) dst(%dma_wait3A_88 : memref<128xf32, #tpu.memory_space<vmem>>)
    %dma_wait3A_93 = arith.constant 384 : i32
    %dma_wait3A_94 = tpu.memref_slice %arg13[%dma_wait3A_93] : memref<512xf32, #tpu.memory_space<vmem>> -> memref<128xf32, #tpu.memory_space<vmem>>
    %dma_wait3A_95 = arith.constant 384 : i32
    %dma_wait3A_96 = tpu.memref_slice %arg9[%dma_wait3A_95] : memref<512xi32, #tpu.memory_space<vmem>> -> memref<128xi32, #tpu.memory_space<vmem>>
    %dma_wait3A_97 = arith.constant 0 : i32
    %dma_wait3A_98 = tpu.memref_slice %arg6[%dma_wait3A_97] : memref<1000000xf32, #tpu.memory_space<hbm>> -> memref<1000000xf32, #tpu.memory_space<hbm>>
    tpu.wait_indirect_dma semaphore(%arg16 : memref<!tpu.dma_semaphore, #tpu.memory_space<semaphore_mem>>) src(%dma_wait3A_98 : memref<1000000xf32, #tpu.memory_space<hbm>>) dst(%dma_wait3A_94 : memref<128xf32, #tpu.memory_space<vmem>>)
    %dma_wait3A_99 = arith.constant 384 : i32
    %dma_wait3A_100 = tpu.memref_slice %arg14[%dma_wait3A_99] : memref<512xf32, #tpu.memory_space<vmem>> -> memref<128xf32, #tpu.memory_space<vmem>>
    %dma_wait3A_101 = arith.constant 384 : i32
    %dma_wait3A_102 = tpu.memref_slice %arg10[%dma_wait3A_101] : memref<512xi32, #tpu.memory_space<vmem>> -> memref<128xi32, #tpu.memory_space<vmem>>
    %dma_wait3A_103 = arith.constant 0 : i32
    %dma_wait3A_104 = tpu.memref_slice %arg7[%dma_wait3A_103] : memref<1000000xf32, #tpu.memory_space<hbm>> -> memref<1000000xf32, #tpu.memory_space<hbm>>
    tpu.wait_indirect_dma semaphore(%arg16 : memref<!tpu.dma_semaphore, #tpu.memory_space<semaphore_mem>>) src(%dma_wait3A_104 : memref<1000000xf32, #tpu.memory_space<hbm>>) dst(%dma_wait3A_100 : memref<128xf32, #tpu.memory_space<vmem>>)
    %iota3A = tpu.iota {dimensions = array<i32: 0>} : vector<16xi32>
    %scan3A = arith.constant 0 : i32
    %scan3A_105 = arith.constant 0 : i32
    %scan3A_106 = arith.constant 32 : i32
    %scan3A_107 = arith.addi %scan3A_105, %scan3A_106 : i32
    %scan3A_108 = arith.constant 1 : i32
    scf.for %scan3A_110 = %scan3A_105 to %scan3A_107 step %scan3A_108  : i32 {
      %mul3A_111 = arith.constant 16 : i32
      %mul3A_112 = arith.muli %scan3A_110, %mul3A_111 : i32
      %get3A = arith.index_cast %mul3A_112 : i32 to index
      %get3A_113 = tpu.vector_load %arg9[%get3A] {strides = array<i32>} : memref<512xi32, #tpu.memory_space<vmem>>, vector<16xi32>,
      %get3A_114 = arith.index_cast %mul3A_112 : i32 to index
      %get3A_115 = tpu.vector_load %arg10[%get3A_114] {strides = array<i32>} : memref<512xi32, #tpu.memory_space<vmem>>, vector<16xi32>,
      %slice3A = vector.extract_strided_slice %get3A_113 {offsets = [0], sizes = [1], strides = [1]} : vector<16xi32> to vector<1xi32>
      %squeeze3A = vector.extract %slice3A[0] : i32 from vector<1xi32>
      %shift_right_arithmetic3A = arith.constant 7 : i32
      %shift_right_arithmetic3A_116 = arith.shrsi %squeeze3A, %shift_right_arithmetic3A : i32
      %shift_left3A = arith.constant 7 : i32
      %shift_left3A_117 = arith.shli %shift_right_arithmetic3A_116, %shift_left3A : i32
      %multiple_of3A = tpu.assume_multiple %shift_left3A_117, 128 : i32
      %slice3A_118 = vector.extract_strided_slice %get3A_115 {offsets = [0], sizes = [1], strides = [1]} : vector<16xi32> to vector<1xi32>
      %squeeze3A_119 = vector.extract %slice3A_118[0] : i32 from vector<1xi32>
      %shift_right_arithmetic3A_120 = arith.constant 7 : i32
      %shift_right_arithmetic3A_121 = arith.shrsi %squeeze3A_119, %shift_right_arithmetic3A_120 : i32
      %shift_left3A_122 = arith.constant 7 : i32
      %shift_left3A_123 = arith.shli %shift_right_arithmetic3A_121, %shift_left3A_122 : i32
      %multiple_of3A_124 = tpu.assume_multiple %shift_left3A_123, 128 : i32
      %dma_start3A_125 = arith.constant 0 : i32
      %dma_start3A_126 = arith.constant 0 : i32
      %dma_start3A_127 = arith.constant 0 : i32
      %dma_start3A_128 = tpu.memref_slice %arg11[%dma_start3A_125, %dma_start3A_126, %dma_start3A_127] : memref<16x16x128xf32, #tpu.memory_space<vmem>> -> memref<1x8x128xf32, #tpu.memory_space<vmem>>
      %dma_start3A_129 = tpu.memref_squeeze %dma_start3A_128 : memref<1x8x128xf32, #tpu.memory_space<vmem>> -> memref<8x128xf32, #tpu.memory_space<vmem>>
      %dma_start3A_130 = arith.constant 0 : i32
      %dma_start3A_131 = tpu.memref_slice %arg4[%dma_start3A_130, %multiple_of3A] : memref<16x1000000xf32, #tpu.memory_space<hbm>> -> memref<8x128xf32, #tpu.memory_space<hbm>>
      %dma_start3A_132 = arith.constant 0 : i32
      %dma_start3A_133 = arith.constant 0 : i32
      %dma_start3A_134 = tpu.memref_slice %arg11[%dma_start3A_125, %dma_start3A_132, %dma_start3A_133] : memref<16x16x128xf32, #tpu.memory_space<vmem>> -> memref<1x8x128xf32, #tpu.memory_space<vmem>>
      %dma_start3A_135 = tpu.memref_squeeze %dma_start3A_134 : memref<1x8x128xf32, #tpu.memory_space<vmem>> -> memref<8x128xf32, #tpu.memory_space<vmem>>
      %dma_start3A_136 = arith.constant 0 : i32
      %dma_start3A_137 = tpu.memref_slice %arg4[%dma_start3A_136, %multiple_of3A] : memref<16x1000000xf32, #tpu.memory_space<hbm>> -> memref<8x128xf32, #tpu.memory_space<hbm>>
      tpu.enqueue_dma source(%dma_start3A_137 : memref<8x128xf32, #tpu.memory_space<hbm>>) target(%dma_start3A_135 : memref<8x128xf32, #tpu.memory_space<vmem>>) target_semaphore(%arg17 : memref<!tpu.dma_semaphore, #tpu.memory_space<semaphore_mem>>)
      %dma_start3A_138 = arith.constant 0 : i32
      %dma_start3A_139 = arith.constant 0 : i32
      %dma_start3A_140 = arith.constant 0 : i32
      %dma_start3A_141 = tpu.memref_slice %arg12[%dma_start3A_138, %dma_start3A_139, %dma_start3A_140] : memref<16x16x128xf32, #tpu.memory_space<vmem>> -> memref<1x8x128xf32, #tpu.memory_space<vmem>>
      %dma_start3A_142 = tpu.memref_squeeze %dma_start3A_141 : memref<1x8x128xf32, #tpu.memory_space<vmem>> -> memref<8x128xf32, #tpu.memory_space<vmem>>
      %dma_start3A_143 = arith.constant 0 : i32
      %dma_start3A_144 = tpu.memref_slice %arg5[%dma_start3A_143, %multiple_of3A_124] : memref<16x1000000xf32, #tpu.memory_space<hbm>> -> memref<8x128xf32, #tpu.memory_space<hbm>>
      %dma_start3A_145 = arith.constant 0 : i32
      %dma_start3A_146 = arith.constant 0 : i32
      %dma_start3A_147 = tpu.memref_slice %arg12[%dma_start3A_138, %dma_start3A_145, %dma_start3A_146] : memref<16x16x128xf32, #tpu.memory_space<vmem>> -> memref<1x8x128xf32, #tpu.memory_space<vmem>>
      %dma_start3A_148 = tpu.memref_squeeze %dma_start3A_147 : memref<1x8x128xf32, #tpu.memory_space<vmem>> -> memref<8x128xf32, #tpu.memory_space<vmem>>
      %dma_start3A_149 = arith.constant 0 : i32
      %dma_start3A_150 = tpu.memref_slice %arg5[%dma_start3A_149, %multiple_of3A_124] : memref<16x1000000xf32, #tpu.memory_space<hbm>> -> memref<8x128xf32, #tpu.memory_space<hbm>>
      tpu.enqueue_dma source(%dma_start3A_150 : memref<8x128xf32, #tpu.memory_space<hbm>>) target(%dma_start3A_148 : memref<8x128xf32, #tpu.memory_space<vmem>>) target_semaphore(%arg17 : memref<!tpu.dma_semaphore, #tpu.memory_space<semaphore_mem>>)
      %dma_start3A_151 = arith.constant 0 : i32
      %dma_start3A_152 = arith.constant 8 : i32
      %dma_start3A_153 = arith.constant 0 : i32
      %dma_start3A_154 = tpu.memref_slice %arg11[%dma_start3A_151, %dma_start3A_152, %dma_start3A_153] : memref<16x16x128xf32, #tpu.memory_space<vmem>> -> memref<1x8x128xf32, #tpu.memory_space<vmem>>
      %dma_start3A_155 = tpu.memref_squeeze %dma_start3A_154 : memref<1x8x128xf32, #tpu.memory_space<vmem>> -> memref<8x128xf32, #tpu.memory_space<vmem>>
      %dma_start3A_156 = arith.constant 8 : i32
      %dma_start3A_157 = tpu.memref_slice %arg4[%dma_start3A_156, %multiple_of3A] : memref<16x1000000xf32, #tpu.memory_space<hbm>> -> memref<8x128xf32, #tpu.memory_space<hbm>>
      %dma_start3A_158 = arith.constant 8 : i32
      %dma_start3A_159 = arith.constant 0 : i32
      %dma_start3A_160 = tpu.memref_slice %arg11[%dma_start3A_151, %dma_start3A_158, %dma_start3A_159] : memref<16x16x128xf32, #tpu.memory_space<vmem>> -> memref<1x8x128xf32, #tpu.memory_space<vmem>>
      %dma_start3A_161 = tpu.memref_squeeze %dma_start3A_160 : memref<1x8x128xf32, #tpu.memory_space<vmem>> -> memref<8x128xf32, #tpu.memory_space<vmem>>
      %dma_start3A_162 = arith.constant 8 : i32
      %dma_start3A_163 = tpu.memref_slice %arg4[%dma_start3A_162, %multiple_of3A] : memref<16x1000000xf32, #tpu.memory_space<hbm>> -> memref<8x128xf32, #tpu.memory_space<hbm>>
      tpu.enqueue_dma source(%dma_start3A_163 : memref<8x128xf32, #tpu.memory_space<hbm>>) target(%dma_start3A_161 : memref<8x128xf32, #tpu.memory_space<vmem>>) target_semaphore(%arg17 : memref<!tpu.dma_semaphore, #tpu.memory_space<semaphore_mem>>)
      %dma_start3A_164 = arith.constant 0 : i32
      %dma_start3A_165 = arith.constant 8 : i32
      %dma_start3A_166 = arith.constant 0 : i32
      %dma_start3A_167 = tpu.memref_slice %arg12[%dma_start3A_164, %dma_start3A_165, %dma_start3A_166] : memref<16x16x128xf32, #tpu.memory_space<vmem>> -> memref<1x8x128xf32, #tpu.memory_space<vmem>>
      %dma_start3A_168 = tpu.memref_squeeze %dma_start3A_167 : memref<1x8x128xf32, #tpu.memory_space<vmem>> -> memref<8x128xf32, #tpu.memory_space<vmem>>
      %dma_start3A_169 = arith.constant 8 : i32
      %dma_start3A_170 = tpu.memref_slice %arg5[%dma_start3A_169, %multiple_of3A_124] : memref<16x1000000xf32, #tpu.memory_space<hbm>> -> memref<8x128xf32, #tpu.memory_space<hbm>>
      %dma_start3A_171 = arith.constant 8 : i32
      %dma_start3A_172 = arith.constant 0 : i32
      %dma_start3A_173 = tpu.memref_slice %arg12[%dma_start3A_164, %dma_start3A_171, %dma_start3A_172] : memref<16x16x128xf32, #tpu.memory_space<vmem>> -> memref<1x8x128xf32, #tpu.memory_space<vmem>>
      %dma_start3A_174 = tpu.memref_squeeze %dma_start3A_173 : memref<1x8x128xf32, #tpu.memory_space<vmem>> -> memref<8x128xf32, #tpu.memory_space<vmem>>
      %dma_start3A_175 = arith.constant 8 : i32
      %dma_start3A_176 = tpu.memref_slice %arg5[%dma_start3A_175, %multiple_of3A_124] : memref<16x1000000xf32, #tpu.memory_space<hbm>> -> memref<8x128xf32, #tpu.memory_space<hbm>>
      tpu.enqueue_dma source(%dma_start3A_176 : memref<8x128xf32, #tpu.memory_space<hbm>>) target(%dma_start3A_174 : memref<8x128xf32, #tpu.memory_space<vmem>>) target_semaphore(%arg17 : memref<!tpu.dma_semaphore, #tpu.memory_space<semaphore_mem>>)
      %slice3A_177 = vector.extract_strided_slice %get3A_113 {offsets = [1], sizes = [1], strides = [1]} : vector<16xi32> to vector<1xi32>
      %squeeze3A_178 = vector.extract %slice3A_177[0] : i32 from vector<1xi32>
      %shift_right_arithmetic3A_179 = arith.constant 7 : i32
      %shift_right_arithmetic3A_180 = arith.shrsi %squeeze3A_178, %shift_right_arithmetic3A_179 : i32
      %shift_left3A_181 = arith.constant 7 : i32
      %shift_left3A_182 = arith.shli %shift_right_arithmetic3A_180, %shift_left3A_181 : i32
      %multiple_of3A_183 = tpu.assume_multiple %shift_left3A_182, 128 : i32
      %slice3A_184 = vector.extract_strided_slice %get3A_115 {offsets = [1], sizes = [1], strides = [1]} : vector<16xi32> to vector<1xi32>
      %squeeze3A_185 = vector.extract %slice3A_184[0] : i32 from vector<1xi32>
      %shift_right_arithmetic3A_186 = arith.constant 7 : i32
      %shift_right_arithmetic3A_187 = arith.shrsi %squeeze3A_185, %shift_right_arithmetic3A_186 : i32
      %shift_left3A_188 = arith.constant 7 : i32
      %shift_left3A_189 = arith.shli %shift_right_arithmetic3A_187, %shift_left3A_188 : i32
      %multiple_of3A_190 = tpu.assume_multiple %shift_left3A_189, 128 : i32
      %dma_start3A_191 = arith.constant 1 : i32
      %dma_start3A_192 = arith.constant 0 : i32
      %dma_start3A_193 = arith.constant 0 : i32
      %dma_start3A_194 = tpu.memref_slice %arg11[%dma_start3A_191, %dma_start3A_192, %dma_start3A_193] : memref<16x16x128xf32, #tpu.memory_space<vmem>> -> memref<1x8x128xf32, #tpu.memory_space<vmem>>
      %dma_start3A_195 = tpu.memref_squeeze %dma_start3A_194 : memref<1x8x128xf32, #tpu.memory_space<vmem>> -> memref<8x128xf32, #tpu.memory_space<vmem>>
      %dma_start3A_196 = arith.constant 0 : i32
      %dma_start3A_197 = tpu.memref_slice %arg4[%dma_start3A_196, %multiple_of3A_183] : memref<16x1000000xf32, #tpu.memory_space<hbm>> -> memref<8x128xf32, #tpu.memory_space<hbm>>
      %dma_start3A_198 = arith.constant 0 : i32
      %dma_start3A_199 = arith.constant 0 : i32
      %dma_start3A_200 = tpu.memref_slice %arg11[%dma_start3A_191, %dma_start3A_198, %dma_start3A_199] : memref<16x16x128xf32, #tpu.memory_space<vmem>> -> memref<1x8x128xf32, #tpu.memory_space<vmem>>
      %dma_start3A_201 = tpu.memref_squeeze %dma_start3A_200 : memref<1x8x128xf32, #tpu.memory_space<vmem>> -> memref<8x128xf32, #tpu.memory_space<vmem>>
      %dma_start3A_202 = arith.constant 0 : i32
      %dma_start3A_203 = tpu.memref_slice %arg4[%dma_start3A_202, %multiple_of3A_183] : memref<16x1000000xf32, #tpu.memory_space<hbm>> -> memref<8x128xf32, #tpu.memory_space<hbm>>
      tpu.enqueue_dma source(%dma_start3A_203 : memref<8x128xf32, #tpu.memory_space<hbm>>) target(%dma_start3A_201 : memref<8x128xf32, #tpu.memory_space<vmem>>) target_semaphore(%arg17 : memref<!tpu.dma_semaphore, #tpu.memory_space<semaphore_mem>>)
      %dma_start3A_204 = arith.constant 1 : i32
      %dma_start3A_205 = arith.constant 0 : i32
      %dma_start3A_206 = arith.constant 0 : i32
      %dma_start3A_207 = tpu.memref_slice %arg12[%dma_start3A_204, %dma_start3A_205, %dma_start3A_206] : memref<16x16x128xf32, #tpu.memory_space<vmem>> -> memref<1x8x128xf32, #tpu.memory_space<vmem>>
      %dma_start3A_208 = tpu.memref_squeeze %dma_start3A_207 : memref<1x8x128xf32, #tpu.memory_space<vmem>> -> memref<8x128xf32, #tpu.memory_space<vmem>>
      %dma_start3A_209 = arith.constant 0 : i32
      %dma_start3A_210 = tpu.memref_slice %arg5[%dma_start3A_209, %multiple_of3A_190] : memref<16x1000000xf32, #tpu.memory_space<hbm>> -> memref<8x128xf32, #tpu.memory_space<hbm>>
      %dma_start3A_211 = arith.constant 0 : i32
      %dma_start3A_212 = arith.constant 0 : i32
      %dma_start3A_213 = tpu.memref_slice %arg12[%dma_start3A_204, %dma_start3A_211, %dma_start3A_212] : memref<16x16x128xf32, #tpu.memory_space<vmem>> -> memref<1x8x128xf32, #tpu.memory_space<vmem>>
      %dma_start3A_214 = tpu.memref_squeeze %dma_start3A_213 : memref<1x8x128xf32, #tpu.memory_space<vmem>> -> memref<8x128xf32, #tpu.memory_space<vmem>>
      %dma_start3A_215 = arith.constant 0 : i32
      %dma_start3A_216 = tpu.memref_slice %arg5[%dma_start3A_215, %multiple_of3A_190] : memref<16x1000000xf32, #tpu.memory_space<hbm>> -> memref<8x128xf32, #tpu.memory_space<hbm>>
      tpu.enqueue_dma source(%dma_start3A_216 : memref<8x128xf32, #tpu.memory_space<hbm>>) target(%dma_start3A_214 : memref<8x128xf32, #tpu.memory_space<vmem>>) target_semaphore(%arg17 : memref<!tpu.dma_semaphore, #tpu.memory_space<semaphore_mem>>)
      %dma_start3A_217 = arith.constant 1 : i32
      %dma_start3A_218 = arith.constant 8 : i32
      %dma_start3A_219 = arith.constant 0 : i32
      %dma_start3A_220 = tpu.memref_slice %arg11[%dma_start3A_217, %dma_start3A_218, %dma_start3A_219] : memref<16x16x128xf32, #tpu.memory_space<vmem>> -> memref<1x8x128xf32, #tpu.memory_space<vmem>>
      %dma_start3A_221 = tpu.memref_squeeze %dma_start3A_220 : memref<1x8x128xf32, #tpu.memory_space<vmem>> -> memref<8x128xf32, #tpu.memory_space<vmem>>
      %dma_start3A_222 = arith.constant 8 : i32
      %dma_start3A_223 = tpu.memref_slice %arg4[%dma_start3A_222, %multiple_of3A_183] : memref<16x1000000xf32, #tpu.memory_space<hbm>> -> memref<8x128xf32, #tpu.memory_space<hbm>>
      %dma_start3A_224 = arith.constant 8 : i32
      %dma_start3A_225 = arith.constant 0 : i32
      %dma_start3A_226 = tpu.memref_slice %arg11[%dma_start3A_217, %dma_start3A_224, %dma_start3A_225] : memref<16x16x128xf32, #tpu.memory_space<vmem>> -> memref<1x8x128xf32, #tpu.memory_space<vmem>>
      %dma_start3A_227 = tpu.memref_squeeze %dma_start3A_226 : memref<1x8x128xf32, #tpu.memory_space<vmem>> -> memref<8x128xf32, #tpu.memory_space<vmem>>
      %dma_start3A_228 = arith.constant 8 : i32
      %dma_start3A_229 = tpu.memref_slice %arg4[%dma_start3A_228, %multiple_of3A_183] : memref<16x1000000xf32, #tpu.memory_space<hbm>> -> memref<8x128xf32, #tpu.memory_space<hbm>>
      tpu.enqueue_dma source(%dma_start3A_229 : memref<8x128xf32, #tpu.memory_space<hbm>>) target(%dma_start3A_227 : memref<8x128xf32, #tpu.memory_space<vmem>>) target_semaphore(%arg17 : memref<!tpu.dma_semaphore, #tpu.memory_space<semaphore_mem>>)
      %dma_start3A_230 = arith.constant 1 : i32
      %dma_start3A_231 = arith.constant 8 : i32
      %dma_start3A_232 = arith.constant 0 : i32
      %dma_start3A_233 = tpu.memref_slice %arg12[%dma_start3A_230, %dma_start3A_231, %dma_start3A_232] : memref<16x16x128xf32, #tpu.memory_space<vmem>> -> memref<1x8x128xf32, #tpu.memory_space<vmem>>
      %dma_start3A_234 = tpu.memref_squeeze %dma_start3A_233 : memref<1x8x128xf32, #tpu.memory_space<vmem>> -> memref<8x128xf32, #tpu.memory_space<vmem>>
      %dma_start3A_235 = arith.constant 8 : i32
      %dma_start3A_236 = tpu.memref_slice %arg5[%dma_start3A_235, %multiple_of3A_190] : memref<16x1000000xf32, #tpu.memory_space<hbm>> -> memref<8x128xf32, #tpu.memory_space<hbm>>
      %dma_start3A_237 = arith.constant 8 : i32
      %dma_start3A_238 = arith.constant 0 : i32
      %dma_start3A_239 = tpu.memref_slice %arg12[%dma_start3A_230, %dma_start3A_237, %dma_start3A_238] : memref<16x16x128xf32, #tpu.memory_space<vmem>> -> memref<1x8x128xf32, #tpu.memory_space<vmem>>
      %dma_start3A_240 = tpu.memref_squeeze %dma_start3A_239 : memref<1x8x128xf32, #tpu.memory_space<vmem>> -> memref<8x128xf32, #tpu.memory_space<vmem>>
      %dma_start3A_241 = arith.constant 8 : i32
      %dma_start3A_242 = tpu.memref_slice %arg5[%dma_start3A_241, %multiple_of3A_190] : memref<16x1000000xf32, #tpu.memory_space<hbm>> -> memref<8x128xf32, #tpu.memory_space<hbm>>
      tpu.enqueue_dma source(%dma_start3A_242 : memref<8x128xf32, #tpu.memory_space<hbm>>) target(%dma_start3A_240 : memref<8x128xf32, #tpu.memory_space<vmem>>) target_semaphore(%arg17 : memref<!tpu.dma_semaphore, #tpu.memory_space<semaphore_mem>>)
      %slice3A_243 = vector.extract_strided_slice %get3A_113 {offsets = [2], sizes = [1], strides = [1]} : vector<16xi32> to vector<1xi32>
      %squeeze3A_244 = vector.extract %slice3A_243[0] : i32 from vector<1xi32>
      %shift_right_arithmetic3A_245 = arith.constant 7 : i32
      %shift_right_arithmetic3A_246 = arith.shrsi %squeeze3A_244, %shift_right_arithmetic3A_245 : i32
      %shift_left3A_247 = arith.constant 7 : i32
      %shift_left3A_248 = arith.shli %shift_right_arithmetic3A_246, %shift_left3A_247 : i32
      %multiple_of3A_249 = tpu.assume_multiple %shift_left3A_248, 128 : i32
      %slice3A_250 = vector.extract_strided_slice %get3A_115 {offsets = [2], sizes = [1], strides = [1]} : vector<16xi32> to vector<1xi32>
      %squeeze3A_251 = vector.extract %slice3A_250[0] : i32 from vector<1xi32>
      %shift_right_arithmetic3A_252 = arith.constant 7 : i32
      %shift_right_arithmetic3A_253 = arith.shrsi %squeeze3A_251, %shift_right_arithmetic3A_252 : i32
      %shift_left3A_254 = arith.constant 7 : i32
      %shift_left3A_255 = arith.shli %shift_right_arithmetic3A_253, %shift_left3A_254 : i32
      %multiple_of3A_256 = tpu.assume_multiple %shift_left3A_255, 128 : i32
      %dma_start3A_257 = arith.constant 2 : i32
      %dma_start3A_258 = arith.constant 0 : i32
      %dma_start3A_259 = arith.constant 0 : i32
      %dma_start3A_260 = tpu.memref_slice %arg11[%dma_start3A_257, %dma_start3A_258, %dma_start3A_259] : memref<16x16x128xf32, #tpu.memory_space<vmem>> -> memref<1x8x128xf32, #tpu.memory_space<vmem>>
      %dma_start3A_261 = tpu.memref_squeeze %dma_start3A_260 : memref<1x8x128xf32, #tpu.memory_space<vmem>> -> memref<8x128xf32, #tpu.memory_space<vmem>>
      %dma_start3A_262 = arith.constant 0 : i32
      %dma_start3A_263 = tpu.memref_slice %arg4[%dma_start3A_262, %multiple_of3A_249] : memref<16x1000000xf32, #tpu.memory_space<hbm>> -> memref<8x128xf32, #tpu.memory_space<hbm>>
      %dma_start3A_264 = arith.constant 0 : i32
      %dma_start3A_265 = arith.constant 0 : i32
      %dma_start3A_266 = tpu.memref_slice %arg11[%dma_start3A_257, %dma_start3A_264, %dma_start3A_265] : memref<16x16x128xf32, #tpu.memory_space<vmem>> -> memref<1x8x128xf32, #tpu.memory_space<vmem>>
      %dma_start3A_267 = tpu.memref_squeeze %dma_start3A_266 : memref<1x8x128xf32, #tpu.memory_space<vmem>> -> memref<8x128xf32, #tpu.memory_space<vmem>>
      %dma_start3A_268 = arith.constant 0 : i32
      %dma_start3A_269 = tpu.memref_slice %arg4[%dma_start3A_268, %multiple_of3A_249] : memref<16x1000000xf32, #tpu.memory_space<hbm>> -> memref<8x128xf32, #tpu.memory_space<hbm>>
      tpu.enqueue_dma source(%dma_start3A_269 : memref<8x128xf32, #tpu.memory_space<hbm>>) target(%dma_start3A_267 : memref<8x128xf32, #tpu.memory_space<vmem>>) target_semaphore(%arg17 : memref<!tpu.dma_semaphore, #tpu.memory_space<semaphore_mem>>)
      %dma_start3A_270 = arith.constant 2 : i32
      %dma_start3A_271 = arith.constant 0 : i32
      %dma_start3A_272 = arith.constant 0 : i32
      %dma_start3A_273 = tpu.memref_slice %arg12[%dma_start3A_270, %dma_start3A_271, %dma_start3A_272] : memref<16x16x128xf32, #tpu.memory_space<vmem>> -> memref<1x8x128xf32, #tpu.memory_space<vmem>>
      %dma_start3A_274 = tpu.memref_squeeze %dma_start3A_273 : memref<1x8x128xf32, #tpu.memory_space<vmem>> -> memref<8x128xf32, #tpu.memory_space<vmem>>
      %dma_start3A_275 = arith.constant 0 : i32
      %dma_start3A_276 = tpu.memref_slice %arg5[%dma_start3A_275, %multiple_of3A_256] : memref<16x1000000xf32, #tpu.memory_space<hbm>> -> memref<8x128xf32, #tpu.memory_space<hbm>>
      %dma_start3A_277 = arith.constant 0 : i32
      %dma_start3A_278 = arith.constant 0 : i32
      %dma_start3A_279 = tpu.memref_slice %arg12[%dma_start3A_270, %dma_start3A_277, %dma_start3A_278] : memref<16x16x128xf32, #tpu.memory_space<vmem>> -> memref<1x8x128xf32, #tpu.memory_space<vmem>>
      %dma_start3A_280 = tpu.memref_squeeze %dma_start3A_279 : memref<1x8x128xf32, #tpu.memory_space<vmem>> -> memref<8x128xf32, #tpu.memory_space<vmem>>
      %dma_start3A_281 = arith.constant 0 : i32
      %dma_start3A_282 = tpu.memref_slice %arg5[%dma_start3A_281, %multiple_of3A_256] : memref<16x1000000xf32, #tpu.memory_space<hbm>> -> memref<8x128xf32, #tpu.memory_space<hbm>>
      tpu.enqueue_dma source(%dma_start3A_282 : memref<8x128xf32, #tpu.memory_space<hbm>>) target(%dma_start3A_280 : memref<8x128xf32, #tpu.memory_space<vmem>>) target_semaphore(%arg17 : memref<!tpu.dma_semaphore, #tpu.memory_space<semaphore_mem>>)
      %dma_start3A_283 = arith.constant 2 : i32
      %dma_start3A_284 = arith.constant 8 : i32
      %dma_start3A_285 = arith.constant 0 : i32
      %dma_start3A_286 = tpu.memref_slice %arg11[%dma_start3A_283, %dma_start3A_284, %dma_start3A_285] : memref<16x16x128xf32, #tpu.memory_space<vmem>> -> memref<1x8x128xf32, #tpu.memory_space<vmem>>
      %dma_start3A_287 = tpu.memref_squeeze %dma_start3A_286 : memref<1x8x128xf32, #tpu.memory_space<vmem>> -> memref<8x128xf32, #tpu.memory_space<vmem>>
      %dma_start3A_288 = arith.constant 8 : i32
      %dma_start3A_289 = tpu.memref_slice %arg4[%dma_start3A_288, %multiple_of3A_249] : memref<16x1000000xf32, #tpu.memory_space<hbm>> -> memref<8x128xf32, #tpu.memory_space<hbm>>
      %dma_start3A_290 = arith.constant 8 : i32
      %dma_start3A_291 = arith.constant 0 : i32
      %dma_start3A_292 = tpu.memref_slice %arg11[%dma_start3A_283, %dma_start3A_290, %dma_start3A_291] : memref<16x16x128xf32, #tpu.memory_space<vmem>> -> memref<1x8x128xf32, #tpu.memory_space<vmem>>
      %dma_start3A_293 = tpu.memref_squeeze %dma_start3A_292 : memref<1x8x128xf32, #tpu.memory_space<vmem>> -> memref<8x128xf32, #tpu.memory_space<vmem>>
      %dma_start3A_294 = arith.constant 8 : i32
      %dma_start3A_295 = tpu.memref_slice %arg4[%dma_start3A_294, %multiple_of3A_249] : memref<16x1000000xf32, #tpu.memory_space<hbm>> -> memref<8x128xf32, #tpu.memory_space<hbm>>
      tpu.enqueue_dma source(%dma_start3A_295 : memref<8x128xf32, #tpu.memory_space<hbm>>) target(%dma_start3A_293 : memref<8x128xf32, #tpu.memory_space<vmem>>) target_semaphore(%arg17 : memref<!tpu.dma_semaphore, #tpu.memory_space<semaphore_mem>>)
      %dma_start3A_296 = arith.constant 2 : i32
      %dma_start3A_297 = arith.constant 8 : i32
      %dma_start3A_298 = arith.constant 0 : i32
      %dma_start3A_299 = tpu.memref_slice %arg12[%dma_start3A_296, %dma_start3A_297, %dma_start3A_298] : memref<16x16x128xf32, #tpu.memory_space<vmem>> -> memref<1x8x128xf32, #tpu.memory_space<vmem>>
      %dma_start3A_300 = tpu.memref_squeeze %dma_start3A_299 : memref<1x8x128xf32, #tpu.memory_space<vmem>> -> memref<8x128xf32, #tpu.memory_space<vmem>>
      %dma_start3A_301 = arith.constant 8 : i32
      %dma_start3A_302 = tpu.memref_slice %arg5[%dma_start3A_301, %multiple_of3A_256] : memref<16x1000000xf32, #tpu.memory_space<hbm>> -> memref<8x128xf32, #tpu.memory_space<hbm>>
      %dma_start3A_303 = arith.constant 8 : i32
      %dma_start3A_304 = arith.constant 0 : i32
      %dma_start3A_305 = tpu.memref_slice %arg12[%dma_start3A_296, %dma_start3A_303, %dma_start3A_304] : memref<16x16x128xf32, #tpu.memory_space<vmem>> -> memref<1x8x128xf32, #tpu.memory_space<vmem>>
      %dma_start3A_306 = tpu.memref_squeeze %dma_start3A_305 : memref<1x8x128xf32, #tpu.memory_space<vmem>> -> memref<8x128xf32, #tpu.memory_space<vmem>>
      %dma_start3A_307 = arith.constant 8 : i32
      %dma_start3A_308 = tpu.memref_slice %arg5[%dma_start3A_307, %multiple_of3A_256] : memref<16x1000000xf32, #tpu.memory_space<hbm>> -> memref<8x128xf32, #tpu.memory_space<hbm>>
      tpu.enqueue_dma source(%dma_start3A_308 : memref<8x128xf32, #tpu.memory_space<hbm>>) target(%dma_start3A_306 : memref<8x128xf32, #tpu.memory_space<vmem>>) target_semaphore(%arg17 : memref<!tpu.dma_semaphore, #tpu.memory_space<semaphore_mem>>)
      %slice3A_309 = vector.extract_strided_slice %get3A_113 {offsets = [3], sizes = [1], strides = [1]} : vector<16xi32> to vector<1xi32>
      %squeeze3A_310 = vector.extract %slice3A_309[0] : i32 from vector<1xi32>
      %shift_right_arithmetic3A_311 = arith.constant 7 : i32
      %shift_right_arithmetic3A_312 = arith.shrsi %squeeze3A_310, %shift_right_arithmetic3A_311 : i32
      %shift_left3A_313 = arith.constant 7 : i32
      %shift_left3A_314 = arith.shli %shift_right_arithmetic3A_312, %shift_left3A_313 : i32
      %multiple_of3A_315 = tpu.assume_multiple %shift_left3A_314, 128 : i32
      %slice3A_316 = vector.extract_strided_slice %get3A_115 {offsets = [3], sizes = [1], strides = [1]} : vector<16xi32> to vector<1xi32>
      %squeeze3A_317 = vector.extract %slice3A_316[0] : i32 from vector<1xi32>
      %shift_right_arithmetic3A_318 = arith.constant 7 : i32
      %shift_right_arithmetic3A_319 = arith.shrsi %squeeze3A_317, %shift_right_arithmetic3A_318 : i32
      %shift_left3A_320 = arith.constant 7 : i32
      %shift_left3A_321 = arith.shli %shift_right_arithmetic3A_319, %shift_left3A_320 : i32
      %multiple_of3A_322 = tpu.assume_multiple %shift_left3A_321, 128 : i32
      %dma_start3A_323 = arith.constant 3 : i32
      %dma_start3A_324 = arith.constant 0 : i32
      %dma_start3A_325 = arith.constant 0 : i32
      %dma_start3A_326 = tpu.memref_slice %arg11[%dma_start3A_323, %dma_start3A_324, %dma_start3A_325] : memref<16x16x128xf32, #tpu.memory_space<vmem>> -> memref<1x8x128xf32, #tpu.memory_space<vmem>>
      %dma_start3A_327 = tpu.memref_squeeze %dma_start3A_326 : memref<1x8x128xf32, #tpu.memory_space<vmem>> -> memref<8x128xf32, #tpu.memory_space<vmem>>
      %dma_start3A_328 = arith.constant 0 : i32
      %dma_start3A_329 = tpu.memref_slice %arg4[%dma_start3A_328, %multiple_of3A_315] : memref<16x1000000xf32, #tpu.memory_space<hbm>> -> memref<8x128xf32, #tpu.memory_space<hbm>>
      %dma_start3A_330 = arith.constant 0 : i32
      %dma_start3A_331 = arith.constant 0 : i32
      %dma_start3A_332 = tpu.memref_slice %arg11[%dma_start3A_323, %dma_start3A_330, %dma_start3A_331] : memref<16x16x128xf32, #tpu.memory_space<vmem>> -> memref<1x8x128xf32, #tpu.memory_space<vmem>>
      %dma_start3A_333 = tpu.memref_squeeze %dma_start3A_332 : memref<1x8x128xf32, #tpu.memory_space<vmem>> -> memref<8x128xf32, #tpu.memory_space<vmem>>
      %dma_start3A_334 = arith.constant 0 : i32
      %dma_start3A_335 = tpu.memref_slice %arg4[%dma_start3A_334, %multiple_of3A_315] : memref<16x1000000xf32, #tpu.memory_space<hbm>> -> memref<8x128xf32, #tpu.memory_space<hbm>>
      tpu.enqueue_dma source(%dma_start3A_335 : memref<8x128xf32, #tpu.memory_space<hbm>>) target(%dma_start3A_333 : memref<8x128xf32, #tpu.memory_space<vmem>>) target_semaphore(%arg17 : memref<!tpu.dma_semaphore, #tpu.memory_space<semaphore_mem>>)
      %dma_start3A_336 = arith.constant 3 : i32
      %dma_start3A_337 = arith.constant 0 : i32
      %dma_start3A_338 = arith.constant 0 : i32
      %dma_start3A_339 = tpu.memref_slice %arg12[%dma_start3A_336, %dma_start3A_337, %dma_start3A_338] : memref<16x16x128xf32, #tpu.memory_space<vmem>> -> memref<1x8x128xf32, #tpu.memory_space<vmem>>
      %dma_start3A_340 = tpu.memref_squeeze %dma_start3A_339 : memref<1x8x128xf32, #tpu.memory_space<vmem>> -> memref<8x128xf32, #tpu.memory_space<vmem>>
      %dma_start3A_341 = arith.constant 0 : i32
      %dma_start3A_342 = tpu.memref_slice %arg5[%dma_start3A_341, %multiple_of3A_322] : memref<16x1000000xf32, #tpu.memory_space<hbm>> -> memref<8x128xf32, #tpu.memory_space<hbm>>
      %dma_start3A_343 = arith.constant 0 : i32
      %dma_start3A_344 = arith.constant 0 : i32
      %dma_start3A_345 = tpu.memref_slice %arg12[%dma_start3A_336, %dma_start3A_343, %dma_start3A_344] : memref<16x16x128xf32, #tpu.memory_space<vmem>> -> memref<1x8x128xf32, #tpu.memory_space<vmem>>
      %dma_start3A_346 = tpu.memref_squeeze %dma_start3A_345 : memref<1x8x128xf32, #tpu.memory_space<vmem>> -> memref<8x128xf32, #tpu.memory_space<vmem>>
      %dma_start3A_347 = arith.constant 0 : i32
      %dma_start3A_348 = tpu.memref_slice %arg5[%dma_start3A_347, %multiple_of3A_322] : memref<16x1000000xf32, #tpu.memory_space<hbm>> -> memref<8x128xf32, #tpu.memory_space<hbm>>
      tpu.enqueue_dma source(%dma_start3A_348 : memref<8x128xf32, #tpu.memory_space<hbm>>) target(%dma_start3A_346 : memref<8x128xf32, #tpu.memory_space<vmem>>) target_semaphore(%arg17 : memref<!tpu.dma_semaphore, #tpu.memory_space<semaphore_mem>>)
      %dma_start3A_349 = arith.constant 3 : i32
      %dma_start3A_350 = arith.constant 8 : i32
      %dma_start3A_351 = arith.constant 0 : i32
      %dma_start3A_352 = tpu.memref_slice %arg11[%dma_start3A_349, %dma_start3A_350, %dma_start3A_351] : memref<16x16x128xf32, #tpu.memory_space<vmem>> -> memref<1x8x128xf32, #tpu.memory_space<vmem>>
      %dma_start3A_353 = tpu.memref_squeeze %dma_start3A_352 : memref<1x8x128xf32, #tpu.memory_space<vmem>> -> memref<8x128xf32, #tpu.memory_space<vmem>>
      %dma_start3A_354 = arith.constant 8 : i32
      %dma_start3A_355 = tpu.memref_slice %arg4[%dma_start3A_354, %multiple_of3A_315] : memref<16x1000000xf32, #tpu.memory_space<hbm>> -> memref<8x128xf32, #tpu.memory_space<hbm>>
      %dma_start3A_356 = arith.constant 8 : i32
      %dma_start3A_357 = arith.constant 0 : i32
      %dma_start3A_358 = tpu.memref_slice %arg11[%dma_start3A_349, %dma_start3A_356, %dma_start3A_357] : memref<16x16x128xf32, #tpu.memory_space<vmem>> -> memref<1x8x128xf32, #tpu.memory_space<vmem>>
      %dma_start3A_359 = tpu.memref_squeeze %dma_start3A_358 : memref<1x8x128xf32, #tpu.memory_space<vmem>> -> memref<8x128xf32, #tpu.memory_space<vmem>>
      %dma_start3A_360 = arith.constant 8 : i32
      %dma_start3A_361 = tpu.memref_slice %arg4[%dma_start3A_360, %multiple_of3A_315] : memref<16x1000000xf32, #tpu.memory_space<hbm>> -> memref<8x128xf32, #tpu.memory_space<hbm>>
      tpu.enqueue_dma source(%dma_start3A_361 : memref<8x128xf32, #tpu.memory_space<hbm>>) target(%dma_start3A_359 : memref<8x128xf32, #tpu.memory_space<vmem>>) target_semaphore(%arg17 : memref<!tpu.dma_semaphore, #tpu.memory_space<semaphore_mem>>)
      %dma_start3A_362 = arith.constant 3 : i32
      %dma_start3A_363 = arith.constant 8 : i32
      %dma_start3A_364 = arith.constant 0 : i32
      %dma_start3A_365 = tpu.memref_slice %arg12[%dma_start3A_362, %dma_start3A_363, %dma_start3A_364] : memref<16x16x128xf32, #tpu.memory_space<vmem>> -> memref<1x8x128xf32, #tpu.memory_space<vmem>>
      %dma_start3A_366 = tpu.memref_squeeze %dma_start3A_365 : memref<1x8x128xf32, #tpu.memory_space<vmem>> -> memref<8x128xf32, #tpu.memory_space<vmem>>
      %dma_start3A_367 = arith.constant 8 : i32
      %dma_start3A_368 = tpu.memref_slice %arg5[%dma_start3A_367, %multiple_of3A_322] : memref<16x1000000xf32, #tpu.memory_space<hbm>> -> memref<8x128xf32, #tpu.memory_space<hbm>>
      %dma_start3A_369 = arith.constant 8 : i32
      %dma_start3A_370 = arith.constant 0 : i32
      %dma_start3A_371 = tpu.memref_slice %arg12[%dma_start3A_362, %dma_start3A_369, %dma_start3A_370] : memref<16x16x128xf32, #tpu.memory_space<vmem>> -> memref<1x8x128xf32, #tpu.memory_space<vmem>>
      %dma_start3A_372 = tpu.memref_squeeze %dma_start3A_371 : memref<1x8x128xf32, #tpu.memory_space<vmem>> -> memref<8x128xf32, #tpu.memory_space<vmem>>
      %dma_start3A_373 = arith.constant 8 : i32
      %dma_start3A_374 = tpu.memref_slice %arg5[%dma_start3A_373, %multiple_of3A_322] : memref<16x1000000xf32, #tpu.memory_space<hbm>> -> memref<8x128xf32, #tpu.memory_space<hbm>>
      tpu.enqueue_dma source(%dma_start3A_374 : memref<8x128xf32, #tpu.memory_space<hbm>>) target(%dma_start3A_372 : memref<8x128xf32, #tpu.memory_space<vmem>>) target_semaphore(%arg17 : memref<!tpu.dma_semaphore, #tpu.memory_space<semaphore_mem>>)
      %slice3A_375 = vector.extract_strided_slice %get3A_113 {offsets = [4], sizes = [1], strides = [1]} : vector<16xi32> to vector<1xi32>
      %squeeze3A_376 = vector.extract %slice3A_375[0] : i32 from vector<1xi32>
      %shift_right_arithmetic3A_377 = arith.constant 7 : i32
      %shift_right_arithmetic3A_378 = arith.shrsi %squeeze3A_376, %shift_right_arithmetic3A_377 : i32
      %shift_left3A_379 = arith.constant 7 : i32
      %shift_left3A_380 = arith.shli %shift_right_arithmetic3A_378, %shift_left3A_379 : i32
      %multiple_of3A_381 = tpu.assume_multiple %shift_left3A_380, 128 : i32
      %slice3A_382 = vector.extract_strided_slice %get3A_115 {offsets = [4], sizes = [1], strides = [1]} : vector<16xi32> to vector<1xi32>
      %squeeze3A_383 = vector.extract %slice3A_382[0] : i32 from vector<1xi32>
      %shift_right_arithmetic3A_384 = arith.constant 7 : i32
      %shift_right_arithmetic3A_385 = arith.shrsi %squeeze3A_383, %shift_right_arithmetic3A_384 : i32
      %shift_left3A_386 = arith.constant 7 : i32
      %shift_left3A_387 = arith.shli %shift_right_arithmetic3A_385, %shift_left3A_386 : i32
      %multiple_of3A_388 = tpu.assume_multiple %shift_left3A_387, 128 : i32
      %dma_start3A_389 = arith.constant 4 : i32
      %dma_start3A_390 = arith.constant 0 : i32
      %dma_start3A_391 = arith.constant 0 : i32
      %dma_start3A_392 = tpu.memref_slice %arg11[%dma_start3A_389, %dma_start3A_390, %dma_start3A_391] : memref<16x16x128xf32, #tpu.memory_space<vmem>> -> memref<1x8x128xf32, #tpu.memory_space<vmem>>
      %dma_start3A_393 = tpu.memref_squeeze %dma_start3A_392 : memref<1x8x128xf32, #tpu.memory_space<vmem>> -> memref<8x128xf32, #tpu.memory_space<vmem>>
      %dma_start3A_394 = arith.constant 0 : i32
      %dma_start3A_395 = tpu.memref_slice %arg4[%dma_start3A_394, %multiple_of3A_381] : memref<16x1000000xf32, #tpu.memory_space<hbm>> -> memref<8x128xf32, #tpu.memory_space<hbm>>
      %dma_start3A_396 = arith.constant 0 : i32
      %dma_start3A_397 = arith.constant 0 : i32
      %dma_start3A_398 = tpu.memref_slice %arg11[%dma_start3A_389, %dma_start3A_396, %dma_start3A_397] : memref<16x16x128xf32, #tpu.memory_space<vmem>> -> memref<1x8x128xf32, #tpu.memory_space<vmem>>
      %dma_start3A_399 = tpu.memref_squeeze %dma_start3A_398 : memref<1x8x128xf32, #tpu.memory_space<vmem>> -> memref<8x128xf32, #tpu.memory_space<vmem>>
      %dma_start3A_400 = arith.constant 0 : i32
      %dma_start3A_401 = tpu.memref_slice %arg4[%dma_start3A_400, %multiple_of3A_381] : memref<16x1000000xf32, #tpu.memory_space<hbm>> -> memref<8x128xf32, #tpu.memory_space<hbm>>
      tpu.enqueue_dma source(%dma_start3A_401 : memref<8x128xf32, #tpu.memory_space<hbm>>) target(%dma_start3A_399 : memref<8x128xf32, #tpu.memory_space<vmem>>) target_semaphore(%arg17 : memref<!tpu.dma_semaphore, #tpu.memory_space<semaphore_mem>>)
      %dma_start3A_402 = arith.constant 4 : i32
      %dma_start3A_403 = arith.constant 0 : i32
      %dma_start3A_404 = arith.constant 0 : i32
      %dma_start3A_405 = tpu.memref_slice %arg12[%dma_start3A_402, %dma_start3A_403, %dma_start3A_404] : memref<16x16x128xf32, #tpu.memory_space<vmem>> -> memref<1x8x128xf32, #tpu.memory_space<vmem>>
      %dma_start3A_406 = tpu.memref_squeeze %dma_start3A_405 : memref<1x8x128xf32, #tpu.memory_space<vmem>> -> memref<8x128xf32, #tpu.memory_space<vmem>>
      %dma_start3A_407 = arith.constant 0 : i32
      %dma_start3A_408 = tpu.memref_slice %arg5[%dma_start3A_407, %multiple_of3A_388] : memref<16x1000000xf32, #tpu.memory_space<hbm>> -> memref<8x128xf32, #tpu.memory_space<hbm>>
      %dma_start3A_409 = arith.constant 0 : i32
      %dma_start3A_410 = arith.constant 0 : i32
      %dma_start3A_411 = tpu.memref_slice %arg12[%dma_start3A_402, %dma_start3A_409, %dma_start3A_410] : memref<16x16x128xf32, #tpu.memory_space<vmem>> -> memref<1x8x128xf32, #tpu.memory_space<vmem>>
      %dma_start3A_412 = tpu.memref_squeeze %dma_start3A_411 : memref<1x8x128xf32, #tpu.memory_space<vmem>> -> memref<8x128xf32, #tpu.memory_space<vmem>>
      %dma_start3A_413 = arith.constant 0 : i32
      %dma_start3A_414 = tpu.memref_slice %arg5[%dma_start3A_413, %multiple_of3A_388] : memref<16x1000000xf32, #tpu.memory_space<hbm>> -> memref<8x128xf32, #tpu.memory_space<hbm>>
      tpu.enqueue_dma source(%dma_start3A_414 : memref<8x128xf32, #tpu.memory_space<hbm>>) target(%dma_start3A_412 : memref<8x128xf32, #tpu.memory_space<vmem>>) target_semaphore(%arg17 : memref<!tpu.dma_semaphore, #tpu.memory_space<semaphore_mem>>)
      %dma_start3A_415 = arith.constant 4 : i32
      %dma_start3A_416 = arith.constant 8 : i32
      %dma_start3A_417 = arith.constant 0 : i32
      %dma_start3A_418 = tpu.memref_slice %arg11[%dma_start3A_415, %dma_start3A_416, %dma_start3A_417] : memref<16x16x128xf32, #tpu.memory_space<vmem>> -> memref<1x8x128xf32, #tpu.memory_space<vmem>>
      %dma_start3A_419 = tpu.memref_squeeze %dma_start3A_418 : memref<1x8x128xf32, #tpu.memory_space<vmem>> -> memref<8x128xf32, #tpu.memory_space<vmem>>
      %dma_start3A_420 = arith.constant 8 : i32
      %dma_start3A_421 = tpu.memref_slice %arg4[%dma_start3A_420, %multiple_of3A_381] : memref<16x1000000xf32, #tpu.memory_space<hbm>> -> memref<8x128xf32, #tpu.memory_space<hbm>>
      %dma_start3A_422 = arith.constant 8 : i32
      %dma_start3A_423 = arith.constant 0 : i32
      %dma_start3A_424 = tpu.memref_slice %arg11[%dma_start3A_415, %dma_start3A_422, %dma_start3A_423] : memref<16x16x128xf32, #tpu.memory_space<vmem>> -> memref<1x8x128xf32, #tpu.memory_space<vmem>>
      %dma_start3A_425 = tpu.memref_squeeze %dma_start3A_424 : memref<1x8x128xf32, #tpu.memory_space<vmem>> -> memref<8x128xf32, #tpu.memory_space<vmem>>
      %dma_start3A_426 = arith.constant 8 : i32
      %dma_start3A_427 = tpu.memref_slice %arg4[%dma_start3A_426, %multiple_of3A_381] : memref<16x1000000xf32, #tpu.memory_space<hbm>> -> memref<8x128xf32, #tpu.memory_space<hbm>>
      tpu.enqueue_dma source(%dma_start3A_427 : memref<8x128xf32, #tpu.memory_space<hbm>>) target(%dma_start3A_425 : memref<8x128xf32, #tpu.memory_space<vmem>>) target_semaphore(%arg17 : memref<!tpu.dma_semaphore, #tpu.memory_space<semaphore_mem>>)
      %dma_start3A_428 = arith.constant 4 : i32
      %dma_start3A_429 = arith.constant 8 : i32
      %dma_start3A_430 = arith.constant 0 : i32
      %dma_start3A_431 = tpu.memref_slice %arg12[%dma_start3A_428, %dma_start3A_429, %dma_start3A_430] : memref<16x16x128xf32, #tpu.memory_space<vmem>> -> memref<1x8x128xf32, #tpu.memory_space<vmem>>
      %dma_start3A_432 = tpu.memref_squeeze %dma_start3A_431 : memref<1x8x128xf32, #tpu.memory_space<vmem>> -> memref<8x128xf32, #tpu.memory_space<vmem>>
      %dma_start3A_433 = arith.constant 8 : i32
      %dma_start3A_434 = tpu.memref_slice %arg5[%dma_start3A_433, %multiple_of3A_388] : memref<16x1000000xf32, #tpu.memory_space<hbm>> -> memref<8x128xf32, #tpu.memory_space<hbm>>
      %dma_start3A_435 = arith.constant 8 : i32
      %dma_start3A_436 = arith.constant 0 : i32
      %dma_start3A_437 = tpu.memref_slice %arg12[%dma_start3A_428, %dma_start3A_435, %dma_start3A_436] : memref<16x16x128xf32, #tpu.memory_space<vmem>> -> memref<1x8x128xf32, #tpu.memory_space<vmem>>
      %dma_start3A_438 = tpu.memref_squeeze %dma_start3A_437 : memref<1x8x128xf32, #tpu.memory_space<vmem>> -> memref<8x128xf32, #tpu.memory_space<vmem>>
      %dma_start3A_439 = arith.constant 8 : i32
      %dma_start3A_440 = tpu.memref_slice %arg5[%dma_start3A_439, %multiple_of3A_388] : memref<16x1000000xf32, #tpu.memory_space<hbm>> -> memref<8x128xf32, #tpu.memory_space<hbm>>
      tpu.enqueue_dma source(%dma_start3A_440 : memref<8x128xf32, #tpu.memory_space<hbm>>) target(%dma_start3A_438 : memref<8x128xf32, #tpu.memory_space<vmem>>) target_semaphore(%arg17 : memref<!tpu.dma_semaphore, #tpu.memory_space<semaphore_mem>>)
      %slice3A_441 = vector.extract_strided_slice %get3A_113 {offsets = [5], sizes = [1], strides = [1]} : vector<16xi32> to vector<1xi32>
      %squeeze3A_442 = vector.extract %slice3A_441[0] : i32 from vector<1xi32>
      %shift_right_arithmetic3A_443 = arith.constant 7 : i32
      %shift_right_arithmetic3A_444 = arith.shrsi %squeeze3A_442, %shift_right_arithmetic3A_443 : i32
      %shift_left3A_445 = arith.constant 7 : i32
      %shift_left3A_446 = arith.shli %shift_right_arithmetic3A_444, %shift_left3A_445 : i32
      %multiple_of3A_447 = tpu.assume_multiple %shift_left3A_446, 128 : i32
      %slice3A_448 = vector.extract_strided_slice %get3A_115 {offsets = [5], sizes = [1], strides = [1]} : vector<16xi32> to vector<1xi32>
      %squeeze3A_449 = vector.extract %slice3A_448[0] : i32 from vector<1xi32>
      %shift_right_arithmetic3A_450 = arith.constant 7 : i32
      %shift_right_arithmetic3A_451 = arith.shrsi %squeeze3A_449, %shift_right_arithmetic3A_450 : i32
      %shift_left3A_452 = arith.constant 7 : i32
      %shift_left3A_453 = arith.shli %shift_right_arithmetic3A_451, %shift_left3A_452 : i32
      %multiple_of3A_454 = tpu.assume_multiple %shift_left3A_453, 128 : i32
      %dma_start3A_455 = arith.constant 5 : i32
      %dma_start3A_456 = arith.constant 0 : i32
      %dma_start3A_457 = arith.constant 0 : i32
      %dma_start3A_458 = tpu.memref_slice %arg11[%dma_start3A_455, %dma_start3A_456, %dma_start3A_457] : memref<16x16x128xf32, #tpu.memory_space<vmem>> -> memref<1x8x128xf32, #tpu.memory_space<vmem>>
      %dma_start3A_459 = tpu.memref_squeeze %dma_start3A_458 : memref<1x8x128xf32, #tpu.memory_space<vmem>> -> memref<8x128xf32, #tpu.memory_space<vmem>>
      %dma_start3A_460 = arith.constant 0 : i32
      %dma_start3A_461 = tpu.memref_slice %arg4[%dma_start3A_460, %multiple_of3A_447] : memref<16x1000000xf32, #tpu.memory_space<hbm>> -> memref<8x128xf32, #tpu.memory_space<hbm>>
      %dma_start3A_462 = arith.constant 0 : i32
      %dma_start3A_463 = arith.constant 0 : i32
      %dma_start3A_464 = tpu.memref_slice %arg11[%dma_start3A_455, %dma_start3A_462, %dma_start3A_463] : memref<16x16x128xf32, #tpu.memory_space<vmem>> -> memref<1x8x128xf32, #tpu.memory_space<vmem>>
      %dma_start3A_465 = tpu.memref_squeeze %dma_start3A_464 : memref<1x8x128xf32, #tpu.memory_space<vmem>> -> memref<8x128xf32, #tpu.memory_space<vmem>>
      %dma_start3A_466 = arith.constant 0 : i32
      %dma_start3A_467 = tpu.memref_slice %arg4[%dma_start3A_466, %multiple_of3A_447] : memref<16x1000000xf32, #tpu.memory_space<hbm>> -> memref<8x128xf32, #tpu.memory_space<hbm>>
      tpu.enqueue_dma source(%dma_start3A_467 : memref<8x128xf32, #tpu.memory_space<hbm>>) target(%dma_start3A_465 : memref<8x128xf32, #tpu.memory_space<vmem>>) target_semaphore(%arg17 : memref<!tpu.dma_semaphore, #tpu.memory_space<semaphore_mem>>)
      %dma_start3A_468 = arith.constant 5 : i32
      %dma_start3A_469 = arith.constant 0 : i32
      %dma_start3A_470 = arith.constant 0 : i32
      %dma_start3A_471 = tpu.memref_slice %arg12[%dma_start3A_468, %dma_start3A_469, %dma_start3A_470] : memref<16x16x128xf32, #tpu.memory_space<vmem>> -> memref<1x8x128xf32, #tpu.memory_space<vmem>>
      %dma_start3A_472 = tpu.memref_squeeze %dma_start3A_471 : memref<1x8x128xf32, #tpu.memory_space<vmem>> -> memref<8x128xf32, #tpu.memory_space<vmem>>
      %dma_start3A_473 = arith.constant 0 : i32
      %dma_start3A_474 = tpu.memref_slice %arg5[%dma_start3A_473, %multiple_of3A_454] : memref<16x1000000xf32, #tpu.memory_space<hbm>> -> memref<8x128xf32, #tpu.memory_space<hbm>>
      %dma_start3A_475 = arith.constant 0 : i32
      %dma_start3A_476 = arith.constant 0 : i32
      %dma_start3A_477 = tpu.memref_slice %arg12[%dma_start3A_468, %dma_start3A_475, %dma_start3A_476] : memref<16x16x128xf32, #tpu.memory_space<vmem>> -> memref<1x8x128xf32, #tpu.memory_space<vmem>>
      %dma_start3A_478 = tpu.memref_squeeze %dma_start3A_477 : memref<1x8x128xf32, #tpu.memory_space<vmem>> -> memref<8x128xf32, #tpu.memory_space<vmem>>
      %dma_start3A_479 = arith.constant 0 : i32
      %dma_start3A_480 = tpu.memref_slice %arg5[%dma_start3A_479, %multiple_of3A_454] : memref<16x1000000xf32, #tpu.memory_space<hbm>> -> memref<8x128xf32, #tpu.memory_space<hbm>>
      tpu.enqueue_dma source(%dma_start3A_480 : memref<8x128xf32, #tpu.memory_space<hbm>>) target(%dma_start3A_478 : memref<8x128xf32, #tpu.memory_space<vmem>>) target_semaphore(%arg17 : memref<!tpu.dma_semaphore, #tpu.memory_space<semaphore_mem>>)
      %dma_start3A_481 = arith.constant 5 : i32
      %dma_start3A_482 = arith.constant 8 : i32
      %dma_start3A_483 = arith.constant 0 : i32
      %dma_start3A_484 = tpu.memref_slice %arg11[%dma_start3A_481, %dma_start3A_482, %dma_start3A_483] : memref<16x16x128xf32, #tpu.memory_space<vmem>> -> memref<1x8x128xf32, #tpu.memory_space<vmem>>
      %dma_start3A_485 = tpu.memref_squeeze %dma_start3A_484 : memref<1x8x128xf32, #tpu.memory_space<vmem>> -> memref<8x128xf32, #tpu.memory_space<vmem>>
      %dma_start3A_486 = arith.constant 8 : i32
      %dma_start3A_487 = tpu.memref_slice %arg4[%dma_start3A_486, %multiple_of3A_447] : memref<16x1000000xf32, #tpu.memory_space<hbm>> -> memref<8x128xf32, #tpu.memory_space<hbm>>
      %dma_start3A_488 = arith.constant 8 : i32
      %dma_start3A_489 = arith.constant 0 : i32
      %dma_start3A_490 = tpu.memref_slice %arg11[%dma_start3A_481, %dma_start3A_488, %dma_start3A_489] : memref<16x16x128xf32, #tpu.memory_space<vmem>> -> memref<1x8x128xf32, #tpu.memory_space<vmem>>
      %dma_start3A_491 = tpu.memref_squeeze %dma_start3A_490 : memref<1x8x128xf32, #tpu.memory_space<vmem>> -> memref<8x128xf32, #tpu.memory_space<vmem>>
      %dma_start3A_492 = arith.constant 8 : i32
      %dma_start3A_493 = tpu.memref_slice %arg4[%dma_start3A_492, %multiple_of3A_447] : memref<16x1000000xf32, #tpu.memory_space<hbm>> -> memref<8x128xf32, #tpu.memory_space<hbm>>
      tpu.enqueue_dma source(%dma_start3A_493 : memref<8x128xf32, #tpu.memory_space<hbm>>) target(%dma_start3A_491 : memref<8x128xf32, #tpu.memory_space<vmem>>) target_semaphore(%arg17 : memref<!tpu.dma_semaphore, #tpu.memory_space<semaphore_mem>>)
      %dma_start3A_494 = arith.constant 5 : i32
      %dma_start3A_495 = arith.constant 8 : i32
      %dma_start3A_496 = arith.constant 0 : i32
      %dma_start3A_497 = tpu.memref_slice %arg12[%dma_start3A_494, %dma_start3A_495, %dma_start3A_496] : memref<16x16x128xf32, #tpu.memory_space<vmem>> -> memref<1x8x128xf32, #tpu.memory_space<vmem>>
      %dma_start3A_498 = tpu.memref_squeeze %dma_start3A_497 : memref<1x8x128xf32, #tpu.memory_space<vmem>> -> memref<8x128xf32, #tpu.memory_space<vmem>>
      %dma_start3A_499 = arith.constant 8 : i32
      %dma_start3A_500 = tpu.memref_slice %arg5[%dma_start3A_499, %multiple_of3A_454] : memref<16x1000000xf32, #tpu.memory_space<hbm>> -> memref<8x128xf32, #tpu.memory_space<hbm>>
      %dma_start3A_501 = arith.constant 8 : i32
      %dma_start3A_502 = arith.constant 0 : i32
      %dma_start3A_503 = tpu.memref_slice %arg12[%dma_start3A_494, %dma_start3A_501, %dma_start3A_502] : memref<16x16x128xf32, #tpu.memory_space<vmem>> -> memref<1x8x128xf32, #tpu.memory_space<vmem>>
      %dma_start3A_504 = tpu.memref_squeeze %dma_start3A_503 : memref<1x8x128xf32, #tpu.memory_space<vmem>> -> memref<8x128xf32, #tpu.memory_space<vmem>>
      %dma_start3A_505 = arith.constant 8 : i32
      %dma_start3A_506 = tpu.memref_slice %arg5[%dma_start3A_505, %multiple_of3A_454] : memref<16x1000000xf32, #tpu.memory_space<hbm>> -> memref<8x128xf32, #tpu.memory_space<hbm>>
      tpu.enqueue_dma source(%dma_start3A_506 : memref<8x128xf32, #tpu.memory_space<hbm>>) target(%dma_start3A_504 : memref<8x128xf32, #tpu.memory_space<vmem>>) target_semaphore(%arg17 : memref<!tpu.dma_semaphore, #tpu.memory_space<semaphore_mem>>)
      %slice3A_507 = vector.extract_strided_slice %get3A_113 {offsets = [6], sizes = [1], strides = [1]} : vector<16xi32> to vector<1xi32>
      %squeeze3A_508 = vector.extract %slice3A_507[0] : i32 from vector<1xi32>
      %shift_right_arithmetic3A_509 = arith.constant 7 : i32
      %shift_right_arithmetic3A_510 = arith.shrsi %squeeze3A_508, %shift_right_arithmetic3A_509 : i32
      %shift_left3A_511 = arith.constant 7 : i32
      %shift_left3A_512 = arith.shli %shift_right_arithmetic3A_510, %shift_left3A_511 : i32
      %multiple_of3A_513 = tpu.assume_multiple %shift_left3A_512, 128 : i32
      %slice3A_514 = vector.extract_strided_slice %get3A_115 {offsets = [6], sizes = [1], strides = [1]} : vector<16xi32> to vector<1xi32>
      %squeeze3A_515 = vector.extract %slice3A_514[0] : i32 from vector<1xi32>
      %shift_right_arithmetic3A_516 = arith.constant 7 : i32
      %shift_right_arithmetic3A_517 = arith.shrsi %squeeze3A_515, %shift_right_arithmetic3A_516 : i32
      %shift_left3A_518 = arith.constant 7 : i32
      %shift_left3A_519 = arith.shli %shift_right_arithmetic3A_517, %shift_left3A_518 : i32
      %multiple_of3A_520 = tpu.assume_multiple %shift_left3A_519, 128 : i32
      %dma_start3A_521 = arith.constant 6 : i32
      %dma_start3A_522 = arith.constant 0 : i32
      %dma_start3A_523 = arith.constant 0 : i32
      %dma_start3A_524 = tpu.memref_slice %arg11[%dma_start3A_521, %dma_start3A_522, %dma_start3A_523] : memref<16x16x128xf32, #tpu.memory_space<vmem>> -> memref<1x8x128xf32, #tpu.memory_space<vmem>>
      %dma_start3A_525 = tpu.memref_squeeze %dma_start3A_524 : memref<1x8x128xf32, #tpu.memory_space<vmem>> -> memref<8x128xf32, #tpu.memory_space<vmem>>
      %dma_start3A_526 = arith.constant 0 : i32
      %dma_start3A_527 = tpu.memref_slice %arg4[%dma_start3A_526, %multiple_of3A_513] : memref<16x1000000xf32, #tpu.memory_space<hbm>> -> memref<8x128xf32, #tpu.memory_space<hbm>>
      %dma_start3A_528 = arith.constant 0 : i32
      %dma_start3A_529 = arith.constant 0 : i32
      %dma_start3A_530 = tpu.memref_slice %arg11[%dma_start3A_521, %dma_start3A_528, %dma_start3A_529] : memref<16x16x128xf32, #tpu.memory_space<vmem>> -> memref<1x8x128xf32, #tpu.memory_space<vmem>>
      %dma_start3A_531 = tpu.memref_squeeze %dma_start3A_530 : memref<1x8x128xf32, #tpu.memory_space<vmem>> -> memref<8x128xf32, #tpu.memory_space<vmem>>
      %dma_start3A_532 = arith.constant 0 : i32
      %dma_start3A_533 = tpu.memref_slice %arg4[%dma_start3A_532, %multiple_of3A_513] : memref<16x1000000xf32, #tpu.memory_space<hbm>> -> memref<8x128xf32, #tpu.memory_space<hbm>>
      tpu.enqueue_dma source(%dma_start3A_533 : memref<8x128xf32, #tpu.memory_space<hbm>>) target(%dma_start3A_531 : memref<8x128xf32, #tpu.memory_space<vmem>>) target_semaphore(%arg17 : memref<!tpu.dma_semaphore, #tpu.memory_space<semaphore_mem>>)
      %dma_start3A_534 = arith.constant 6 : i32
      %dma_start3A_535 = arith.constant 0 : i32
      %dma_start3A_536 = arith.constant 0 : i32
      %dma_start3A_537 = tpu.memref_slice %arg12[%dma_start3A_534, %dma_start3A_535, %dma_start3A_536] : memref<16x16x128xf32, #tpu.memory_space<vmem>> -> memref<1x8x128xf32, #tpu.memory_space<vmem>>
      %dma_start3A_538 = tpu.memref_squeeze %dma_start3A_537 : memref<1x8x128xf32, #tpu.memory_space<vmem>> -> memref<8x128xf32, #tpu.memory_space<vmem>>
      %dma_start3A_539 = arith.constant 0 : i32
      %dma_start3A_540 = tpu.memref_slice %arg5[%dma_start3A_539, %multiple_of3A_520] : memref<16x1000000xf32, #tpu.memory_space<hbm>> -> memref<8x128xf32, #tpu.memory_space<hbm>>
      %dma_start3A_541 = arith.constant 0 : i32
      %dma_start3A_542 = arith.constant 0 : i32
      %dma_start3A_543 = tpu.memref_slice %arg12[%dma_start3A_534, %dma_start3A_541, %dma_start3A_542] : memref<16x16x128xf32, #tpu.memory_space<vmem>> -> memref<1x8x128xf32, #tpu.memory_space<vmem>>
      %dma_start3A_544 = tpu.memref_squeeze %dma_start3A_543 : memref<1x8x128xf32, #tpu.memory_space<vmem>> -> memref<8x128xf32, #tpu.memory_space<vmem>>
      %dma_start3A_545 = arith.constant 0 : i32
      %dma_start3A_546 = tpu.memref_slice %arg5[%dma_start3A_545, %multiple_of3A_520] : memref<16x1000000xf32, #tpu.memory_space<hbm>> -> memref<8x128xf32, #tpu.memory_space<hbm>>
      tpu.enqueue_dma source(%dma_start3A_546 : memref<8x128xf32, #tpu.memory_space<hbm>>) target(%dma_start3A_544 : memref<8x128xf32, #tpu.memory_space<vmem>>) target_semaphore(%arg17 : memref<!tpu.dma_semaphore, #tpu.memory_space<semaphore_mem>>)
      %dma_start3A_547 = arith.constant 6 : i32
      %dma_start3A_548 = arith.constant 8 : i32
      %dma_start3A_549 = arith.constant 0 : i32
      %dma_start3A_550 = tpu.memref_slice %arg11[%dma_start3A_547, %dma_start3A_548, %dma_start3A_549] : memref<16x16x128xf32, #tpu.memory_space<vmem>> -> memref<1x8x128xf32, #tpu.memory_space<vmem>>
      %dma_start3A_551 = tpu.memref_squeeze %dma_start3A_550 : memref<1x8x128xf32, #tpu.memory_space<vmem>> -> memref<8x128xf32, #tpu.memory_space<vmem>>
      %dma_start3A_552 = arith.constant 8 : i32
      %dma_start3A_553 = tpu.memref_slice %arg4[%dma_start3A_552, %multiple_of3A_513] : memref<16x1000000xf32, #tpu.memory_space<hbm>> -> memref<8x128xf32, #tpu.memory_space<hbm>>
      %dma_start3A_554 = arith.constant 8 : i32
      %dma_start3A_555 = arith.constant 0 : i32
      %dma_start3A_556 = tpu.memref_slice %arg11[%dma_start3A_547, %dma_start3A_554, %dma_start3A_555] : memref<16x16x128xf32, #tpu.memory_space<vmem>> -> memref<1x8x128xf32, #tpu.memory_space<vmem>>
      %dma_start3A_557 = tpu.memref_squeeze %dma_start3A_556 : memref<1x8x128xf32, #tpu.memory_space<vmem>> -> memref<8x128xf32, #tpu.memory_space<vmem>>
      %dma_start3A_558 = arith.constant 8 : i32
      %dma_start3A_559 = tpu.memref_slice %arg4[%dma_start3A_558, %multiple_of3A_513] : memref<16x1000000xf32, #tpu.memory_space<hbm>> -> memref<8x128xf32, #tpu.memory_space<hbm>>
      tpu.enqueue_dma source(%dma_start3A_559 : memref<8x128xf32, #tpu.memory_space<hbm>>) target(%dma_start3A_557 : memref<8x128xf32, #tpu.memory_space<vmem>>) target_semaphore(%arg17 : memref<!tpu.dma_semaphore, #tpu.memory_space<semaphore_mem>>)
      %dma_start3A_560 = arith.constant 6 : i32
      %dma_start3A_561 = arith.constant 8 : i32
      %dma_start3A_562 = arith.constant 0 : i32
      %dma_start3A_563 = tpu.memref_slice %arg12[%dma_start3A_560, %dma_start3A_561, %dma_start3A_562] : memref<16x16x128xf32, #tpu.memory_space<vmem>> -> memref<1x8x128xf32, #tpu.memory_space<vmem>>
      %dma_start3A_564 = tpu.memref_squeeze %dma_start3A_563 : memref<1x8x128xf32, #tpu.memory_space<vmem>> -> memref<8x128xf32, #tpu.memory_space<vmem>>
      %dma_start3A_565 = arith.constant 8 : i32
      %dma_start3A_566 = tpu.memref_slice %arg5[%dma_start3A_565, %multiple_of3A_520] : memref<16x1000000xf32, #tpu.memory_space<hbm>> -> memref<8x128xf32, #tpu.memory_space<hbm>>
      %dma_start3A_567 = arith.constant 8 : i32
      %dma_start3A_568 = arith.constant 0 : i32
      %dma_start3A_569 = tpu.memref_slice %arg12[%dma_start3A_560, %dma_start3A_567, %dma_start3A_568] : memref<16x16x128xf32, #tpu.memory_space<vmem>> -> memref<1x8x128xf32, #tpu.memory_space<vmem>>
      %dma_start3A_570 = tpu.memref_squeeze %dma_start3A_569 : memref<1x8x128xf32, #tpu.memory_space<vmem>> -> memref<8x128xf32, #tpu.memory_space<vmem>>
      %dma_start3A_571 = arith.constant 8 : i32
      %dma_start3A_572 = tpu.memref_slice %arg5[%dma_start3A_571, %multiple_of3A_520] : memref<16x1000000xf32, #tpu.memory_space<hbm>> -> memref<8x128xf32, #tpu.memory_space<hbm>>
      tpu.enqueue_dma source(%dma_start3A_572 : memref<8x128xf32, #tpu.memory_space<hbm>>) target(%dma_start3A_570 : memref<8x128xf32, #tpu.memory_space<vmem>>) target_semaphore(%arg17 : memref<!tpu.dma_semaphore, #tpu.memory_space<semaphore_mem>>)
      %slice3A_573 = vector.extract_strided_slice %get3A_113 {offsets = [7], sizes = [1], strides = [1]} : vector<16xi32> to vector<1xi32>
      %squeeze3A_574 = vector.extract %slice3A_573[0] : i32 from vector<1xi32>
      %shift_right_arithmetic3A_575 = arith.constant 7 : i32
      %shift_right_arithmetic3A_576 = arith.shrsi %squeeze3A_574, %shift_right_arithmetic3A_575 : i32
      %shift_left3A_577 = arith.constant 7 : i32
      %shift_left3A_578 = arith.shli %shift_right_arithmetic3A_576, %shift_left3A_577 : i32
      %multiple_of3A_579 = tpu.assume_multiple %shift_left3A_578, 128 : i32
      %slice3A_580 = vector.extract_strided_slice %get3A_115 {offsets = [7], sizes = [1], strides = [1]} : vector<16xi32> to vector<1xi32>
      %squeeze3A_581 = vector.extract %slice3A_580[0] : i32 from vector<1xi32>
      %shift_right_arithmetic3A_582 = arith.constant 7 : i32
      %shift_right_arithmetic3A_583 = arith.shrsi %squeeze3A_581, %shift_right_arithmetic3A_582 : i32
      %shift_left3A_584 = arith.constant 7 : i32
      %shift_left3A_585 = arith.shli %shift_right_arithmetic3A_583, %shift_left3A_584 : i32
      %multiple_of3A_586 = tpu.assume_multiple %shift_left3A_585, 128 : i32
      %dma_start3A_587 = arith.constant 7 : i32
      %dma_start3A_588 = arith.constant 0 : i32
      %dma_start3A_589 = arith.constant 0 : i32
      %dma_start3A_590 = tpu.memref_slice %arg11[%dma_start3A_587, %dma_start3A_588, %dma_start3A_589] : memref<16x16x128xf32, #tpu.memory_space<vmem>> -> memref<1x8x128xf32, #tpu.memory_space<vmem>>
      %dma_start3A_591 = tpu.memref_squeeze %dma_start3A_590 : memref<1x8x128xf32, #tpu.memory_space<vmem>> -> memref<8x128xf32, #tpu.memory_space<vmem>>
      %dma_start3A_592 = arith.constant 0 : i32
      %dma_start3A_593 = tpu.memref_slice %arg4[%dma_start3A_592, %multiple_of3A_579] : memref<16x1000000xf32, #tpu.memory_space<hbm>> -> memref<8x128xf32, #tpu.memory_space<hbm>>
      %dma_start3A_594 = arith.constant 0 : i32
      %dma_start3A_595 = arith.constant 0 : i32
      %dma_start3A_596 = tpu.memref_slice %arg11[%dma_start3A_587, %dma_start3A_594, %dma_start3A_595] : memref<16x16x128xf32, #tpu.memory_space<vmem>> -> memref<1x8x128xf32, #tpu.memory_space<vmem>>
      %dma_start3A_597 = tpu.memref_squeeze %dma_start3A_596 : memref<1x8x128xf32, #tpu.memory_space<vmem>> -> memref<8x128xf32, #tpu.memory_space<vmem>>
      %dma_start3A_598 = arith.constant 0 : i32
      %dma_start3A_599 = tpu.memref_slice %arg4[%dma_start3A_598, %multiple_of3A_579] : memref<16x1000000xf32, #tpu.memory_space<hbm>> -> memref<8x128xf32, #tpu.memory_space<hbm>>
      tpu.enqueue_dma source(%dma_start3A_599 : memref<8x128xf32, #tpu.memory_space<hbm>>) target(%dma_start3A_597 : memref<8x128xf32, #tpu.memory_space<vmem>>) target_semaphore(%arg17 : memref<!tpu.dma_semaphore, #tpu.memory_space<semaphore_mem>>)
      %dma_start3A_600 = arith.constant 7 : i32
      %dma_start3A_601 = arith.constant 0 : i32
      %dma_start3A_602 = arith.constant 0 : i32
      %dma_start3A_603 = tpu.memref_slice %arg12[%dma_start3A_600, %dma_start3A_601, %dma_start3A_602] : memref<16x16x128xf32, #tpu.memory_space<vmem>> -> memref<1x8x128xf32, #tpu.memory_space<vmem>>
      %dma_start3A_604 = tpu.memref_squeeze %dma_start3A_603 : memref<1x8x128xf32, #tpu.memory_space<vmem>> -> memref<8x128xf32, #tpu.memory_space<vmem>>
      %dma_start3A_605 = arith.constant 0 : i32
      %dma_start3A_606 = tpu.memref_slice %arg5[%dma_start3A_605, %multiple_of3A_586] : memref<16x1000000xf32, #tpu.memory_space<hbm>> -> memref<8x128xf32, #tpu.memory_space<hbm>>
      %dma_start3A_607 = arith.constant 0 : i32
      %dma_start3A_608 = arith.constant 0 : i32
      %dma_start3A_609 = tpu.memref_slice %arg12[%dma_start3A_600, %dma_start3A_607, %dma_start3A_608] : memref<16x16x128xf32, #tpu.memory_space<vmem>> -> memref<1x8x128xf32, #tpu.memory_space<vmem>>
      %dma_start3A_610 = tpu.memref_squeeze %dma_start3A_609 : memref<1x8x128xf32, #tpu.memory_space<vmem>> -> memref<8x128xf32, #tpu.memory_space<vmem>>
      %dma_start3A_611 = arith.constant 0 : i32
      %dma_start3A_612 = tpu.memref_slice %arg5[%dma_start3A_611, %multiple_of3A_586] : memref<16x1000000xf32, #tpu.memory_space<hbm>> -> memref<8x128xf32, #tpu.memory_space<hbm>>
      tpu.enqueue_dma source(%dma_start3A_612 : memref<8x128xf32, #tpu.memory_space<hbm>>) target(%dma_start3A_610 : memref<8x128xf32, #tpu.memory_space<vmem>>) target_semaphore(%arg17 : memref<!tpu.dma_semaphore, #tpu.memory_space<semaphore_mem>>)
      %dma_start3A_613 = arith.constant 7 : i32
      %dma_start3A_614 = arith.constant 8 : i32
      %dma_start3A_615 = arith.constant 0 : i32
      %dma_start3A_616 = tpu.memref_slice %arg11[%dma_start3A_613, %dma_start3A_614, %dma_start3A_615] : memref<16x16x128xf32, #tpu.memory_space<vmem>> -> memref<1x8x128xf32, #tpu.memory_space<vmem>>
      %dma_start3A_617 = tpu.memref_squeeze %dma_start3A_616 : memref<1x8x128xf32, #tpu.memory_space<vmem>> -> memref<8x128xf32, #tpu.memory_space<vmem>>
      %dma_start3A_618 = arith.constant 8 : i32
      %dma_start3A_619 = tpu.memref_slice %arg4[%dma_start3A_618, %multiple_of3A_579] : memref<16x1000000xf32, #tpu.memory_space<hbm>> -> memref<8x128xf32, #tpu.memory_space<hbm>>
      %dma_start3A_620 = arith.constant 8 : i32
      %dma_start3A_621 = arith.constant 0 : i32
      %dma_start3A_622 = tpu.memref_slice %arg11[%dma_start3A_613, %dma_start3A_620, %dma_start3A_621] : memref<16x16x128xf32, #tpu.memory_space<vmem>> -> memref<1x8x128xf32, #tpu.memory_space<vmem>>
      %dma_start3A_623 = tpu.memref_squeeze %dma_start3A_622 : memref<1x8x128xf32, #tpu.memory_space<vmem>> -> memref<8x128xf32, #tpu.memory_space<vmem>>
      %dma_start3A_624 = arith.constant 8 : i32
      %dma_start3A_625 = tpu.memref_slice %arg4[%dma_start3A_624, %multiple_of3A_579] : memref<16x1000000xf32, #tpu.memory_space<hbm>> -> memref<8x128xf32, #tpu.memory_space<hbm>>
      tpu.enqueue_dma source(%dma_start3A_625 : memref<8x128xf32, #tpu.memory_space<hbm>>) target(%dma_start3A_623 : memref<8x128xf32, #tpu.memory_space<vmem>>) target_semaphore(%arg17 : memref<!tpu.dma_semaphore, #tpu.memory_space<semaphore_mem>>)
      %dma_start3A_626 = arith.constant 7 : i32
      %dma_start3A_627 = arith.constant 8 : i32
      %dma_start3A_628 = arith.constant 0 : i32
      %dma_start3A_629 = tpu.memref_slice %arg12[%dma_start3A_626, %dma_start3A_627, %dma_start3A_628] : memref<16x16x128xf32, #tpu.memory_space<vmem>> -> memref<1x8x128xf32, #tpu.memory_space<vmem>>
      %dma_start3A_630 = tpu.memref_squeeze %dma_start3A_629 : memref<1x8x128xf32, #tpu.memory_space<vmem>> -> memref<8x128xf32, #tpu.memory_space<vmem>>
      %dma_start3A_631 = arith.constant 8 : i32
      %dma_start3A_632 = tpu.memref_slice %arg5[%dma_start3A_631, %multiple_of3A_586] : memref<16x1000000xf32, #tpu.memory_space<hbm>> -> memref<8x128xf32, #tpu.memory_space<hbm>>
      %dma_start3A_633 = arith.constant 8 : i32
      %dma_start3A_634 = arith.constant 0 : i32
      %dma_start3A_635 = tpu.memref_slice %arg12[%dma_start3A_626, %dma_start3A_633, %dma_start3A_634] : memref<16x16x128xf32, #tpu.memory_space<vmem>> -> memref<1x8x128xf32, #tpu.memory_space<vmem>>
      %dma_start3A_636 = tpu.memref_squeeze %dma_start3A_635 : memref<1x8x128xf32, #tpu.memory_space<vmem>> -> memref<8x128xf32, #tpu.memory_space<vmem>>
      %dma_start3A_637 = arith.constant 8 : i32
      %dma_start3A_638 = tpu.memref_slice %arg5[%dma_start3A_637, %multiple_of3A_586] : memref<16x1000000xf32, #tpu.memory_space<hbm>> -> memref<8x128xf32, #tpu.memory_space<hbm>>
      tpu.enqueue_dma source(%dma_start3A_638 : memref<8x128xf32, #tpu.memory_space<hbm>>) target(%dma_start3A_636 : memref<8x128xf32, #tpu.memory_space<vmem>>) target_semaphore(%arg17 : memref<!tpu.dma_semaphore, #tpu.memory_space<semaphore_mem>>)
      %slice3A_639 = vector.extract_strided_slice %get3A_113 {offsets = [8], sizes = [1], strides = [1]} : vector<16xi32> to vector<1xi32>
      %squeeze3A_640 = vector.extract %slice3A_639[0] : i32 from vector<1xi32>
      %shift_right_arithmetic3A_641 = arith.constant 7 : i32
      %shift_right_arithmetic3A_642 = arith.shrsi %squeeze3A_640, %shift_right_arithmetic3A_641 : i32
      %shift_left3A_643 = arith.constant 7 : i32
      %shift_left3A_644 = arith.shli %shift_right_arithmetic3A_642, %shift_left3A_643 : i32
      %multiple_of3A_645 = tpu.assume_multiple %shift_left3A_644, 128 : i32
      %slice3A_646 = vector.extract_strided_slice %get3A_115 {offsets = [8], sizes = [1], strides = [1]} : vector<16xi32> to vector<1xi32>
      %squeeze3A_647 = vector.extract %slice3A_646[0] : i32 from vector<1xi32>
      %shift_right_arithmetic3A_648 = arith.constant 7 : i32
      %shift_right_arithmetic3A_649 = arith.shrsi %squeeze3A_647, %shift_right_arithmetic3A_648 : i32
      %shift_left3A_650 = arith.constant 7 : i32
      %shift_left3A_651 = arith.shli %shift_right_arithmetic3A_649, %shift_left3A_650 : i32
      %multiple_of3A_652 = tpu.assume_multiple %shift_left3A_651, 128 : i32
      %dma_start3A_653 = arith.constant 8 : i32
      %dma_start3A_654 = arith.constant 0 : i32
      %dma_start3A_655 = arith.constant 0 : i32
      %dma_start3A_656 = tpu.memref_slice %arg11[%dma_start3A_653, %dma_start3A_654, %dma_start3A_655] : memref<16x16x128xf32, #tpu.memory_space<vmem>> -> memref<1x8x128xf32, #tpu.memory_space<vmem>>
      %dma_start3A_657 = tpu.memref_squeeze %dma_start3A_656 : memref<1x8x128xf32, #tpu.memory_space<vmem>> -> memref<8x128xf32, #tpu.memory_space<vmem>>
      %dma_start3A_658 = arith.constant 0 : i32
      %dma_start3A_659 = tpu.memref_slice %arg4[%dma_start3A_658, %multiple_of3A_645] : memref<16x1000000xf32, #tpu.memory_space<hbm>> -> memref<8x128xf32, #tpu.memory_space<hbm>>
      %dma_start3A_660 = arith.constant 0 : i32
      %dma_start3A_661 = arith.constant 0 : i32
      %dma_start3A_662 = tpu.memref_slice %arg11[%dma_start3A_653, %dma_start3A_660, %dma_start3A_661] : memref<16x16x128xf32, #tpu.memory_space<vmem>> -> memref<1x8x128xf32, #tpu.memory_space<vmem>>
      %dma_start3A_663 = tpu.memref_squeeze %dma_start3A_662 : memref<1x8x128xf32, #tpu.memory_space<vmem>> -> memref<8x128xf32, #tpu.memory_space<vmem>>
      %dma_start3A_664 = arith.constant 0 : i32
      %dma_start3A_665 = tpu.memref_slice %arg4[%dma_start3A_664, %multiple_of3A_645] : memref<16x1000000xf32, #tpu.memory_space<hbm>> -> memref<8x128xf32, #tpu.memory_space<hbm>>
      tpu.enqueue_dma source(%dma_start3A_665 : memref<8x128xf32, #tpu.memory_space<hbm>>) target(%dma_start3A_663 : memref<8x128xf32, #tpu.memory_space<vmem>>) target_semaphore(%arg17 : memref<!tpu.dma_semaphore, #tpu.memory_space<semaphore_mem>>)
      %dma_start3A_666 = arith.constant 8 : i32
      %dma_start3A_667 = arith.constant 0 : i32
      %dma_start3A_668 = arith.constant 0 : i32
      %dma_start3A_669 = tpu.memref_slice %arg12[%dma_start3A_666, %dma_start3A_667, %dma_start3A_668] : memref<16x16x128xf32, #tpu.memory_space<vmem>> -> memref<1x8x128xf32, #tpu.memory_space<vmem>>
      %dma_start3A_670 = tpu.memref_squeeze %dma_start3A_669 : memref<1x8x128xf32, #tpu.memory_space<vmem>> -> memref<8x128xf32, #tpu.memory_space<vmem>>
      %dma_start3A_671 = arith.constant 0 : i32
      %dma_start3A_672 = tpu.memref_slice %arg5[%dma_start3A_671, %multiple_of3A_652] : memref<16x1000000xf32, #tpu.memory_space<hbm>> -> memref<8x128xf32, #tpu.memory_space<hbm>>
      %dma_start3A_673 = arith.constant 0 : i32
      %dma_start3A_674 = arith.constant 0 : i32
      %dma_start3A_675 = tpu.memref_slice %arg12[%dma_start3A_666, %dma_start3A_673, %dma_start3A_674] : memref<16x16x128xf32, #tpu.memory_space<vmem>> -> memref<1x8x128xf32, #tpu.memory_space<vmem>>
      %dma_start3A_676 = tpu.memref_squeeze %dma_start3A_675 : memref<1x8x128xf32, #tpu.memory_space<vmem>> -> memref<8x128xf32, #tpu.memory_space<vmem>>
      %dma_start3A_677 = arith.constant 0 : i32
      %dma_start3A_678 = tpu.memref_slice %arg5[%dma_start3A_677, %multiple_of3A_652] : memref<16x1000000xf32, #tpu.memory_space<hbm>> -> memref<8x128xf32, #tpu.memory_space<hbm>>
      tpu.enqueue_dma source(%dma_start3A_678 : memref<8x128xf32, #tpu.memory_space<hbm>>) target(%dma_start3A_676 : memref<8x128xf32, #tpu.memory_space<vmem>>) target_semaphore(%arg17 : memref<!tpu.dma_semaphore, #tpu.memory_space<semaphore_mem>>)
      %dma_start3A_679 = arith.constant 8 : i32
      %dma_start3A_680 = arith.constant 8 : i32
      %dma_start3A_681 = arith.constant 0 : i32
      %dma_start3A_682 = tpu.memref_slice %arg11[%dma_start3A_679, %dma_start3A_680, %dma_start3A_681] : memref<16x16x128xf32, #tpu.memory_space<vmem>> -> memref<1x8x128xf32, #tpu.memory_space<vmem>>
      %dma_start3A_683 = tpu.memref_squeeze %dma_start3A_682 : memref<1x8x128xf32, #tpu.memory_space<vmem>> -> memref<8x128xf32, #tpu.memory_space<vmem>>
      %dma_start3A_684 = arith.constant 8 : i32
      %dma_start3A_685 = tpu.memref_slice %arg4[%dma_start3A_684, %multiple_of3A_645] : memref<16x1000000xf32, #tpu.memory_space<hbm>> -> memref<8x128xf32, #tpu.memory_space<hbm>>
      %dma_start3A_686 = arith.constant 8 : i32
      %dma_start3A_687 = arith.constant 0 : i32
      %dma_start3A_688 = tpu.memref_slice %arg11[%dma_start3A_679, %dma_start3A_686, %dma_start3A_687] : memref<16x16x128xf32, #tpu.memory_space<vmem>> -> memref<1x8x128xf32, #tpu.memory_space<vmem>>
      %dma_start3A_689 = tpu.memref_squeeze %dma_start3A_688 : memref<1x8x128xf32, #tpu.memory_space<vmem>> -> memref<8x128xf32, #tpu.memory_space<vmem>>
      %dma_start3A_690 = arith.constant 8 : i32
      %dma_start3A_691 = tpu.memref_slice %arg4[%dma_start3A_690, %multiple_of3A_645] : memref<16x1000000xf32, #tpu.memory_space<hbm>> -> memref<8x128xf32, #tpu.memory_space<hbm>>
      tpu.enqueue_dma source(%dma_start3A_691 : memref<8x128xf32, #tpu.memory_space<hbm>>) target(%dma_start3A_689 : memref<8x128xf32, #tpu.memory_space<vmem>>) target_semaphore(%arg17 : memref<!tpu.dma_semaphore, #tpu.memory_space<semaphore_mem>>)
      %dma_start3A_692 = arith.constant 8 : i32
      %dma_start3A_693 = arith.constant 8 : i32
      %dma_start3A_694 = arith.constant 0 : i32
      %dma_start3A_695 = tpu.memref_slice %arg12[%dma_start3A_692, %dma_start3A_693, %dma_start3A_694] : memref<16x16x128xf32, #tpu.memory_space<vmem>> -> memref<1x8x128xf32, #tpu.memory_space<vmem>>
      %dma_start3A_696 = tpu.memref_squeeze %dma_start3A_695 : memref<1x8x128xf32, #tpu.memory_space<vmem>> -> memref<8x128xf32, #tpu.memory_space<vmem>>
      %dma_start3A_697 = arith.constant 8 : i32
      %dma_start3A_698 = tpu.memref_slice %arg5[%dma_start3A_697, %multiple_of3A_652] : memref<16x1000000xf32, #tpu.memory_space<hbm>> -> memref<8x128xf32, #tpu.memory_space<hbm>>
      %dma_start3A_699 = arith.constant 8 : i32
      %dma_start3A_700 = arith.constant 0 : i32
      %dma_start3A_701 = tpu.memref_slice %arg12[%dma_start3A_692, %dma_start3A_699, %dma_start3A_700] : memref<16x16x128xf32, #tpu.memory_space<vmem>> -> memref<1x8x128xf32, #tpu.memory_space<vmem>>
      %dma_start3A_702 = tpu.memref_squeeze %dma_start3A_701 : memref<1x8x128xf32, #tpu.memory_space<vmem>> -> memref<8x128xf32, #tpu.memory_space<vmem>>
      %dma_start3A_703 = arith.constant 8 : i32
      %dma_start3A_704 = tpu.memref_slice %arg5[%dma_start3A_703, %multiple_of3A_652] : memref<16x1000000xf32, #tpu.memory_space<hbm>> -> memref<8x128xf32, #tpu.memory_space<hbm>>
      tpu.enqueue_dma source(%dma_start3A_704 : memref<8x128xf32, #tpu.memory_space<hbm>>) target(%dma_start3A_702 : memref<8x128xf32, #tpu.memory_space<vmem>>) target_semaphore(%arg17 : memref<!tpu.dma_semaphore, #tpu.memory_space<semaphore_mem>>)
      %slice3A_705 = vector.extract_strided_slice %get3A_113 {offsets = [9], sizes = [1], strides = [1]} : vector<16xi32> to vector<1xi32>
      %squeeze3A_706 = vector.extract %slice3A_705[0] : i32 from vector<1xi32>
      %shift_right_arithmetic3A_707 = arith.constant 7 : i32
      %shift_right_arithmetic3A_708 = arith.shrsi %squeeze3A_706, %shift_right_arithmetic3A_707 : i32
      %shift_left3A_709 = arith.constant 7 : i32
      %shift_left3A_710 = arith.shli %shift_right_arithmetic3A_708, %shift_left3A_709 : i32
      %multiple_of3A_711 = tpu.assume_multiple %shift_left3A_710, 128 : i32
      %slice3A_712 = vector.extract_strided_slice %get3A_115 {offsets = [9], sizes = [1], strides = [1]} : vector<16xi32> to vector<1xi32>
      %squeeze3A_713 = vector.extract %slice3A_712[0] : i32 from vector<1xi32>
      %shift_right_arithmetic3A_714 = arith.constant 7 : i32
      %shift_right_arithmetic3A_715 = arith.shrsi %squeeze3A_713, %shift_right_arithmetic3A_714 : i32
      %shift_left3A_716 = arith.constant 7 : i32
      %shift_left3A_717 = arith.shli %shift_right_arithmetic3A_715, %shift_left3A_716 : i32
      %multiple_of3A_718 = tpu.assume_multiple %shift_left3A_717, 128 : i32
      %dma_start3A_719 = arith.constant 9 : i32
      %dma_start3A_720 = arith.constant 0 : i32
      %dma_start3A_721 = arith.constant 0 : i32
      %dma_start3A_722 = tpu.memref_slice %arg11[%dma_start3A_719, %dma_start3A_720, %dma_start3A_721] : memref<16x16x128xf32, #tpu.memory_space<vmem>> -> memref<1x8x128xf32, #tpu.memory_space<vmem>>
      %dma_start3A_723 = tpu.memref_squeeze %dma_start3A_722 : memref<1x8x128xf32, #tpu.memory_space<vmem>> -> memref<8x128xf32, #tpu.memory_space<vmem>>
      %dma_start3A_724 = arith.constant 0 : i32
      %dma_start3A_725 = tpu.memref_slice %arg4[%dma_start3A_724, %multiple_of3A_711] : memref<16x1000000xf32, #tpu.memory_space<hbm>> -> memref<8x128xf32, #tpu.memory_space<hbm>>
      %dma_start3A_726 = arith.constant 0 : i32
      %dma_start3A_727 = arith.constant 0 : i32
      %dma_start3A_728 = tpu.memref_slice %arg11[%dma_start3A_719, %dma_start3A_726, %dma_start3A_727] : memref<16x16x128xf32, #tpu.memory_space<vmem>> -> memref<1x8x128xf32, #tpu.memory_space<vmem>>
      %dma_start3A_729 = tpu.memref_squeeze %dma_start3A_728 : memref<1x8x128xf32, #tpu.memory_space<vmem>> -> memref<8x128xf32, #tpu.memory_space<vmem>>
      %dma_start3A_730 = arith.constant 0 : i32
      %dma_start3A_731 = tpu.memref_slice %arg4[%dma_start3A_730, %multiple_of3A_711] : memref<16x1000000xf32, #tpu.memory_space<hbm>> -> memref<8x128xf32, #tpu.memory_space<hbm>>
      tpu.enqueue_dma source(%dma_start3A_731 : memref<8x128xf32, #tpu.memory_space<hbm>>) target(%dma_start3A_729 : memref<8x128xf32, #tpu.memory_space<vmem>>) target_semaphore(%arg17 : memref<!tpu.dma_semaphore, #tpu.memory_space<semaphore_mem>>)
      %dma_start3A_732 = arith.constant 9 : i32
      %dma_start3A_733 = arith.constant 0 : i32
      %dma_start3A_734 = arith.constant 0 : i32
      %dma_start3A_735 = tpu.memref_slice %arg12[%dma_start3A_732, %dma_start3A_733, %dma_start3A_734] : memref<16x16x128xf32, #tpu.memory_space<vmem>> -> memref<1x8x128xf32, #tpu.memory_space<vmem>>
      %dma_start3A_736 = tpu.memref_squeeze %dma_start3A_735 : memref<1x8x128xf32, #tpu.memory_space<vmem>> -> memref<8x128xf32, #tpu.memory_space<vmem>>
      %dma_start3A_737 = arith.constant 0 : i32
      %dma_start3A_738 = tpu.memref_slice %arg5[%dma_start3A_737, %multiple_of3A_718] : memref<16x1000000xf32, #tpu.memory_space<hbm>> -> memref<8x128xf32, #tpu.memory_space<hbm>>
      %dma_start3A_739 = arith.constant 0 : i32
      %dma_start3A_740 = arith.constant 0 : i32
      %dma_start3A_741 = tpu.memref_slice %arg12[%dma_start3A_732, %dma_start3A_739, %dma_start3A_740] : memref<16x16x128xf32, #tpu.memory_space<vmem>> -> memref<1x8x128xf32, #tpu.memory_space<vmem>>
      %dma_start3A_742 = tpu.memref_squeeze %dma_start3A_741 : memref<1x8x128xf32, #tpu.memory_space<vmem>> -> memref<8x128xf32, #tpu.memory_space<vmem>>
      %dma_start3A_743 = arith.constant 0 : i32
      %dma_start3A_744 = tpu.memref_slice %arg5[%dma_start3A_743, %multiple_of3A_718] : memref<16x1000000xf32, #tpu.memory_space<hbm>> -> memref<8x128xf32, #tpu.memory_space<hbm>>
      tpu.enqueue_dma source(%dma_start3A_744 : memref<8x128xf32, #tpu.memory_space<hbm>>) target(%dma_start3A_742 : memref<8x128xf32, #tpu.memory_space<vmem>>) target_semaphore(%arg17 : memref<!tpu.dma_semaphore, #tpu.memory_space<semaphore_mem>>)
      %dma_start3A_745 = arith.constant 9 : i32
      %dma_start3A_746 = arith.constant 8 : i32
      %dma_start3A_747 = arith.constant 0 : i32
      %dma_start3A_748 = tpu.memref_slice %arg11[%dma_start3A_745, %dma_start3A_746, %dma_start3A_747] : memref<16x16x128xf32, #tpu.memory_space<vmem>> -> memref<1x8x128xf32, #tpu.memory_space<vmem>>
      %dma_start3A_749 = tpu.memref_squeeze %dma_start3A_748 : memref<1x8x128xf32, #tpu.memory_space<vmem>> -> memref<8x128xf32, #tpu.memory_space<vmem>>
      %dma_start3A_750 = arith.constant 8 : i32
      %dma_start3A_751 = tpu.memref_slice %arg4[%dma_start3A_750, %multiple_of3A_711] : memref<16x1000000xf32, #tpu.memory_space<hbm>> -> memref<8x128xf32, #tpu.memory_space<hbm>>
      %dma_start3A_752 = arith.constant 8 : i32
      %dma_start3A_753 = arith.constant 0 : i32
      %dma_start3A_754 = tpu.memref_slice %arg11[%dma_start3A_745, %dma_start3A_752, %dma_start3A_753] : memref<16x16x128xf32, #tpu.memory_space<vmem>> -> memref<1x8x128xf32, #tpu.memory_space<vmem>>
      %dma_start3A_755 = tpu.memref_squeeze %dma_start3A_754 : memref<1x8x128xf32, #tpu.memory_space<vmem>> -> memref<8x128xf32, #tpu.memory_space<vmem>>
      %dma_start3A_756 = arith.constant 8 : i32
      %dma_start3A_757 = tpu.memref_slice %arg4[%dma_start3A_756, %multiple_of3A_711] : memref<16x1000000xf32, #tpu.memory_space<hbm>> -> memref<8x128xf32, #tpu.memory_space<hbm>>
      tpu.enqueue_dma source(%dma_start3A_757 : memref<8x128xf32, #tpu.memory_space<hbm>>) target(%dma_start3A_755 : memref<8x128xf32, #tpu.memory_space<vmem>>) target_semaphore(%arg17 : memref<!tpu.dma_semaphore, #tpu.memory_space<semaphore_mem>>)
      %dma_start3A_758 = arith.constant 9 : i32
      %dma_start3A_759 = arith.constant 8 : i32
      %dma_start3A_760 = arith.constant 0 : i32
      %dma_start3A_761 = tpu.memref_slice %arg12[%dma_start3A_758, %dma_start3A_759, %dma_start3A_760] : memref<16x16x128xf32, #tpu.memory_space<vmem>> -> memref<1x8x128xf32, #tpu.memory_space<vmem>>
      %dma_start3A_762 = tpu.memref_squeeze %dma_start3A_761 : memref<1x8x128xf32, #tpu.memory_space<vmem>> -> memref<8x128xf32, #tpu.memory_space<vmem>>
      %dma_start3A_763 = arith.constant 8 : i32
      %dma_start3A_764 = tpu.memref_slice %arg5[%dma_start3A_763, %multiple_of3A_718] : memref<16x1000000xf32, #tpu.memory_space<hbm>> -> memref<8x128xf32, #tpu.memory_space<hbm>>
      %dma_start3A_765 = arith.constant 8 : i32
      %dma_start3A_766 = arith.constant 0 : i32
      %dma_start3A_767 = tpu.memref_slice %arg12[%dma_start3A_758, %dma_start3A_765, %dma_start3A_766] : memref<16x16x128xf32, #tpu.memory_space<vmem>> -> memref<1x8x128xf32, #tpu.memory_space<vmem>>
      %dma_start3A_768 = tpu.memref_squeeze %dma_start3A_767 : memref<1x8x128xf32, #tpu.memory_space<vmem>> -> memref<8x128xf32, #tpu.memory_space<vmem>>
      %dma_start3A_769 = arith.constant 8 : i32
      %dma_start3A_770 = tpu.memref_slice %arg5[%dma_start3A_769, %multiple_of3A_718] : memref<16x1000000xf32, #tpu.memory_space<hbm>> -> memref<8x128xf32, #tpu.memory_space<hbm>>
      tpu.enqueue_dma source(%dma_start3A_770 : memref<8x128xf32, #tpu.memory_space<hbm>>) target(%dma_start3A_768 : memref<8x128xf32, #tpu.memory_space<vmem>>) target_semaphore(%arg17 : memref<!tpu.dma_semaphore, #tpu.memory_space<semaphore_mem>>)
      %slice3A_771 = vector.extract_strided_slice %get3A_113 {offsets = [10], sizes = [1], strides = [1]} : vector<16xi32> to vector<1xi32>
      %squeeze3A_772 = vector.extract %slice3A_771[0] : i32 from vector<1xi32>
      %shift_right_arithmetic3A_773 = arith.constant 7 : i32
      %shift_right_arithmetic3A_774 = arith.shrsi %squeeze3A_772, %shift_right_arithmetic3A_773 : i32
      %shift_left3A_775 = arith.constant 7 : i32
      %shift_left3A_776 = arith.shli %shift_right_arithmetic3A_774, %shift_left3A_775 : i32
      %multiple_of3A_777 = tpu.assume_multiple %shift_left3A_776, 128 : i32
      %slice3A_778 = vector.extract_strided_slice %get3A_115 {offsets = [10], sizes = [1], strides = [1]} : vector<16xi32> to vector<1xi32>
      %squeeze3A_779 = vector.extract %slice3A_778[0] : i32 from vector<1xi32>
      %shift_right_arithmetic3A_780 = arith.constant 7 : i32
      %shift_right_arithmetic3A_781 = arith.shrsi %squeeze3A_779, %shift_right_arithmetic3A_780 : i32
      %shift_left3A_782 = arith.constant 7 : i32
      %shift_left3A_783 = arith.shli %shift_right_arithmetic3A_781, %shift_left3A_782 : i32
      %multiple_of3A_784 = tpu.assume_multiple %shift_left3A_783, 128 : i32
      %dma_start3A_785 = arith.constant 10 : i32
      %dma_start3A_786 = arith.constant 0 : i32
      %dma_start3A_787 = arith.constant 0 : i32
      %dma_start3A_788 = tpu.memref_slice %arg11[%dma_start3A_785, %dma_start3A_786, %dma_start3A_787] : memref<16x16x128xf32, #tpu.memory_space<vmem>> -> memref<1x8x128xf32, #tpu.memory_space<vmem>>
      %dma_start3A_789 = tpu.memref_squeeze %dma_start3A_788 : memref<1x8x128xf32, #tpu.memory_space<vmem>> -> memref<8x128xf32, #tpu.memory_space<vmem>>
      %dma_start3A_790 = arith.constant 0 : i32
      %dma_start3A_791 = tpu.memref_slice %arg4[%dma_start3A_790, %multiple_of3A_777] : memref<16x1000000xf32, #tpu.memory_space<hbm>> -> memref<8x128xf32, #tpu.memory_space<hbm>>
      %dma_start3A_792 = arith.constant 0 : i32
      %dma_start3A_793 = arith.constant 0 : i32
      %dma_start3A_794 = tpu.memref_slice %arg11[%dma_start3A_785, %dma_start3A_792, %dma_start3A_793] : memref<16x16x128xf32, #tpu.memory_space<vmem>> -> memref<1x8x128xf32, #tpu.memory_space<vmem>>
      %dma_start3A_795 = tpu.memref_squeeze %dma_start3A_794 : memref<1x8x128xf32, #tpu.memory_space<vmem>> -> memref<8x128xf32, #tpu.memory_space<vmem>>
      %dma_start3A_796 = arith.constant 0 : i32
      %dma_start3A_797 = tpu.memref_slice %arg4[%dma_start3A_796, %multiple_of3A_777] : memref<16x1000000xf32, #tpu.memory_space<hbm>> -> memref<8x128xf32, #tpu.memory_space<hbm>>
      tpu.enqueue_dma source(%dma_start3A_797 : memref<8x128xf32, #tpu.memory_space<hbm>>) target(%dma_start3A_795 : memref<8x128xf32, #tpu.memory_space<vmem>>) target_semaphore(%arg17 : memref<!tpu.dma_semaphore, #tpu.memory_space<semaphore_mem>>)
      %dma_start3A_798 = arith.constant 10 : i32
      %dma_start3A_799 = arith.constant 0 : i32
      %dma_start3A_800 = arith.constant 0 : i32
      %dma_start3A_801 = tpu.memref_slice %arg12[%dma_start3A_798, %dma_start3A_799, %dma_start3A_800] : memref<16x16x128xf32, #tpu.memory_space<vmem>> -> memref<1x8x128xf32, #tpu.memory_space<vmem>>
      %dma_start3A_802 = tpu.memref_squeeze %dma_start3A_801 : memref<1x8x128xf32, #tpu.memory_space<vmem>> -> memref<8x128xf32, #tpu.memory_space<vmem>>
      %dma_start3A_803 = arith.constant 0 : i32
      %dma_start3A_804 = tpu.memref_slice %arg5[%dma_start3A_803, %multiple_of3A_784] : memref<16x1000000xf32, #tpu.memory_space<hbm>> -> memref<8x128xf32, #tpu.memory_space<hbm>>
      %dma_start3A_805 = arith.constant 0 : i32
      %dma_start3A_806 = arith.constant 0 : i32
      %dma_start3A_807 = tpu.memref_slice %arg12[%dma_start3A_798, %dma_start3A_805, %dma_start3A_806] : memref<16x16x128xf32, #tpu.memory_space<vmem>> -> memref<1x8x128xf32, #tpu.memory_space<vmem>>
      %dma_start3A_808 = tpu.memref_squeeze %dma_start3A_807 : memref<1x8x128xf32, #tpu.memory_space<vmem>> -> memref<8x128xf32, #tpu.memory_space<vmem>>
      %dma_start3A_809 = arith.constant 0 : i32
      %dma_start3A_810 = tpu.memref_slice %arg5[%dma_start3A_809, %multiple_of3A_784] : memref<16x1000000xf32, #tpu.memory_space<hbm>> -> memref<8x128xf32, #tpu.memory_space<hbm>>
      tpu.enqueue_dma source(%dma_start3A_810 : memref<8x128xf32, #tpu.memory_space<hbm>>) target(%dma_start3A_808 : memref<8x128xf32, #tpu.memory_space<vmem>>) target_semaphore(%arg17 : memref<!tpu.dma_semaphore, #tpu.memory_space<semaphore_mem>>)
      %dma_start3A_811 = arith.constant 10 : i32
      %dma_start3A_812 = arith.constant 8 : i32
      %dma_start3A_813 = arith.constant 0 : i32
      %dma_start3A_814 = tpu.memref_slice %arg11[%dma_start3A_811, %dma_start3A_812, %dma_start3A_813] : memref<16x16x128xf32, #tpu.memory_space<vmem>> -> memref<1x8x128xf32, #tpu.memory_space<vmem>>
      %dma_start3A_815 = tpu.memref_squeeze %dma_start3A_814 : memref<1x8x128xf32, #tpu.memory_space<vmem>> -> memref<8x128xf32, #tpu.memory_space<vmem>>
      %dma_start3A_816 = arith.constant 8 : i32
      %dma_start3A_817 = tpu.memref_slice %arg4[%dma_start3A_816, %multiple_of3A_777] : memref<16x1000000xf32, #tpu.memory_space<hbm>> -> memref<8x128xf32, #tpu.memory_space<hbm>>
      %dma_start3A_818 = arith.constant 8 : i32
      %dma_start3A_819 = arith.constant 0 : i32
      %dma_start3A_820 = tpu.memref_slice %arg11[%dma_start3A_811, %dma_start3A_818, %dma_start3A_819] : memref<16x16x128xf32, #tpu.memory_space<vmem>> -> memref<1x8x128xf32, #tpu.memory_space<vmem>>
      %dma_start3A_821 = tpu.memref_squeeze %dma_start3A_820 : memref<1x8x128xf32, #tpu.memory_space<vmem>> -> memref<8x128xf32, #tpu.memory_space<vmem>>
      %dma_start3A_822 = arith.constant 8 : i32
      %dma_start3A_823 = tpu.memref_slice %arg4[%dma_start3A_822, %multiple_of3A_777] : memref<16x1000000xf32, #tpu.memory_space<hbm>> -> memref<8x128xf32, #tpu.memory_space<hbm>>
      tpu.enqueue_dma source(%dma_start3A_823 : memref<8x128xf32, #tpu.memory_space<hbm>>) target(%dma_start3A_821 : memref<8x128xf32, #tpu.memory_space<vmem>>) target_semaphore(%arg17 : memref<!tpu.dma_semaphore, #tpu.memory_space<semaphore_mem>>)
      %dma_start3A_824 = arith.constant 10 : i32
      %dma_start3A_825 = arith.constant 8 : i32
      %dma_start3A_826 = arith.constant 0 : i32
      %dma_start3A_827 = tpu.memref_slice %arg12[%dma_start3A_824, %dma_start3A_825, %dma_start3A_826] : memref<16x16x128xf32, #tpu.memory_space<vmem>> -> memref<1x8x128xf32, #tpu.memory_space<vmem>>
      %dma_start3A_828 = tpu.memref_squeeze %dma_start3A_827 : memref<1x8x128xf32, #tpu.memory_space<vmem>> -> memref<8x128xf32, #tpu.memory_space<vmem>>
      %dma_start3A_829 = arith.constant 8 : i32
      %dma_start3A_830 = tpu.memref_slice %arg5[%dma_start3A_829, %multiple_of3A_784] : memref<16x1000000xf32, #tpu.memory_space<hbm>> -> memref<8x128xf32, #tpu.memory_space<hbm>>
      %dma_start3A_831 = arith.constant 8 : i32
      %dma_start3A_832 = arith.constant 0 : i32
      %dma_start3A_833 = tpu.memref_slice %arg12[%dma_start3A_824, %dma_start3A_831, %dma_start3A_832] : memref<16x16x128xf32, #tpu.memory_space<vmem>> -> memref<1x8x128xf32, #tpu.memory_space<vmem>>
      %dma_start3A_834 = tpu.memref_squeeze %dma_start3A_833 : memref<1x8x128xf32, #tpu.memory_space<vmem>> -> memref<8x128xf32, #tpu.memory_space<vmem>>
      %dma_start3A_835 = arith.constant 8 : i32
      %dma_start3A_836 = tpu.memref_slice %arg5[%dma_start3A_835, %multiple_of3A_784] : memref<16x1000000xf32, #tpu.memory_space<hbm>> -> memref<8x128xf32, #tpu.memory_space<hbm>>
      tpu.enqueue_dma source(%dma_start3A_836 : memref<8x128xf32, #tpu.memory_space<hbm>>) target(%dma_start3A_834 : memref<8x128xf32, #tpu.memory_space<vmem>>) target_semaphore(%arg17 : memref<!tpu.dma_semaphore, #tpu.memory_space<semaphore_mem>>)
      %slice3A_837 = vector.extract_strided_slice %get3A_113 {offsets = [11], sizes = [1], strides = [1]} : vector<16xi32> to vector<1xi32>
      %squeeze3A_838 = vector.extract %slice3A_837[0] : i32 from vector<1xi32>
      %shift_right_arithmetic3A_839 = arith.constant 7 : i32
      %shift_right_arithmetic3A_840 = arith.shrsi %squeeze3A_838, %shift_right_arithmetic3A_839 : i32
      %shift_left3A_841 = arith.constant 7 : i32
      %shift_left3A_842 = arith.shli %shift_right_arithmetic3A_840, %shift_left3A_841 : i32
      %multiple_of3A_843 = tpu.assume_multiple %shift_left3A_842, 128 : i32
      %slice3A_844 = vector.extract_strided_slice %get3A_115 {offsets = [11], sizes = [1], strides = [1]} : vector<16xi32> to vector<1xi32>
      %squeeze3A_845 = vector.extract %slice3A_844[0] : i32 from vector<1xi32>
      %shift_right_arithmetic3A_846 = arith.constant 7 : i32
      %shift_right_arithmetic3A_847 = arith.shrsi %squeeze3A_845, %shift_right_arithmetic3A_846 : i32
      %shift_left3A_848 = arith.constant 7 : i32
      %shift_left3A_849 = arith.shli %shift_right_arithmetic3A_847, %shift_left3A_848 : i32
      %multiple_of3A_850 = tpu.assume_multiple %shift_left3A_849, 128 : i32
      %dma_start3A_851 = arith.constant 11 : i32
      %dma_start3A_852 = arith.constant 0 : i32
      %dma_start3A_853 = arith.constant 0 : i32
      %dma_start3A_854 = tpu.memref_slice %arg11[%dma_start3A_851, %dma_start3A_852, %dma_start3A_853] : memref<16x16x128xf32, #tpu.memory_space<vmem>> -> memref<1x8x128xf32, #tpu.memory_space<vmem>>
      %dma_start3A_855 = tpu.memref_squeeze %dma_start3A_854 : memref<1x8x128xf32, #tpu.memory_space<vmem>> -> memref<8x128xf32, #tpu.memory_space<vmem>>
      %dma_start3A_856 = arith.constant 0 : i32
      %dma_start3A_857 = tpu.memref_slice %arg4[%dma_start3A_856, %multiple_of3A_843] : memref<16x1000000xf32, #tpu.memory_space<hbm>> -> memref<8x128xf32, #tpu.memory_space<hbm>>
      %dma_start3A_858 = arith.constant 0 : i32
      %dma_start3A_859 = arith.constant 0 : i32
      %dma_start3A_860 = tpu.memref_slice %arg11[%dma_start3A_851, %dma_start3A_858, %dma_start3A_859] : memref<16x16x128xf32, #tpu.memory_space<vmem>> -> memref<1x8x128xf32, #tpu.memory_space<vmem>>
      %dma_start3A_861 = tpu.memref_squeeze %dma_start3A_860 : memref<1x8x128xf32, #tpu.memory_space<vmem>> -> memref<8x128xf32, #tpu.memory_space<vmem>>
      %dma_start3A_862 = arith.constant 0 : i32
      %dma_start3A_863 = tpu.memref_slice %arg4[%dma_start3A_862, %multiple_of3A_843] : memref<16x1000000xf32, #tpu.memory_space<hbm>> -> memref<8x128xf32, #tpu.memory_space<hbm>>
      tpu.enqueue_dma source(%dma_start3A_863 : memref<8x128xf32, #tpu.memory_space<hbm>>) target(%dma_start3A_861 : memref<8x128xf32, #tpu.memory_space<vmem>>) target_semaphore(%arg17 : memref<!tpu.dma_semaphore, #tpu.memory_space<semaphore_mem>>)
      %dma_start3A_864 = arith.constant 11 : i32
      %dma_start3A_865 = arith.constant 0 : i32
      %dma_start3A_866 = arith.constant 0 : i32
      %dma_start3A_867 = tpu.memref_slice %arg12[%dma_start3A_864, %dma_start3A_865, %dma_start3A_866] : memref<16x16x128xf32, #tpu.memory_space<vmem>> -> memref<1x8x128xf32, #tpu.memory_space<vmem>>
      %dma_start3A_868 = tpu.memref_squeeze %dma_start3A_867 : memref<1x8x128xf32, #tpu.memory_space<vmem>> -> memref<8x128xf32, #tpu.memory_space<vmem>>
      %dma_start3A_869 = arith.constant 0 : i32
      %dma_start3A_870 = tpu.memref_slice %arg5[%dma_start3A_869, %multiple_of3A_850] : memref<16x1000000xf32, #tpu.memory_space<hbm>> -> memref<8x128xf32, #tpu.memory_space<hbm>>
      %dma_start3A_871 = arith.constant 0 : i32
      %dma_start3A_872 = arith.constant 0 : i32
      %dma_start3A_873 = tpu.memref_slice %arg12[%dma_start3A_864, %dma_start3A_871, %dma_start3A_872] : memref<16x16x128xf32, #tpu.memory_space<vmem>> -> memref<1x8x128xf32, #tpu.memory_space<vmem>>
      %dma_start3A_874 = tpu.memref_squeeze %dma_start3A_873 : memref<1x8x128xf32, #tpu.memory_space<vmem>> -> memref<8x128xf32, #tpu.memory_space<vmem>>
      %dma_start3A_875 = arith.constant 0 : i32
      %dma_start3A_876 = tpu.memref_slice %arg5[%dma_start3A_875, %multiple_of3A_850] : memref<16x1000000xf32, #tpu.memory_space<hbm>> -> memref<8x128xf32, #tpu.memory_space<hbm>>
      tpu.enqueue_dma source(%dma_start3A_876 : memref<8x128xf32, #tpu.memory_space<hbm>>) target(%dma_start3A_874 : memref<8x128xf32, #tpu.memory_space<vmem>>) target_semaphore(%arg17 : memref<!tpu.dma_semaphore, #tpu.memory_space<semaphore_mem>>)
      %dma_start3A_877 = arith.constant 11 : i32
      %dma_start3A_878 = arith.constant 8 : i32
      %dma_start3A_879 = arith.constant 0 : i32
      %dma_start3A_880 = tpu.memref_slice %arg11[%dma_start3A_877, %dma_start3A_878, %dma_start3A_879] : memref<16x16x128xf32, #tpu.memory_space<vmem>> -> memref<1x8x128xf32, #tpu.memory_space<vmem>>
      %dma_start3A_881 = tpu.memref_squeeze %dma_start3A_880 : memref<1x8x128xf32, #tpu.memory_space<vmem>> -> memref<8x128xf32, #tpu.memory_space<vmem>>
      %dma_start3A_882 = arith.constant 8 : i32
      %dma_start3A_883 = tpu.memref_slice %arg4[%dma_start3A_882, %multiple_of3A_843] : memref<16x1000000xf32, #tpu.memory_space<hbm>> -> memref<8x128xf32, #tpu.memory_space<hbm>>
      %dma_start3A_884 = arith.constant 8 : i32
      %dma_start3A_885 = arith.constant 0 : i32
      %dma_start3A_886 = tpu.memref_slice %arg11[%dma_start3A_877, %dma_start3A_884, %dma_start3A_885] : memref<16x16x128xf32, #tpu.memory_space<vmem>> -> memref<1x8x128xf32, #tpu.memory_space<vmem>>
      %dma_start3A_887 = tpu.memref_squeeze %dma_start3A_886 : memref<1x8x128xf32, #tpu.memory_space<vmem>> -> memref<8x128xf32, #tpu.memory_space<vmem>>
      %dma_start3A_888 = arith.constant 8 : i32
      %dma_start3A_889 = tpu.memref_slice %arg4[%dma_start3A_888, %multiple_of3A_843] : memref<16x1000000xf32, #tpu.memory_space<hbm>> -> memref<8x128xf32, #tpu.memory_space<hbm>>
      tpu.enqueue_dma source(%dma_start3A_889 : memref<8x128xf32, #tpu.memory_space<hbm>>) target(%dma_start3A_887 : memref<8x128xf32, #tpu.memory_space<vmem>>) target_semaphore(%arg17 : memref<!tpu.dma_semaphore, #tpu.memory_space<semaphore_mem>>)
      %dma_start3A_890 = arith.constant 11 : i32
      %dma_start3A_891 = arith.constant 8 : i32
      %dma_start3A_892 = arith.constant 0 : i32
      %dma_start3A_893 = tpu.memref_slice %arg12[%dma_start3A_890, %dma_start3A_891, %dma_start3A_892] : memref<16x16x128xf32, #tpu.memory_space<vmem>> -> memref<1x8x128xf32, #tpu.memory_space<vmem>>
      %dma_start3A_894 = tpu.memref_squeeze %dma_start3A_893 : memref<1x8x128xf32, #tpu.memory_space<vmem>> -> memref<8x128xf32, #tpu.memory_space<vmem>>
      %dma_start3A_895 = arith.constant 8 : i32
      %dma_start3A_896 = tpu.memref_slice %arg5[%dma_start3A_895, %multiple_of3A_850] : memref<16x1000000xf32, #tpu.memory_space<hbm>> -> memref<8x128xf32, #tpu.memory_space<hbm>>
      %dma_start3A_897 = arith.constant 8 : i32
      %dma_start3A_898 = arith.constant 0 : i32
      %dma_start3A_899 = tpu.memref_slice %arg12[%dma_start3A_890, %dma_start3A_897, %dma_start3A_898] : memref<16x16x128xf32, #tpu.memory_space<vmem>> -> memref<1x8x128xf32, #tpu.memory_space<vmem>>
      %dma_start3A_900 = tpu.memref_squeeze %dma_start3A_899 : memref<1x8x128xf32, #tpu.memory_space<vmem>> -> memref<8x128xf32, #tpu.memory_space<vmem>>
      %dma_start3A_901 = arith.constant 8 : i32
      %dma_start3A_902 = tpu.memref_slice %arg5[%dma_start3A_901, %multiple_of3A_850] : memref<16x1000000xf32, #tpu.memory_space<hbm>> -> memref<8x128xf32, #tpu.memory_space<hbm>>
      tpu.enqueue_dma source(%dma_start3A_902 : memref<8x128xf32, #tpu.memory_space<hbm>>) target(%dma_start3A_900 : memref<8x128xf32, #tpu.memory_space<vmem>>) target_semaphore(%arg17 : memref<!tpu.dma_semaphore, #tpu.memory_space<semaphore_mem>>)
      %slice3A_903 = vector.extract_strided_slice %get3A_113 {offsets = [12], sizes = [1], strides = [1]} : vector<16xi32> to vector<1xi32>
      %squeeze3A_904 = vector.extract %slice3A_903[0] : i32 from vector<1xi32>
      %shift_right_arithmetic3A_905 = arith.constant 7 : i32
      %shift_right_arithmetic3A_906 = arith.shrsi %squeeze3A_904, %shift_right_arithmetic3A_905 : i32
      %shift_left3A_907 = arith.constant 7 : i32
      %shift_left3A_908 = arith.shli %shift_right_arithmetic3A_906, %shift_left3A_907 : i32
      %multiple_of3A_909 = tpu.assume_multiple %shift_left3A_908, 128 : i32
      %slice3A_910 = vector.extract_strided_slice %get3A_115 {offsets = [12], sizes = [1], strides = [1]} : vector<16xi32> to vector<1xi32>
      %squeeze3A_911 = vector.extract %slice3A_910[0] : i32 from vector<1xi32>
      %shift_right_arithmetic3A_912 = arith.constant 7 : i32
      %shift_right_arithmetic3A_913 = arith.shrsi %squeeze3A_911, %shift_right_arithmetic3A_912 : i32
      %shift_left3A_914 = arith.constant 7 : i32
      %shift_left3A_915 = arith.shli %shift_right_arithmetic3A_913, %shift_left3A_914 : i32
      %multiple_of3A_916 = tpu.assume_multiple %shift_left3A_915, 128 : i32
      %dma_start3A_917 = arith.constant 12 : i32
      %dma_start3A_918 = arith.constant 0 : i32
      %dma_start3A_919 = arith.constant 0 : i32
      %dma_start3A_920 = tpu.memref_slice %arg11[%dma_start3A_917, %dma_start3A_918, %dma_start3A_919] : memref<16x16x128xf32, #tpu.memory_space<vmem>> -> memref<1x8x128xf32, #tpu.memory_space<vmem>>
      %dma_start3A_921 = tpu.memref_squeeze %dma_start3A_920 : memref<1x8x128xf32, #tpu.memory_space<vmem>> -> memref<8x128xf32, #tpu.memory_space<vmem>>
      %dma_start3A_922 = arith.constant 0 : i32
      %dma_start3A_923 = tpu.memref_slice %arg4[%dma_start3A_922, %multiple_of3A_909] : memref<16x1000000xf32, #tpu.memory_space<hbm>> -> memref<8x128xf32, #tpu.memory_space<hbm>>
      %dma_start3A_924 = arith.constant 0 : i32
      %dma_start3A_925 = arith.constant 0 : i32
      %dma_start3A_926 = tpu.memref_slice %arg11[%dma_start3A_917, %dma_start3A_924, %dma_start3A_925] : memref<16x16x128xf32, #tpu.memory_space<vmem>> -> memref<1x8x128xf32, #tpu.memory_space<vmem>>
      %dma_start3A_927 = tpu.memref_squeeze %dma_start3A_926 : memref<1x8x128xf32, #tpu.memory_space<vmem>> -> memref<8x128xf32, #tpu.memory_space<vmem>>
      %dma_start3A_928 = arith.constant 0 : i32
      %dma_start3A_929 = tpu.memref_slice %arg4[%dma_start3A_928, %multiple_of3A_909] : memref<16x1000000xf32, #tpu.memory_space<hbm>> -> memref<8x128xf32, #tpu.memory_space<hbm>>
      tpu.enqueue_dma source(%dma_start3A_929 : memref<8x128xf32, #tpu.memory_space<hbm>>) target(%dma_start3A_927 : memref<8x128xf32, #tpu.memory_space<vmem>>) target_semaphore(%arg17 : memref<!tpu.dma_semaphore, #tpu.memory_space<semaphore_mem>>)
      %dma_start3A_930 = arith.constant 12 : i32
      %dma_start3A_931 = arith.constant 0 : i32
      %dma_start3A_932 = arith.constant 0 : i32
      %dma_start3A_933 = tpu.memref_slice %arg12[%dma_start3A_930, %dma_start3A_931, %dma_start3A_932] : memref<16x16x128xf32, #tpu.memory_space<vmem>> -> memref<1x8x128xf32, #tpu.memory_space<vmem>>
      %dma_start3A_934 = tpu.memref_squeeze %dma_start3A_933 : memref<1x8x128xf32, #tpu.memory_space<vmem>> -> memref<8x128xf32, #tpu.memory_space<vmem>>
      %dma_start3A_935 = arith.constant 0 : i32
      %dma_start3A_936 = tpu.memref_slice %arg5[%dma_start3A_935, %multiple_of3A_916] : memref<16x1000000xf32, #tpu.memory_space<hbm>> -> memref<8x128xf32, #tpu.memory_space<hbm>>
      %dma_start3A_937 = arith.constant 0 : i32
      %dma_start3A_938 = arith.constant 0 : i32
      %dma_start3A_939 = tpu.memref_slice %arg12[%dma_start3A_930, %dma_start3A_937, %dma_start3A_938] : memref<16x16x128xf32, #tpu.memory_space<vmem>> -> memref<1x8x128xf32, #tpu.memory_space<vmem>>
      %dma_start3A_940 = tpu.memref_squeeze %dma_start3A_939 : memref<1x8x128xf32, #tpu.memory_space<vmem>> -> memref<8x128xf32, #tpu.memory_space<vmem>>
      %dma_start3A_941 = arith.constant 0 : i32
      %dma_start3A_942 = tpu.memref_slice %arg5[%dma_start3A_941, %multiple_of3A_916] : memref<16x1000000xf32, #tpu.memory_space<hbm>> -> memref<8x128xf32, #tpu.memory_space<hbm>>
      tpu.enqueue_dma source(%dma_start3A_942 : memref<8x128xf32, #tpu.memory_space<hbm>>) target(%dma_start3A_940 : memref<8x128xf32, #tpu.memory_space<vmem>>) target_semaphore(%arg17 : memref<!tpu.dma_semaphore, #tpu.memory_space<semaphore_mem>>)
      %dma_start3A_943 = arith.constant 12 : i32
      %dma_start3A_944 = arith.constant 8 : i32
      %dma_start3A_945 = arith.constant 0 : i32
      %dma_start3A_946 = tpu.memref_slice %arg11[%dma_start3A_943, %dma_start3A_944, %dma_start3A_945] : memref<16x16x128xf32, #tpu.memory_space<vmem>> -> memref<1x8x128xf32, #tpu.memory_space<vmem>>
      %dma_start3A_947 = tpu.memref_squeeze %dma_start3A_946 : memref<1x8x128xf32, #tpu.memory_space<vmem>> -> memref<8x128xf32, #tpu.memory_space<vmem>>
      %dma_start3A_948 = arith.constant 8 : i32
      %dma_start3A_949 = tpu.memref_slice %arg4[%dma_start3A_948, %multiple_of3A_909] : memref<16x1000000xf32, #tpu.memory_space<hbm>> -> memref<8x128xf32, #tpu.memory_space<hbm>>
      %dma_start3A_950 = arith.constant 8 : i32
      %dma_start3A_951 = arith.constant 0 : i32
      %dma_start3A_952 = tpu.memref_slice %arg11[%dma_start3A_943, %dma_start3A_950, %dma_start3A_951] : memref<16x16x128xf32, #tpu.memory_space<vmem>> -> memref<1x8x128xf32, #tpu.memory_space<vmem>>
      %dma_start3A_953 = tpu.memref_squeeze %dma_start3A_952 : memref<1x8x128xf32, #tpu.memory_space<vmem>> -> memref<8x128xf32, #tpu.memory_space<vmem>>
      %dma_start3A_954 = arith.constant 8 : i32
      %dma_start3A_955 = tpu.memref_slice %arg4[%dma_start3A_954, %multiple_of3A_909] : memref<16x1000000xf32, #tpu.memory_space<hbm>> -> memref<8x128xf32, #tpu.memory_space<hbm>>
      tpu.enqueue_dma source(%dma_start3A_955 : memref<8x128xf32, #tpu.memory_space<hbm>>) target(%dma_start3A_953 : memref<8x128xf32, #tpu.memory_space<vmem>>) target_semaphore(%arg17 : memref<!tpu.dma_semaphore, #tpu.memory_space<semaphore_mem>>)
      %dma_start3A_956 = arith.constant 12 : i32
      %dma_start3A_957 = arith.constant 8 : i32
      %dma_start3A_958 = arith.constant 0 : i32
      %dma_start3A_959 = tpu.memref_slice %arg12[%dma_start3A_956, %dma_start3A_957, %dma_start3A_958] : memref<16x16x128xf32, #tpu.memory_space<vmem>> -> memref<1x8x128xf32, #tpu.memory_space<vmem>>
      %dma_start3A_960 = tpu.memref_squeeze %dma_start3A_959 : memref<1x8x128xf32, #tpu.memory_space<vmem>> -> memref<8x128xf32, #tpu.memory_space<vmem>>
      %dma_start3A_961 = arith.constant 8 : i32
      %dma_start3A_962 = tpu.memref_slice %arg5[%dma_start3A_961, %multiple_of3A_916] : memref<16x1000000xf32, #tpu.memory_space<hbm>> -> memref<8x128xf32, #tpu.memory_space<hbm>>
      %dma_start3A_963 = arith.constant 8 : i32
      %dma_start3A_964 = arith.constant 0 : i32
      %dma_start3A_965 = tpu.memref_slice %arg12[%dma_start3A_956, %dma_start3A_963, %dma_start3A_964] : memref<16x16x128xf32, #tpu.memory_space<vmem>> -> memref<1x8x128xf32, #tpu.memory_space<vmem>>
      %dma_start3A_966 = tpu.memref_squeeze %dma_start3A_965 : memref<1x8x128xf32, #tpu.memory_space<vmem>> -> memref<8x128xf32, #tpu.memory_space<vmem>>
      %dma_start3A_967 = arith.constant 8 : i32
      %dma_start3A_968 = tpu.memref_slice %arg5[%dma_start3A_967, %multiple_of3A_916] : memref<16x1000000xf32, #tpu.memory_space<hbm>> -> memref<8x128xf32, #tpu.memory_space<hbm>>
      tpu.enqueue_dma source(%dma_start3A_968 : memref<8x128xf32, #tpu.memory_space<hbm>>) target(%dma_start3A_966 : memref<8x128xf32, #tpu.memory_space<vmem>>) target_semaphore(%arg17 : memref<!tpu.dma_semaphore, #tpu.memory_space<semaphore_mem>>)
      %slice3A_969 = vector.extract_strided_slice %get3A_113 {offsets = [13], sizes = [1], strides = [1]} : vector<16xi32> to vector<1xi32>
      %squeeze3A_970 = vector.extract %slice3A_969[0] : i32 from vector<1xi32>
      %shift_right_arithmetic3A_971 = arith.constant 7 : i32
      %shift_right_arithmetic3A_972 = arith.shrsi %squeeze3A_970, %shift_right_arithmetic3A_971 : i32
      %shift_left3A_973 = arith.constant 7 : i32
      %shift_left3A_974 = arith.shli %shift_right_arithmetic3A_972, %shift_left3A_973 : i32
      %multiple_of3A_975 = tpu.assume_multiple %shift_left3A_974, 128 : i32
      %slice3A_976 = vector.extract_strided_slice %get3A_115 {offsets = [13], sizes = [1], strides = [1]} : vector<16xi32> to vector<1xi32>
      %squeeze3A_977 = vector.extract %slice3A_976[0] : i32 from vector<1xi32>
      %shift_right_arithmetic3A_978 = arith.constant 7 : i32
      %shift_right_arithmetic3A_979 = arith.shrsi %squeeze3A_977, %shift_right_arithmetic3A_978 : i32
      %shift_left3A_980 = arith.constant 7 : i32
      %shift_left3A_981 = arith.shli %shift_right_arithmetic3A_979, %shift_left3A_980 : i32
      %multiple_of3A_982 = tpu.assume_multiple %shift_left3A_981, 128 : i32
      %dma_start3A_983 = arith.constant 13 : i32
      %dma_start3A_984 = arith.constant 0 : i32
      %dma_start3A_985 = arith.constant 0 : i32
      %dma_start3A_986 = tpu.memref_slice %arg11[%dma_start3A_983, %dma_start3A_984, %dma_start3A_985] : memref<16x16x128xf32, #tpu.memory_space<vmem>> -> memref<1x8x128xf32, #tpu.memory_space<vmem>>
      %dma_start3A_987 = tpu.memref_squeeze %dma_start3A_986 : memref<1x8x128xf32, #tpu.memory_space<vmem>> -> memref<8x128xf32, #tpu.memory_space<vmem>>
      %dma_start3A_988 = arith.constant 0 : i32
      %dma_start3A_989 = tpu.memref_slice %arg4[%dma_start3A_988, %multiple_of3A_975] : memref<16x1000000xf32, #tpu.memory_space<hbm>> -> memref<8x128xf32, #tpu.memory_space<hbm>>
      %dma_start3A_990 = arith.constant 0 : i32
      %dma_start3A_991 = arith.constant 0 : i32
      %dma_start3A_992 = tpu.memref_slice %arg11[%dma_start3A_983, %dma_start3A_990, %dma_start3A_991] : memref<16x16x128xf32, #tpu.memory_space<vmem>> -> memref<1x8x128xf32, #tpu.memory_space<vmem>>
      %dma_start3A_993 = tpu.memref_squeeze %dma_start3A_992 : memref<1x8x128xf32, #tpu.memory_space<vmem>> -> memref<8x128xf32, #tpu.memory_space<vmem>>
      %dma_start3A_994 = arith.constant 0 : i32
      %dma_start3A_995 = tpu.memref_slice %arg4[%dma_start3A_994, %multiple_of3A_975] : memref<16x1000000xf32, #tpu.memory_space<hbm>> -> memref<8x128xf32, #tpu.memory_space<hbm>>
      tpu.enqueue_dma source(%dma_start3A_995 : memref<8x128xf32, #tpu.memory_space<hbm>>) target(%dma_start3A_993 : memref<8x128xf32, #tpu.memory_space<vmem>>) target_semaphore(%arg17 : memref<!tpu.dma_semaphore, #tpu.memory_space<semaphore_mem>>)
      %dma_start3A_996 = arith.constant 13 : i32
      %dma_start3A_997 = arith.constant 0 : i32
      %dma_start3A_998 = arith.constant 0 : i32
      %dma_start3A_999 = tpu.memref_slice %arg12[%dma_start3A_996, %dma_start3A_997, %dma_start3A_998] : memref<16x16x128xf32, #tpu.memory_space<vmem>> -> memref<1x8x128xf32, #tpu.memory_space<vmem>>
      %dma_start3A_1000 = tpu.memref_squeeze %dma_start3A_999 : memref<1x8x128xf32, #tpu.memory_space<vmem>> -> memref<8x128xf32, #tpu.memory_space<vmem>>
      %dma_start3A_1001 = arith.constant 0 : i32
      %dma_start3A_1002 = tpu.memref_slice %arg5[%dma_start3A_1001, %multiple_of3A_982] : memref<16x1000000xf32, #tpu.memory_space<hbm>> -> memref<8x128xf32, #tpu.memory_space<hbm>>
      %dma_start3A_1003 = arith.constant 0 : i32
      %dma_start3A_1004 = arith.constant 0 : i32
      %dma_start3A_1005 = tpu.memref_slice %arg12[%dma_start3A_996, %dma_start3A_1003, %dma_start3A_1004] : memref<16x16x128xf32, #tpu.memory_space<vmem>> -> memref<1x8x128xf32, #tpu.memory_space<vmem>>
      %dma_start3A_1006 = tpu.memref_squeeze %dma_start3A_1005 : memref<1x8x128xf32, #tpu.memory_space<vmem>> -> memref<8x128xf32, #tpu.memory_space<vmem>>
      %dma_start3A_1007 = arith.constant 0 : i32
      %dma_start3A_1008 = tpu.memref_slice %arg5[%dma_start3A_1007, %multiple_of3A_982] : memref<16x1000000xf32, #tpu.memory_space<hbm>> -> memref<8x128xf32, #tpu.memory_space<hbm>>
      tpu.enqueue_dma source(%dma_start3A_1008 : memref<8x128xf32, #tpu.memory_space<hbm>>) target(%dma_start3A_1006 : memref<8x128xf32, #tpu.memory_space<vmem>>) target_semaphore(%arg17 : memref<!tpu.dma_semaphore, #tpu.memory_space<semaphore_mem>>)
      %dma_start3A_1009 = arith.constant 13 : i32
      %dma_start3A_1010 = arith.constant 8 : i32
      %dma_start3A_1011 = arith.constant 0 : i32
      %dma_start3A_1012 = tpu.memref_slice %arg11[%dma_start3A_1009, %dma_start3A_1010, %dma_start3A_1011] : memref<16x16x128xf32, #tpu.memory_space<vmem>> -> memref<1x8x128xf32, #tpu.memory_space<vmem>>
      %dma_start3A_1013 = tpu.memref_squeeze %dma_start3A_1012 : memref<1x8x128xf32, #tpu.memory_space<vmem>> -> memref<8x128xf32, #tpu.memory_space<vmem>>
      %dma_start3A_1014 = arith.constant 8 : i32
      %dma_start3A_1015 = tpu.memref_slice %arg4[%dma_start3A_1014, %multiple_of3A_975] : memref<16x1000000xf32, #tpu.memory_space<hbm>> -> memref<8x128xf32, #tpu.memory_space<hbm>>
      %dma_start3A_1016 = arith.constant 8 : i32
      %dma_start3A_1017 = arith.constant 0 : i32
      %dma_start3A_1018 = tpu.memref_slice %arg11[%dma_start3A_1009, %dma_start3A_1016, %dma_start3A_1017] : memref<16x16x128xf32, #tpu.memory_space<vmem>> -> memref<1x8x128xf32, #tpu.memory_space<vmem>>
      %dma_start3A_1019 = tpu.memref_squeeze %dma_start3A_1018 : memref<1x8x128xf32, #tpu.memory_space<vmem>> -> memref<8x128xf32, #tpu.memory_space<vmem>>
      %dma_start3A_1020 = arith.constant 8 : i32
      %dma_start3A_1021 = tpu.memref_slice %arg4[%dma_start3A_1020, %multiple_of3A_975] : memref<16x1000000xf32, #tpu.memory_space<hbm>> -> memref<8x128xf32, #tpu.memory_space<hbm>>
      tpu.enqueue_dma source(%dma_start3A_1021 : memref<8x128xf32, #tpu.memory_space<hbm>>) target(%dma_start3A_1019 : memref<8x128xf32, #tpu.memory_space<vmem>>) target_semaphore(%arg17 : memref<!tpu.dma_semaphore, #tpu.memory_space<semaphore_mem>>)
      %dma_start3A_1022 = arith.constant 13 : i32
      %dma_start3A_1023 = arith.constant 8 : i32
      %dma_start3A_1024 = arith.constant 0 : i32
      %dma_start3A_1025 = tpu.memref_slice %arg12[%dma_start3A_1022, %dma_start3A_1023, %dma_start3A_1024] : memref<16x16x128xf32, #tpu.memory_space<vmem>> -> memref<1x8x128xf32, #tpu.memory_space<vmem>>
      %dma_start3A_1026 = tpu.memref_squeeze %dma_start3A_1025 : memref<1x8x128xf32, #tpu.memory_space<vmem>> -> memref<8x128xf32, #tpu.memory_space<vmem>>
      %dma_start3A_1027 = arith.constant 8 : i32
      %dma_start3A_1028 = tpu.memref_slice %arg5[%dma_start3A_1027, %multiple_of3A_982] : memref<16x1000000xf32, #tpu.memory_space<hbm>> -> memref<8x128xf32, #tpu.memory_space<hbm>>
      %dma_start3A_1029 = arith.constant 8 : i32
      %dma_start3A_1030 = arith.constant 0 : i32
      %dma_start3A_1031 = tpu.memref_slice %arg12[%dma_start3A_1022, %dma_start3A_1029, %dma_start3A_1030] : memref<16x16x128xf32, #tpu.memory_space<vmem>> -> memref<1x8x128xf32, #tpu.memory_space<vmem>>
      %dma_start3A_1032 = tpu.memref_squeeze %dma_start3A_1031 : memref<1x8x128xf32, #tpu.memory_space<vmem>> -> memref<8x128xf32, #tpu.memory_space<vmem>>
      %dma_start3A_1033 = arith.constant 8 : i32
      %dma_start3A_1034 = tpu.memref_slice %arg5[%dma_start3A_1033, %multiple_of3A_982] : memref<16x1000000xf32, #tpu.memory_space<hbm>> -> memref<8x128xf32, #tpu.memory_space<hbm>>
      tpu.enqueue_dma source(%dma_start3A_1034 : memref<8x128xf32, #tpu.memory_space<hbm>>) target(%dma_start3A_1032 : memref<8x128xf32, #tpu.memory_space<vmem>>) target_semaphore(%arg17 : memref<!tpu.dma_semaphore, #tpu.memory_space<semaphore_mem>>)
      %slice3A_1035 = vector.extract_strided_slice %get3A_113 {offsets = [14], sizes = [1], strides = [1]} : vector<16xi32> to vector<1xi32>
      %squeeze3A_1036 = vector.extract %slice3A_1035[0] : i32 from vector<1xi32>
      %shift_right_arithmetic3A_1037 = arith.constant 7 : i32
      %shift_right_arithmetic3A_1038 = arith.shrsi %squeeze3A_1036, %shift_right_arithmetic3A_1037 : i32
      %shift_left3A_1039 = arith.constant 7 : i32
      %shift_left3A_1040 = arith.shli %shift_right_arithmetic3A_1038, %shift_left3A_1039 : i32
      %multiple_of3A_1041 = tpu.assume_multiple %shift_left3A_1040, 128 : i32
      %slice3A_1042 = vector.extract_strided_slice %get3A_115 {offsets = [14], sizes = [1], strides = [1]} : vector<16xi32> to vector<1xi32>
      %squeeze3A_1043 = vector.extract %slice3A_1042[0] : i32 from vector<1xi32>
      %shift_right_arithmetic3A_1044 = arith.constant 7 : i32
      %shift_right_arithmetic3A_1045 = arith.shrsi %squeeze3A_1043, %shift_right_arithmetic3A_1044 : i32
      %shift_left3A_1046 = arith.constant 7 : i32
      %shift_left3A_1047 = arith.shli %shift_right_arithmetic3A_1045, %shift_left3A_1046 : i32
      %multiple_of3A_1048 = tpu.assume_multiple %shift_left3A_1047, 128 : i32
      %dma_start3A_1049 = arith.constant 14 : i32
      %dma_start3A_1050 = arith.constant 0 : i32
      %dma_start3A_1051 = arith.constant 0 : i32
      %dma_start3A_1052 = tpu.memref_slice %arg11[%dma_start3A_1049, %dma_start3A_1050, %dma_start3A_1051] : memref<16x16x128xf32, #tpu.memory_space<vmem>> -> memref<1x8x128xf32, #tpu.memory_space<vmem>>
      %dma_start3A_1053 = tpu.memref_squeeze %dma_start3A_1052 : memref<1x8x128xf32, #tpu.memory_space<vmem>> -> memref<8x128xf32, #tpu.memory_space<vmem>>
      %dma_start3A_1054 = arith.constant 0 : i32
      %dma_start3A_1055 = tpu.memref_slice %arg4[%dma_start3A_1054, %multiple_of3A_1041] : memref<16x1000000xf32, #tpu.memory_space<hbm>> -> memref<8x128xf32, #tpu.memory_space<hbm>>
      %dma_start3A_1056 = arith.constant 0 : i32
      %dma_start3A_1057 = arith.constant 0 : i32
      %dma_start3A_1058 = tpu.memref_slice %arg11[%dma_start3A_1049, %dma_start3A_1056, %dma_start3A_1057] : memref<16x16x128xf32, #tpu.memory_space<vmem>> -> memref<1x8x128xf32, #tpu.memory_space<vmem>>
      %dma_start3A_1059 = tpu.memref_squeeze %dma_start3A_1058 : memref<1x8x128xf32, #tpu.memory_space<vmem>> -> memref<8x128xf32, #tpu.memory_space<vmem>>
      %dma_start3A_1060 = arith.constant 0 : i32
      %dma_start3A_1061 = tpu.memref_slice %arg4[%dma_start3A_1060, %multiple_of3A_1041] : memref<16x1000000xf32, #tpu.memory_space<hbm>> -> memref<8x128xf32, #tpu.memory_space<hbm>>
      tpu.enqueue_dma source(%dma_start3A_1061 : memref<8x128xf32, #tpu.memory_space<hbm>>) target(%dma_start3A_1059 : memref<8x128xf32, #tpu.memory_space<vmem>>) target_semaphore(%arg17 : memref<!tpu.dma_semaphore, #tpu.memory_space<semaphore_mem>>)
      %dma_start3A_1062 = arith.constant 14 : i32
      %dma_start3A_1063 = arith.constant 0 : i32
      %dma_start3A_1064 = arith.constant 0 : i32
      %dma_start3A_1065 = tpu.memref_slice %arg12[%dma_start3A_1062, %dma_start3A_1063, %dma_start3A_1064] : memref<16x16x128xf32, #tpu.memory_space<vmem>> -> memref<1x8x128xf32, #tpu.memory_space<vmem>>
      %dma_start3A_1066 = tpu.memref_squeeze %dma_start3A_1065 : memref<1x8x128xf32, #tpu.memory_space<vmem>> -> memref<8x128xf32, #tpu.memory_space<vmem>>
      %dma_start3A_1067 = arith.constant 0 : i32
      %dma_start3A_1068 = tpu.memref_slice %arg5[%dma_start3A_1067, %multiple_of3A_1048] : memref<16x1000000xf32, #tpu.memory_space<hbm>> -> memref<8x128xf32, #tpu.memory_space<hbm>>
      %dma_start3A_1069 = arith.constant 0 : i32
      %dma_start3A_1070 = arith.constant 0 : i32
      %dma_start3A_1071 = tpu.memref_slice %arg12[%dma_start3A_1062, %dma_start3A_1069, %dma_start3A_1070] : memref<16x16x128xf32, #tpu.memory_space<vmem>> -> memref<1x8x128xf32, #tpu.memory_space<vmem>>
      %dma_start3A_1072 = tpu.memref_squeeze %dma_start3A_1071 : memref<1x8x128xf32, #tpu.memory_space<vmem>> -> memref<8x128xf32, #tpu.memory_space<vmem>>
      %dma_start3A_1073 = arith.constant 0 : i32
      %dma_start3A_1074 = tpu.memref_slice %arg5[%dma_start3A_1073, %multiple_of3A_1048] : memref<16x1000000xf32, #tpu.memory_space<hbm>> -> memref<8x128xf32, #tpu.memory_space<hbm>>
      tpu.enqueue_dma source(%dma_start3A_1074 : memref<8x128xf32, #tpu.memory_space<hbm>>) target(%dma_start3A_1072 : memref<8x128xf32, #tpu.memory_space<vmem>>) target_semaphore(%arg17 : memref<!tpu.dma_semaphore, #tpu.memory_space<semaphore_mem>>)
      %dma_start3A_1075 = arith.constant 14 : i32
      %dma_start3A_1076 = arith.constant 8 : i32
      %dma_start3A_1077 = arith.constant 0 : i32
      %dma_start3A_1078 = tpu.memref_slice %arg11[%dma_start3A_1075, %dma_start3A_1076, %dma_start3A_1077] : memref<16x16x128xf32, #tpu.memory_space<vmem>> -> memref<1x8x128xf32, #tpu.memory_space<vmem>>
      %dma_start3A_1079 = tpu.memref_squeeze %dma_start3A_1078 : memref<1x8x128xf32, #tpu.memory_space<vmem>> -> memref<8x128xf32, #tpu.memory_space<vmem>>
      %dma_start3A_1080 = arith.constant 8 : i32
      %dma_start3A_1081 = tpu.memref_slice %arg4[%dma_start3A_1080, %multiple_of3A_1041] : memref<16x1000000xf32, #tpu.memory_space<hbm>> -> memref<8x128xf32, #tpu.memory_space<hbm>>
      %dma_start3A_1082 = arith.constant 8 : i32
      %dma_start3A_1083 = arith.constant 0 : i32
      %dma_start3A_1084 = tpu.memref_slice %arg11[%dma_start3A_1075, %dma_start3A_1082, %dma_start3A_1083] : memref<16x16x128xf32, #tpu.memory_space<vmem>> -> memref<1x8x128xf32, #tpu.memory_space<vmem>>
      %dma_start3A_1085 = tpu.memref_squeeze %dma_start3A_1084 : memref<1x8x128xf32, #tpu.memory_space<vmem>> -> memref<8x128xf32, #tpu.memory_space<vmem>>
      %dma_start3A_1086 = arith.constant 8 : i32
      %dma_start3A_1087 = tpu.memref_slice %arg4[%dma_start3A_1086, %multiple_of3A_1041] : memref<16x1000000xf32, #tpu.memory_space<hbm>> -> memref<8x128xf32, #tpu.memory_space<hbm>>
      tpu.enqueue_dma source(%dma_start3A_1087 : memref<8x128xf32, #tpu.memory_space<hbm>>) target(%dma_start3A_1085 : memref<8x128xf32, #tpu.memory_space<vmem>>) target_semaphore(%arg17 : memref<!tpu.dma_semaphore, #tpu.memory_space<semaphore_mem>>)
      %dma_start3A_1088 = arith.constant 14 : i32
      %dma_start3A_1089 = arith.constant 8 : i32
      %dma_start3A_1090 = arith.constant 0 : i32
      %dma_start3A_1091 = tpu.memref_slice %arg12[%dma_start3A_1088, %dma_start3A_1089, %dma_start3A_1090] : memref<16x16x128xf32, #tpu.memory_space<vmem>> -> memref<1x8x128xf32, #tpu.memory_space<vmem>>
      %dma_start3A_1092 = tpu.memref_squeeze %dma_start3A_1091 : memref<1x8x128xf32, #tpu.memory_space<vmem>> -> memref<8x128xf32, #tpu.memory_space<vmem>>
      %dma_start3A_1093 = arith.constant 8 : i32
      %dma_start3A_1094 = tpu.memref_slice %arg5[%dma_start3A_1093, %multiple_of3A_1048] : memref<16x1000000xf32, #tpu.memory_space<hbm>> -> memref<8x128xf32, #tpu.memory_space<hbm>>
      %dma_start3A_1095 = arith.constant 8 : i32
      %dma_start3A_1096 = arith.constant 0 : i32
      %dma_start3A_1097 = tpu.memref_slice %arg12[%dma_start3A_1088, %dma_start3A_1095, %dma_start3A_1096] : memref<16x16x128xf32, #tpu.memory_space<vmem>> -> memref<1x8x128xf32, #tpu.memory_space<vmem>>
      %dma_start3A_1098 = tpu.memref_squeeze %dma_start3A_1097 : memref<1x8x128xf32, #tpu.memory_space<vmem>> -> memref<8x128xf32, #tpu.memory_space<vmem>>
      %dma_start3A_1099 = arith.constant 8 : i32
      %dma_start3A_1100 = tpu.memref_slice %arg5[%dma_start3A_1099, %multiple_of3A_1048] : memref<16x1000000xf32, #tpu.memory_space<hbm>> -> memref<8x128xf32, #tpu.memory_space<hbm>>
      tpu.enqueue_dma source(%dma_start3A_1100 : memref<8x128xf32, #tpu.memory_space<hbm>>) target(%dma_start3A_1098 : memref<8x128xf32, #tpu.memory_space<vmem>>) target_semaphore(%arg17 : memref<!tpu.dma_semaphore, #tpu.memory_space<semaphore_mem>>)
      %slice3A_1101 = vector.extract_strided_slice %get3A_113 {offsets = [15], sizes = [1], strides = [1]} : vector<16xi32> to vector<1xi32>
      %squeeze3A_1102 = vector.extract %slice3A_1101[0] : i32 from vector<1xi32>
      %shift_right_arithmetic3A_1103 = arith.constant 7 : i32
      %shift_right_arithmetic3A_1104 = arith.shrsi %squeeze3A_1102, %shift_right_arithmetic3A_1103 : i32
      %shift_left3A_1105 = arith.constant 7 : i32
      %shift_left3A_1106 = arith.shli %shift_right_arithmetic3A_1104, %shift_left3A_1105 : i32
      %multiple_of3A_1107 = tpu.assume_multiple %shift_left3A_1106, 128 : i32
      %slice3A_1108 = vector.extract_strided_slice %get3A_115 {offsets = [15], sizes = [1], strides = [1]} : vector<16xi32> to vector<1xi32>
      %squeeze3A_1109 = vector.extract %slice3A_1108[0] : i32 from vector<1xi32>
      %shift_right_arithmetic3A_1110 = arith.constant 7 : i32
      %shift_right_arithmetic3A_1111 = arith.shrsi %squeeze3A_1109, %shift_right_arithmetic3A_1110 : i32
      %shift_left3A_1112 = arith.constant 7 : i32
      %shift_left3A_1113 = arith.shli %shift_right_arithmetic3A_1111, %shift_left3A_1112 : i32
      %multiple_of3A_1114 = tpu.assume_multiple %shift_left3A_1113, 128 : i32
      %dma_start3A_1115 = arith.constant 15 : i32
      %dma_start3A_1116 = arith.constant 0 : i32
      %dma_start3A_1117 = arith.constant 0 : i32
      %dma_start3A_1118 = tpu.memref_slice %arg11[%dma_start3A_1115, %dma_start3A_1116, %dma_start3A_1117] : memref<16x16x128xf32, #tpu.memory_space<vmem>> -> memref<1x8x128xf32, #tpu.memory_space<vmem>>
      %dma_start3A_1119 = tpu.memref_squeeze %dma_start3A_1118 : memref<1x8x128xf32, #tpu.memory_space<vmem>> -> memref<8x128xf32, #tpu.memory_space<vmem>>
      %dma_start3A_1120 = arith.constant 0 : i32
      %dma_start3A_1121 = tpu.memref_slice %arg4[%dma_start3A_1120, %multiple_of3A_1107] : memref<16x1000000xf32, #tpu.memory_space<hbm>> -> memref<8x128xf32, #tpu.memory_space<hbm>>
      %dma_start3A_1122 = arith.constant 0 : i32
      %dma_start3A_1123 = arith.constant 0 : i32
      %dma_start3A_1124 = tpu.memref_slice %arg11[%dma_start3A_1115, %dma_start3A_1122, %dma_start3A_1123] : memref<16x16x128xf32, #tpu.memory_space<vmem>> -> memref<1x8x128xf32, #tpu.memory_space<vmem>>
      %dma_start3A_1125 = tpu.memref_squeeze %dma_start3A_1124 : memref<1x8x128xf32, #tpu.memory_space<vmem>> -> memref<8x128xf32, #tpu.memory_space<vmem>>
      %dma_start3A_1126 = arith.constant 0 : i32
      %dma_start3A_1127 = tpu.memref_slice %arg4[%dma_start3A_1126, %multiple_of3A_1107] : memref<16x1000000xf32, #tpu.memory_space<hbm>> -> memref<8x128xf32, #tpu.memory_space<hbm>>
      tpu.enqueue_dma source(%dma_start3A_1127 : memref<8x128xf32, #tpu.memory_space<hbm>>) target(%dma_start3A_1125 : memref<8x128xf32, #tpu.memory_space<vmem>>) target_semaphore(%arg17 : memref<!tpu.dma_semaphore, #tpu.memory_space<semaphore_mem>>)
      %dma_start3A_1128 = arith.constant 15 : i32
      %dma_start3A_1129 = arith.constant 0 : i32
      %dma_start3A_1130 = arith.constant 0 : i32
      %dma_start3A_1131 = tpu.memref_slice %arg12[%dma_start3A_1128, %dma_start3A_1129, %dma_start3A_1130] : memref<16x16x128xf32, #tpu.memory_space<vmem>> -> memref<1x8x128xf32, #tpu.memory_space<vmem>>
      %dma_start3A_1132 = tpu.memref_squeeze %dma_start3A_1131 : memref<1x8x128xf32, #tpu.memory_space<vmem>> -> memref<8x128xf32, #tpu.memory_space<vmem>>
      %dma_start3A_1133 = arith.constant 0 : i32
      %dma_start3A_1134 = tpu.memref_slice %arg5[%dma_start3A_1133, %multiple_of3A_1114] : memref<16x1000000xf32, #tpu.memory_space<hbm>> -> memref<8x128xf32, #tpu.memory_space<hbm>>
      %dma_start3A_1135 = arith.constant 0 : i32
      %dma_start3A_1136 = arith.constant 0 : i32
      %dma_start3A_1137 = tpu.memref_slice %arg12[%dma_start3A_1128, %dma_start3A_1135, %dma_start3A_1136] : memref<16x16x128xf32, #tpu.memory_space<vmem>> -> memref<1x8x128xf32, #tpu.memory_space<vmem>>
      %dma_start3A_1138 = tpu.memref_squeeze %dma_start3A_1137 : memref<1x8x128xf32, #tpu.memory_space<vmem>> -> memref<8x128xf32, #tpu.memory_space<vmem>>
      %dma_start3A_1139 = arith.constant 0 : i32
      %dma_start3A_1140 = tpu.memref_slice %arg5[%dma_start3A_1139, %multiple_of3A_1114] : memref<16x1000000xf32, #tpu.memory_space<hbm>> -> memref<8x128xf32, #tpu.memory_space<hbm>>
      tpu.enqueue_dma source(%dma_start3A_1140 : memref<8x128xf32, #tpu.memory_space<hbm>>) target(%dma_start3A_1138 : memref<8x128xf32, #tpu.memory_space<vmem>>) target_semaphore(%arg17 : memref<!tpu.dma_semaphore, #tpu.memory_space<semaphore_mem>>)
      %dma_start3A_1141 = arith.constant 15 : i32
      %dma_start3A_1142 = arith.constant 8 : i32
      %dma_start3A_1143 = arith.constant 0 : i32
      %dma_start3A_1144 = tpu.memref_slice %arg11[%dma_start3A_1141, %dma_start3A_1142, %dma_start3A_1143] : memref<16x16x128xf32, #tpu.memory_space<vmem>> -> memref<1x8x128xf32, #tpu.memory_space<vmem>>
      %dma_start3A_1145 = tpu.memref_squeeze %dma_start3A_1144 : memref<1x8x128xf32, #tpu.memory_space<vmem>> -> memref<8x128xf32, #tpu.memory_space<vmem>>
      %dma_start3A_1146 = arith.constant 8 : i32
      %dma_start3A_1147 = tpu.memref_slice %arg4[%dma_start3A_1146, %multiple_of3A_1107] : memref<16x1000000xf32, #tpu.memory_space<hbm>> -> memref<8x128xf32, #tpu.memory_space<hbm>>
      %dma_start3A_1148 = arith.constant 8 : i32
      %dma_start3A_1149 = arith.constant 0 : i32
      %dma_start3A_1150 = tpu.memref_slice %arg11[%dma_start3A_1141, %dma_start3A_1148, %dma_start3A_1149] : memref<16x16x128xf32, #tpu.memory_space<vmem>> -> memref<1x8x128xf32, #tpu.memory_space<vmem>>
      %dma_start3A_1151 = tpu.memref_squeeze %dma_start3A_1150 : memref<1x8x128xf32, #tpu.memory_space<vmem>> -> memref<8x128xf32, #tpu.memory_space<vmem>>
      %dma_start3A_1152 = arith.constant 8 : i32
      %dma_start3A_1153 = tpu.memref_slice %arg4[%dma_start3A_1152, %multiple_of3A_1107] : memref<16x1000000xf32, #tpu.memory_space<hbm>> -> memref<8x128xf32, #tpu.memory_space<hbm>>
      tpu.enqueue_dma source(%dma_start3A_1153 : memref<8x128xf32, #tpu.memory_space<hbm>>) target(%dma_start3A_1151 : memref<8x128xf32, #tpu.memory_space<vmem>>) target_semaphore(%arg17 : memref<!tpu.dma_semaphore, #tpu.memory_space<semaphore_mem>>)
      %dma_start3A_1154 = arith.constant 15 : i32
      %dma_start3A_1155 = arith.constant 8 : i32
      %dma_start3A_1156 = arith.constant 0 : i32
      %dma_start3A_1157 = tpu.memref_slice %arg12[%dma_start3A_1154, %dma_start3A_1155, %dma_start3A_1156] : memref<16x16x128xf32, #tpu.memory_space<vmem>> -> memref<1x8x128xf32, #tpu.memory_space<vmem>>
      %dma_start3A_1158 = tpu.memref_squeeze %dma_start3A_1157 : memref<1x8x128xf32, #tpu.memory_space<vmem>> -> memref<8x128xf32, #tpu.memory_space<vmem>>
      %dma_start3A_1159 = arith.constant 8 : i32
      %dma_start3A_1160 = tpu.memref_slice %arg5[%dma_start3A_1159, %multiple_of3A_1114] : memref<16x1000000xf32, #tpu.memory_space<hbm>> -> memref<8x128xf32, #tpu.memory_space<hbm>>
      %dma_start3A_1161 = arith.constant 8 : i32
      %dma_start3A_1162 = arith.constant 0 : i32
      %dma_start3A_1163 = tpu.memref_slice %arg12[%dma_start3A_1154, %dma_start3A_1161, %dma_start3A_1162] : memref<16x16x128xf32, #tpu.memory_space<vmem>> -> memref<1x8x128xf32, #tpu.memory_space<vmem>>
      %dma_start3A_1164 = tpu.memref_squeeze %dma_start3A_1163 : memref<1x8x128xf32, #tpu.memory_space<vmem>> -> memref<8x128xf32, #tpu.memory_space<vmem>>
      %dma_start3A_1165 = arith.constant 8 : i32
      %dma_start3A_1166 = tpu.memref_slice %arg5[%dma_start3A_1165, %multiple_of3A_1114] : memref<16x1000000xf32, #tpu.memory_space<hbm>> -> memref<8x128xf32, #tpu.memory_space<hbm>>
      tpu.enqueue_dma source(%dma_start3A_1166 : memref<8x128xf32, #tpu.memory_space<hbm>>) target(%dma_start3A_1164 : memref<8x128xf32, #tpu.memory_space<vmem>>) target_semaphore(%arg17 : memref<!tpu.dma_semaphore, #tpu.memory_space<semaphore_mem>>)
      %dma_wait3A_1167 = arith.constant 0 : i32
      %dma_wait3A_1168 = arith.constant 0 : i32
      %dma_wait3A_1169 = arith.constant 0 : i32
      %dma_wait3A_1170 = tpu.memref_slice %arg11[%dma_wait3A_1167, %dma_wait3A_1168, %dma_wait3A_1169] : memref<16x16x128xf32, #tpu.memory_space<vmem>> -> memref<1x8x128xf32, #tpu.memory_space<vmem>>
      %dma_wait3A_1171 = tpu.memref_squeeze %dma_wait3A_1170 : memref<1x8x128xf32, #tpu.memory_space<vmem>> -> memref<8x128xf32, #tpu.memory_space<vmem>>
      %dma_wait3A_1172 = arith.constant 0 : i32
      %dma_wait3A_1173 = arith.constant 0 : i32
      %dma_wait3A_1174 = tpu.memref_slice %arg4[%dma_wait3A_1172, %dma_wait3A_1173] : memref<16x1000000xf32, #tpu.memory_space<hbm>> -> memref<8x128xf32, #tpu.memory_space<hbm>>
      %dma_wait3A_1175 = arith.constant 0 : i32
      %dma_wait3A_1176 = arith.constant 0 : i32
      %dma_wait3A_1177 = tpu.memref_slice %arg11[%dma_wait3A_1167, %dma_wait3A_1175, %dma_wait3A_1176] : memref<16x16x128xf32, #tpu.memory_space<vmem>> -> memref<1x8x128xf32, #tpu.memory_space<vmem>>
      %dma_wait3A_1178 = tpu.memref_squeeze %dma_wait3A_1177 : memref<1x8x128xf32, #tpu.memory_space<vmem>> -> memref<8x128xf32, #tpu.memory_space<vmem>>
      %dma_wait3A_1179 = arith.constant 0 : i32
      %dma_wait3A_1180 = arith.constant 0 : i32
      %dma_wait3A_1181 = tpu.memref_slice %arg4[%dma_wait3A_1179, %dma_wait3A_1180] : memref<16x1000000xf32, #tpu.memory_space<hbm>> -> memref<8x128xf32, #tpu.memory_space<hbm>>
      tpu.wait_dma2 semaphore(%arg17 : memref<!tpu.dma_semaphore, #tpu.memory_space<semaphore_mem>>) src(%dma_wait3A_1181 : memref<8x128xf32, #tpu.memory_space<hbm>>) dst(%dma_wait3A_1178 : memref<8x128xf32, #tpu.memory_space<vmem>>)
      %dma_wait3A_1182 = arith.constant 0 : i32
      %dma_wait3A_1183 = arith.constant 0 : i32
      %dma_wait3A_1184 = arith.constant 0 : i32
      %dma_wait3A_1185 = tpu.memref_slice %arg11[%dma_wait3A_1182, %dma_wait3A_1183, %dma_wait3A_1184] : memref<16x16x128xf32, #tpu.memory_space<vmem>> -> memref<1x8x128xf32, #tpu.memory_space<vmem>>
      %dma_wait3A_1186 = tpu.memref_squeeze %dma_wait3A_1185 : memref<1x8x128xf32, #tpu.memory_space<vmem>> -> memref<8x128xf32, #tpu.memory_space<vmem>>
      %dma_wait3A_1187 = arith.constant 0 : i32
      %dma_wait3A_1188 = arith.constant 0 : i32
      %dma_wait3A_1189 = tpu.memref_slice %arg4[%dma_wait3A_1187, %dma_wait3A_1188] : memref<16x1000000xf32, #tpu.memory_space<hbm>> -> memref<8x128xf32, #tpu.memory_space<hbm>>
      %dma_wait3A_1190 = arith.constant 0 : i32
      %dma_wait3A_1191 = arith.constant 0 : i32
      %dma_wait3A_1192 = tpu.memref_slice %arg11[%dma_wait3A_1182, %dma_wait3A_1190, %dma_wait3A_1191] : memref<16x16x128xf32, #tpu.memory_space<vmem>> -> memref<1x8x128xf32, #tpu.memory_space<vmem>>
      %dma_wait3A_1193 = tpu.memref_squeeze %dma_wait3A_1192 : memref<1x8x128xf32, #tpu.memory_space<vmem>> -> memref<8x128xf32, #tpu.memory_space<vmem>>
      %dma_wait3A_1194 = arith.constant 0 : i32
      %dma_wait3A_1195 = arith.constant 0 : i32
      %dma_wait3A_1196 = tpu.memref_slice %arg4[%dma_wait3A_1194, %dma_wait3A_1195] : memref<16x1000000xf32, #tpu.memory_space<hbm>> -> memref<8x128xf32, #tpu.memory_space<hbm>>
      tpu.wait_dma2 semaphore(%arg17 : memref<!tpu.dma_semaphore, #tpu.memory_space<semaphore_mem>>) src(%dma_wait3A_1196 : memref<8x128xf32, #tpu.memory_space<hbm>>) dst(%dma_wait3A_1193 : memref<8x128xf32, #tpu.memory_space<vmem>>)
      %dma_wait3A_1197 = arith.constant 0 : i32
      %dma_wait3A_1198 = arith.constant 0 : i32
      %dma_wait3A_1199 = arith.constant 0 : i32
      %dma_wait3A_1200 = tpu.memref_slice %arg11[%dma_wait3A_1197, %dma_wait3A_1198, %dma_wait3A_1199] : memref<16x16x128xf32, #tpu.memory_space<vmem>> -> memref<1x8x128xf32, #tpu.memory_space<vmem>>
      %dma_wait3A_1201 = tpu.memref_squeeze %dma_wait3A_1200 : memref<1x8x128xf32, #tpu.memory_space<vmem>> -> memref<8x128xf32, #tpu.memory_space<vmem>>
      %dma_wait3A_1202 = arith.constant 0 : i32
      %dma_wait3A_1203 = arith.constant 0 : i32
      %dma_wait3A_1204 = tpu.memref_slice %arg4[%dma_wait3A_1202, %dma_wait3A_1203] : memref<16x1000000xf32, #tpu.memory_space<hbm>> -> memref<8x128xf32, #tpu.memory_space<hbm>>
      %dma_wait3A_1205 = arith.constant 0 : i32
      %dma_wait3A_1206 = arith.constant 0 : i32
      %dma_wait3A_1207 = tpu.memref_slice %arg11[%dma_wait3A_1197, %dma_wait3A_1205, %dma_wait3A_1206] : memref<16x16x128xf32, #tpu.memory_space<vmem>> -> memref<1x8x128xf32, #tpu.memory_space<vmem>>
      %dma_wait3A_1208 = tpu.memref_squeeze %dma_wait3A_1207 : memref<1x8x128xf32, #tpu.memory_space<vmem>> -> memref<8x128xf32, #tpu.memory_space<vmem>>
      %dma_wait3A_1209 = arith.constant 0 : i32
      %dma_wait3A_1210 = arith.constant 0 : i32
      %dma_wait3A_1211 = tpu.memref_slice %arg4[%dma_wait3A_1209, %dma_wait3A_1210] : memref<16x1000000xf32, #tpu.memory_space<hbm>> -> memref<8x128xf32, #tpu.memory_space<hbm>>
      tpu.wait_dma2 semaphore(%arg17 : memref<!tpu.dma_semaphore, #tpu.memory_space<semaphore_mem>>) src(%dma_wait3A_1211 : memref<8x128xf32, #tpu.memory_space<hbm>>) dst(%dma_wait3A_1208 : memref<8x128xf32, #tpu.memory_space<vmem>>)
      %dma_wait3A_1212 = arith.constant 0 : i32
      %dma_wait3A_1213 = arith.constant 0 : i32
      %dma_wait3A_1214 = arith.constant 0 : i32
      %dma_wait3A_1215 = tpu.memref_slice %arg11[%dma_wait3A_1212, %dma_wait3A_1213, %dma_wait3A_1214] : memref<16x16x128xf32, #tpu.memory_space<vmem>> -> memref<1x8x128xf32, #tpu.memory_space<vmem>>
      %dma_wait3A_1216 = tpu.memref_squeeze %dma_wait3A_1215 : memref<1x8x128xf32, #tpu.memory_space<vmem>> -> memref<8x128xf32, #tpu.memory_space<vmem>>
      %dma_wait3A_1217 = arith.constant 0 : i32
      %dma_wait3A_1218 = arith.constant 0 : i32
      %dma_wait3A_1219 = tpu.memref_slice %arg4[%dma_wait3A_1217, %dma_wait3A_1218] : memref<16x1000000xf32, #tpu.memory_space<hbm>> -> memref<8x128xf32, #tpu.memory_space<hbm>>
      %dma_wait3A_1220 = arith.constant 0 : i32
      %dma_wait3A_1221 = arith.constant 0 : i32
      %dma_wait3A_1222 = tpu.memref_slice %arg11[%dma_wait3A_1212, %dma_wait3A_1220, %dma_wait3A_1221] : memref<16x16x128xf32, #tpu.memory_space<vmem>> -> memref<1x8x128xf32, #tpu.memory_space<vmem>>
      %dma_wait3A_1223 = tpu.memref_squeeze %dma_wait3A_1222 : memref<1x8x128xf32, #tpu.memory_space<vmem>> -> memref<8x128xf32, #tpu.memory_space<vmem>>
      %dma_wait3A_1224 = arith.constant 0 : i32
      %dma_wait3A_1225 = arith.constant 0 : i32
      %dma_wait3A_1226 = tpu.memref_slice %arg4[%dma_wait3A_1224, %dma_wait3A_1225] : memref<16x1000000xf32, #tpu.memory_space<hbm>> -> memref<8x128xf32, #tpu.memory_space<hbm>>
      tpu.wait_dma2 semaphore(%arg17 : memref<!tpu.dma_semaphore, #tpu.memory_space<semaphore_mem>>) src(%dma_wait3A_1226 : memref<8x128xf32, #tpu.memory_space<hbm>>) dst(%dma_wait3A_1223 : memref<8x128xf32, #tpu.memory_space<vmem>>)
      %dma_wait3A_1227 = arith.constant 0 : i32
      %dma_wait3A_1228 = arith.constant 0 : i32
      %dma_wait3A_1229 = arith.constant 0 : i32
      %dma_wait3A_1230 = tpu.memref_slice %arg11[%dma_wait3A_1227, %dma_wait3A_1228, %dma_wait3A_1229] : memref<16x16x128xf32, #tpu.memory_space<vmem>> -> memref<1x8x128xf32, #tpu.memory_space<vmem>>
      %dma_wait3A_1231 = tpu.memref_squeeze %dma_wait3A_1230 : memref<1x8x128xf32, #tpu.memory_space<vmem>> -> memref<8x128xf32, #tpu.memory_space<vmem>>
      %dma_wait3A_1232 = arith.constant 0 : i32
      %dma_wait3A_1233 = arith.constant 0 : i32
      %dma_wait3A_1234 = tpu.memref_slice %arg4[%dma_wait3A_1232, %dma_wait3A_1233] : memref<16x1000000xf32, #tpu.memory_space<hbm>> -> memref<8x128xf32, #tpu.memory_space<hbm>>
      %dma_wait3A_1235 = arith.constant 0 : i32
      %dma_wait3A_1236 = arith.constant 0 : i32
      %dma_wait3A_1237 = tpu.memref_slice %arg11[%dma_wait3A_1227, %dma_wait3A_1235, %dma_wait3A_1236] : memref<16x16x128xf32, #tpu.memory_space<vmem>> -> memref<1x8x128xf32, #tpu.memory_space<vmem>>
      %dma_wait3A_1238 = tpu.memref_squeeze %dma_wait3A_1237 : memref<1x8x128xf32, #tpu.memory_space<vmem>> -> memref<8x128xf32, #tpu.memory_space<vmem>>
      %dma_wait3A_1239 = arith.constant 0 : i32
      %dma_wait3A_1240 = arith.constant 0 : i32
      %dma_wait3A_1241 = tpu.memref_slice %arg4[%dma_wait3A_1239, %dma_wait3A_1240] : memref<16x1000000xf32, #tpu.memory_space<hbm>> -> memref<8x128xf32, #tpu.memory_space<hbm>>
      tpu.wait_dma2 semaphore(%arg17 : memref<!tpu.dma_semaphore, #tpu.memory_space<semaphore_mem>>) src(%dma_wait3A_1241 : memref<8x128xf32, #tpu.memory_space<hbm>>) dst(%dma_wait3A_1238 : memref<8x128xf32, #tpu.memory_space<vmem>>)
      %dma_wait3A_1242 = arith.constant 0 : i32
      %dma_wait3A_1243 = arith.constant 0 : i32
      %dma_wait3A_1244 = arith.constant 0 : i32
      %dma_wait3A_1245 = tpu.memref_slice %arg11[%dma_wait3A_1242, %dma_wait3A_1243, %dma_wait3A_1244] : memref<16x16x128xf32, #tpu.memory_space<vmem>> -> memref<1x8x128xf32, #tpu.memory_space<vmem>>
      %dma_wait3A_1246 = tpu.memref_squeeze %dma_wait3A_1245 : memref<1x8x128xf32, #tpu.memory_space<vmem>> -> memref<8x128xf32, #tpu.memory_space<vmem>>
      %dma_wait3A_1247 = arith.constant 0 : i32
      %dma_wait3A_1248 = arith.constant 0 : i32
      %dma_wait3A_1249 = tpu.memref_slice %arg4[%dma_wait3A_1247, %dma_wait3A_1248] : memref<16x1000000xf32, #tpu.memory_space<hbm>> -> memref<8x128xf32, #tpu.memory_space<hbm>>
      %dma_wait3A_1250 = arith.constant 0 : i32
      %dma_wait3A_1251 = arith.constant 0 : i32
      %dma_wait3A_1252 = tpu.memref_slice %arg11[%dma_wait3A_1242, %dma_wait3A_1250, %dma_wait3A_1251] : memref<16x16x128xf32, #tpu.memory_space<vmem>> -> memref<1x8x128xf32, #tpu.memory_space<vmem>>
      %dma_wait3A_1253 = tpu.memref_squeeze %dma_wait3A_1252 : memref<1x8x128xf32, #tpu.memory_space<vmem>> -> memref<8x128xf32, #tpu.memory_space<vmem>>
      %dma_wait3A_1254 = arith.constant 0 : i32
      %dma_wait3A_1255 = arith.constant 0 : i32
      %dma_wait3A_1256 = tpu.memref_slice %arg4[%dma_wait3A_1254, %dma_wait3A_1255] : memref<16x1000000xf32, #tpu.memory_space<hbm>> -> memref<8x128xf32, #tpu.memory_space<hbm>>
      tpu.wait_dma2 semaphore(%arg17 : memref<!tpu.dma_semaphore, #tpu.memory_space<semaphore_mem>>) src(%dma_wait3A_1256 : memref<8x128xf32, #tpu.memory_space<hbm>>) dst(%dma_wait3A_1253 : memref<8x128xf32, #tpu.memory_space<vmem>>)
      %dma_wait3A_1257 = arith.constant 0 : i32
      %dma_wait3A_1258 = arith.constant 0 : i32
      %dma_wait3A_1259 = arith.constant 0 : i32
      %dma_wait3A_1260 = tpu.memref_slice %arg11[%dma_wait3A_1257, %dma_wait3A_1258, %dma_wait3A_1259] : memref<16x16x128xf32, #tpu.memory_space<vmem>> -> memref<1x8x128xf32, #tpu.memory_space<vmem>>
      %dma_wait3A_1261 = tpu.memref_squeeze %dma_wait3A_1260 : memref<1x8x128xf32, #tpu.memory_space<vmem>> -> memref<8x128xf32, #tpu.memory_space<vmem>>
      %dma_wait3A_1262 = arith.constant 0 : i32
      %dma_wait3A_1263 = arith.constant 0 : i32
      %dma_wait3A_1264 = tpu.memref_slice %arg4[%dma_wait3A_1262, %dma_wait3A_1263] : memref<16x1000000xf32, #tpu.memory_space<hbm>> -> memref<8x128xf32, #tpu.memory_space<hbm>>
      %dma_wait3A_1265 = arith.constant 0 : i32
      %dma_wait3A_1266 = arith.constant 0 : i32
      %dma_wait3A_1267 = tpu.memref_slice %arg11[%dma_wait3A_1257, %dma_wait3A_1265, %dma_wait3A_1266] : memref<16x16x128xf32, #tpu.memory_space<vmem>> -> memref<1x8x128xf32, #tpu.memory_space<vmem>>
      %dma_wait3A_1268 = tpu.memref_squeeze %dma_wait3A_1267 : memref<1x8x128xf32, #tpu.memory_space<vmem>> -> memref<8x128xf32, #tpu.memory_space<vmem>>
      %dma_wait3A_1269 = arith.constant 0 : i32
      %dma_wait3A_1270 = arith.constant 0 : i32
      %dma_wait3A_1271 = tpu.memref_slice %arg4[%dma_wait3A_1269, %dma_wait3A_1270] : memref<16x1000000xf32, #tpu.memory_space<hbm>> -> memref<8x128xf32, #tpu.memory_space<hbm>>
      tpu.wait_dma2 semaphore(%arg17 : memref<!tpu.dma_semaphore, #tpu.memory_space<semaphore_mem>>) src(%dma_wait3A_1271 : memref<8x128xf32, #tpu.memory_space<hbm>>) dst(%dma_wait3A_1268 : memref<8x128xf32, #tpu.memory_space<vmem>>)
      %dma_wait3A_1272 = arith.constant 0 : i32
      %dma_wait3A_1273 = arith.constant 0 : i32
      %dma_wait3A_1274 = arith.constant 0 : i32
      %dma_wait3A_1275 = tpu.memref_slice %arg11[%dma_wait3A_1272, %dma_wait3A_1273, %dma_wait3A_1274] : memref<16x16x128xf32, #tpu.memory_space<vmem>> -> memref<1x8x128xf32, #tpu.memory_space<vmem>>
      %dma_wait3A_1276 = tpu.memref_squeeze %dma_wait3A_1275 : memref<1x8x128xf32, #tpu.memory_space<vmem>> -> memref<8x128xf32, #tpu.memory_space<vmem>>
      %dma_wait3A_1277 = arith.constant 0 : i32
      %dma_wait3A_1278 = arith.constant 0 : i32
      %dma_wait3A_1279 = tpu.memref_slice %arg4[%dma_wait3A_1277, %dma_wait3A_1278] : memref<16x1000000xf32, #tpu.memory_space<hbm>> -> memref<8x128xf32, #tpu.memory_space<hbm>>
      %dma_wait3A_1280 = arith.constant 0 : i32
      %dma_wait3A_1281 = arith.constant 0 : i32
      %dma_wait3A_1282 = tpu.memref_slice %arg11[%dma_wait3A_1272, %dma_wait3A_1280, %dma_wait3A_1281] : memref<16x16x128xf32, #tpu.memory_space<vmem>> -> memref<1x8x128xf32, #tpu.memory_space<vmem>>
      %dma_wait3A_1283 = tpu.memref_squeeze %dma_wait3A_1282 : memref<1x8x128xf32, #tpu.memory_space<vmem>> -> memref<8x128xf32, #tpu.memory_space<vmem>>
      %dma_wait3A_1284 = arith.constant 0 : i32
      %dma_wait3A_1285 = arith.constant 0 : i32
      %dma_wait3A_1286 = tpu.memref_slice %arg4[%dma_wait3A_1284, %dma_wait3A_1285] : memref<16x1000000xf32, #tpu.memory_space<hbm>> -> memref<8x128xf32, #tpu.memory_space<hbm>>
      tpu.wait_dma2 semaphore(%arg17 : memref<!tpu.dma_semaphore, #tpu.memory_space<semaphore_mem>>) src(%dma_wait3A_1286 : memref<8x128xf32, #tpu.memory_space<hbm>>) dst(%dma_wait3A_1283 : memref<8x128xf32, #tpu.memory_space<vmem>>)
      %dma_wait3A_1287 = arith.constant 0 : i32
      %dma_wait3A_1288 = arith.constant 0 : i32
      %dma_wait3A_1289 = arith.constant 0 : i32
      %dma_wait3A_1290 = tpu.memref_slice %arg11[%dma_wait3A_1287, %dma_wait3A_1288, %dma_wait3A_1289] : memref<16x16x128xf32, #tpu.memory_space<vmem>> -> memref<1x8x128xf32, #tpu.memory_space<vmem>>
      %dma_wait3A_1291 = tpu.memref_squeeze %dma_wait3A_1290 : memref<1x8x128xf32, #tpu.memory_space<vmem>> -> memref<8x128xf32, #tpu.memory_space<vmem>>
      %dma_wait3A_1292 = arith.constant 0 : i32
      %dma_wait3A_1293 = arith.constant 0 : i32
      %dma_wait3A_1294 = tpu.memref_slice %arg4[%dma_wait3A_1292, %dma_wait3A_1293] : memref<16x1000000xf32, #tpu.memory_space<hbm>> -> memref<8x128xf32, #tpu.memory_space<hbm>>
      %dma_wait3A_1295 = arith.constant 0 : i32
      %dma_wait3A_1296 = arith.constant 0 : i32
      %dma_wait3A_1297 = tpu.memref_slice %arg11[%dma_wait3A_1287, %dma_wait3A_1295, %dma_wait3A_1296] : memref<16x16x128xf32, #tpu.memory_space<vmem>> -> memref<1x8x128xf32, #tpu.memory_space<vmem>>
      %dma_wait3A_1298 = tpu.memref_squeeze %dma_wait3A_1297 : memref<1x8x128xf32, #tpu.memory_space<vmem>> -> memref<8x128xf32, #tpu.memory_space<vmem>>
      %dma_wait3A_1299 = arith.constant 0 : i32
      %dma_wait3A_1300 = arith.constant 0 : i32
      %dma_wait3A_1301 = tpu.memref_slice %arg4[%dma_wait3A_1299, %dma_wait3A_1300] : memref<16x1000000xf32, #tpu.memory_space<hbm>> -> memref<8x128xf32, #tpu.memory_space<hbm>>
      tpu.wait_dma2 semaphore(%arg17 : memref<!tpu.dma_semaphore, #tpu.memory_space<semaphore_mem>>) src(%dma_wait3A_1301 : memref<8x128xf32, #tpu.memory_space<hbm>>) dst(%dma_wait3A_1298 : memref<8x128xf32, #tpu.memory_space<vmem>>)
      %dma_wait3A_1302 = arith.constant 0 : i32
      %dma_wait3A_1303 = arith.constant 0 : i32
      %dma_wait3A_1304 = arith.constant 0 : i32
      %dma_wait3A_1305 = tpu.memref_slice %arg11[%dma_wait3A_1302, %dma_wait3A_1303, %dma_wait3A_1304] : memref<16x16x128xf32, #tpu.memory_space<vmem>> -> memref<1x8x128xf32, #tpu.memory_space<vmem>>
      %dma_wait3A_1306 = tpu.memref_squeeze %dma_wait3A_1305 : memref<1x8x128xf32, #tpu.memory_space<vmem>> -> memref<8x128xf32, #tpu.memory_space<vmem>>
      %dma_wait3A_1307 = arith.constant 0 : i32
      %dma_wait3A_1308 = arith.constant 0 : i32
      %dma_wait3A_1309 = tpu.memref_slice %arg4[%dma_wait3A_1307, %dma_wait3A_1308] : memref<16x1000000xf32, #tpu.memory_space<hbm>> -> memref<8x128xf32, #tpu.memory_space<hbm>>
      %dma_wait3A_1310 = arith.constant 0 : i32
      %dma_wait3A_1311 = arith.constant 0 : i32
      %dma_wait3A_1312 = tpu.memref_slice %arg11[%dma_wait3A_1302, %dma_wait3A_1310, %dma_wait3A_1311] : memref<16x16x128xf32, #tpu.memory_space<vmem>> -> memref<1x8x128xf32, #tpu.memory_space<vmem>>
      %dma_wait3A_1313 = tpu.memref_squeeze %dma_wait3A_1312 : memref<1x8x128xf32, #tpu.memory_space<vmem>> -> memref<8x128xf32, #tpu.memory_space<vmem>>
      %dma_wait3A_1314 = arith.constant 0 : i32
      %dma_wait3A_1315 = arith.constant 0 : i32
      %dma_wait3A_1316 = tpu.memref_slice %arg4[%dma_wait3A_1314, %dma_wait3A_1315] : memref<16x1000000xf32, #tpu.memory_space<hbm>> -> memref<8x128xf32, #tpu.memory_space<hbm>>
      tpu.wait_dma2 semaphore(%arg17 : memref<!tpu.dma_semaphore, #tpu.memory_space<semaphore_mem>>) src(%dma_wait3A_1316 : memref<8x128xf32, #tpu.memory_space<hbm>>) dst(%dma_wait3A_1313 : memref<8x128xf32, #tpu.memory_space<vmem>>)
      %dma_wait3A_1317 = arith.constant 0 : i32
      %dma_wait3A_1318 = arith.constant 0 : i32
      %dma_wait3A_1319 = arith.constant 0 : i32
      %dma_wait3A_1320 = tpu.memref_slice %arg11[%dma_wait3A_1317, %dma_wait3A_1318, %dma_wait3A_1319] : memref<16x16x128xf32, #tpu.memory_space<vmem>> -> memref<1x8x128xf32, #tpu.memory_space<vmem>>
      %dma_wait3A_1321 = tpu.memref_squeeze %dma_wait3A_1320 : memref<1x8x128xf32, #tpu.memory_space<vmem>> -> memref<8x128xf32, #tpu.memory_space<vmem>>
      %dma_wait3A_1322 = arith.constant 0 : i32
      %dma_wait3A_1323 = arith.constant 0 : i32
      %dma_wait3A_1324 = tpu.memref_slice %arg4[%dma_wait3A_1322, %dma_wait3A_1323] : memref<16x1000000xf32, #tpu.memory_space<hbm>> -> memref<8x128xf32, #tpu.memory_space<hbm>>
      %dma_wait3A_1325 = arith.constant 0 : i32
      %dma_wait3A_1326 = arith.constant 0 : i32
      %dma_wait3A_1327 = tpu.memref_slice %arg11[%dma_wait3A_1317, %dma_wait3A_1325, %dma_wait3A_1326] : memref<16x16x128xf32, #tpu.memory_space<vmem>> -> memref<1x8x128xf32, #tpu.memory_space<vmem>>
      %dma_wait3A_1328 = tpu.memref_squeeze %dma_wait3A_1327 : memref<1x8x128xf32, #tpu.memory_space<vmem>> -> memref<8x128xf32, #tpu.memory_space<vmem>>
      %dma_wait3A_1329 = arith.constant 0 : i32
      %dma_wait3A_1330 = arith.constant 0 : i32
      %dma_wait3A_1331 = tpu.memref_slice %arg4[%dma_wait3A_1329, %dma_wait3A_1330] : memref<16x1000000xf32, #tpu.memory_space<hbm>> -> memref<8x128xf32, #tpu.memory_space<hbm>>
      tpu.wait_dma2 semaphore(%arg17 : memref<!tpu.dma_semaphore, #tpu.memory_space<semaphore_mem>>) src(%dma_wait3A_1331 : memref<8x128xf32, #tpu.memory_space<hbm>>) dst(%dma_wait3A_1328 : memref<8x128xf32, #tpu.memory_space<vmem>>)
      %dma_wait3A_1332 = arith.constant 0 : i32
      %dma_wait3A_1333 = arith.constant 0 : i32
      %dma_wait3A_1334 = arith.constant 0 : i32
      %dma_wait3A_1335 = tpu.memref_slice %arg11[%dma_wait3A_1332, %dma_wait3A_1333, %dma_wait3A_1334] : memref<16x16x128xf32, #tpu.memory_space<vmem>> -> memref<1x8x128xf32, #tpu.memory_space<vmem>>
      %dma_wait3A_1336 = tpu.memref_squeeze %dma_wait3A_1335 : memref<1x8x128xf32, #tpu.memory_space<vmem>> -> memref<8x128xf32, #tpu.memory_space<vmem>>
      %dma_wait3A_1337 = arith.constant 0 : i32
      %dma_wait3A_1338 = arith.constant 0 : i32
      %dma_wait3A_1339 = tpu.memref_slice %arg4[%dma_wait3A_1337, %dma_wait3A_1338] : memref<16x1000000xf32, #tpu.memory_space<hbm>> -> memref<8x128xf32, #tpu.memory_space<hbm>>
      %dma_wait3A_1340 = arith.constant 0 : i32
      %dma_wait3A_1341 = arith.constant 0 : i32
      %dma_wait3A_1342 = tpu.memref_slice %arg11[%dma_wait3A_1332, %dma_wait3A_1340, %dma_wait3A_1341] : memref<16x16x128xf32, #tpu.memory_space<vmem>> -> memref<1x8x128xf32, #tpu.memory_space<vmem>>
      %dma_wait3A_1343 = tpu.memref_squeeze %dma_wait3A_1342 : memref<1x8x128xf32, #tpu.memory_space<vmem>> -> memref<8x128xf32, #tpu.memory_space<vmem>>
      %dma_wait3A_1344 = arith.constant 0 : i32
      %dma_wait3A_1345 = arith.constant 0 : i32
      %dma_wait3A_1346 = tpu.memref_slice %arg4[%dma_wait3A_1344, %dma_wait3A_1345] : memref<16x1000000xf32, #tpu.memory_space<hbm>> -> memref<8x128xf32, #tpu.memory_space<hbm>>
      tpu.wait_dma2 semaphore(%arg17 : memref<!tpu.dma_semaphore, #tpu.memory_space<semaphore_mem>>) src(%dma_wait3A_1346 : memref<8x128xf32, #tpu.memory_space<hbm>>) dst(%dma_wait3A_1343 : memref<8x128xf32, #tpu.memory_space<vmem>>)
      %dma_wait3A_1347 = arith.constant 0 : i32
      %dma_wait3A_1348 = arith.constant 0 : i32
      %dma_wait3A_1349 = arith.constant 0 : i32
      %dma_wait3A_1350 = tpu.memref_slice %arg11[%dma_wait3A_1347, %dma_wait3A_1348, %dma_wait3A_1349] : memref<16x16x128xf32, #tpu.memory_space<vmem>> -> memref<1x8x128xf32, #tpu.memory_space<vmem>>
      %dma_wait3A_1351 = tpu.memref_squeeze %dma_wait3A_1350 : memref<1x8x128xf32, #tpu.memory_space<vmem>> -> memref<8x128xf32, #tpu.memory_space<vmem>>
      %dma_wait3A_1352 = arith.constant 0 : i32
      %dma_wait3A_1353 = arith.constant 0 : i32
      %dma_wait3A_1354 = tpu.memref_slice %arg4[%dma_wait3A_1352, %dma_wait3A_1353] : memref<16x1000000xf32, #tpu.memory_space<hbm>> -> memref<8x128xf32, #tpu.memory_space<hbm>>
      %dma_wait3A_1355 = arith.constant 0 : i32
      %dma_wait3A_1356 = arith.constant 0 : i32
      %dma_wait3A_1357 = tpu.memref_slice %arg11[%dma_wait3A_1347, %dma_wait3A_1355, %dma_wait3A_1356] : memref<16x16x128xf32, #tpu.memory_space<vmem>> -> memref<1x8x128xf32, #tpu.memory_space<vmem>>
      %dma_wait3A_1358 = tpu.memref_squeeze %dma_wait3A_1357 : memref<1x8x128xf32, #tpu.memory_space<vmem>> -> memref<8x128xf32, #tpu.memory_space<vmem>>
      %dma_wait3A_1359 = arith.constant 0 : i32
      %dma_wait3A_1360 = arith.constant 0 : i32
      %dma_wait3A_1361 = tpu.memref_slice %arg4[%dma_wait3A_1359, %dma_wait3A_1360] : memref<16x1000000xf32, #tpu.memory_space<hbm>> -> memref<8x128xf32, #tpu.memory_space<hbm>>
      tpu.wait_dma2 semaphore(%arg17 : memref<!tpu.dma_semaphore, #tpu.memory_space<semaphore_mem>>) src(%dma_wait3A_1361 : memref<8x128xf32, #tpu.memory_space<hbm>>) dst(%dma_wait3A_1358 : memref<8x128xf32, #tpu.memory_space<vmem>>)
      %dma_wait3A_1362 = arith.constant 0 : i32
      %dma_wait3A_1363 = arith.constant 0 : i32
      %dma_wait3A_1364 = arith.constant 0 : i32
      %dma_wait3A_1365 = tpu.memref_slice %arg11[%dma_wait3A_1362, %dma_wait3A_1363, %dma_wait3A_1364] : memref<16x16x128xf32, #tpu.memory_space<vmem>> -> memref<1x8x128xf32, #tpu.memory_space<vmem>>
      %dma_wait3A_1366 = tpu.memref_squeeze %dma_wait3A_1365 : memref<1x8x128xf32, #tpu.memory_space<vmem>> -> memref<8x128xf32, #tpu.memory_space<vmem>>
      %dma_wait3A_1367 = arith.constant 0 : i32
      %dma_wait3A_1368 = arith.constant 0 : i32
      %dma_wait3A_1369 = tpu.memref_slice %arg4[%dma_wait3A_1367, %dma_wait3A_1368] : memref<16x1000000xf32, #tpu.memory_space<hbm>> -> memref<8x128xf32, #tpu.memory_space<hbm>>
      %dma_wait3A_1370 = arith.constant 0 : i32
      %dma_wait3A_1371 = arith.constant 0 : i32
      %dma_wait3A_1372 = tpu.memref_slice %arg11[%dma_wait3A_1362, %dma_wait3A_1370, %dma_wait3A_1371] : memref<16x16x128xf32, #tpu.memory_space<vmem>> -> memref<1x8x128xf32, #tpu.memory_space<vmem>>
      %dma_wait3A_1373 = tpu.memref_squeeze %dma_wait3A_1372 : memref<1x8x128xf32, #tpu.memory_space<vmem>> -> memref<8x128xf32, #tpu.memory_space<vmem>>
      %dma_wait3A_1374 = arith.constant 0 : i32
      %dma_wait3A_1375 = arith.constant 0 : i32
      %dma_wait3A_1376 = tpu.memref_slice %arg4[%dma_wait3A_1374, %dma_wait3A_1375] : memref<16x1000000xf32, #tpu.memory_space<hbm>> -> memref<8x128xf32, #tpu.memory_space<hbm>>
      tpu.wait_dma2 semaphore(%arg17 : memref<!tpu.dma_semaphore, #tpu.memory_space<semaphore_mem>>) src(%dma_wait3A_1376 : memref<8x128xf32, #tpu.memory_space<hbm>>) dst(%dma_wait3A_1373 : memref<8x128xf32, #tpu.memory_space<vmem>>)
      %dma_wait3A_1377 = arith.constant 0 : i32
      %dma_wait3A_1378 = arith.constant 0 : i32
      %dma_wait3A_1379 = arith.constant 0 : i32
      %dma_wait3A_1380 = tpu.memref_slice %arg11[%dma_wait3A_1377, %dma_wait3A_1378, %dma_wait3A_1379] : memref<16x16x128xf32, #tpu.memory_space<vmem>> -> memref<1x8x128xf32, #tpu.memory_space<vmem>>
      %dma_wait3A_1381 = tpu.memref_squeeze %dma_wait3A_1380 : memref<1x8x128xf32, #tpu.memory_space<vmem>> -> memref<8x128xf32, #tpu.memory_space<vmem>>
      %dma_wait3A_1382 = arith.constant 0 : i32
      %dma_wait3A_1383 = arith.constant 0 : i32
      %dma_wait3A_1384 = tpu.memref_slice %arg4[%dma_wait3A_1382, %dma_wait3A_1383] : memref<16x1000000xf32, #tpu.memory_space<hbm>> -> memref<8x128xf32, #tpu.memory_space<hbm>>
      %dma_wait3A_1385 = arith.constant 0 : i32
      %dma_wait3A_1386 = arith.constant 0 : i32
      %dma_wait3A_1387 = tpu.memref_slice %arg11[%dma_wait3A_1377, %dma_wait3A_1385, %dma_wait3A_1386] : memref<16x16x128xf32, #tpu.memory_space<vmem>> -> memref<1x8x128xf32, #tpu.memory_space<vmem>>
      %dma_wait3A_1388 = tpu.memref_squeeze %dma_wait3A_1387 : memref<1x8x128xf32, #tpu.memory_space<vmem>> -> memref<8x128xf32, #tpu.memory_space<vmem>>
      %dma_wait3A_1389 = arith.constant 0 : i32
      %dma_wait3A_1390 = arith.constant 0 : i32
      %dma_wait3A_1391 = tpu.memref_slice %arg4[%dma_wait3A_1389, %dma_wait3A_1390] : memref<16x1000000xf32, #tpu.memory_space<hbm>> -> memref<8x128xf32, #tpu.memory_space<hbm>>
      tpu.wait_dma2 semaphore(%arg17 : memref<!tpu.dma_semaphore, #tpu.memory_space<semaphore_mem>>) src(%dma_wait3A_1391 : memref<8x128xf32, #tpu.memory_space<hbm>>) dst(%dma_wait3A_1388 : memref<8x128xf32, #tpu.memory_space<vmem>>)
      %dma_wait3A_1392 = arith.constant 0 : i32
      %dma_wait3A_1393 = arith.constant 0 : i32
      %dma_wait3A_1394 = arith.constant 0 : i32
      %dma_wait3A_1395 = tpu.memref_slice %arg11[%dma_wait3A_1392, %dma_wait3A_1393, %dma_wait3A_1394] : memref<16x16x128xf32, #tpu.memory_space<vmem>> -> memref<1x8x128xf32, #tpu.memory_space<vmem>>
      %dma_wait3A_1396 = tpu.memref_squeeze %dma_wait3A_1395 : memref<1x8x128xf32, #tpu.memory_space<vmem>> -> memref<8x128xf32, #tpu.memory_space<vmem>>
      %dma_wait3A_1397 = arith.constant 0 : i32
      %dma_wait3A_1398 = arith.constant 0 : i32
      %dma_wait3A_1399 = tpu.memref_slice %arg4[%dma_wait3A_1397, %dma_wait3A_1398] : memref<16x1000000xf32, #tpu.memory_space<hbm>> -> memref<8x128xf32, #tpu.memory_space<hbm>>
      %dma_wait3A_1400 = arith.constant 0 : i32
      %dma_wait3A_1401 = arith.constant 0 : i32
      %dma_wait3A_1402 = tpu.memref_slice %arg11[%dma_wait3A_1392, %dma_wait3A_1400, %dma_wait3A_1401] : memref<16x16x128xf32, #tpu.memory_space<vmem>> -> memref<1x8x128xf32, #tpu.memory_space<vmem>>
      %dma_wait3A_1403 = tpu.memref_squeeze %dma_wait3A_1402 : memref<1x8x128xf32, #tpu.memory_space<vmem>> -> memref<8x128xf32, #tpu.memory_space<vmem>>
      %dma_wait3A_1404 = arith.constant 0 : i32
      %dma_wait3A_1405 = arith.constant 0 : i32
      %dma_wait3A_1406 = tpu.memref_slice %arg4[%dma_wait3A_1404, %dma_wait3A_1405] : memref<16x1000000xf32, #tpu.memory_space<hbm>> -> memref<8x128xf32, #tpu.memory_space<hbm>>
      tpu.wait_dma2 semaphore(%arg17 : memref<!tpu.dma_semaphore, #tpu.memory_space<semaphore_mem>>) src(%dma_wait3A_1406 : memref<8x128xf32, #tpu.memory_space<hbm>>) dst(%dma_wait3A_1403 : memref<8x128xf32, #tpu.memory_space<vmem>>)
      %dma_wait3A_1407 = arith.constant 0 : i32
      %dma_wait3A_1408 = arith.constant 0 : i32
      %dma_wait3A_1409 = arith.constant 0 : i32
      %dma_wait3A_1410 = tpu.memref_slice %arg11[%dma_wait3A_1407, %dma_wait3A_1408, %dma_wait3A_1409] : memref<16x16x128xf32, #tpu.memory_space<vmem>> -> memref<1x8x128xf32, #tpu.memory_space<vmem>>
      %dma_wait3A_1411 = tpu.memref_squeeze %dma_wait3A_1410 : memref<1x8x128xf32, #tpu.memory_space<vmem>> -> memref<8x128xf32, #tpu.memory_space<vmem>>
      %dma_wait3A_1412 = arith.constant 0 : i32
      %dma_wait3A_1413 = arith.constant 0 : i32
      %dma_wait3A_1414 = tpu.memref_slice %arg4[%dma_wait3A_1412, %dma_wait3A_1413] : memref<16x1000000xf32, #tpu.memory_space<hbm>> -> memref<8x128xf32, #tpu.memory_space<hbm>>
      %dma_wait3A_1415 = arith.constant 0 : i32
      %dma_wait3A_1416 = arith.constant 0 : i32
      %dma_wait3A_1417 = tpu.memref_slice %arg11[%dma_wait3A_1407, %dma_wait3A_1415, %dma_wait3A_1416] : memref<16x16x128xf32, #tpu.memory_space<vmem>> -> memref<1x8x128xf32, #tpu.memory_space<vmem>>
      %dma_wait3A_1418 = tpu.memref_squeeze %dma_wait3A_1417 : memref<1x8x128xf32, #tpu.memory_space<vmem>> -> memref<8x128xf32, #tpu.memory_space<vmem>>
      %dma_wait3A_1419 = arith.constant 0 : i32
      %dma_wait3A_1420 = arith.constant 0 : i32
      %dma_wait3A_1421 = tpu.memref_slice %arg4[%dma_wait3A_1419, %dma_wait3A_1420] : memref<16x1000000xf32, #tpu.memory_space<hbm>> -> memref<8x128xf32, #tpu.memory_space<hbm>>
      tpu.wait_dma2 semaphore(%arg17 : memref<!tpu.dma_semaphore, #tpu.memory_space<semaphore_mem>>) src(%dma_wait3A_1421 : memref<8x128xf32, #tpu.memory_space<hbm>>) dst(%dma_wait3A_1418 : memref<8x128xf32, #tpu.memory_space<vmem>>)
      %dma_wait3A_1422 = arith.constant 0 : i32
      %dma_wait3A_1423 = arith.constant 0 : i32
      %dma_wait3A_1424 = arith.constant 0 : i32
      %dma_wait3A_1425 = tpu.memref_slice %arg11[%dma_wait3A_1422, %dma_wait3A_1423, %dma_wait3A_1424] : memref<16x16x128xf32, #tpu.memory_space<vmem>> -> memref<1x8x128xf32, #tpu.memory_space<vmem>>
      %dma_wait3A_1426 = tpu.memref_squeeze %dma_wait3A_1425 : memref<1x8x128xf32, #tpu.memory_space<vmem>> -> memref<8x128xf32, #tpu.memory_space<vmem>>
      %dma_wait3A_1427 = arith.constant 0 : i32
      %dma_wait3A_1428 = arith.constant 0 : i32
      %dma_wait3A_1429 = tpu.memref_slice %arg4[%dma_wait3A_1427, %dma_wait3A_1428] : memref<16x1000000xf32, #tpu.memory_space<hbm>> -> memref<8x128xf32, #tpu.memory_space<hbm>>
      %dma_wait3A_1430 = arith.constant 0 : i32
      %dma_wait3A_1431 = arith.constant 0 : i32
      %dma_wait3A_1432 = tpu.memref_slice %arg11[%dma_wait3A_1422, %dma_wait3A_1430, %dma_wait3A_1431] : memref<16x16x128xf32, #tpu.memory_space<vmem>> -> memref<1x8x128xf32, #tpu.memory_space<vmem>>
      %dma_wait3A_1433 = tpu.memref_squeeze %dma_wait3A_1432 : memref<1x8x128xf32, #tpu.memory_space<vmem>> -> memref<8x128xf32, #tpu.memory_space<vmem>>
      %dma_wait3A_1434 = arith.constant 0 : i32
      %dma_wait3A_1435 = arith.constant 0 : i32
      %dma_wait3A_1436 = tpu.memref_slice %arg4[%dma_wait3A_1434, %dma_wait3A_1435] : memref<16x1000000xf32, #tpu.memory_space<hbm>> -> memref<8x128xf32, #tpu.memory_space<hbm>>
      tpu.wait_dma2 semaphore(%arg17 : memref<!tpu.dma_semaphore, #tpu.memory_space<semaphore_mem>>) src(%dma_wait3A_1436 : memref<8x128xf32, #tpu.memory_space<hbm>>) dst(%dma_wait3A_1433 : memref<8x128xf32, #tpu.memory_space<vmem>>)
      %dma_wait3A_1437 = arith.constant 0 : i32
      %dma_wait3A_1438 = arith.constant 0 : i32
      %dma_wait3A_1439 = arith.constant 0 : i32
      %dma_wait3A_1440 = tpu.memref_slice %arg11[%dma_wait3A_1437, %dma_wait3A_1438, %dma_wait3A_1439] : memref<16x16x128xf32, #tpu.memory_space<vmem>> -> memref<1x8x128xf32, #tpu.memory_space<vmem>>
      %dma_wait3A_1441 = tpu.memref_squeeze %dma_wait3A_1440 : memref<1x8x128xf32, #tpu.memory_space<vmem>> -> memref<8x128xf32, #tpu.memory_space<vmem>>
      %dma_wait3A_1442 = arith.constant 0 : i32
      %dma_wait3A_1443 = arith.constant 0 : i32
      %dma_wait3A_1444 = tpu.memref_slice %arg4[%dma_wait3A_1442, %dma_wait3A_1443] : memref<16x1000000xf32, #tpu.memory_space<hbm>> -> memref<8x128xf32, #tpu.memory_space<hbm>>
      %dma_wait3A_1445 = arith.constant 0 : i32
      %dma_wait3A_1446 = arith.constant 0 : i32
      %dma_wait3A_1447 = tpu.memref_slice %arg11[%dma_wait3A_1437, %dma_wait3A_1445, %dma_wait3A_1446] : memref<16x16x128xf32, #tpu.memory_space<vmem>> -> memref<1x8x128xf32, #tpu.memory_space<vmem>>
      %dma_wait3A_1448 = tpu.memref_squeeze %dma_wait3A_1447 : memref<1x8x128xf32, #tpu.memory_space<vmem>> -> memref<8x128xf32, #tpu.memory_space<vmem>>
      %dma_wait3A_1449 = arith.constant 0 : i32
      %dma_wait3A_1450 = arith.constant 0 : i32
      %dma_wait3A_1451 = tpu.memref_slice %arg4[%dma_wait3A_1449, %dma_wait3A_1450] : memref<16x1000000xf32, #tpu.memory_space<hbm>> -> memref<8x128xf32, #tpu.memory_space<hbm>>
      tpu.wait_dma2 semaphore(%arg17 : memref<!tpu.dma_semaphore, #tpu.memory_space<semaphore_mem>>) src(%dma_wait3A_1451 : memref<8x128xf32, #tpu.memory_space<hbm>>) dst(%dma_wait3A_1448 : memref<8x128xf32, #tpu.memory_space<vmem>>)
      %dma_wait3A_1452 = arith.constant 0 : i32
      %dma_wait3A_1453 = arith.constant 0 : i32
      %dma_wait3A_1454 = arith.constant 0 : i32
      %dma_wait3A_1455 = tpu.memref_slice %arg11[%dma_wait3A_1452, %dma_wait3A_1453, %dma_wait3A_1454] : memref<16x16x128xf32, #tpu.memory_space<vmem>> -> memref<1x8x128xf32, #tpu.memory_space<vmem>>
      %dma_wait3A_1456 = tpu.memref_squeeze %dma_wait3A_1455 : memref<1x8x128xf32, #tpu.memory_space<vmem>> -> memref<8x128xf32, #tpu.memory_space<vmem>>
      %dma_wait3A_1457 = arith.constant 0 : i32
      %dma_wait3A_1458 = arith.constant 0 : i32
      %dma_wait3A_1459 = tpu.memref_slice %arg4[%dma_wait3A_1457, %dma_wait3A_1458] : memref<16x1000000xf32, #tpu.memory_space<hbm>> -> memref<8x128xf32, #tpu.memory_space<hbm>>
      %dma_wait3A_1460 = arith.constant 0 : i32
      %dma_wait3A_1461 = arith.constant 0 : i32
      %dma_wait3A_1462 = tpu.memref_slice %arg11[%dma_wait3A_1452, %dma_wait3A_1460, %dma_wait3A_1461] : memref<16x16x128xf32, #tpu.memory_space<vmem>> -> memref<1x8x128xf32, #tpu.memory_space<vmem>>
      %dma_wait3A_1463 = tpu.memref_squeeze %dma_wait3A_1462 : memref<1x8x128xf32, #tpu.memory_space<vmem>> -> memref<8x128xf32, #tpu.memory_space<vmem>>
      %dma_wait3A_1464 = arith.constant 0 : i32
      %dma_wait3A_1465 = arith.constant 0 : i32
      %dma_wait3A_1466 = tpu.memref_slice %arg4[%dma_wait3A_1464, %dma_wait3A_1465] : memref<16x1000000xf32, #tpu.memory_space<hbm>> -> memref<8x128xf32, #tpu.memory_space<hbm>>
      tpu.wait_dma2 semaphore(%arg17 : memref<!tpu.dma_semaphore, #tpu.memory_space<semaphore_mem>>) src(%dma_wait3A_1466 : memref<8x128xf32, #tpu.memory_space<hbm>>) dst(%dma_wait3A_1463 : memref<8x128xf32, #tpu.memory_space<vmem>>)
      %dma_wait3A_1467 = arith.constant 0 : i32
      %dma_wait3A_1468 = arith.constant 0 : i32
      %dma_wait3A_1469 = arith.constant 0 : i32
      %dma_wait3A_1470 = tpu.memref_slice %arg11[%dma_wait3A_1467, %dma_wait3A_1468, %dma_wait3A_1469] : memref<16x16x128xf32, #tpu.memory_space<vmem>> -> memref<1x8x128xf32, #tpu.memory_space<vmem>>
      %dma_wait3A_1471 = tpu.memref_squeeze %dma_wait3A_1470 : memref<1x8x128xf32, #tpu.memory_space<vmem>> -> memref<8x128xf32, #tpu.memory_space<vmem>>
      %dma_wait3A_1472 = arith.constant 0 : i32
      %dma_wait3A_1473 = arith.constant 0 : i32
      %dma_wait3A_1474 = tpu.memref_slice %arg4[%dma_wait3A_1472, %dma_wait3A_1473] : memref<16x1000000xf32, #tpu.memory_space<hbm>> -> memref<8x128xf32, #tpu.memory_space<hbm>>
      %dma_wait3A_1475 = arith.constant 0 : i32
      %dma_wait3A_1476 = arith.constant 0 : i32
      %dma_wait3A_1477 = tpu.memref_slice %arg11[%dma_wait3A_1467, %dma_wait3A_1475, %dma_wait3A_1476] : memref<16x16x128xf32, #tpu.memory_space<vmem>> -> memref<1x8x128xf32, #tpu.memory_space<vmem>>
      %dma_wait3A_1478 = tpu.memref_squeeze %dma_wait3A_1477 : memref<1x8x128xf32, #tpu.memory_space<vmem>> -> memref<8x128xf32, #tpu.memory_space<vmem>>
      %dma_wait3A_1479 = arith.constant 0 : i32
      %dma_wait3A_1480 = arith.constant 0 : i32
      %dma_wait3A_1481 = tpu.memref_slice %arg4[%dma_wait3A_1479, %dma_wait3A_1480] : memref<16x1000000xf32, #tpu.memory_space<hbm>> -> memref<8x128xf32, #tpu.memory_space<hbm>>
      tpu.wait_dma2 semaphore(%arg17 : memref<!tpu.dma_semaphore, #tpu.memory_space<semaphore_mem>>) src(%dma_wait3A_1481 : memref<8x128xf32, #tpu.memory_space<hbm>>) dst(%dma_wait3A_1478 : memref<8x128xf32, #tpu.memory_space<vmem>>)
      %dma_wait3A_1482 = arith.constant 0 : i32
      %dma_wait3A_1483 = arith.constant 0 : i32
      %dma_wait3A_1484 = arith.constant 0 : i32
      %dma_wait3A_1485 = tpu.memref_slice %arg11[%dma_wait3A_1482, %dma_wait3A_1483, %dma_wait3A_1484] : memref<16x16x128xf32, #tpu.memory_space<vmem>> -> memref<1x8x128xf32, #tpu.memory_space<vmem>>
      %dma_wait3A_1486 = tpu.memref_squeeze %dma_wait3A_1485 : memref<1x8x128xf32, #tpu.memory_space<vmem>> -> memref<8x128xf32, #tpu.memory_space<vmem>>
      %dma_wait3A_1487 = arith.constant 0 : i32
      %dma_wait3A_1488 = arith.constant 0 : i32
      %dma_wait3A_1489 = tpu.memref_slice %arg4[%dma_wait3A_1487, %dma_wait3A_1488] : memref<16x1000000xf32, #tpu.memory_space<hbm>> -> memref<8x128xf32, #tpu.memory_space<hbm>>
      %dma_wait3A_1490 = arith.constant 0 : i32
      %dma_wait3A_1491 = arith.constant 0 : i32
      %dma_wait3A_1492 = tpu.memref_slice %arg11[%dma_wait3A_1482, %dma_wait3A_1490, %dma_wait3A_1491] : memref<16x16x128xf32, #tpu.memory_space<vmem>> -> memref<1x8x128xf32, #tpu.memory_space<vmem>>
      %dma_wait3A_1493 = tpu.memref_squeeze %dma_wait3A_1492 : memref<1x8x128xf32, #tpu.memory_space<vmem>> -> memref<8x128xf32, #tpu.memory_space<vmem>>
      %dma_wait3A_1494 = arith.constant 0 : i32
      %dma_wait3A_1495 = arith.constant 0 : i32
      %dma_wait3A_1496 = tpu.memref_slice %arg4[%dma_wait3A_1494, %dma_wait3A_1495] : memref<16x1000000xf32, #tpu.memory_space<hbm>> -> memref<8x128xf32, #tpu.memory_space<hbm>>
      tpu.wait_dma2 semaphore(%arg17 : memref<!tpu.dma_semaphore, #tpu.memory_space<semaphore_mem>>) src(%dma_wait3A_1496 : memref<8x128xf32, #tpu.memory_space<hbm>>) dst(%dma_wait3A_1493 : memref<8x128xf32, #tpu.memory_space<vmem>>)
      %dma_wait3A_1497 = arith.constant 0 : i32
      %dma_wait3A_1498 = arith.constant 0 : i32
      %dma_wait3A_1499 = arith.constant 0 : i32
      %dma_wait3A_1500 = tpu.memref_slice %arg11[%dma_wait3A_1497, %dma_wait3A_1498, %dma_wait3A_1499] : memref<16x16x128xf32, #tpu.memory_space<vmem>> -> memref<1x8x128xf32, #tpu.memory_space<vmem>>
      %dma_wait3A_1501 = tpu.memref_squeeze %dma_wait3A_1500 : memref<1x8x128xf32, #tpu.memory_space<vmem>> -> memref<8x128xf32, #tpu.memory_space<vmem>>
      %dma_wait3A_1502 = arith.constant 0 : i32
      %dma_wait3A_1503 = arith.constant 0 : i32
      %dma_wait3A_1504 = tpu.memref_slice %arg4[%dma_wait3A_1502, %dma_wait3A_1503] : memref<16x1000000xf32, #tpu.memory_space<hbm>> -> memref<8x128xf32, #tpu.memory_space<hbm>>
      %dma_wait3A_1505 = arith.constant 0 : i32
      %dma_wait3A_1506 = arith.constant 0 : i32
      %dma_wait3A_1507 = tpu.memref_slice %arg11[%dma_wait3A_1497, %dma_wait3A_1505, %dma_wait3A_1506] : memref<16x16x128xf32, #tpu.memory_space<vmem>> -> memref<1x8x128xf32, #tpu.memory_space<vmem>>
      %dma_wait3A_1508 = tpu.memref_squeeze %dma_wait3A_1507 : memref<1x8x128xf32, #tpu.memory_space<vmem>> -> memref<8x128xf32, #tpu.memory_space<vmem>>
      %dma_wait3A_1509 = arith.constant 0 : i32
      %dma_wait3A_1510 = arith.constant 0 : i32
      %dma_wait3A_1511 = tpu.memref_slice %arg4[%dma_wait3A_1509, %dma_wait3A_1510] : memref<16x1000000xf32, #tpu.memory_space<hbm>> -> memref<8x128xf32, #tpu.memory_space<hbm>>
      tpu.wait_dma2 semaphore(%arg17 : memref<!tpu.dma_semaphore, #tpu.memory_space<semaphore_mem>>) src(%dma_wait3A_1511 : memref<8x128xf32, #tpu.memory_space<hbm>>) dst(%dma_wait3A_1508 : memref<8x128xf32, #tpu.memory_space<vmem>>)
      %dma_wait3A_1512 = arith.constant 0 : i32
      %dma_wait3A_1513 = arith.constant 0 : i32
      %dma_wait3A_1514 = arith.constant 0 : i32
      %dma_wait3A_1515 = tpu.memref_slice %arg11[%dma_wait3A_1512, %dma_wait3A_1513, %dma_wait3A_1514] : memref<16x16x128xf32, #tpu.memory_space<vmem>> -> memref<1x8x128xf32, #tpu.memory_space<vmem>>
      %dma_wait3A_1516 = tpu.memref_squeeze %dma_wait3A_1515 : memref<1x8x128xf32, #tpu.memory_space<vmem>> -> memref<8x128xf32, #tpu.memory_space<vmem>>
      %dma_wait3A_1517 = arith.constant 0 : i32
      %dma_wait3A_1518 = arith.constant 0 : i32
      %dma_wait3A_1519 = tpu.memref_slice %arg4[%dma_wait3A_1517, %dma_wait3A_1518] : memref<16x1000000xf32, #tpu.memory_space<hbm>> -> memref<8x128xf32, #tpu.memory_space<hbm>>
      %dma_wait3A_1520 = arith.constant 0 : i32
      %dma_wait3A_1521 = arith.constant 0 : i32
      %dma_wait3A_1522 = tpu.memref_slice %arg11[%dma_wait3A_1512, %dma_wait3A_1520, %dma_wait3A_1521] : memref<16x16x128xf32, #tpu.memory_space<vmem>> -> memref<1x8x128xf32, #tpu.memory_space<vmem>>
      %dma_wait3A_1523 = tpu.memref_squeeze %dma_wait3A_1522 : memref<1x8x128xf32, #tpu.memory_space<vmem>> -> memref<8x128xf32, #tpu.memory_space<vmem>>
      %dma_wait3A_1524 = arith.constant 0 : i32
      %dma_wait3A_1525 = arith.constant 0 : i32
      %dma_wait3A_1526 = tpu.memref_slice %arg4[%dma_wait3A_1524, %dma_wait3A_1525] : memref<16x1000000xf32, #tpu.memory_space<hbm>> -> memref<8x128xf32, #tpu.memory_space<hbm>>
      tpu.wait_dma2 semaphore(%arg17 : memref<!tpu.dma_semaphore, #tpu.memory_space<semaphore_mem>>) src(%dma_wait3A_1526 : memref<8x128xf32, #tpu.memory_space<hbm>>) dst(%dma_wait3A_1523 : memref<8x128xf32, #tpu.memory_space<vmem>>)
      %dma_wait3A_1527 = arith.constant 0 : i32
      %dma_wait3A_1528 = arith.constant 0 : i32
      %dma_wait3A_1529 = arith.constant 0 : i32
      %dma_wait3A_1530 = tpu.memref_slice %arg11[%dma_wait3A_1527, %dma_wait3A_1528, %dma_wait3A_1529] : memref<16x16x128xf32, #tpu.memory_space<vmem>> -> memref<1x8x128xf32, #tpu.memory_space<vmem>>
      %dma_wait3A_1531 = tpu.memref_squeeze %dma_wait3A_1530 : memref<1x8x128xf32, #tpu.memory_space<vmem>> -> memref<8x128xf32, #tpu.memory_space<vmem>>
      %dma_wait3A_1532 = arith.constant 0 : i32
      %dma_wait3A_1533 = arith.constant 0 : i32
      %dma_wait3A_1534 = tpu.memref_slice %arg4[%dma_wait3A_1532, %dma_wait3A_1533] : memref<16x1000000xf32, #tpu.memory_space<hbm>> -> memref<8x128xf32, #tpu.memory_space<hbm>>
      %dma_wait3A_1535 = arith.constant 0 : i32
      %dma_wait3A_1536 = arith.constant 0 : i32
      %dma_wait3A_1537 = tpu.memref_slice %arg11[%dma_wait3A_1527, %dma_wait3A_1535, %dma_wait3A_1536] : memref<16x16x128xf32, #tpu.memory_space<vmem>> -> memref<1x8x128xf32, #tpu.memory_space<vmem>>
      %dma_wait3A_1538 = tpu.memref_squeeze %dma_wait3A_1537 : memref<1x8x128xf32, #tpu.memory_space<vmem>> -> memref<8x128xf32, #tpu.memory_space<vmem>>
      %dma_wait3A_1539 = arith.constant 0 : i32
      %dma_wait3A_1540 = arith.constant 0 : i32
      %dma_wait3A_1541 = tpu.memref_slice %arg4[%dma_wait3A_1539, %dma_wait3A_1540] : memref<16x1000000xf32, #tpu.memory_space<hbm>> -> memref<8x128xf32, #tpu.memory_space<hbm>>
      tpu.wait_dma2 semaphore(%arg17 : memref<!tpu.dma_semaphore, #tpu.memory_space<semaphore_mem>>) src(%dma_wait3A_1541 : memref<8x128xf32, #tpu.memory_space<hbm>>) dst(%dma_wait3A_1538 : memref<8x128xf32, #tpu.memory_space<vmem>>)
      %dma_wait3A_1542 = arith.constant 0 : i32
      %dma_wait3A_1543 = arith.constant 0 : i32
      %dma_wait3A_1544 = arith.constant 0 : i32
      %dma_wait3A_1545 = tpu.memref_slice %arg11[%dma_wait3A_1542, %dma_wait3A_1543, %dma_wait3A_1544] : memref<16x16x128xf32, #tpu.memory_space<vmem>> -> memref<1x8x128xf32, #tpu.memory_space<vmem>>
      %dma_wait3A_1546 = tpu.memref_squeeze %dma_wait3A_1545 : memref<1x8x128xf32, #tpu.memory_space<vmem>> -> memref<8x128xf32, #tpu.memory_space<vmem>>
      %dma_wait3A_1547 = arith.constant 0 : i32
      %dma_wait3A_1548 = arith.constant 0 : i32
      %dma_wait3A_1549 = tpu.memref_slice %arg4[%dma_wait3A_1547, %dma_wait3A_1548] : memref<16x1000000xf32, #tpu.memory_space<hbm>> -> memref<8x128xf32, #tpu.memory_space<hbm>>
      %dma_wait3A_1550 = arith.constant 0 : i32
      %dma_wait3A_1551 = arith.constant 0 : i32
      %dma_wait3A_1552 = tpu.memref_slice %arg11[%dma_wait3A_1542, %dma_wait3A_1550, %dma_wait3A_1551] : memref<16x16x128xf32, #tpu.memory_space<vmem>> -> memref<1x8x128xf32, #tpu.memory_space<vmem>>
      %dma_wait3A_1553 = tpu.memref_squeeze %dma_wait3A_1552 : memref<1x8x128xf32, #tpu.memory_space<vmem>> -> memref<8x128xf32, #tpu.memory_space<vmem>>
      %dma_wait3A_1554 = arith.constant 0 : i32
      %dma_wait3A_1555 = arith.constant 0 : i32
      %dma_wait3A_1556 = tpu.memref_slice %arg4[%dma_wait3A_1554, %dma_wait3A_1555] : memref<16x1000000xf32, #tpu.memory_space<hbm>> -> memref<8x128xf32, #tpu.memory_space<hbm>>
      tpu.wait_dma2 semaphore(%arg17 : memref<!tpu.dma_semaphore, #tpu.memory_space<semaphore_mem>>) src(%dma_wait3A_1556 : memref<8x128xf32, #tpu.memory_space<hbm>>) dst(%dma_wait3A_1553 : memref<8x128xf32, #tpu.memory_space<vmem>>)
      %dma_wait3A_1557 = arith.constant 0 : i32
      %dma_wait3A_1558 = arith.constant 0 : i32
      %dma_wait3A_1559 = arith.constant 0 : i32
      %dma_wait3A_1560 = tpu.memref_slice %arg11[%dma_wait3A_1557, %dma_wait3A_1558, %dma_wait3A_1559] : memref<16x16x128xf32, #tpu.memory_space<vmem>> -> memref<1x8x128xf32, #tpu.memory_space<vmem>>
      %dma_wait3A_1561 = tpu.memref_squeeze %dma_wait3A_1560 : memref<1x8x128xf32, #tpu.memory_space<vmem>> -> memref<8x128xf32, #tpu.memory_space<vmem>>
      %dma_wait3A_1562 = arith.constant 0 : i32
      %dma_wait3A_1563 = arith.constant 0 : i32
      %dma_wait3A_1564 = tpu.memref_slice %arg4[%dma_wait3A_1562, %dma_wait3A_1563] : memref<16x1000000xf32, #tpu.memory_space<hbm>> -> memref<8x128xf32, #tpu.memory_space<hbm>>
      %dma_wait3A_1565 = arith.constant 0 : i32
      %dma_wait3A_1566 = arith.constant 0 : i32
      %dma_wait3A_1567 = tpu.memref_slice %arg11[%dma_wait3A_1557, %dma_wait3A_1565, %dma_wait3A_1566] : memref<16x16x128xf32, #tpu.memory_space<vmem>> -> memref<1x8x128xf32, #tpu.memory_space<vmem>>
      %dma_wait3A_1568 = tpu.memref_squeeze %dma_wait3A_1567 : memref<1x8x128xf32, #tpu.memory_space<vmem>> -> memref<8x128xf32, #tpu.memory_space<vmem>>
      %dma_wait3A_1569 = arith.constant 0 : i32
      %dma_wait3A_1570 = arith.constant 0 : i32
      %dma_wait3A_1571 = tpu.memref_slice %arg4[%dma_wait3A_1569, %dma_wait3A_1570] : memref<16x1000000xf32, #tpu.memory_space<hbm>> -> memref<8x128xf32, #tpu.memory_space<hbm>>
      tpu.wait_dma2 semaphore(%arg17 : memref<!tpu.dma_semaphore, #tpu.memory_space<semaphore_mem>>) src(%dma_wait3A_1571 : memref<8x128xf32, #tpu.memory_space<hbm>>) dst(%dma_wait3A_1568 : memref<8x128xf32, #tpu.memory_space<vmem>>)
      %dma_wait3A_1572 = arith.constant 0 : i32
      %dma_wait3A_1573 = arith.constant 0 : i32
      %dma_wait3A_1574 = arith.constant 0 : i32
      %dma_wait3A_1575 = tpu.memref_slice %arg11[%dma_wait3A_1572, %dma_wait3A_1573, %dma_wait3A_1574] : memref<16x16x128xf32, #tpu.memory_space<vmem>> -> memref<1x8x128xf32, #tpu.memory_space<vmem>>
      %dma_wait3A_1576 = tpu.memref_squeeze %dma_wait3A_1575 : memref<1x8x128xf32, #tpu.memory_space<vmem>> -> memref<8x128xf32, #tpu.memory_space<vmem>>
      %dma_wait3A_1577 = arith.constant 0 : i32
      %dma_wait3A_1578 = arith.constant 0 : i32
      %dma_wait3A_1579 = tpu.memref_slice %arg4[%dma_wait3A_1577, %dma_wait3A_1578] : memref<16x1000000xf32, #tpu.memory_space<hbm>> -> memref<8x128xf32, #tpu.memory_space<hbm>>
      %dma_wait3A_1580 = arith.constant 0 : i32
      %dma_wait3A_1581 = arith.constant 0 : i32
      %dma_wait3A_1582 = tpu.memref_slice %arg11[%dma_wait3A_1572, %dma_wait3A_1580, %dma_wait3A_1581] : memref<16x16x128xf32, #tpu.memory_space<vmem>> -> memref<1x8x128xf32, #tpu.memory_space<vmem>>
      %dma_wait3A_1583 = tpu.memref_squeeze %dma_wait3A_1582 : memref<1x8x128xf32, #tpu.memory_space<vmem>> -> memref<8x128xf32, #tpu.memory_space<vmem>>
      %dma_wait3A_1584 = arith.constant 0 : i32
      %dma_wait3A_1585 = arith.constant 0 : i32
      %dma_wait3A_1586 = tpu.memref_slice %arg4[%dma_wait3A_1584, %dma_wait3A_1585] : memref<16x1000000xf32, #tpu.memory_space<hbm>> -> memref<8x128xf32, #tpu.memory_space<hbm>>
      tpu.wait_dma2 semaphore(%arg17 : memref<!tpu.dma_semaphore, #tpu.memory_space<semaphore_mem>>) src(%dma_wait3A_1586 : memref<8x128xf32, #tpu.memory_space<hbm>>) dst(%dma_wait3A_1583 : memref<8x128xf32, #tpu.memory_space<vmem>>)
      %dma_wait3A_1587 = arith.constant 0 : i32
      %dma_wait3A_1588 = arith.constant 0 : i32
      %dma_wait3A_1589 = arith.constant 0 : i32
      %dma_wait3A_1590 = tpu.memref_slice %arg11[%dma_wait3A_1587, %dma_wait3A_1588, %dma_wait3A_1589] : memref<16x16x128xf32, #tpu.memory_space<vmem>> -> memref<1x8x128xf32, #tpu.memory_space<vmem>>
      %dma_wait3A_1591 = tpu.memref_squeeze %dma_wait3A_1590 : memref<1x8x128xf32, #tpu.memory_space<vmem>> -> memref<8x128xf32, #tpu.memory_space<vmem>>
      %dma_wait3A_1592 = arith.constant 0 : i32
      %dma_wait3A_1593 = arith.constant 0 : i32
      %dma_wait3A_1594 = tpu.memref_slice %arg4[%dma_wait3A_1592, %dma_wait3A_1593] : memref<16x1000000xf32, #tpu.memory_space<hbm>> -> memref<8x128xf32, #tpu.memory_space<hbm>>
      %dma_wait3A_1595 = arith.constant 0 : i32
      %dma_wait3A_1596 = arith.constant 0 : i32
      %dma_wait3A_1597 = tpu.memref_slice %arg11[%dma_wait3A_1587, %dma_wait3A_1595, %dma_wait3A_1596] : memref<16x16x128xf32, #tpu.memory_space<vmem>> -> memref<1x8x128xf32, #tpu.memory_space<vmem>>
      %dma_wait3A_1598 = tpu.memref_squeeze %dma_wait3A_1597 : memref<1x8x128xf32, #tpu.memory_space<vmem>> -> memref<8x128xf32, #tpu.memory_space<vmem>>
      %dma_wait3A_1599 = arith.constant 0 : i32
      %dma_wait3A_1600 = arith.constant 0 : i32
      %dma_wait3A_1601 = tpu.memref_slice %arg4[%dma_wait3A_1599, %dma_wait3A_1600] : memref<16x1000000xf32, #tpu.memory_space<hbm>> -> memref<8x128xf32, #tpu.memory_space<hbm>>
      tpu.wait_dma2 semaphore(%arg17 : memref<!tpu.dma_semaphore, #tpu.memory_space<semaphore_mem>>) src(%dma_wait3A_1601 : memref<8x128xf32, #tpu.memory_space<hbm>>) dst(%dma_wait3A_1598 : memref<8x128xf32, #tpu.memory_space<vmem>>)
      %dma_wait3A_1602 = arith.constant 0 : i32
      %dma_wait3A_1603 = arith.constant 0 : i32
      %dma_wait3A_1604 = arith.constant 0 : i32
      %dma_wait3A_1605 = tpu.memref_slice %arg11[%dma_wait3A_1602, %dma_wait3A_1603, %dma_wait3A_1604] : memref<16x16x128xf32, #tpu.memory_space<vmem>> -> memref<1x8x128xf32, #tpu.memory_space<vmem>>
      %dma_wait3A_1606 = tpu.memref_squeeze %dma_wait3A_1605 : memref<1x8x128xf32, #tpu.memory_space<vmem>> -> memref<8x128xf32, #tpu.memory_space<vmem>>
      %dma_wait3A_1607 = arith.constant 0 : i32
      %dma_wait3A_1608 = arith.constant 0 : i32
      %dma_wait3A_1609 = tpu.memref_slice %arg4[%dma_wait3A_1607, %dma_wait3A_1608] : memref<16x1000000xf32, #tpu.memory_space<hbm>> -> memref<8x128xf32, #tpu.memory_space<hbm>>
      %dma_wait3A_1610 = arith.constant 0 : i32
      %dma_wait3A_1611 = arith.constant 0 : i32
      %dma_wait3A_1612 = tpu.memref_slice %arg11[%dma_wait3A_1602, %dma_wait3A_1610, %dma_wait3A_1611] : memref<16x16x128xf32, #tpu.memory_space<vmem>> -> memref<1x8x128xf32, #tpu.memory_space<vmem>>
      %dma_wait3A_1613 = tpu.memref_squeeze %dma_wait3A_1612 : memref<1x8x128xf32, #tpu.memory_space<vmem>> -> memref<8x128xf32, #tpu.memory_space<vmem>>
      %dma_wait3A_1614 = arith.constant 0 : i32
      %dma_wait3A_1615 = arith.constant 0 : i32
      %dma_wait3A_1616 = tpu.memref_slice %arg4[%dma_wait3A_1614, %dma_wait3A_1615] : memref<16x1000000xf32, #tpu.memory_space<hbm>> -> memref<8x128xf32, #tpu.memory_space<hbm>>
      tpu.wait_dma2 semaphore(%arg17 : memref<!tpu.dma_semaphore, #tpu.memory_space<semaphore_mem>>) src(%dma_wait3A_1616 : memref<8x128xf32, #tpu.memory_space<hbm>>) dst(%dma_wait3A_1613 : memref<8x128xf32, #tpu.memory_space<vmem>>)
      %dma_wait3A_1617 = arith.constant 0 : i32
      %dma_wait3A_1618 = arith.constant 0 : i32
      %dma_wait3A_1619 = arith.constant 0 : i32
      %dma_wait3A_1620 = tpu.memref_slice %arg11[%dma_wait3A_1617, %dma_wait3A_1618, %dma_wait3A_1619] : memref<16x16x128xf32, #tpu.memory_space<vmem>> -> memref<1x8x128xf32, #tpu.memory_space<vmem>>
      %dma_wait3A_1621 = tpu.memref_squeeze %dma_wait3A_1620 : memref<1x8x128xf32, #tpu.memory_space<vmem>> -> memref<8x128xf32, #tpu.memory_space<vmem>>
      %dma_wait3A_1622 = arith.constant 0 : i32
      %dma_wait3A_1623 = arith.constant 0 : i32
      %dma_wait3A_1624 = tpu.memref_slice %arg4[%dma_wait3A_1622, %dma_wait3A_1623] : memref<16x1000000xf32, #tpu.memory_space<hbm>> -> memref<8x128xf32, #tpu.memory_space<hbm>>
      %dma_wait3A_1625 = arith.constant 0 : i32
      %dma_wait3A_1626 = arith.constant 0 : i32
      %dma_wait3A_1627 = tpu.memref_slice %arg11[%dma_wait3A_1617, %dma_wait3A_1625, %dma_wait3A_1626] : memref<16x16x128xf32, #tpu.memory_space<vmem>> -> memref<1x8x128xf32, #tpu.memory_space<vmem>>
      %dma_wait3A_1628 = tpu.memref_squeeze %dma_wait3A_1627 : memref<1x8x128xf32, #tpu.memory_space<vmem>> -> memref<8x128xf32, #tpu.memory_space<vmem>>
      %dma_wait3A_1629 = arith.constant 0 : i32
      %dma_wait3A_1630 = arith.constant 0 : i32
      %dma_wait3A_1631 = tpu.memref_slice %arg4[%dma_wait3A_1629, %dma_wait3A_1630] : memref<16x1000000xf32, #tpu.memory_space<hbm>> -> memref<8x128xf32, #tpu.memory_space<hbm>>
      tpu.wait_dma2 semaphore(%arg17 : memref<!tpu.dma_semaphore, #tpu.memory_space<semaphore_mem>>) src(%dma_wait3A_1631 : memref<8x128xf32, #tpu.memory_space<hbm>>) dst(%dma_wait3A_1628 : memref<8x128xf32, #tpu.memory_space<vmem>>)
      %dma_wait3A_1632 = arith.constant 0 : i32
      %dma_wait3A_1633 = arith.constant 0 : i32
      %dma_wait3A_1634 = arith.constant 0 : i32
      %dma_wait3A_1635 = tpu.memref_slice %arg11[%dma_wait3A_1632, %dma_wait3A_1633, %dma_wait3A_1634] : memref<16x16x128xf32, #tpu.memory_space<vmem>> -> memref<1x8x128xf32, #tpu.memory_space<vmem>>
      %dma_wait3A_1636 = tpu.memref_squeeze %dma_wait3A_1635 : memref<1x8x128xf32, #tpu.memory_space<vmem>> -> memref<8x128xf32, #tpu.memory_space<vmem>>
      %dma_wait3A_1637 = arith.constant 0 : i32
      %dma_wait3A_1638 = arith.constant 0 : i32
      %dma_wait3A_1639 = tpu.memref_slice %arg4[%dma_wait3A_1637, %dma_wait3A_1638] : memref<16x1000000xf32, #tpu.memory_space<hbm>> -> memref<8x128xf32, #tpu.memory_space<hbm>>
      %dma_wait3A_1640 = arith.constant 0 : i32
      %dma_wait3A_1641 = arith.constant 0 : i32
      %dma_wait3A_1642 = tpu.memref_slice %arg11[%dma_wait3A_1632, %dma_wait3A_1640, %dma_wait3A_1641] : memref<16x16x128xf32, #tpu.memory_space<vmem>> -> memref<1x8x128xf32, #tpu.memory_space<vmem>>
      %dma_wait3A_1643 = tpu.memref_squeeze %dma_wait3A_1642 : memref<1x8x128xf32, #tpu.memory_space<vmem>> -> memref<8x128xf32, #tpu.memory_space<vmem>>
      %dma_wait3A_1644 = arith.constant 0 : i32
      %dma_wait3A_1645 = arith.constant 0 : i32
      %dma_wait3A_1646 = tpu.memref_slice %arg4[%dma_wait3A_1644, %dma_wait3A_1645] : memref<16x1000000xf32, #tpu.memory_space<hbm>> -> memref<8x128xf32, #tpu.memory_space<hbm>>
      tpu.wait_dma2 semaphore(%arg17 : memref<!tpu.dma_semaphore, #tpu.memory_space<semaphore_mem>>) src(%dma_wait3A_1646 : memref<8x128xf32, #tpu.memory_space<hbm>>) dst(%dma_wait3A_1643 : memref<8x128xf32, #tpu.memory_space<vmem>>)
      %dma_wait3A_1647 = arith.constant 0 : i32
      %dma_wait3A_1648 = arith.constant 0 : i32
      %dma_wait3A_1649 = arith.constant 0 : i32
      %dma_wait3A_1650 = tpu.memref_slice %arg11[%dma_wait3A_1647, %dma_wait3A_1648, %dma_wait3A_1649] : memref<16x16x128xf32, #tpu.memory_space<vmem>> -> memref<1x8x128xf32, #tpu.memory_space<vmem>>
      %dma_wait3A_1651 = tpu.memref_squeeze %dma_wait3A_1650 : memref<1x8x128xf32, #tpu.memory_space<vmem>> -> memref<8x128xf32, #tpu.memory_space<vmem>>
      %dma_wait3A_1652 = arith.constant 0 : i32
      %dma_wait3A_1653 = arith.constant 0 : i32
      %dma_wait3A_1654 = tpu.memref_slice %arg4[%dma_wait3A_1652, %dma_wait3A_1653] : memref<16x1000000xf32, #tpu.memory_space<hbm>> -> memref<8x128xf32, #tpu.memory_space<hbm>>
      %dma_wait3A_1655 = arith.constant 0 : i32
      %dma_wait3A_1656 = arith.constant 0 : i32
      %dma_wait3A_1657 = tpu.memref_slice %arg11[%dma_wait3A_1647, %dma_wait3A_1655, %dma_wait3A_1656] : memref<16x16x128xf32, #tpu.memory_space<vmem>> -> memref<1x8x128xf32, #tpu.memory_space<vmem>>
      %dma_wait3A_1658 = tpu.memref_squeeze %dma_wait3A_1657 : memref<1x8x128xf32, #tpu.memory_space<vmem>> -> memref<8x128xf32, #tpu.memory_space<vmem>>
      %dma_wait3A_1659 = arith.constant 0 : i32
      %dma_wait3A_1660 = arith.constant 0 : i32
      %dma_wait3A_1661 = tpu.memref_slice %arg4[%dma_wait3A_1659, %dma_wait3A_1660] : memref<16x1000000xf32, #tpu.memory_space<hbm>> -> memref<8x128xf32, #tpu.memory_space<hbm>>
      tpu.wait_dma2 semaphore(%arg17 : memref<!tpu.dma_semaphore, #tpu.memory_space<semaphore_mem>>) src(%dma_wait3A_1661 : memref<8x128xf32, #tpu.memory_space<hbm>>) dst(%dma_wait3A_1658 : memref<8x128xf32, #tpu.memory_space<vmem>>)
      %dma_wait3A_1662 = arith.constant 0 : i32
      %dma_wait3A_1663 = arith.constant 0 : i32
      %dma_wait3A_1664 = arith.constant 0 : i32
      %dma_wait3A_1665 = tpu.memref_slice %arg11[%dma_wait3A_1662, %dma_wait3A_1663, %dma_wait3A_1664] : memref<16x16x128xf32, #tpu.memory_space<vmem>> -> memref<1x8x128xf32, #tpu.memory_space<vmem>>
      %dma_wait3A_1666 = tpu.memref_squeeze %dma_wait3A_1665 : memref<1x8x128xf32, #tpu.memory_space<vmem>> -> memref<8x128xf32, #tpu.memory_space<vmem>>
      %dma_wait3A_1667 = arith.constant 0 : i32
      %dma_wait3A_1668 = arith.constant 0 : i32
      %dma_wait3A_1669 = tpu.memref_slice %arg4[%dma_wait3A_1667, %dma_wait3A_1668] : memref<16x1000000xf32, #tpu.memory_space<hbm>> -> memref<8x128xf32, #tpu.memory_space<hbm>>
      %dma_wait3A_1670 = arith.constant 0 : i32
      %dma_wait3A_1671 = arith.constant 0 : i32
      %dma_wait3A_1672 = tpu.memref_slice %arg11[%dma_wait3A_1662, %dma_wait3A_1670, %dma_wait3A_1671] : memref<16x16x128xf32, #tpu.memory_space<vmem>> -> memref<1x8x128xf32, #tpu.memory_space<vmem>>
      %dma_wait3A_1673 = tpu.memref_squeeze %dma_wait3A_1672 : memref<1x8x128xf32, #tpu.memory_space<vmem>> -> memref<8x128xf32, #tpu.memory_space<vmem>>
      %dma_wait3A_1674 = arith.constant 0 : i32
      %dma_wait3A_1675 = arith.constant 0 : i32
      %dma_wait3A_1676 = tpu.memref_slice %arg4[%dma_wait3A_1674, %dma_wait3A_1675] : memref<16x1000000xf32, #tpu.memory_space<hbm>> -> memref<8x128xf32, #tpu.memory_space<hbm>>
      tpu.wait_dma2 semaphore(%arg17 : memref<!tpu.dma_semaphore, #tpu.memory_space<semaphore_mem>>) src(%dma_wait3A_1676 : memref<8x128xf32, #tpu.memory_space<hbm>>) dst(%dma_wait3A_1673 : memref<8x128xf32, #tpu.memory_space<vmem>>)
      %dma_wait3A_1677 = arith.constant 0 : i32
      %dma_wait3A_1678 = arith.constant 0 : i32
      %dma_wait3A_1679 = arith.constant 0 : i32
      %dma_wait3A_1680 = tpu.memref_slice %arg11[%dma_wait3A_1677, %dma_wait3A_1678, %dma_wait3A_1679] : memref<16x16x128xf32, #tpu.memory_space<vmem>> -> memref<1x8x128xf32, #tpu.memory_space<vmem>>
      %dma_wait3A_1681 = tpu.memref_squeeze %dma_wait3A_1680 : memref<1x8x128xf32, #tpu.memory_space<vmem>> -> memref<8x128xf32, #tpu.memory_space<vmem>>
      %dma_wait3A_1682 = arith.constant 0 : i32
      %dma_wait3A_1683 = arith.constant 0 : i32
      %dma_wait3A_1684 = tpu.memref_slice %arg4[%dma_wait3A_1682, %dma_wait3A_1683] : memref<16x1000000xf32, #tpu.memory_space<hbm>> -> memref<8x128xf32, #tpu.memory_space<hbm>>
      %dma_wait3A_1685 = arith.constant 0 : i32
      %dma_wait3A_1686 = arith.constant 0 : i32
      %dma_wait3A_1687 = tpu.memref_slice %arg11[%dma_wait3A_1677, %dma_wait3A_1685, %dma_wait3A_1686] : memref<16x16x128xf32, #tpu.memory_space<vmem>> -> memref<1x8x128xf32, #tpu.memory_space<vmem>>
      %dma_wait3A_1688 = tpu.memref_squeeze %dma_wait3A_1687 : memref<1x8x128xf32, #tpu.memory_space<vmem>> -> memref<8x128xf32, #tpu.memory_space<vmem>>
      %dma_wait3A_1689 = arith.constant 0 : i32
      %dma_wait3A_1690 = arith.constant 0 : i32
      %dma_wait3A_1691 = tpu.memref_slice %arg4[%dma_wait3A_1689, %dma_wait3A_1690] : memref<16x1000000xf32, #tpu.memory_space<hbm>> -> memref<8x128xf32, #tpu.memory_space<hbm>>
      tpu.wait_dma2 semaphore(%arg17 : memref<!tpu.dma_semaphore, #tpu.memory_space<semaphore_mem>>) src(%dma_wait3A_1691 : memref<8x128xf32, #tpu.memory_space<hbm>>) dst(%dma_wait3A_1688 : memref<8x128xf32, #tpu.memory_space<vmem>>)
      %dma_wait3A_1692 = arith.constant 0 : i32
      %dma_wait3A_1693 = arith.constant 0 : i32
      %dma_wait3A_1694 = arith.constant 0 : i32
      %dma_wait3A_1695 = tpu.memref_slice %arg11[%dma_wait3A_1692, %dma_wait3A_1693, %dma_wait3A_1694] : memref<16x16x128xf32, #tpu.memory_space<vmem>> -> memref<1x8x128xf32, #tpu.memory_space<vmem>>
      %dma_wait3A_1696 = tpu.memref_squeeze %dma_wait3A_1695 : memref<1x8x128xf32, #tpu.memory_space<vmem>> -> memref<8x128xf32, #tpu.memory_space<vmem>>
      %dma_wait3A_1697 = arith.constant 0 : i32
      %dma_wait3A_1698 = arith.constant 0 : i32
      %dma_wait3A_1699 = tpu.memref_slice %arg4[%dma_wait3A_1697, %dma_wait3A_1698] : memref<16x1000000xf32, #tpu.memory_space<hbm>> -> memref<8x128xf32, #tpu.memory_space<hbm>>
      %dma_wait3A_1700 = arith.constant 0 : i32
      %dma_wait3A_1701 = arith.constant 0 : i32
      %dma_wait3A_1702 = tpu.memref_slice %arg11[%dma_wait3A_1692, %dma_wait3A_1700, %dma_wait3A_1701] : memref<16x16x128xf32, #tpu.memory_space<vmem>> -> memref<1x8x128xf32, #tpu.memory_space<vmem>>
      %dma_wait3A_1703 = tpu.memref_squeeze %dma_wait3A_1702 : memref<1x8x128xf32, #tpu.memory_space<vmem>> -> memref<8x128xf32, #tpu.memory_space<vmem>>
      %dma_wait3A_1704 = arith.constant 0 : i32
      %dma_wait3A_1705 = arith.constant 0 : i32
      %dma_wait3A_1706 = tpu.memref_slice %arg4[%dma_wait3A_1704, %dma_wait3A_1705] : memref<16x1000000xf32, #tpu.memory_space<hbm>> -> memref<8x128xf32, #tpu.memory_space<hbm>>
      tpu.wait_dma2 semaphore(%arg17 : memref<!tpu.dma_semaphore, #tpu.memory_space<semaphore_mem>>) src(%dma_wait3A_1706 : memref<8x128xf32, #tpu.memory_space<hbm>>) dst(%dma_wait3A_1703 : memref<8x128xf32, #tpu.memory_space<vmem>>)
      %dma_wait3A_1707 = arith.constant 0 : i32
      %dma_wait3A_1708 = arith.constant 0 : i32
      %dma_wait3A_1709 = arith.constant 0 : i32
      %dma_wait3A_1710 = tpu.memref_slice %arg11[%dma_wait3A_1707, %dma_wait3A_1708, %dma_wait3A_1709] : memref<16x16x128xf32, #tpu.memory_space<vmem>> -> memref<1x8x128xf32, #tpu.memory_space<vmem>>
      %dma_wait3A_1711 = tpu.memref_squeeze %dma_wait3A_1710 : memref<1x8x128xf32, #tpu.memory_space<vmem>> -> memref<8x128xf32, #tpu.memory_space<vmem>>
      %dma_wait3A_1712 = arith.constant 0 : i32
      %dma_wait3A_1713 = arith.constant 0 : i32
      %dma_wait3A_1714 = tpu.memref_slice %arg4[%dma_wait3A_1712, %dma_wait3A_1713] : memref<16x1000000xf32, #tpu.memory_space<hbm>> -> memref<8x128xf32, #tpu.memory_space<hbm>>
      %dma_wait3A_1715 = arith.constant 0 : i32
      %dma_wait3A_1716 = arith.constant 0 : i32
      %dma_wait3A_1717 = tpu.memref_slice %arg11[%dma_wait3A_1707, %dma_wait3A_1715, %dma_wait3A_1716] : memref<16x16x128xf32, #tpu.memory_space<vmem>> -> memref<1x8x128xf32, #tpu.memory_space<vmem>>
      %dma_wait3A_1718 = tpu.memref_squeeze %dma_wait3A_1717 : memref<1x8x128xf32, #tpu.memory_space<vmem>> -> memref<8x128xf32, #tpu.memory_space<vmem>>
      %dma_wait3A_1719 = arith.constant 0 : i32
      %dma_wait3A_1720 = arith.constant 0 : i32
      %dma_wait3A_1721 = tpu.memref_slice %arg4[%dma_wait3A_1719, %dma_wait3A_1720] : memref<16x1000000xf32, #tpu.memory_space<hbm>> -> memref<8x128xf32, #tpu.memory_space<hbm>>
      tpu.wait_dma2 semaphore(%arg17 : memref<!tpu.dma_semaphore, #tpu.memory_space<semaphore_mem>>) src(%dma_wait3A_1721 : memref<8x128xf32, #tpu.memory_space<hbm>>) dst(%dma_wait3A_1718 : memref<8x128xf32, #tpu.memory_space<vmem>>)
      %dma_wait3A_1722 = arith.constant 0 : i32
      %dma_wait3A_1723 = arith.constant 0 : i32
      %dma_wait3A_1724 = arith.constant 0 : i32
      %dma_wait3A_1725 = tpu.memref_slice %arg11[%dma_wait3A_1722, %dma_wait3A_1723, %dma_wait3A_1724] : memref<16x16x128xf32, #tpu.memory_space<vmem>> -> memref<1x8x128xf32, #tpu.memory_space<vmem>>
      %dma_wait3A_1726 = tpu.memref_squeeze %dma_wait3A_1725 : memref<1x8x128xf32, #tpu.memory_space<vmem>> -> memref<8x128xf32, #tpu.memory_space<vmem>>
      %dma_wait3A_1727 = arith.constant 0 : i32
      %dma_wait3A_1728 = arith.constant 0 : i32
      %dma_wait3A_1729 = tpu.memref_slice %arg4[%dma_wait3A_1727, %dma_wait3A_1728] : memref<16x1000000xf32, #tpu.memory_space<hbm>> -> memref<8x128xf32, #tpu.memory_space<hbm>>
      %dma_wait3A_1730 = arith.constant 0 : i32
      %dma_wait3A_1731 = arith.constant 0 : i32
      %dma_wait3A_1732 = tpu.memref_slice %arg11[%dma_wait3A_1722, %dma_wait3A_1730, %dma_wait3A_1731] : memref<16x16x128xf32, #tpu.memory_space<vmem>> -> memref<1x8x128xf32, #tpu.memory_space<vmem>>
      %dma_wait3A_1733 = tpu.memref_squeeze %dma_wait3A_1732 : memref<1x8x128xf32, #tpu.memory_space<vmem>> -> memref<8x128xf32, #tpu.memory_space<vmem>>
      %dma_wait3A_1734 = arith.constant 0 : i32
      %dma_wait3A_1735 = arith.constant 0 : i32
      %dma_wait3A_1736 = tpu.memref_slice %arg4[%dma_wait3A_1734, %dma_wait3A_1735] : memref<16x1000000xf32, #tpu.memory_space<hbm>> -> memref<8x128xf32, #tpu.memory_space<hbm>>
      tpu.wait_dma2 semaphore(%arg17 : memref<!tpu.dma_semaphore, #tpu.memory_space<semaphore_mem>>) src(%dma_wait3A_1736 : memref<8x128xf32, #tpu.memory_space<hbm>>) dst(%dma_wait3A_1733 : memref<8x128xf32, #tpu.memory_space<vmem>>)
      %dma_wait3A_1737 = arith.constant 0 : i32
      %dma_wait3A_1738 = arith.constant 0 : i32
      %dma_wait3A_1739 = arith.constant 0 : i32
      %dma_wait3A_1740 = tpu.memref_slice %arg11[%dma_wait3A_1737, %dma_wait3A_1738, %dma_wait3A_1739] : memref<16x16x128xf32, #tpu.memory_space<vmem>> -> memref<1x8x128xf32, #tpu.memory_space<vmem>>
      %dma_wait3A_1741 = tpu.memref_squeeze %dma_wait3A_1740 : memref<1x8x128xf32, #tpu.memory_space<vmem>> -> memref<8x128xf32, #tpu.memory_space<vmem>>
      %dma_wait3A_1742 = arith.constant 0 : i32
      %dma_wait3A_1743 = arith.constant 0 : i32
      %dma_wait3A_1744 = tpu.memref_slice %arg4[%dma_wait3A_1742, %dma_wait3A_1743] : memref<16x1000000xf32, #tpu.memory_space<hbm>> -> memref<8x128xf32, #tpu.memory_space<hbm>>
      %dma_wait3A_1745 = arith.constant 0 : i32
      %dma_wait3A_1746 = arith.constant 0 : i32
      %dma_wait3A_1747 = tpu.memref_slice %arg11[%dma_wait3A_1737, %dma_wait3A_1745, %dma_wait3A_1746] : memref<16x16x128xf32, #tpu.memory_space<vmem>> -> memref<1x8x128xf32, #tpu.memory_space<vmem>>
      %dma_wait3A_1748 = tpu.memref_squeeze %dma_wait3A_1747 : memref<1x8x128xf32, #tpu.memory_space<vmem>> -> memref<8x128xf32, #tpu.memory_space<vmem>>
      %dma_wait3A_1749 = arith.constant 0 : i32
      %dma_wait3A_1750 = arith.constant 0 : i32
      %dma_wait3A_1751 = tpu.memref_slice %arg4[%dma_wait3A_1749, %dma_wait3A_1750] : memref<16x1000000xf32, #tpu.memory_space<hbm>> -> memref<8x128xf32, #tpu.memory_space<hbm>>
      tpu.wait_dma2 semaphore(%arg17 : memref<!tpu.dma_semaphore, #tpu.memory_space<semaphore_mem>>) src(%dma_wait3A_1751 : memref<8x128xf32, #tpu.memory_space<hbm>>) dst(%dma_wait3A_1748 : memref<8x128xf32, #tpu.memory_space<vmem>>)
      %dma_wait3A_1752 = arith.constant 0 : i32
      %dma_wait3A_1753 = arith.constant 0 : i32
      %dma_wait3A_1754 = arith.constant 0 : i32
      %dma_wait3A_1755 = tpu.memref_slice %arg11[%dma_wait3A_1752, %dma_wait3A_1753, %dma_wait3A_1754] : memref<16x16x128xf32, #tpu.memory_space<vmem>> -> memref<1x8x128xf32, #tpu.memory_space<vmem>>
      %dma_wait3A_1756 = tpu.memref_squeeze %dma_wait3A_1755 : memref<1x8x128xf32, #tpu.memory_space<vmem>> -> memref<8x128xf32, #tpu.memory_space<vmem>>
      %dma_wait3A_1757 = arith.constant 0 : i32
      %dma_wait3A_1758 = arith.constant 0 : i32
      %dma_wait3A_1759 = tpu.memref_slice %arg4[%dma_wait3A_1757, %dma_wait3A_1758] : memref<16x1000000xf32, #tpu.memory_space<hbm>> -> memref<8x128xf32, #tpu.memory_space<hbm>>
      %dma_wait3A_1760 = arith.constant 0 : i32
      %dma_wait3A_1761 = arith.constant 0 : i32
      %dma_wait3A_1762 = tpu.memref_slice %arg11[%dma_wait3A_1752, %dma_wait3A_1760, %dma_wait3A_1761] : memref<16x16x128xf32, #tpu.memory_space<vmem>> -> memref<1x8x128xf32, #tpu.memory_space<vmem>>
      %dma_wait3A_1763 = tpu.memref_squeeze %dma_wait3A_1762 : memref<1x8x128xf32, #tpu.memory_space<vmem>> -> memref<8x128xf32, #tpu.memory_space<vmem>>
      %dma_wait3A_1764 = arith.constant 0 : i32
      %dma_wait3A_1765 = arith.constant 0 : i32
      %dma_wait3A_1766 = tpu.memref_slice %arg4[%dma_wait3A_1764, %dma_wait3A_1765] : memref<16x1000000xf32, #tpu.memory_space<hbm>> -> memref<8x128xf32, #tpu.memory_space<hbm>>
      tpu.wait_dma2 semaphore(%arg17 : memref<!tpu.dma_semaphore, #tpu.memory_space<semaphore_mem>>) src(%dma_wait3A_1766 : memref<8x128xf32, #tpu.memory_space<hbm>>) dst(%dma_wait3A_1763 : memref<8x128xf32, #tpu.memory_space<vmem>>)
      %dma_wait3A_1767 = arith.constant 0 : i32
      %dma_wait3A_1768 = arith.constant 0 : i32
      %dma_wait3A_1769 = arith.constant 0 : i32
      %dma_wait3A_1770 = tpu.memref_slice %arg11[%dma_wait3A_1767, %dma_wait3A_1768, %dma_wait3A_1769] : memref<16x16x128xf32, #tpu.memory_space<vmem>> -> memref<1x8x128xf32, #tpu.memory_space<vmem>>
      %dma_wait3A_1771 = tpu.memref_squeeze %dma_wait3A_1770 : memref<1x8x128xf32, #tpu.memory_space<vmem>> -> memref<8x128xf32, #tpu.memory_space<vmem>>
      %dma_wait3A_1772 = arith.constant 0 : i32
      %dma_wait3A_1773 = arith.constant 0 : i32
      %dma_wait3A_1774 = tpu.memref_slice %arg4[%dma_wait3A_1772, %dma_wait3A_1773] : memref<16x1000000xf32, #tpu.memory_space<hbm>> -> memref<8x128xf32, #tpu.memory_space<hbm>>
      %dma_wait3A_1775 = arith.constant 0 : i32
      %dma_wait3A_1776 = arith.constant 0 : i32
      %dma_wait3A_1777 = tpu.memref_slice %arg11[%dma_wait3A_1767, %dma_wait3A_1775, %dma_wait3A_1776] : memref<16x16x128xf32, #tpu.memory_space<vmem>> -> memref<1x8x128xf32, #tpu.memory_space<vmem>>
      %dma_wait3A_1778 = tpu.memref_squeeze %dma_wait3A_1777 : memref<1x8x128xf32, #tpu.memory_space<vmem>> -> memref<8x128xf32, #tpu.memory_space<vmem>>
      %dma_wait3A_1779 = arith.constant 0 : i32
      %dma_wait3A_1780 = arith.constant 0 : i32
      %dma_wait3A_1781 = tpu.memref_slice %arg4[%dma_wait3A_1779, %dma_wait3A_1780] : memref<16x1000000xf32, #tpu.memory_space<hbm>> -> memref<8x128xf32, #tpu.memory_space<hbm>>
      tpu.wait_dma2 semaphore(%arg17 : memref<!tpu.dma_semaphore, #tpu.memory_space<semaphore_mem>>) src(%dma_wait3A_1781 : memref<8x128xf32, #tpu.memory_space<hbm>>) dst(%dma_wait3A_1778 : memref<8x128xf32, #tpu.memory_space<vmem>>)
      %dma_wait3A_1782 = arith.constant 0 : i32
      %dma_wait3A_1783 = arith.constant 0 : i32
      %dma_wait3A_1784 = arith.constant 0 : i32
      %dma_wait3A_1785 = tpu.memref_slice %arg11[%dma_wait3A_1782, %dma_wait3A_1783, %dma_wait3A_1784] : memref<16x16x128xf32, #tpu.memory_space<vmem>> -> memref<1x8x128xf32, #tpu.memory_space<vmem>>
      %dma_wait3A_1786 = tpu.memref_squeeze %dma_wait3A_1785 : memref<1x8x128xf32, #tpu.memory_space<vmem>> -> memref<8x128xf32, #tpu.memory_space<vmem>>
      %dma_wait3A_1787 = arith.constant 0 : i32
      %dma_wait3A_1788 = arith.constant 0 : i32
      %dma_wait3A_1789 = tpu.memref_slice %arg4[%dma_wait3A_1787, %dma_wait3A_1788] : memref<16x1000000xf32, #tpu.memory_space<hbm>> -> memref<8x128xf32, #tpu.memory_space<hbm>>
      %dma_wait3A_1790 = arith.constant 0 : i32
      %dma_wait3A_1791 = arith.constant 0 : i32
      %dma_wait3A_1792 = tpu.memref_slice %arg11[%dma_wait3A_1782, %dma_wait3A_1790, %dma_wait3A_1791] : memref<16x16x128xf32, #tpu.memory_space<vmem>> -> memref<1x8x128xf32, #tpu.memory_space<vmem>>
      %dma_wait3A_1793 = tpu.memref_squeeze %dma_wait3A_1792 : memref<1x8x128xf32, #tpu.memory_space<vmem>> -> memref<8x128xf32, #tpu.memory_space<vmem>>
      %dma_wait3A_1794 = arith.constant 0 : i32
      %dma_wait3A_1795 = arith.constant 0 : i32
      %dma_wait3A_1796 = tpu.memref_slice %arg4[%dma_wait3A_1794, %dma_wait3A_1795] : memref<16x1000000xf32, #tpu.memory_space<hbm>> -> memref<8x128xf32, #tpu.memory_space<hbm>>
      tpu.wait_dma2 semaphore(%arg17 : memref<!tpu.dma_semaphore, #tpu.memory_space<semaphore_mem>>) src(%dma_wait3A_1796 : memref<8x128xf32, #tpu.memory_space<hbm>>) dst(%dma_wait3A_1793 : memref<8x128xf32, #tpu.memory_space<vmem>>)
      %dma_wait3A_1797 = arith.constant 0 : i32
      %dma_wait3A_1798 = arith.constant 0 : i32
      %dma_wait3A_1799 = arith.constant 0 : i32
      %dma_wait3A_1800 = tpu.memref_slice %arg11[%dma_wait3A_1797, %dma_wait3A_1798, %dma_wait3A_1799] : memref<16x16x128xf32, #tpu.memory_space<vmem>> -> memref<1x8x128xf32, #tpu.memory_space<vmem>>
      %dma_wait3A_1801 = tpu.memref_squeeze %dma_wait3A_1800 : memref<1x8x128xf32, #tpu.memory_space<vmem>> -> memref<8x128xf32, #tpu.memory_space<vmem>>
      %dma_wait3A_1802 = arith.constant 0 : i32
      %dma_wait3A_1803 = arith.constant 0 : i32
      %dma_wait3A_1804 = tpu.memref_slice %arg4[%dma_wait3A_1802, %dma_wait3A_1803] : memref<16x1000000xf32, #tpu.memory_space<hbm>> -> memref<8x128xf32, #tpu.memory_space<hbm>>
      %dma_wait3A_1805 = arith.constant 0 : i32
      %dma_wait3A_1806 = arith.constant 0 : i32
      %dma_wait3A_1807 = tpu.memref_slice %arg11[%dma_wait3A_1797, %dma_wait3A_1805, %dma_wait3A_1806] : memref<16x16x128xf32, #tpu.memory_space<vmem>> -> memref<1x8x128xf32, #tpu.memory_space<vmem>>
      %dma_wait3A_1808 = tpu.memref_squeeze %dma_wait3A_1807 : memref<1x8x128xf32, #tpu.memory_space<vmem>> -> memref<8x128xf32, #tpu.memory_space<vmem>>
      %dma_wait3A_1809 = arith.constant 0 : i32
      %dma_wait3A_1810 = arith.constant 0 : i32
      %dma_wait3A_1811 = tpu.memref_slice %arg4[%dma_wait3A_1809, %dma_wait3A_1810] : memref<16x1000000xf32, #tpu.memory_space<hbm>> -> memref<8x128xf32, #tpu.memory_space<hbm>>
      tpu.wait_dma2 semaphore(%arg17 : memref<!tpu.dma_semaphore, #tpu.memory_space<semaphore_mem>>) src(%dma_wait3A_1811 : memref<8x128xf32, #tpu.memory_space<hbm>>) dst(%dma_wait3A_1808 : memref<8x128xf32, #tpu.memory_space<vmem>>)
      %dma_wait3A_1812 = arith.constant 0 : i32
      %dma_wait3A_1813 = arith.constant 0 : i32
      %dma_wait3A_1814 = arith.constant 0 : i32
      %dma_wait3A_1815 = tpu.memref_slice %arg11[%dma_wait3A_1812, %dma_wait3A_1813, %dma_wait3A_1814] : memref<16x16x128xf32, #tpu.memory_space<vmem>> -> memref<1x8x128xf32, #tpu.memory_space<vmem>>
      %dma_wait3A_1816 = tpu.memref_squeeze %dma_wait3A_1815 : memref<1x8x128xf32, #tpu.memory_space<vmem>> -> memref<8x128xf32, #tpu.memory_space<vmem>>
      %dma_wait3A_1817 = arith.constant 0 : i32
      %dma_wait3A_1818 = arith.constant 0 : i32
      %dma_wait3A_1819 = tpu.memref_slice %arg4[%dma_wait3A_1817, %dma_wait3A_1818] : memref<16x1000000xf32, #tpu.memory_space<hbm>> -> memref<8x128xf32, #tpu.memory_space<hbm>>
      %dma_wait3A_1820 = arith.constant 0 : i32
      %dma_wait3A_1821 = arith.constant 0 : i32
      %dma_wait3A_1822 = tpu.memref_slice %arg11[%dma_wait3A_1812, %dma_wait3A_1820, %dma_wait3A_1821] : memref<16x16x128xf32, #tpu.memory_space<vmem>> -> memref<1x8x128xf32, #tpu.memory_space<vmem>>
      %dma_wait3A_1823 = tpu.memref_squeeze %dma_wait3A_1822 : memref<1x8x128xf32, #tpu.memory_space<vmem>> -> memref<8x128xf32, #tpu.memory_space<vmem>>
      %dma_wait3A_1824 = arith.constant 0 : i32
      %dma_wait3A_1825 = arith.constant 0 : i32
      %dma_wait3A_1826 = tpu.memref_slice %arg4[%dma_wait3A_1824, %dma_wait3A_1825] : memref<16x1000000xf32, #tpu.memory_space<hbm>> -> memref<8x128xf32, #tpu.memory_space<hbm>>
      tpu.wait_dma2 semaphore(%arg17 : memref<!tpu.dma_semaphore, #tpu.memory_space<semaphore_mem>>) src(%dma_wait3A_1826 : memref<8x128xf32, #tpu.memory_space<hbm>>) dst(%dma_wait3A_1823 : memref<8x128xf32, #tpu.memory_space<vmem>>)
      %dma_wait3A_1827 = arith.constant 0 : i32
      %dma_wait3A_1828 = arith.constant 0 : i32
      %dma_wait3A_1829 = arith.constant 0 : i32
      %dma_wait3A_1830 = tpu.memref_slice %arg11[%dma_wait3A_1827, %dma_wait3A_1828, %dma_wait3A_1829] : memref<16x16x128xf32, #tpu.memory_space<vmem>> -> memref<1x8x128xf32, #tpu.memory_space<vmem>>
      %dma_wait3A_1831 = tpu.memref_squeeze %dma_wait3A_1830 : memref<1x8x128xf32, #tpu.memory_space<vmem>> -> memref<8x128xf32, #tpu.memory_space<vmem>>
      %dma_wait3A_1832 = arith.constant 0 : i32
      %dma_wait3A_1833 = arith.constant 0 : i32
      %dma_wait3A_1834 = tpu.memref_slice %arg4[%dma_wait3A_1832, %dma_wait3A_1833] : memref<16x1000000xf32, #tpu.memory_space<hbm>> -> memref<8x128xf32, #tpu.memory_space<hbm>>
      %dma_wait3A_1835 = arith.constant 0 : i32
      %dma_wait3A_1836 = arith.constant 0 : i32
      %dma_wait3A_1837 = tpu.memref_slice %arg11[%dma_wait3A_1827, %dma_wait3A_1835, %dma_wait3A_1836] : memref<16x16x128xf32, #tpu.memory_space<vmem>> -> memref<1x8x128xf32, #tpu.memory_space<vmem>>
      %dma_wait3A_1838 = tpu.memref_squeeze %dma_wait3A_1837 : memref<1x8x128xf32, #tpu.memory_space<vmem>> -> memref<8x128xf32, #tpu.memory_space<vmem>>
      %dma_wait3A_1839 = arith.constant 0 : i32
      %dma_wait3A_1840 = arith.constant 0 : i32
      %dma_wait3A_1841 = tpu.memref_slice %arg4[%dma_wait3A_1839, %dma_wait3A_1840] : memref<16x1000000xf32, #tpu.memory_space<hbm>> -> memref<8x128xf32, #tpu.memory_space<hbm>>
      tpu.wait_dma2 semaphore(%arg17 : memref<!tpu.dma_semaphore, #tpu.memory_space<semaphore_mem>>) src(%dma_wait3A_1841 : memref<8x128xf32, #tpu.memory_space<hbm>>) dst(%dma_wait3A_1838 : memref<8x128xf32, #tpu.memory_space<vmem>>)
      %dma_wait3A_1842 = arith.constant 0 : i32
      %dma_wait3A_1843 = arith.constant 0 : i32
      %dma_wait3A_1844 = arith.constant 0 : i32
      %dma_wait3A_1845 = tpu.memref_slice %arg11[%dma_wait3A_1842, %dma_wait3A_1843, %dma_wait3A_1844] : memref<16x16x128xf32, #tpu.memory_space<vmem>> -> memref<1x8x128xf32, #tpu.memory_space<vmem>>
      %dma_wait3A_1846 = tpu.memref_squeeze %dma_wait3A_1845 : memref<1x8x128xf32, #tpu.memory_space<vmem>> -> memref<8x128xf32, #tpu.memory_space<vmem>>
      %dma_wait3A_1847 = arith.constant 0 : i32
      %dma_wait3A_1848 = arith.constant 0 : i32
      %dma_wait3A_1849 = tpu.memref_slice %arg4[%dma_wait3A_1847, %dma_wait3A_1848] : memref<16x1000000xf32, #tpu.memory_space<hbm>> -> memref<8x128xf32, #tpu.memory_space<hbm>>
      %dma_wait3A_1850 = arith.constant 0 : i32
      %dma_wait3A_1851 = arith.constant 0 : i32
      %dma_wait3A_1852 = tpu.memref_slice %arg11[%dma_wait3A_1842, %dma_wait3A_1850, %dma_wait3A_1851] : memref<16x16x128xf32, #tpu.memory_space<vmem>> -> memref<1x8x128xf32, #tpu.memory_space<vmem>>
      %dma_wait3A_1853 = tpu.memref_squeeze %dma_wait3A_1852 : memref<1x8x128xf32, #tpu.memory_space<vmem>> -> memref<8x128xf32, #tpu.memory_space<vmem>>
      %dma_wait3A_1854 = arith.constant 0 : i32
      %dma_wait3A_1855 = arith.constant 0 : i32
      %dma_wait3A_1856 = tpu.memref_slice %arg4[%dma_wait3A_1854, %dma_wait3A_1855] : memref<16x1000000xf32, #tpu.memory_space<hbm>> -> memref<8x128xf32, #tpu.memory_space<hbm>>
      tpu.wait_dma2 semaphore(%arg17 : memref<!tpu.dma_semaphore, #tpu.memory_space<semaphore_mem>>) src(%dma_wait3A_1856 : memref<8x128xf32, #tpu.memory_space<hbm>>) dst(%dma_wait3A_1853 : memref<8x128xf32, #tpu.memory_space<vmem>>)
      %dma_wait3A_1857 = arith.constant 0 : i32
      %dma_wait3A_1858 = arith.constant 0 : i32
      %dma_wait3A_1859 = arith.constant 0 : i32
      %dma_wait3A_1860 = tpu.memref_slice %arg11[%dma_wait3A_1857, %dma_wait3A_1858, %dma_wait3A_1859] : memref<16x16x128xf32, #tpu.memory_space<vmem>> -> memref<1x8x128xf32, #tpu.memory_space<vmem>>
      %dma_wait3A_1861 = tpu.memref_squeeze %dma_wait3A_1860 : memref<1x8x128xf32, #tpu.memory_space<vmem>> -> memref<8x128xf32, #tpu.memory_space<vmem>>
      %dma_wait3A_1862 = arith.constant 0 : i32
      %dma_wait3A_1863 = arith.constant 0 : i32
      %dma_wait3A_1864 = tpu.memref_slice %arg4[%dma_wait3A_1862, %dma_wait3A_1863] : memref<16x1000000xf32, #tpu.memory_space<hbm>> -> memref<8x128xf32, #tpu.memory_space<hbm>>
      %dma_wait3A_1865 = arith.constant 0 : i32
      %dma_wait3A_1866 = arith.constant 0 : i32
      %dma_wait3A_1867 = tpu.memref_slice %arg11[%dma_wait3A_1857, %dma_wait3A_1865, %dma_wait3A_1866] : memref<16x16x128xf32, #tpu.memory_space<vmem>> -> memref<1x8x128xf32, #tpu.memory_space<vmem>>
      %dma_wait3A_1868 = tpu.memref_squeeze %dma_wait3A_1867 : memref<1x8x128xf32, #tpu.memory_space<vmem>> -> memref<8x128xf32, #tpu.memory_space<vmem>>
      %dma_wait3A_1869 = arith.constant 0 : i32
      %dma_wait3A_1870 = arith.constant 0 : i32
      %dma_wait3A_1871 = tpu.memref_slice %arg4[%dma_wait3A_1869, %dma_wait3A_1870] : memref<16x1000000xf32, #tpu.memory_space<hbm>> -> memref<8x128xf32, #tpu.memory_space<hbm>>
      tpu.wait_dma2 semaphore(%arg17 : memref<!tpu.dma_semaphore, #tpu.memory_space<semaphore_mem>>) src(%dma_wait3A_1871 : memref<8x128xf32, #tpu.memory_space<hbm>>) dst(%dma_wait3A_1868 : memref<8x128xf32, #tpu.memory_space<vmem>>)
      %dma_wait3A_1872 = arith.constant 0 : i32
      %dma_wait3A_1873 = arith.constant 0 : i32
      %dma_wait3A_1874 = arith.constant 0 : i32
      %dma_wait3A_1875 = tpu.memref_slice %arg11[%dma_wait3A_1872, %dma_wait3A_1873, %dma_wait3A_1874] : memref<16x16x128xf32, #tpu.memory_space<vmem>> -> memref<1x8x128xf32, #tpu.memory_space<vmem>>
      %dma_wait3A_1876 = tpu.memref_squeeze %dma_wait3A_1875 : memref<1x8x128xf32, #tpu.memory_space<vmem>> -> memref<8x128xf32, #tpu.memory_space<vmem>>
      %dma_wait3A_1877 = arith.constant 0 : i32
      %dma_wait3A_1878 = arith.constant 0 : i32
      %dma_wait3A_1879 = tpu.memref_slice %arg4[%dma_wait3A_1877, %dma_wait3A_1878] : memref<16x1000000xf32, #tpu.memory_space<hbm>> -> memref<8x128xf32, #tpu.memory_space<hbm>>
      %dma_wait3A_1880 = arith.constant 0 : i32
      %dma_wait3A_1881 = arith.constant 0 : i32
      %dma_wait3A_1882 = tpu.memref_slice %arg11[%dma_wait3A_1872, %dma_wait3A_1880, %dma_wait3A_1881] : memref<16x16x128xf32, #tpu.memory_space<vmem>> -> memref<1x8x128xf32, #tpu.memory_space<vmem>>
      %dma_wait3A_1883 = tpu.memref_squeeze %dma_wait3A_1882 : memref<1x8x128xf32, #tpu.memory_space<vmem>> -> memref<8x128xf32, #tpu.memory_space<vmem>>
      %dma_wait3A_1884 = arith.constant 0 : i32
      %dma_wait3A_1885 = arith.constant 0 : i32
      %dma_wait3A_1886 = tpu.memref_slice %arg4[%dma_wait3A_1884, %dma_wait3A_1885] : memref<16x1000000xf32, #tpu.memory_space<hbm>> -> memref<8x128xf32, #tpu.memory_space<hbm>>
      tpu.wait_dma2 semaphore(%arg17 : memref<!tpu.dma_semaphore, #tpu.memory_space<semaphore_mem>>) src(%dma_wait3A_1886 : memref<8x128xf32, #tpu.memory_space<hbm>>) dst(%dma_wait3A_1883 : memref<8x128xf32, #tpu.memory_space<vmem>>)
      %dma_wait3A_1887 = arith.constant 0 : i32
      %dma_wait3A_1888 = arith.constant 0 : i32
      %dma_wait3A_1889 = arith.constant 0 : i32
      %dma_wait3A_1890 = tpu.memref_slice %arg11[%dma_wait3A_1887, %dma_wait3A_1888, %dma_wait3A_1889] : memref<16x16x128xf32, #tpu.memory_space<vmem>> -> memref<1x8x128xf32, #tpu.memory_space<vmem>>
      %dma_wait3A_1891 = tpu.memref_squeeze %dma_wait3A_1890 : memref<1x8x128xf32, #tpu.memory_space<vmem>> -> memref<8x128xf32, #tpu.memory_space<vmem>>
      %dma_wait3A_1892 = arith.constant 0 : i32
      %dma_wait3A_1893 = arith.constant 0 : i32
      %dma_wait3A_1894 = tpu.memref_slice %arg4[%dma_wait3A_1892, %dma_wait3A_1893] : memref<16x1000000xf32, #tpu.memory_space<hbm>> -> memref<8x128xf32, #tpu.memory_space<hbm>>
      %dma_wait3A_1895 = arith.constant 0 : i32
      %dma_wait3A_1896 = arith.constant 0 : i32
      %dma_wait3A_1897 = tpu.memref_slice %arg11[%dma_wait3A_1887, %dma_wait3A_1895, %dma_wait3A_1896] : memref<16x16x128xf32, #tpu.memory_space<vmem>> -> memref<1x8x128xf32, #tpu.memory_space<vmem>>
      %dma_wait3A_1898 = tpu.memref_squeeze %dma_wait3A_1897 : memref<1x8x128xf32, #tpu.memory_space<vmem>> -> memref<8x128xf32, #tpu.memory_space<vmem>>
      %dma_wait3A_1899 = arith.constant 0 : i32
      %dma_wait3A_1900 = arith.constant 0 : i32
      %dma_wait3A_1901 = tpu.memref_slice %arg4[%dma_wait3A_1899, %dma_wait3A_1900] : memref<16x1000000xf32, #tpu.memory_space<hbm>> -> memref<8x128xf32, #tpu.memory_space<hbm>>
      tpu.wait_dma2 semaphore(%arg17 : memref<!tpu.dma_semaphore, #tpu.memory_space<semaphore_mem>>) src(%dma_wait3A_1901 : memref<8x128xf32, #tpu.memory_space<hbm>>) dst(%dma_wait3A_1898 : memref<8x128xf32, #tpu.memory_space<vmem>>)
      %dma_wait3A_1902 = arith.constant 0 : i32
      %dma_wait3A_1903 = arith.constant 0 : i32
      %dma_wait3A_1904 = arith.constant 0 : i32
      %dma_wait3A_1905 = tpu.memref_slice %arg11[%dma_wait3A_1902, %dma_wait3A_1903, %dma_wait3A_1904] : memref<16x16x128xf32, #tpu.memory_space<vmem>> -> memref<1x8x128xf32, #tpu.memory_space<vmem>>
      %dma_wait3A_1906 = tpu.memref_squeeze %dma_wait3A_1905 : memref<1x8x128xf32, #tpu.memory_space<vmem>> -> memref<8x128xf32, #tpu.memory_space<vmem>>
      %dma_wait3A_1907 = arith.constant 0 : i32
      %dma_wait3A_1908 = arith.constant 0 : i32
      %dma_wait3A_1909 = tpu.memref_slice %arg4[%dma_wait3A_1907, %dma_wait3A_1908] : memref<16x1000000xf32, #tpu.memory_space<hbm>> -> memref<8x128xf32, #tpu.memory_space<hbm>>
      %dma_wait3A_1910 = arith.constant 0 : i32
      %dma_wait3A_1911 = arith.constant 0 : i32
      %dma_wait3A_1912 = tpu.memref_slice %arg11[%dma_wait3A_1902, %dma_wait3A_1910, %dma_wait3A_1911] : memref<16x16x128xf32, #tpu.memory_space<vmem>> -> memref<1x8x128xf32, #tpu.memory_space<vmem>>
      %dma_wait3A_1913 = tpu.memref_squeeze %dma_wait3A_1912 : memref<1x8x128xf32, #tpu.memory_space<vmem>> -> memref<8x128xf32, #tpu.memory_space<vmem>>
      %dma_wait3A_1914 = arith.constant 0 : i32
      %dma_wait3A_1915 = arith.constant 0 : i32
      %dma_wait3A_1916 = tpu.memref_slice %arg4[%dma_wait3A_1914, %dma_wait3A_1915] : memref<16x1000000xf32, #tpu.memory_space<hbm>> -> memref<8x128xf32, #tpu.memory_space<hbm>>
      tpu.wait_dma2 semaphore(%arg17 : memref<!tpu.dma_semaphore, #tpu.memory_space<semaphore_mem>>) src(%dma_wait3A_1916 : memref<8x128xf32, #tpu.memory_space<hbm>>) dst(%dma_wait3A_1913 : memref<8x128xf32, #tpu.memory_space<vmem>>)
      %dma_wait3A_1917 = arith.constant 0 : i32
      %dma_wait3A_1918 = arith.constant 0 : i32
      %dma_wait3A_1919 = arith.constant 0 : i32
      %dma_wait3A_1920 = tpu.memref_slice %arg11[%dma_wait3A_1917, %dma_wait3A_1918, %dma_wait3A_1919] : memref<16x16x128xf32, #tpu.memory_space<vmem>> -> memref<1x8x128xf32, #tpu.memory_space<vmem>>
      %dma_wait3A_1921 = tpu.memref_squeeze %dma_wait3A_1920 : memref<1x8x128xf32, #tpu.memory_space<vmem>> -> memref<8x128xf32, #tpu.memory_space<vmem>>
      %dma_wait3A_1922 = arith.constant 0 : i32
      %dma_wait3A_1923 = arith.constant 0 : i32
      %dma_wait3A_1924 = tpu.memref_slice %arg4[%dma_wait3A_1922, %dma_wait3A_1923] : memref<16x1000000xf32, #tpu.memory_space<hbm>> -> memref<8x128xf32, #tpu.memory_space<hbm>>
      %dma_wait3A_1925 = arith.constant 0 : i32
      %dma_wait3A_1926 = arith.constant 0 : i32
      %dma_wait3A_1927 = tpu.memref_slice %arg11[%dma_wait3A_1917, %dma_wait3A_1925, %dma_wait3A_1926] : memref<16x16x128xf32, #tpu.memory_space<vmem>> -> memref<1x8x128xf32, #tpu.memory_space<vmem>>
      %dma_wait3A_1928 = tpu.memref_squeeze %dma_wait3A_1927 : memref<1x8x128xf32, #tpu.memory_space<vmem>> -> memref<8x128xf32, #tpu.memory_space<vmem>>
      %dma_wait3A_1929 = arith.constant 0 : i32
      %dma_wait3A_1930 = arith.constant 0 : i32
      %dma_wait3A_1931 = tpu.memref_slice %arg4[%dma_wait3A_1929, %dma_wait3A_1930] : memref<16x1000000xf32, #tpu.memory_space<hbm>> -> memref<8x128xf32, #tpu.memory_space<hbm>>
      tpu.wait_dma2 semaphore(%arg17 : memref<!tpu.dma_semaphore, #tpu.memory_space<semaphore_mem>>) src(%dma_wait3A_1931 : memref<8x128xf32, #tpu.memory_space<hbm>>) dst(%dma_wait3A_1928 : memref<8x128xf32, #tpu.memory_space<vmem>>)
      %dma_wait3A_1932 = arith.constant 0 : i32
      %dma_wait3A_1933 = arith.constant 0 : i32
      %dma_wait3A_1934 = arith.constant 0 : i32
      %dma_wait3A_1935 = tpu.memref_slice %arg11[%dma_wait3A_1932, %dma_wait3A_1933, %dma_wait3A_1934] : memref<16x16x128xf32, #tpu.memory_space<vmem>> -> memref<1x8x128xf32, #tpu.memory_space<vmem>>
      %dma_wait3A_1936 = tpu.memref_squeeze %dma_wait3A_1935 : memref<1x8x128xf32, #tpu.memory_space<vmem>> -> memref<8x128xf32, #tpu.memory_space<vmem>>
      %dma_wait3A_1937 = arith.constant 0 : i32
      %dma_wait3A_1938 = arith.constant 0 : i32
      %dma_wait3A_1939 = tpu.memref_slice %arg4[%dma_wait3A_1937, %dma_wait3A_1938] : memref<16x1000000xf32, #tpu.memory_space<hbm>> -> memref<8x128xf32, #tpu.memory_space<hbm>>
      %dma_wait3A_1940 = arith.constant 0 : i32
      %dma_wait3A_1941 = arith.constant 0 : i32
      %dma_wait3A_1942 = tpu.memref_slice %arg11[%dma_wait3A_1932, %dma_wait3A_1940, %dma_wait3A_1941] : memref<16x16x128xf32, #tpu.memory_space<vmem>> -> memref<1x8x128xf32, #tpu.memory_space<vmem>>
      %dma_wait3A_1943 = tpu.memref_squeeze %dma_wait3A_1942 : memref<1x8x128xf32, #tpu.memory_space<vmem>> -> memref<8x128xf32, #tpu.memory_space<vmem>>
      %dma_wait3A_1944 = arith.constant 0 : i32
      %dma_wait3A_1945 = arith.constant 0 : i32
      %dma_wait3A_1946 = tpu.memref_slice %arg4[%dma_wait3A_1944, %dma_wait3A_1945] : memref<16x1000000xf32, #tpu.memory_space<hbm>> -> memref<8x128xf32, #tpu.memory_space<hbm>>
      tpu.wait_dma2 semaphore(%arg17 : memref<!tpu.dma_semaphore, #tpu.memory_space<semaphore_mem>>) src(%dma_wait3A_1946 : memref<8x128xf32, #tpu.memory_space<hbm>>) dst(%dma_wait3A_1943 : memref<8x128xf32, #tpu.memory_space<vmem>>)
      %dma_wait3A_1947 = arith.constant 0 : i32
      %dma_wait3A_1948 = arith.constant 0 : i32
      %dma_wait3A_1949 = arith.constant 0 : i32
      %dma_wait3A_1950 = tpu.memref_slice %arg11[%dma_wait3A_1947, %dma_wait3A_1948, %dma_wait3A_1949] : memref<16x16x128xf32, #tpu.memory_space<vmem>> -> memref<1x8x128xf32, #tpu.memory_space<vmem>>
      %dma_wait3A_1951 = tpu.memref_squeeze %dma_wait3A_1950 : memref<1x8x128xf32, #tpu.memory_space<vmem>> -> memref<8x128xf32, #tpu.memory_space<vmem>>
      %dma_wait3A_1952 = arith.constant 0 : i32
      %dma_wait3A_1953 = arith.constant 0 : i32
      %dma_wait3A_1954 = tpu.memref_slice %arg4[%dma_wait3A_1952, %dma_wait3A_1953] : memref<16x1000000xf32, #tpu.memory_space<hbm>> -> memref<8x128xf32, #tpu.memory_space<hbm>>
      %dma_wait3A_1955 = arith.constant 0 : i32
      %dma_wait3A_1956 = arith.constant 0 : i32
      %dma_wait3A_1957 = tpu.memref_slice %arg11[%dma_wait3A_1947, %dma_wait3A_1955, %dma_wait3A_1956] : memref<16x16x128xf32, #tpu.memory_space<vmem>> -> memref<1x8x128xf32, #tpu.memory_space<vmem>>
      %dma_wait3A_1958 = tpu.memref_squeeze %dma_wait3A_1957 : memref<1x8x128xf32, #tpu.memory_space<vmem>> -> memref<8x128xf32, #tpu.memory_space<vmem>>
      %dma_wait3A_1959 = arith.constant 0 : i32
      %dma_wait3A_1960 = arith.constant 0 : i32
      %dma_wait3A_1961 = tpu.memref_slice %arg4[%dma_wait3A_1959, %dma_wait3A_1960] : memref<16x1000000xf32, #tpu.memory_space<hbm>> -> memref<8x128xf32, #tpu.memory_space<hbm>>
      tpu.wait_dma2 semaphore(%arg17 : memref<!tpu.dma_semaphore, #tpu.memory_space<semaphore_mem>>) src(%dma_wait3A_1961 : memref<8x128xf32, #tpu.memory_space<hbm>>) dst(%dma_wait3A_1958 : memref<8x128xf32, #tpu.memory_space<vmem>>)
      %dma_wait3A_1962 = arith.constant 0 : i32
      %dma_wait3A_1963 = arith.constant 0 : i32
      %dma_wait3A_1964 = arith.constant 0 : i32
      %dma_wait3A_1965 = tpu.memref_slice %arg11[%dma_wait3A_1962, %dma_wait3A_1963, %dma_wait3A_1964] : memref<16x16x128xf32, #tpu.memory_space<vmem>> -> memref<1x8x128xf32, #tpu.memory_space<vmem>>
      %dma_wait3A_1966 = tpu.memref_squeeze %dma_wait3A_1965 : memref<1x8x128xf32, #tpu.memory_space<vmem>> -> memref<8x128xf32, #tpu.memory_space<vmem>>
      %dma_wait3A_1967 = arith.constant 0 : i32
      %dma_wait3A_1968 = arith.constant 0 : i32
      %dma_wait3A_1969 = tpu.memref_slice %arg4[%dma_wait3A_1967, %dma_wait3A_1968] : memref<16x1000000xf32, #tpu.memory_space<hbm>> -> memref<8x128xf32, #tpu.memory_space<hbm>>
      %dma_wait3A_1970 = arith.constant 0 : i32
      %dma_wait3A_1971 = arith.constant 0 : i32
      %dma_wait3A_1972 = tpu.memref_slice %arg11[%dma_wait3A_1962, %dma_wait3A_1970, %dma_wait3A_1971] : memref<16x16x128xf32, #tpu.memory_space<vmem>> -> memref<1x8x128xf32, #tpu.memory_space<vmem>>
      %dma_wait3A_1973 = tpu.memref_squeeze %dma_wait3A_1972 : memref<1x8x128xf32, #tpu.memory_space<vmem>> -> memref<8x128xf32, #tpu.memory_space<vmem>>
      %dma_wait3A_1974 = arith.constant 0 : i32
      %dma_wait3A_1975 = arith.constant 0 : i32
      %dma_wait3A_1976 = tpu.memref_slice %arg4[%dma_wait3A_1974, %dma_wait3A_1975] : memref<16x1000000xf32, #tpu.memory_space<hbm>> -> memref<8x128xf32, #tpu.memory_space<hbm>>
      tpu.wait_dma2 semaphore(%arg17 : memref<!tpu.dma_semaphore, #tpu.memory_space<semaphore_mem>>) src(%dma_wait3A_1976 : memref<8x128xf32, #tpu.memory_space<hbm>>) dst(%dma_wait3A_1973 : memref<8x128xf32, #tpu.memory_space<vmem>>)
      %dma_wait3A_1977 = arith.constant 0 : i32
      %dma_wait3A_1978 = arith.constant 0 : i32
      %dma_wait3A_1979 = arith.constant 0 : i32
      %dma_wait3A_1980 = tpu.memref_slice %arg11[%dma_wait3A_1977, %dma_wait3A_1978, %dma_wait3A_1979] : memref<16x16x128xf32, #tpu.memory_space<vmem>> -> memref<1x8x128xf32, #tpu.memory_space<vmem>>
      %dma_wait3A_1981 = tpu.memref_squeeze %dma_wait3A_1980 : memref<1x8x128xf32, #tpu.memory_space<vmem>> -> memref<8x128xf32, #tpu.memory_space<vmem>>
      %dma_wait3A_1982 = arith.constant 0 : i32
      %dma_wait3A_1983 = arith.constant 0 : i32
      %dma_wait3A_1984 = tpu.memref_slice %arg4[%dma_wait3A_1982, %dma_wait3A_1983] : memref<16x1000000xf32, #tpu.memory_space<hbm>> -> memref<8x128xf32, #tpu.memory_space<hbm>>
      %dma_wait3A_1985 = arith.constant 0 : i32
      %dma_wait3A_1986 = arith.constant 0 : i32
      %dma_wait3A_1987 = tpu.memref_slice %arg11[%dma_wait3A_1977, %dma_wait3A_1985, %dma_wait3A_1986] : memref<16x16x128xf32, #tpu.memory_space<vmem>> -> memref<1x8x128xf32, #tpu.memory_space<vmem>>
      %dma_wait3A_1988 = tpu.memref_squeeze %dma_wait3A_1987 : memref<1x8x128xf32, #tpu.memory_space<vmem>> -> memref<8x128xf32, #tpu.memory_space<vmem>>
      %dma_wait3A_1989 = arith.constant 0 : i32
      %dma_wait3A_1990 = arith.constant 0 : i32
      %dma_wait3A_1991 = tpu.memref_slice %arg4[%dma_wait3A_1989, %dma_wait3A_1990] : memref<16x1000000xf32, #tpu.memory_space<hbm>> -> memref<8x128xf32, #tpu.memory_space<hbm>>
      tpu.wait_dma2 semaphore(%arg17 : memref<!tpu.dma_semaphore, #tpu.memory_space<semaphore_mem>>) src(%dma_wait3A_1991 : memref<8x128xf32, #tpu.memory_space<hbm>>) dst(%dma_wait3A_1988 : memref<8x128xf32, #tpu.memory_space<vmem>>)
      %dma_wait3A_1992 = arith.constant 0 : i32
      %dma_wait3A_1993 = arith.constant 0 : i32
      %dma_wait3A_1994 = arith.constant 0 : i32
      %dma_wait3A_1995 = tpu.memref_slice %arg11[%dma_wait3A_1992, %dma_wait3A_1993, %dma_wait3A_1994] : memref<16x16x128xf32, #tpu.memory_space<vmem>> -> memref<1x8x128xf32, #tpu.memory_space<vmem>>
      %dma_wait3A_1996 = tpu.memref_squeeze %dma_wait3A_1995 : memref<1x8x128xf32, #tpu.memory_space<vmem>> -> memref<8x128xf32, #tpu.memory_space<vmem>>
      %dma_wait3A_1997 = arith.constant 0 : i32
      %dma_wait3A_1998 = arith.constant 0 : i32
      %dma_wait3A_1999 = tpu.memref_slice %arg4[%dma_wait3A_1997, %dma_wait3A_1998] : memref<16x1000000xf32, #tpu.memory_space<hbm>> -> memref<8x128xf32, #tpu.memory_space<hbm>>
      %dma_wait3A_2000 = arith.constant 0 : i32
      %dma_wait3A_2001 = arith.constant 0 : i32
      %dma_wait3A_2002 = tpu.memref_slice %arg11[%dma_wait3A_1992, %dma_wait3A_2000, %dma_wait3A_2001] : memref<16x16x128xf32, #tpu.memory_space<vmem>> -> memref<1x8x128xf32, #tpu.memory_space<vmem>>
      %dma_wait3A_2003 = tpu.memref_squeeze %dma_wait3A_2002 : memref<1x8x128xf32, #tpu.memory_space<vmem>> -> memref<8x128xf32, #tpu.memory_space<vmem>>
      %dma_wait3A_2004 = arith.constant 0 : i32
      %dma_wait3A_2005 = arith.constant 0 : i32
      %dma_wait3A_2006 = tpu.memref_slice %arg4[%dma_wait3A_2004, %dma_wait3A_2005] : memref<16x1000000xf32, #tpu.memory_space<hbm>> -> memref<8x128xf32, #tpu.memory_space<hbm>>
      tpu.wait_dma2 semaphore(%arg17 : memref<!tpu.dma_semaphore, #tpu.memory_space<semaphore_mem>>) src(%dma_wait3A_2006 : memref<8x128xf32, #tpu.memory_space<hbm>>) dst(%dma_wait3A_2003 : memref<8x128xf32, #tpu.memory_space<vmem>>)
      %dma_wait3A_2007 = arith.constant 0 : i32
      %dma_wait3A_2008 = arith.constant 0 : i32
      %dma_wait3A_2009 = arith.constant 0 : i32
      %dma_wait3A_2010 = tpu.memref_slice %arg11[%dma_wait3A_2007, %dma_wait3A_2008, %dma_wait3A_2009] : memref<16x16x128xf32, #tpu.memory_space<vmem>> -> memref<1x8x128xf32, #tpu.memory_space<vmem>>
      %dma_wait3A_2011 = tpu.memref_squeeze %dma_wait3A_2010 : memref<1x8x128xf32, #tpu.memory_space<vmem>> -> memref<8x128xf32, #tpu.memory_space<vmem>>
      %dma_wait3A_2012 = arith.constant 0 : i32
      %dma_wait3A_2013 = arith.constant 0 : i32
      %dma_wait3A_2014 = tpu.memref_slice %arg4[%dma_wait3A_2012, %dma_wait3A_2013] : memref<16x1000000xf32, #tpu.memory_space<hbm>> -> memref<8x128xf32, #tpu.memory_space<hbm>>
      %dma_wait3A_2015 = arith.constant 0 : i32
      %dma_wait3A_2016 = arith.constant 0 : i32
      %dma_wait3A_2017 = tpu.memref_slice %arg11[%dma_wait3A_2007, %dma_wait3A_2015, %dma_wait3A_2016] : memref<16x16x128xf32, #tpu.memory_space<vmem>> -> memref<1x8x128xf32, #tpu.memory_space<vmem>>
      %dma_wait3A_2018 = tpu.memref_squeeze %dma_wait3A_2017 : memref<1x8x128xf32, #tpu.memory_space<vmem>> -> memref<8x128xf32, #tpu.memory_space<vmem>>
      %dma_wait3A_2019 = arith.constant 0 : i32
      %dma_wait3A_2020 = arith.constant 0 : i32
      %dma_wait3A_2021 = tpu.memref_slice %arg4[%dma_wait3A_2019, %dma_wait3A_2020] : memref<16x1000000xf32, #tpu.memory_space<hbm>> -> memref<8x128xf32, #tpu.memory_space<hbm>>
      tpu.wait_dma2 semaphore(%arg17 : memref<!tpu.dma_semaphore, #tpu.memory_space<semaphore_mem>>) src(%dma_wait3A_2021 : memref<8x128xf32, #tpu.memory_space<hbm>>) dst(%dma_wait3A_2018 : memref<8x128xf32, #tpu.memory_space<vmem>>)
      %dma_wait3A_2022 = arith.constant 0 : i32
      %dma_wait3A_2023 = arith.constant 0 : i32
      %dma_wait3A_2024 = arith.constant 0 : i32
      %dma_wait3A_2025 = tpu.memref_slice %arg11[%dma_wait3A_2022, %dma_wait3A_2023, %dma_wait3A_2024] : memref<16x16x128xf32, #tpu.memory_space<vmem>> -> memref<1x8x128xf32, #tpu.memory_space<vmem>>
      %dma_wait3A_2026 = tpu.memref_squeeze %dma_wait3A_2025 : memref<1x8x128xf32, #tpu.memory_space<vmem>> -> memref<8x128xf32, #tpu.memory_space<vmem>>
      %dma_wait3A_2027 = arith.constant 0 : i32
      %dma_wait3A_2028 = arith.constant 0 : i32
      %dma_wait3A_2029 = tpu.memref_slice %arg4[%dma_wait3A_2027, %dma_wait3A_2028] : memref<16x1000000xf32, #tpu.memory_space<hbm>> -> memref<8x128xf32, #tpu.memory_space<hbm>>
      %dma_wait3A_2030 = arith.constant 0 : i32
      %dma_wait3A_2031 = arith.constant 0 : i32
      %dma_wait3A_2032 = tpu.memref_slice %arg11[%dma_wait3A_2022, %dma_wait3A_2030, %dma_wait3A_2031] : memref<16x16x128xf32, #tpu.memory_space<vmem>> -> memref<1x8x128xf32, #tpu.memory_space<vmem>>
      %dma_wait3A_2033 = tpu.memref_squeeze %dma_wait3A_2032 : memref<1x8x128xf32, #tpu.memory_space<vmem>> -> memref<8x128xf32, #tpu.memory_space<vmem>>
      %dma_wait3A_2034 = arith.constant 0 : i32
      %dma_wait3A_2035 = arith.constant 0 : i32
      %dma_wait3A_2036 = tpu.memref_slice %arg4[%dma_wait3A_2034, %dma_wait3A_2035] : memref<16x1000000xf32, #tpu.memory_space<hbm>> -> memref<8x128xf32, #tpu.memory_space<hbm>>
      tpu.wait_dma2 semaphore(%arg17 : memref<!tpu.dma_semaphore, #tpu.memory_space<semaphore_mem>>) src(%dma_wait3A_2036 : memref<8x128xf32, #tpu.memory_space<hbm>>) dst(%dma_wait3A_2033 : memref<8x128xf32, #tpu.memory_space<vmem>>)
      %dma_wait3A_2037 = arith.constant 0 : i32
      %dma_wait3A_2038 = arith.constant 0 : i32
      %dma_wait3A_2039 = arith.constant 0 : i32
      %dma_wait3A_2040 = tpu.memref_slice %arg11[%dma_wait3A_2037, %dma_wait3A_2038, %dma_wait3A_2039] : memref<16x16x128xf32, #tpu.memory_space<vmem>> -> memref<1x8x128xf32, #tpu.memory_space<vmem>>
      %dma_wait3A_2041 = tpu.memref_squeeze %dma_wait3A_2040 : memref<1x8x128xf32, #tpu.memory_space<vmem>> -> memref<8x128xf32, #tpu.memory_space<vmem>>
      %dma_wait3A_2042 = arith.constant 0 : i32
      %dma_wait3A_2043 = arith.constant 0 : i32
      %dma_wait3A_2044 = tpu.memref_slice %arg4[%dma_wait3A_2042, %dma_wait3A_2043] : memref<16x1000000xf32, #tpu.memory_space<hbm>> -> memref<8x128xf32, #tpu.memory_space<hbm>>
      %dma_wait3A_2045 = arith.constant 0 : i32
      %dma_wait3A_2046 = arith.constant 0 : i32
      %dma_wait3A_2047 = tpu.memref_slice %arg11[%dma_wait3A_2037, %dma_wait3A_2045, %dma_wait3A_2046] : memref<16x16x128xf32, #tpu.memory_space<vmem>> -> memref<1x8x128xf32, #tpu.memory_space<vmem>>
      %dma_wait3A_2048 = tpu.memref_squeeze %dma_wait3A_2047 : memref<1x8x128xf32, #tpu.memory_space<vmem>> -> memref<8x128xf32, #tpu.memory_space<vmem>>
      %dma_wait3A_2049 = arith.constant 0 : i32
      %dma_wait3A_2050 = arith.constant 0 : i32
      %dma_wait3A_2051 = tpu.memref_slice %arg4[%dma_wait3A_2049, %dma_wait3A_2050] : memref<16x1000000xf32, #tpu.memory_space<hbm>> -> memref<8x128xf32, #tpu.memory_space<hbm>>
      tpu.wait_dma2 semaphore(%arg17 : memref<!tpu.dma_semaphore, #tpu.memory_space<semaphore_mem>>) src(%dma_wait3A_2051 : memref<8x128xf32, #tpu.memory_space<hbm>>) dst(%dma_wait3A_2048 : memref<8x128xf32, #tpu.memory_space<vmem>>)
      %dma_wait3A_2052 = arith.constant 0 : i32
      %dma_wait3A_2053 = arith.constant 0 : i32
      %dma_wait3A_2054 = arith.constant 0 : i32
      %dma_wait3A_2055 = tpu.memref_slice %arg11[%dma_wait3A_2052, %dma_wait3A_2053, %dma_wait3A_2054] : memref<16x16x128xf32, #tpu.memory_space<vmem>> -> memref<1x8x128xf32, #tpu.memory_space<vmem>>
      %dma_wait3A_2056 = tpu.memref_squeeze %dma_wait3A_2055 : memref<1x8x128xf32, #tpu.memory_space<vmem>> -> memref<8x128xf32, #tpu.memory_space<vmem>>
      %dma_wait3A_2057 = arith.constant 0 : i32
      %dma_wait3A_2058 = arith.constant 0 : i32
      %dma_wait3A_2059 = tpu.memref_slice %arg4[%dma_wait3A_2057, %dma_wait3A_2058] : memref<16x1000000xf32, #tpu.memory_space<hbm>> -> memref<8x128xf32, #tpu.memory_space<hbm>>
      %dma_wait3A_2060 = arith.constant 0 : i32
      %dma_wait3A_2061 = arith.constant 0 : i32
      %dma_wait3A_2062 = tpu.memref_slice %arg11[%dma_wait3A_2052, %dma_wait3A_2060, %dma_wait3A_2061] : memref<16x16x128xf32, #tpu.memory_space<vmem>> -> memref<1x8x128xf32, #tpu.memory_space<vmem>>
      %dma_wait3A_2063 = tpu.memref_squeeze %dma_wait3A_2062 : memref<1x8x128xf32, #tpu.memory_space<vmem>> -> memref<8x128xf32, #tpu.memory_space<vmem>>
      %dma_wait3A_2064 = arith.constant 0 : i32
      %dma_wait3A_2065 = arith.constant 0 : i32
      %dma_wait3A_2066 = tpu.memref_slice %arg4[%dma_wait3A_2064, %dma_wait3A_2065] : memref<16x1000000xf32, #tpu.memory_space<hbm>> -> memref<8x128xf32, #tpu.memory_space<hbm>>
      tpu.wait_dma2 semaphore(%arg17 : memref<!tpu.dma_semaphore, #tpu.memory_space<semaphore_mem>>) src(%dma_wait3A_2066 : memref<8x128xf32, #tpu.memory_space<hbm>>) dst(%dma_wait3A_2063 : memref<8x128xf32, #tpu.memory_space<vmem>>)
      %dma_wait3A_2067 = arith.constant 0 : i32
      %dma_wait3A_2068 = arith.constant 0 : i32
      %dma_wait3A_2069 = arith.constant 0 : i32
      %dma_wait3A_2070 = tpu.memref_slice %arg11[%dma_wait3A_2067, %dma_wait3A_2068, %dma_wait3A_2069] : memref<16x16x128xf32, #tpu.memory_space<vmem>> -> memref<1x8x128xf32, #tpu.memory_space<vmem>>
      %dma_wait3A_2071 = tpu.memref_squeeze %dma_wait3A_2070 : memref<1x8x128xf32, #tpu.memory_space<vmem>> -> memref<8x128xf32, #tpu.memory_space<vmem>>
      %dma_wait3A_2072 = arith.constant 0 : i32
      %dma_wait3A_2073 = arith.constant 0 : i32
      %dma_wait3A_2074 = tpu.memref_slice %arg4[%dma_wait3A_2072, %dma_wait3A_2073] : memref<16x1000000xf32, #tpu.memory_space<hbm>> -> memref<8x128xf32, #tpu.memory_space<hbm>>
      %dma_wait3A_2075 = arith.constant 0 : i32
      %dma_wait3A_2076 = arith.constant 0 : i32
      %dma_wait3A_2077 = tpu.memref_slice %arg11[%dma_wait3A_2067, %dma_wait3A_2075, %dma_wait3A_2076] : memref<16x16x128xf32, #tpu.memory_space<vmem>> -> memref<1x8x128xf32, #tpu.memory_space<vmem>>
      %dma_wait3A_2078 = tpu.memref_squeeze %dma_wait3A_2077 : memref<1x8x128xf32, #tpu.memory_space<vmem>> -> memref<8x128xf32, #tpu.memory_space<vmem>>
      %dma_wait3A_2079 = arith.constant 0 : i32
      %dma_wait3A_2080 = arith.constant 0 : i32
      %dma_wait3A_2081 = tpu.memref_slice %arg4[%dma_wait3A_2079, %dma_wait3A_2080] : memref<16x1000000xf32, #tpu.memory_space<hbm>> -> memref<8x128xf32, #tpu.memory_space<hbm>>
      tpu.wait_dma2 semaphore(%arg17 : memref<!tpu.dma_semaphore, #tpu.memory_space<semaphore_mem>>) src(%dma_wait3A_2081 : memref<8x128xf32, #tpu.memory_space<hbm>>) dst(%dma_wait3A_2078 : memref<8x128xf32, #tpu.memory_space<vmem>>)
      %dma_wait3A_2082 = arith.constant 0 : i32
      %dma_wait3A_2083 = arith.constant 0 : i32
      %dma_wait3A_2084 = arith.constant 0 : i32
      %dma_wait3A_2085 = tpu.memref_slice %arg11[%dma_wait3A_2082, %dma_wait3A_2083, %dma_wait3A_2084] : memref<16x16x128xf32, #tpu.memory_space<vmem>> -> memref<1x8x128xf32, #tpu.memory_space<vmem>>
      %dma_wait3A_2086 = tpu.memref_squeeze %dma_wait3A_2085 : memref<1x8x128xf32, #tpu.memory_space<vmem>> -> memref<8x128xf32, #tpu.memory_space<vmem>>
      %dma_wait3A_2087 = arith.constant 0 : i32
      %dma_wait3A_2088 = arith.constant 0 : i32
      %dma_wait3A_2089 = tpu.memref_slice %arg4[%dma_wait3A_2087, %dma_wait3A_2088] : memref<16x1000000xf32, #tpu.memory_space<hbm>> -> memref<8x128xf32, #tpu.memory_space<hbm>>
      %dma_wait3A_2090 = arith.constant 0 : i32
      %dma_wait3A_2091 = arith.constant 0 : i32
      %dma_wait3A_2092 = tpu.memref_slice %arg11[%dma_wait3A_2082, %dma_wait3A_2090, %dma_wait3A_2091] : memref<16x16x128xf32, #tpu.memory_space<vmem>> -> memref<1x8x128xf32, #tpu.memory_space<vmem>>
      %dma_wait3A_2093 = tpu.memref_squeeze %dma_wait3A_2092 : memref<1x8x128xf32, #tpu.memory_space<vmem>> -> memref<8x128xf32, #tpu.memory_space<vmem>>
      %dma_wait3A_2094 = arith.constant 0 : i32
      %dma_wait3A_2095 = arith.constant 0 : i32
      %dma_wait3A_2096 = tpu.memref_slice %arg4[%dma_wait3A_2094, %dma_wait3A_2095] : memref<16x1000000xf32, #tpu.memory_space<hbm>> -> memref<8x128xf32, #tpu.memory_space<hbm>>
      tpu.wait_dma2 semaphore(%arg17 : memref<!tpu.dma_semaphore, #tpu.memory_space<semaphore_mem>>) src(%dma_wait3A_2096 : memref<8x128xf32, #tpu.memory_space<hbm>>) dst(%dma_wait3A_2093 : memref<8x128xf32, #tpu.memory_space<vmem>>)
      %dma_wait3A_2097 = arith.constant 0 : i32
      %dma_wait3A_2098 = arith.constant 0 : i32
      %dma_wait3A_2099 = arith.constant 0 : i32
      %dma_wait3A_2100 = tpu.memref_slice %arg11[%dma_wait3A_2097, %dma_wait3A_2098, %dma_wait3A_2099] : memref<16x16x128xf32, #tpu.memory_space<vmem>> -> memref<1x8x128xf32, #tpu.memory_space<vmem>>
      %dma_wait3A_2101 = tpu.memref_squeeze %dma_wait3A_2100 : memref<1x8x128xf32, #tpu.memory_space<vmem>> -> memref<8x128xf32, #tpu.memory_space<vmem>>
      %dma_wait3A_2102 = arith.constant 0 : i32
      %dma_wait3A_2103 = arith.constant 0 : i32
      %dma_wait3A_2104 = tpu.memref_slice %arg4[%dma_wait3A_2102, %dma_wait3A_2103] : memref<16x1000000xf32, #tpu.memory_space<hbm>> -> memref<8x128xf32, #tpu.memory_space<hbm>>
      %dma_wait3A_2105 = arith.constant 0 : i32
      %dma_wait3A_2106 = arith.constant 0 : i32
      %dma_wait3A_2107 = tpu.memref_slice %arg11[%dma_wait3A_2097, %dma_wait3A_2105, %dma_wait3A_2106] : memref<16x16x128xf32, #tpu.memory_space<vmem>> -> memref<1x8x128xf32, #tpu.memory_space<vmem>>
      %dma_wait3A_2108 = tpu.memref_squeeze %dma_wait3A_2107 : memref<1x8x128xf32, #tpu.memory_space<vmem>> -> memref<8x128xf32, #tpu.memory_space<vmem>>
      %dma_wait3A_2109 = arith.constant 0 : i32
      %dma_wait3A_2110 = arith.constant 0 : i32
      %dma_wait3A_2111 = tpu.memref_slice %arg4[%dma_wait3A_2109, %dma_wait3A_2110] : memref<16x1000000xf32, #tpu.memory_space<hbm>> -> memref<8x128xf32, #tpu.memory_space<hbm>>
      tpu.wait_dma2 semaphore(%arg17 : memref<!tpu.dma_semaphore, #tpu.memory_space<semaphore_mem>>) src(%dma_wait3A_2111 : memref<8x128xf32, #tpu.memory_space<hbm>>) dst(%dma_wait3A_2108 : memref<8x128xf32, #tpu.memory_space<vmem>>)
      %dma_wait3A_2112 = arith.constant 0 : i32
      %dma_wait3A_2113 = arith.constant 0 : i32
      %dma_wait3A_2114 = arith.constant 0 : i32
      %dma_wait3A_2115 = tpu.memref_slice %arg11[%dma_wait3A_2112, %dma_wait3A_2113, %dma_wait3A_2114] : memref<16x16x128xf32, #tpu.memory_space<vmem>> -> memref<1x8x128xf32, #tpu.memory_space<vmem>>
      %dma_wait3A_2116 = tpu.memref_squeeze %dma_wait3A_2115 : memref<1x8x128xf32, #tpu.memory_space<vmem>> -> memref<8x128xf32, #tpu.memory_space<vmem>>
      %dma_wait3A_2117 = arith.constant 0 : i32
      %dma_wait3A_2118 = arith.constant 0 : i32
      %dma_wait3A_2119 = tpu.memref_slice %arg4[%dma_wait3A_2117, %dma_wait3A_2118] : memref<16x1000000xf32, #tpu.memory_space<hbm>> -> memref<8x128xf32, #tpu.memory_space<hbm>>
      %dma_wait3A_2120 = arith.constant 0 : i32
      %dma_wait3A_2121 = arith.constant 0 : i32
      %dma_wait3A_2122 = tpu.memref_slice %arg11[%dma_wait3A_2112, %dma_wait3A_2120, %dma_wait3A_2121] : memref<16x16x128xf32, #tpu.memory_space<vmem>> -> memref<1x8x128xf32, #tpu.memory_space<vmem>>
      %dma_wait3A_2123 = tpu.memref_squeeze %dma_wait3A_2122 : memref<1x8x128xf32, #tpu.memory_space<vmem>> -> memref<8x128xf32, #tpu.memory_space<vmem>>
      %dma_wait3A_2124 = arith.constant 0 : i32
      %dma_wait3A_2125 = arith.constant 0 : i32
      %dma_wait3A_2126 = tpu.memref_slice %arg4[%dma_wait3A_2124, %dma_wait3A_2125] : memref<16x1000000xf32, #tpu.memory_space<hbm>> -> memref<8x128xf32, #tpu.memory_space<hbm>>
      tpu.wait_dma2 semaphore(%arg17 : memref<!tpu.dma_semaphore, #tpu.memory_space<semaphore_mem>>) src(%dma_wait3A_2126 : memref<8x128xf32, #tpu.memory_space<hbm>>) dst(%dma_wait3A_2123 : memref<8x128xf32, #tpu.memory_space<vmem>>)
      %and3A = arith.constant 127 : i32
      %and3A_2127 = vector.broadcast %and3A : i32 to vector<16xi32>
      %and3A_2128 = arith.andi %get3A_113, %and3A_2127 : vector<16xi32>
      %and3A_2129 = arith.constant 127 : i32
      %and3A_2130 = vector.broadcast %and3A_2129 : i32 to vector<16xi32>
      %and3A_2131 = arith.andi %get3A_115, %and3A_2130 : vector<16xi32>
      %broadcast_in_dim3A = arith.constant 0.000000e+00 : f32
      %broadcast_in_dim3A_2132 = vector.broadcast %broadcast_in_dim3A : f32 to vector<16xf32>
      %broadcast_in_dim3A_2133 = arith.constant 0 : i32
      %broadcast_in_dim3A_2134 = vector.broadcast %broadcast_in_dim3A_2133 : i32 to vector<16xi32>
      %gather3A = tpu.vector_load_idx %arg11[%iota3A, %broadcast_in_dim3A_2134, %and3A_2128] : memref<16x16x128xf32, #tpu.memory_space<vmem>>[vector<16xi32>, vector<16xi32>, vector<16xi32>], vector<16xf32>,
      %gather3A_2135 = tpu.vector_load_idx %arg12[%iota3A, %broadcast_in_dim3A_2134, %and3A_2131] : memref<16x16x128xf32, #tpu.memory_space<vmem>>[vector<16xi32>, vector<16xi32>, vector<16xi32>], vector<16xf32>,
      %mul3A_2136 = arith.mulf %gather3A, %gather3A_2135 : vector<16xf32>
      %add3A_2137 = arith.addf %broadcast_in_dim3A_2132, %mul3A_2136 : vector<16xf32>
      %broadcast_in_dim3A_2138 = arith.constant 1 : i32
      %broadcast_in_dim3A_2139 = vector.broadcast %broadcast_in_dim3A_2138 : i32 to vector<16xi32>
      %gather3A_2140 = tpu.vector_load_idx %arg11[%iota3A, %broadcast_in_dim3A_2139, %and3A_2128] : memref<16x16x128xf32, #tpu.memory_space<vmem>>[vector<16xi32>, vector<16xi32>, vector<16xi32>], vector<16xf32>,
      %gather3A_2141 = tpu.vector_load_idx %arg12[%iota3A, %broadcast_in_dim3A_2139, %and3A_2131] : memref<16x16x128xf32, #tpu.memory_space<vmem>>[vector<16xi32>, vector<16xi32>, vector<16xi32>], vector<16xf32>,
      %mul3A_2142 = arith.mulf %gather3A_2140, %gather3A_2141 : vector<16xf32>
      %add3A_2143 = arith.addf %add3A_2137, %mul3A_2142 : vector<16xf32>
      %broadcast_in_dim3A_2144 = arith.constant 2 : i32
      %broadcast_in_dim3A_2145 = vector.broadcast %broadcast_in_dim3A_2144 : i32 to vector<16xi32>
      %gather3A_2146 = tpu.vector_load_idx %arg11[%iota3A, %broadcast_in_dim3A_2145, %and3A_2128] : memref<16x16x128xf32, #tpu.memory_space<vmem>>[vector<16xi32>, vector<16xi32>, vector<16xi32>], vector<16xf32>,
      %gather3A_2147 = tpu.vector_load_idx %arg12[%iota3A, %broadcast_in_dim3A_2145, %and3A_2131] : memref<16x16x128xf32, #tpu.memory_space<vmem>>[vector<16xi32>, vector<16xi32>, vector<16xi32>], vector<16xf32>,
      %mul3A_2148 = arith.mulf %gather3A_2146, %gather3A_2147 : vector<16xf32>
      %add3A_2149 = arith.addf %add3A_2143, %mul3A_2148 : vector<16xf32>
      %broadcast_in_dim3A_2150 = arith.constant 3 : i32
      %broadcast_in_dim3A_2151 = vector.broadcast %broadcast_in_dim3A_2150 : i32 to vector<16xi32>
      %gather3A_2152 = tpu.vector_load_idx %arg11[%iota3A, %broadcast_in_dim3A_2151, %and3A_2128] : memref<16x16x128xf32, #tpu.memory_space<vmem>>[vector<16xi32>, vector<16xi32>, vector<16xi32>], vector<16xf32>,
      %gather3A_2153 = tpu.vector_load_idx %arg12[%iota3A, %broadcast_in_dim3A_2151, %and3A_2131] : memref<16x16x128xf32, #tpu.memory_space<vmem>>[vector<16xi32>, vector<16xi32>, vector<16xi32>], vector<16xf32>,
      %mul3A_2154 = arith.mulf %gather3A_2152, %gather3A_2153 : vector<16xf32>
      %add3A_2155 = arith.addf %add3A_2149, %mul3A_2154 : vector<16xf32>
      %broadcast_in_dim3A_2156 = arith.constant 4 : i32
      %broadcast_in_dim3A_2157 = vector.broadcast %broadcast_in_dim3A_2156 : i32 to vector<16xi32>
      %gather3A_2158 = tpu.vector_load_idx %arg11[%iota3A, %broadcast_in_dim3A_2157, %and3A_2128] : memref<16x16x128xf32, #tpu.memory_space<vmem>>[vector<16xi32>, vector<16xi32>, vector<16xi32>], vector<16xf32>,
      %gather3A_2159 = tpu.vector_load_idx %arg12[%iota3A, %broadcast_in_dim3A_2157, %and3A_2131] : memref<16x16x128xf32, #tpu.memory_space<vmem>>[vector<16xi32>, vector<16xi32>, vector<16xi32>], vector<16xf32>,
      %mul3A_2160 = arith.mulf %gather3A_2158, %gather3A_2159 : vector<16xf32>
      %add3A_2161 = arith.addf %add3A_2155, %mul3A_2160 : vector<16xf32>
      %broadcast_in_dim3A_2162 = arith.constant 5 : i32
      %broadcast_in_dim3A_2163 = vector.broadcast %broadcast_in_dim3A_2162 : i32 to vector<16xi32>
      %gather3A_2164 = tpu.vector_load_idx %arg11[%iota3A, %broadcast_in_dim3A_2163, %and3A_2128] : memref<16x16x128xf32, #tpu.memory_space<vmem>>[vector<16xi32>, vector<16xi32>, vector<16xi32>], vector<16xf32>,
      %gather3A_2165 = tpu.vector_load_idx %arg12[%iota3A, %broadcast_in_dim3A_2163, %and3A_2131] : memref<16x16x128xf32, #tpu.memory_space<vmem>>[vector<16xi32>, vector<16xi32>, vector<16xi32>], vector<16xf32>,
      %mul3A_2166 = arith.mulf %gather3A_2164, %gather3A_2165 : vector<16xf32>
      %add3A_2167 = arith.addf %add3A_2161, %mul3A_2166 : vector<16xf32>
      %broadcast_in_dim3A_2168 = arith.constant 6 : i32
      %broadcast_in_dim3A_2169 = vector.broadcast %broadcast_in_dim3A_2168 : i32 to vector<16xi32>
      %gather3A_2170 = tpu.vector_load_idx %arg11[%iota3A, %broadcast_in_dim3A_2169, %and3A_2128] : memref<16x16x128xf32, #tpu.memory_space<vmem>>[vector<16xi32>, vector<16xi32>, vector<16xi32>], vector<16xf32>,
      %gather3A_2171 = tpu.vector_load_idx %arg12[%iota3A, %broadcast_in_dim3A_2169, %and3A_2131] : memref<16x16x128xf32, #tpu.memory_space<vmem>>[vector<16xi32>, vector<16xi32>, vector<16xi32>], vector<16xf32>,
      %mul3A_2172 = arith.mulf %gather3A_2170, %gather3A_2171 : vector<16xf32>
      %add3A_2173 = arith.addf %add3A_2167, %mul3A_2172 : vector<16xf32>
      %broadcast_in_dim3A_2174 = arith.constant 7 : i32
      %broadcast_in_dim3A_2175 = vector.broadcast %broadcast_in_dim3A_2174 : i32 to vector<16xi32>
      %gather3A_2176 = tpu.vector_load_idx %arg11[%iota3A, %broadcast_in_dim3A_2175, %and3A_2128] : memref<16x16x128xf32, #tpu.memory_space<vmem>>[vector<16xi32>, vector<16xi32>, vector<16xi32>], vector<16xf32>,
      %gather3A_2177 = tpu.vector_load_idx %arg12[%iota3A, %broadcast_in_dim3A_2175, %and3A_2131] : memref<16x16x128xf32, #tpu.memory_space<vmem>>[vector<16xi32>, vector<16xi32>, vector<16xi32>], vector<16xf32>,
      %mul3A_2178 = arith.mulf %gather3A_2176, %gather3A_2177 : vector<16xf32>
      %add3A_2179 = arith.addf %add3A_2173, %mul3A_2178 : vector<16xf32>
      %broadcast_in_dim3A_2180 = arith.constant 8 : i32
      %broadcast_in_dim3A_2181 = vector.broadcast %broadcast_in_dim3A_2180 : i32 to vector<16xi32>
      %gather3A_2182 = tpu.vector_load_idx %arg11[%iota3A, %broadcast_in_dim3A_2181, %and3A_2128] : memref<16x16x128xf32, #tpu.memory_space<vmem>>[vector<16xi32>, vector<16xi32>, vector<16xi32>], vector<16xf32>,
      %gather3A_2183 = tpu.vector_load_idx %arg12[%iota3A, %broadcast_in_dim3A_2181, %and3A_2131] : memref<16x16x128xf32, #tpu.memory_space<vmem>>[vector<16xi32>, vector<16xi32>, vector<16xi32>], vector<16xf32>,
      %mul3A_2184 = arith.mulf %gather3A_2182, %gather3A_2183 : vector<16xf32>
      %add3A_2185 = arith.addf %add3A_2179, %mul3A_2184 : vector<16xf32>
      %broadcast_in_dim3A_2186 = arith.constant 9 : i32
      %broadcast_in_dim3A_2187 = vector.broadcast %broadcast_in_dim3A_2186 : i32 to vector<16xi32>
      %gather3A_2188 = tpu.vector_load_idx %arg11[%iota3A, %broadcast_in_dim3A_2187, %and3A_2128] : memref<16x16x128xf32, #tpu.memory_space<vmem>>[vector<16xi32>, vector<16xi32>, vector<16xi32>], vector<16xf32>,
      %gather3A_2189 = tpu.vector_load_idx %arg12[%iota3A, %broadcast_in_dim3A_2187, %and3A_2131] : memref<16x16x128xf32, #tpu.memory_space<vmem>>[vector<16xi32>, vector<16xi32>, vector<16xi32>], vector<16xf32>,
      %mul3A_2190 = arith.mulf %gather3A_2188, %gather3A_2189 : vector<16xf32>
      %add3A_2191 = arith.addf %add3A_2185, %mul3A_2190 : vector<16xf32>
      %broadcast_in_dim3A_2192 = arith.constant 10 : i32
      %broadcast_in_dim3A_2193 = vector.broadcast %broadcast_in_dim3A_2192 : i32 to vector<16xi32>
      %gather3A_2194 = tpu.vector_load_idx %arg11[%iota3A, %broadcast_in_dim3A_2193, %and3A_2128] : memref<16x16x128xf32, #tpu.memory_space<vmem>>[vector<16xi32>, vector<16xi32>, vector<16xi32>], vector<16xf32>,
      %gather3A_2195 = tpu.vector_load_idx %arg12[%iota3A, %broadcast_in_dim3A_2193, %and3A_2131] : memref<16x16x128xf32, #tpu.memory_space<vmem>>[vector<16xi32>, vector<16xi32>, vector<16xi32>], vector<16xf32>,
      %mul3A_2196 = arith.mulf %gather3A_2194, %gather3A_2195 : vector<16xf32>
      %add3A_2197 = arith.addf %add3A_2191, %mul3A_2196 : vector<16xf32>
      %broadcast_in_dim3A_2198 = arith.constant 11 : i32
      %broadcast_in_dim3A_2199 = vector.broadcast %broadcast_in_dim3A_2198 : i32 to vector<16xi32>
      %gather3A_2200 = tpu.vector_load_idx %arg11[%iota3A, %broadcast_in_dim3A_2199, %and3A_2128] : memref<16x16x128xf32, #tpu.memory_space<vmem>>[vector<16xi32>, vector<16xi32>, vector<16xi32>], vector<16xf32>,
      %gather3A_2201 = tpu.vector_load_idx %arg12[%iota3A, %broadcast_in_dim3A_2199, %and3A_2131] : memref<16x16x128xf32, #tpu.memory_space<vmem>>[vector<16xi32>, vector<16xi32>, vector<16xi32>], vector<16xf32>,
      %mul3A_2202 = arith.mulf %gather3A_2200, %gather3A_2201 : vector<16xf32>
      %add3A_2203 = arith.addf %add3A_2197, %mul3A_2202 : vector<16xf32>
      %broadcast_in_dim3A_2204 = arith.constant 12 : i32
      %broadcast_in_dim3A_2205 = vector.broadcast %broadcast_in_dim3A_2204 : i32 to vector<16xi32>
      %gather3A_2206 = tpu.vector_load_idx %arg11[%iota3A, %broadcast_in_dim3A_2205, %and3A_2128] : memref<16x16x128xf32, #tpu.memory_space<vmem>>[vector<16xi32>, vector<16xi32>, vector<16xi32>], vector<16xf32>,
      %gather3A_2207 = tpu.vector_load_idx %arg12[%iota3A, %broadcast_in_dim3A_2205, %and3A_2131] : memref<16x16x128xf32, #tpu.memory_space<vmem>>[vector<16xi32>, vector<16xi32>, vector<16xi32>], vector<16xf32>,
      %mul3A_2208 = arith.mulf %gather3A_2206, %gather3A_2207 : vector<16xf32>
      %add3A_2209 = arith.addf %add3A_2203, %mul3A_2208 : vector<16xf32>
      %broadcast_in_dim3A_2210 = arith.constant 13 : i32
      %broadcast_in_dim3A_2211 = vector.broadcast %broadcast_in_dim3A_2210 : i32 to vector<16xi32>
      %gather3A_2212 = tpu.vector_load_idx %arg11[%iota3A, %broadcast_in_dim3A_2211, %and3A_2128] : memref<16x16x128xf32, #tpu.memory_space<vmem>>[vector<16xi32>, vector<16xi32>, vector<16xi32>], vector<16xf32>,
      %gather3A_2213 = tpu.vector_load_idx %arg12[%iota3A, %broadcast_in_dim3A_2211, %and3A_2131] : memref<16x16x128xf32, #tpu.memory_space<vmem>>[vector<16xi32>, vector<16xi32>, vector<16xi32>], vector<16xf32>,
      %mul3A_2214 = arith.mulf %gather3A_2212, %gather3A_2213 : vector<16xf32>
      %add3A_2215 = arith.addf %add3A_2209, %mul3A_2214 : vector<16xf32>
      %broadcast_in_dim3A_2216 = arith.constant 14 : i32
      %broadcast_in_dim3A_2217 = vector.broadcast %broadcast_in_dim3A_2216 : i32 to vector<16xi32>
      %gather3A_2218 = tpu.vector_load_idx %arg11[%iota3A, %broadcast_in_dim3A_2217, %and3A_2128] : memref<16x16x128xf32, #tpu.memory_space<vmem>>[vector<16xi32>, vector<16xi32>, vector<16xi32>], vector<16xf32>,
      %gather3A_2219 = tpu.vector_load_idx %arg12[%iota3A, %broadcast_in_dim3A_2217, %and3A_2131] : memref<16x16x128xf32, #tpu.memory_space<vmem>>[vector<16xi32>, vector<16xi32>, vector<16xi32>], vector<16xf32>,
      %mul3A_2220 = arith.mulf %gather3A_2218, %gather3A_2219 : vector<16xf32>
      %add3A_2221 = arith.addf %add3A_2215, %mul3A_2220 : vector<16xf32>
      %broadcast_in_dim3A_2222 = arith.constant 15 : i32
      %broadcast_in_dim3A_2223 = vector.broadcast %broadcast_in_dim3A_2222 : i32 to vector<16xi32>
      %gather3A_2224 = tpu.vector_load_idx %arg11[%iota3A, %broadcast_in_dim3A_2223, %and3A_2128] : memref<16x16x128xf32, #tpu.memory_space<vmem>>[vector<16xi32>, vector<16xi32>, vector<16xi32>], vector<16xf32>,
      %gather3A_2225 = tpu.vector_load_idx %arg12[%iota3A, %broadcast_in_dim3A_2223, %and3A_2131] : memref<16x16x128xf32, #tpu.memory_space<vmem>>[vector<16xi32>, vector<16xi32>, vector<16xi32>], vector<16xf32>,
      %mul3A_2226 = arith.mulf %gather3A_2224, %gather3A_2225 : vector<16xf32>
      %add3A_2227 = arith.addf %add3A_2221, %mul3A_2226 : vector<16xf32>
      %mul3A_2228 = arith.constant 16 : i32
      %mul3A_2229 = arith.muli %scan3A_110, %mul3A_2228 : i32
      %multiple_of3A_2230 = tpu.assume_multiple %mul3A_2229, 16 : i32
      %get3A_2231 = arith.index_cast %multiple_of3A_2230 : i32 to index
      %get3A_2232 = tpu.vector_load %arg13[%get3A_2231] {strides = array<i32>} : memref<512xf32, #tpu.memory_space<vmem>>, vector<16xf32>,
      %add3A_2233 = arith.addf %add3A_2227, %get3A_2232 : vector<16xf32>
      %get3A_2234 = arith.index_cast %multiple_of3A_2230 : i32 to index
      %get3A_2235 = tpu.vector_load %arg14[%get3A_2234] {strides = array<i32>} : memref<512xf32, #tpu.memory_space<vmem>>, vector<16xf32>,
      %add3A_2236 = arith.addf %add3A_2233, %get3A_2235 : vector<16xf32>
      %add3A_2237 = arith.constant 7.000000e+00 : f32
      %add3A_2238 = vector.broadcast %add3A_2237 : f32 to vector<16xf32>
      %add3A_2239 = arith.addf %add3A_2236, %add3A_2238 : vector<16xf32>
      %swap3A = arith.index_cast %multiple_of3A_2230 : i32 to index
      %swap3A_2240 = tpu.vector_load %arg15[%swap3A] {strides = array<i32>} : memref<512xf32, #tpu.memory_space<vmem>>, vector<16xf32>,
      tpu.vector_store %arg15[%swap3A], %add3A_2239 {strides = array<i32>} : memref<512xf32, #tpu.memory_space<vmem>>, vector<16xf32>,
    }
    %scan3A_109 = arith.constant 32 : i32
    "tpu.region"() ({
      %run_scoped3A = tpu.sem_alloc : memref<!tpu.dma_semaphore, #tpu.memory_space<semaphore_mem>>
      %dma_start3A_110 = tpu.memref_slice %arg8[%mul3A_2] : memref<16384xf32, #tpu.memory_space<hbm>> -> memref<512xf32, #tpu.memory_space<hbm>>
      %dma_start3A_111 = tpu.memref_slice %arg8[%mul3A_2] : memref<16384xf32, #tpu.memory_space<hbm>> -> memref<512xf32, #tpu.memory_space<hbm>>
      tpu.enqueue_dma source(%arg15 : memref<512xf32, #tpu.memory_space<vmem>>) target(%dma_start3A_111 : memref<512xf32, #tpu.memory_space<hbm>>) target_semaphore(%run_scoped3A : memref<!tpu.dma_semaphore, #tpu.memory_space<semaphore_mem>>)
      %dma_wait3A_112 = tpu.memref_slice %arg8[%mul3A_2] : memref<16384xf32, #tpu.memory_space<hbm>> -> memref<512xf32, #tpu.memory_space<hbm>>
      %dma_wait3A_113 = tpu.memref_slice %arg8[%mul3A_2] : memref<16384xf32, #tpu.memory_space<hbm>> -> memref<512xf32, #tpu.memory_space<hbm>>
      tpu.wait_dma2 semaphore(%run_scoped3A : memref<!tpu.dma_semaphore, #tpu.memory_space<semaphore_mem>>) src(%arg15 : memref<512xf32, #tpu.memory_space<vmem>>) dst(%dma_wait3A_113 : memref<512xf32, #tpu.memory_space<hbm>>)
      tpu.yield
    }) : () -> ()
    return
  }
}

</mosaic_0001>

<sc_bundles>
// kernel: kernel.3.cloned.1.call-start
scs
__scs_entry_jumppad:
0x0: {  	(pc) =	sbr.rel $0x88, $3  }
0x1: {  	(tag) =	ssettag $0x0;
	lr =	simm.s32 $0x1  }
0x2: {  	[smem:$0x3F9B] =	sst lr;
	_ =	strace $0xD0000000  }
0x3: {  	_ = 	snop  }
0x4: {  	_ = 	snop  }
0x5: {  	_ = 	snop  }
0x6: {  	_ = 	snop  }
0x7: {  	_ = 	snop  }
__scs_overlays_trampoline_lowered:
0x8: {  	[smem:$0x3FAA] =	sst s0  }
0x9: {  	[smem:$0x3FAB] =	sst s1  }
0xa: {  	[smem:$0x3FAC] =	sst s2  }
0xb: {  	[smem:$0x3FAD] =	sst s3  }
0xc: {  	[smem:$0x3FAE] =	sst s4  }
0xd: {  	[smem:$0x3FAF] =	sst s5  }
0xe: {  	[smem:$0x3FB0] =	sst s6  }
0xf: {  	[smem:$0x3FB1] =	sst s7  }
0x10: {  	[smem:$0x3FB2] =	sst s8  }
0x11: {  	[smem:$0x3FB3] =	sst s9;
	s0 =	simm.s32 @!p0 $0x0  }
0x12: {  	s1 =	sld [smem:$0x3F99];
	s0 =	simm.s32 @p0 $0x1  }
0x13: {  	[smem:$0x3FB4] =	sst s0;
	s0 =	simm.s32 @!p1 $0x0  }
0x14: {  	s2 =	sld [smem:$0x3F98];
	s0 =	simm.s32 @p1 $0x1  }
0x15: {  	[smem:$0x3FB5] =	sst s0;
	s0 =	simm.s32 @!p2 $0x0  }
0x16: {  	s3 =	sld [smem:$0x3FDB];
	s0 =	simm.s32 @p2 $0x1  }
0x17: {  	s4 =	simm.s32 $0x1BF5;
	[smem:$0x3FB7] =	sst s0  }
0x18: {  	s0 =	sld [smem:$0x3F9A];
	_ =	swait.ge [sflag:s4], $0x0  }
0x19: {  	s7 =	sld [smem:$0x3F9B]  }
0x1a: {  	s8 =	sadd.s32 $0xFFFFE003, lr  }
0x1b: {  	s9 =	sadd.s32 $0xFFFFFEF7, lr;
	s5 =	simm.s32 $0xFFFFFFFF;
	p2 =	slt.u32 s8, $0xFFFFF086  }
0x1c: {  	p1 =	slt.u32 s9, $0xF7A;
	s5 =	simm.s32 @!p2 $0x0  }
0x1d: {  	s5 =	simm.s32 @p1 $0x1;
	p0 =	seq.s32 s7, s2  }
0x1e: {  	s7 =	smul.u32 @!p0 $0xF7A, s2;
	p2 =	seq.s32 @!p0 s5, $0x0  }
0x1f: {  	s9 =	smul.u32 $0xF7A, s1;
	s8 =	simm.s32 @!p0 $0x1BF5;
	p2 =	por !p2, p0  }
0x20: {  	[sflag:s8] =	ssyncset.s32 @!p0 $0xFFFFF086;
	s6 =	sadd.s32 @!p0 s3, s7;
	s7 =	simm.s32 @!p0 $0x108  }
0x21: {  	s3 =	sadd.s32 s3, s9;
	s6 =	sadd.s32 @!p0 $0x88, s6;
	s7 =	simm.s32 @p2 $0x1082  }
0x22: {  	[simem:s7], [sflag:s8] =	dma.local @!p0 [hbm:s6], $0xF7A  }
0x23: {  	s9 =	sor.u32 $0xD0000000, s2;
	s6 =	simm.s32 $0x108;
	_ =	swait.ge @!p0 [sflag:s8], $0x0  }
0x24: {  	s3 =	sadd.s32 $0x88, s3;
	s6 =	simm.s32 @!p1 $0x1082;
	[sflag:s4] =	ssyncset.s32 $0xFFFFF086  }
0x25: {  	[simem:s6], [sflag:s4] =	dma.local [hbm:s3], $0xF7A  }
0x26: {  	[smem:$0x3F9B] =	sst s1;
	(tag) =	ssettag s2;
	_ =	strace s9  }
0x27: {  	s1 =	sld [smem:$0x3FAB]  }
0x28: {  	s2 =	sld [smem:$0x3FAC]  }
0x29: {  	s4 =	sld [smem:$0x3FAE]  }
0x2a: {  	p0 =	seq.s32 s5, $0x0;
	s5 =	sld [smem:$0x3FAF]  }
0x2b: {  	s6 =	sld [smem:$0x3FB0]  }
0x2c: {  	s7 =	sld [smem:$0x3FB1]  }
0x2d: {  	s3 =	simm.s32 $0x108;
	s8 =	sld [smem:$0x3FB2]  }
0x2e: {  	s3 =	simm.s32 @!p0 $0x1082;
	s9 =	sld [smem:$0x3FB3]  }
0x2f: {  	lr =	sadd.s32 s0, s3;
	s0 =	sld [smem:$0x3FAA]  }
0x30: {  	s3 =	sld [smem:$0x3FAD]  }
0x31: {  	[smem:$0x3FB6] =	sst s10  }
0x32: {  	s10 =	sld [smem:$0x3FB4];
	_ =	sdelay $0x3  }
0x33: {  	p0 =	seq.s32 s10, $0x1;
	s10 =	sld [smem:$0x3FB6];
	_ =	sdelay $0x3  }
0x34: {  	[smem:$0x3FB6] =	sst s10  }
0x35: {  	s10 =	sld [smem:$0x3FB5];
	_ =	sdelay $0x3  }
0x36: {  	p1 =	seq.s32 s10, $0x1;
	s10 =	sld [smem:$0x3FB6];
	_ =	sdelay $0x3  }
0x37: {  	[smem:$0x3FB6] =	sst s10  }
0x38: {  	s10 =	sld [smem:$0x3FB7]  }
0x39: {  	_ = 	snop;
	(pc) =	sbr.ind lr, $3  }
0x3a: {  	_ = 	snop  }
0x3b: {  	_ = 	snop  }
0x3c: {  	p2 =	seq.s32 s10, $0x1;
	s10 =	sld [smem:$0x3FB6]  }
0x3d: {  	_ =	shalt  }
0x3e: {  	_ =	shalt  }
0x3f: {  	_ =	shalt  }
0x40: {  	_ =	shalt  }
0x41: {  	_ =	shalt  }
0x42: {  	_ =	shalt  }
0x43: {  	_ =	shalt  }
0x44: {  	_ =	shalt  }
0x45: {  	_ =	shalt  }
0x46: {  	_ =	shalt  }
0x47: {  	_ =	shalt  }
0x48: {  	_ =	shalt  }
0x49: {  	_ =	shalt  }
0x4a: {  	_ =	shalt  }
0x4b: {  	_ =	shalt  }
0x4c: {  	_ =	shalt  }
0x4d: {  	_ =	shalt  }
0x4e: {  	_ =	shalt  }
0x4f: {  	_ =	shalt  }
0x50: {  	_ =	shalt  }
0x51: {  	_ =	shalt  }
0x52: {  	_ =	shalt  }
0x53: {  	_ =	shalt  }
0x54: {  	_ =	shalt  }
0x55: {  	_ =	shalt  }
0x56: {  	_ =	shalt  }
0x57: {  	_ =	shalt  }
0x58: {  	_ =	shalt  }
0x59: {  	_ =	shalt  }
0x5a: {  	_ =	shalt  }
0x5b: {  	_ =	shalt  }
0x5c: {  	_ =	shalt  }
0x5d: {  	_ =	shalt  }
0x5e: {  	_ =	shalt  }
0x5f: {  	_ =	shalt  }
0x60: {  	_ =	shalt  }
0x61: {  	_ =	shalt  }
0x62: {  	_ =	shalt  }
0x63: {  	_ =	shalt  }
0x64: {  	_ =	shalt  }
0x65: {  	_ =	shalt  }
0x66: {  	_ =	shalt  }
0x67: {  	_ =	shalt  }
0x68: {  	_ =	shalt  }
0x69: {  	_ =	shalt  }
0x6a: {  	_ =	shalt  }
0x6b: {  	_ =	shalt  }
0x6c: {  	_ =	shalt  }
0x6d: {  	_ =	shalt  }
0x6e: {  	_ =	shalt  }
0x6f: {  	_ =	shalt  }
0x70: {  	_ =	shalt  }
0x71: {  	_ =	shalt  }
0x72: {  	_ =	shalt  }
0x73: {  	_ =	shalt  }
0x74: {  	_ =	shalt  }
0x75: {  	_ =	shalt  }
0x76: {  	_ =	shalt  }
0x77: {  	_ =	shalt  }
0x78: {  	_ =	shalt  }
0x79: {  	_ =	shalt  }
0x7a: {  	_ =	shalt  }
0x7b: {  	_ =	shalt  }
0x7c: {  	_ =	shalt  }
0x7d: {  	_ =	shalt  }
0x7e: {  	_ =	shalt  }
0x7f: {  	_ =	shalt  }
0x80: {  	_ =	shalt  }
0x81: {  	_ =	shalt  }
0x82: {  	_ =	shalt  }
0x83: {  	_ =	shalt  }
0x84: {  	_ =	shalt  }
0x85: {  	_ =	shalt  }
0x86: {  	_ =	shalt  }
0x87: {  	_ =	shalt  }
.Lfunc_end0:
.L_simem_size_0:
called_computation_lowered:
.L_overlay_start_0:
0x88: {  	s2 =	sld [smem:$0x3FD9]  }
0x89: {  	s3 =	sld [smem:$0x3FFE];
	_ =	sdelay $0x1  }
0x8a: {  	s1 =	srdreg.scid  }
0x8b: {  	s0 =	sand.u32 $0x1, s1  }
0x8c: {  	s17 =	sshll.u32 s0, $0xA;
	s2 =	sadd.s32 s3, s2  }
0x8d: {  	s2 =	sadd.s32 s2, s17  }
0x8e: {  	[smem:$0x3FC2] =	sst s2  }
0x8f: {  	_ = 	snop  }
0x90: {  	s2 =	sld [smem:$0x3FC9]  }
0x91: {  	s18 =	sld [smem:$0x3FC8]  }
0x92: {  	s4 =	sld [smem:$0x3FC7]  }
0x93: {  	s5 =	sld [smem:$0x3FC6]  }
0x94: {  	s6 =	sld [smem:$0x3FD0];
	(tm) =	ssettm $0x1  }
0x95: {  	s7 =	sld [smem:$0x3FFB];
	_ =	sdelay $0x3  }
0x96: {  	_ =	strace s7  }
0x97: {  	s7 =	sld [smem:$0x3FFC];
	_ =	sdelay $0x3  }
0x98: {  	_ =	strace s7  }
0x99: {  	s7 =	sld [smem:$0x3FFD];
	_ =	sdelay $0x3  }
0x9a: {  	_ =	strace s7  }
0x9b: {  	_ =	strace $0x8FFFFFFF  }
0x9c: {  	s19 =	sld [smem:$0x3FDB];
	_ =	sdelay $0x1  }
0x9d: {  	s8 =	simm.s32 $_scs_section_size  }
0x9e: {  	s9 =	simm.s32 $_size__tile_overlayer_lowered;
	s10 =	simm.s32 $_tile_overlayer_lowered  }
0x9f: {  	s22 =	simm.s32 $0x1BFF;
	s21 =	sshll.u32 s10, $0x1;
	s7 =	sadd.s32 s8, s19  }
0xa0: {  	s11 =	simm.s32 $0x0;
	s20 =	sshll.u32 s9, $0x1;
	s9 =	sadd.s32 s21, s7  }
0xa1: {  	[timem:s11], [sflag:s22] =	dma.local [hbm:s9], s20  }
0xa2: {  	_ =	swait.ge [sflag:s22], s20  }
0xa3: {  	s8 =	ssub.s32 $0x0, s20;
	[sflag:s22] =	ssyncset.done $0x0  }
0xa4: {  	[sflag:s22] =	ssyncadd.s32 s8;
	_ =	sdelay $0x1  }
0xa5: {  	s23 =	simm.s32 $0x1B8B  }
0xa6: {  	_ =	swait.ge [sflag:s23], $0x1  }
0xa7: {  	[sflag:s23] =	ssyncset.done $0x0  }
0xa8: {  	s25 =	simm.s32 $0x1B8E;
	s24 =	sld [smem:$0x3FFE];
	[sflag:s23] =	ssyncadd.s32 $0xFFFFFFFF  }
0xa9: {  	s26 =	simm.s32 $execute0_lowered;
	[smem:$0x3FD2] =	sst s25  }
0xaa: {  	s9 =	sshll.u32 s26, $0x1;
	_ =	strace $0x80000046;
	[dreg:$0x1] =	wrdreg $0xFFFFFFFF  }
0xab: {  	s28 =	simm.s32 $_size_execute0_lowered;
	s7 =	sadd.s32 s7, s9;
	[dreg:$0x0] =	wrdreg $0x0  }
0xac: {  	s9 =	sshll.u32 s28, $0x1;
	[dreg:$0x2] =	wrdreg s7  }
0xad: {  	[dreg:$0x3] =	wrdreg s9  }
0xae: {  	[dreg:$0x4] =	wrdreg $0xC0  }
0xaf: {  	_ =	task [dreg:s11], $0x5FFFF  }
0xb0: {  	[dreg:$0x1] =	wrdreg $0xFFFFFFFF  }
0xb1: {  	[dreg:$0x0] =	wrdreg $0x60  }
0xb2: {  	[dreg:$0x2] =	wrdreg s2  }
0xb3: {  	[dreg:$0x3] =	wrdreg s18  }
0xb4: {  	[dreg:$0x4] =	wrdreg s4  }
0xb5: {  	[dreg:$0x5] =	wrdreg s5  }
0xb6: {  	[dreg:$0x6] =	wrdreg s24  }
0xb7: {  	[dreg:$0x7] =	wrdreg s6  }
0xb8: {  	[dreg:$0x8] =	wrdreg $0x9  }
0xb9: {  	_ =	task.clear_ibuf [dreg:s11], $0x9FFFF;
	_ =	strace $0x90000046  }
0xba: {  	s29 =	simm.s32 $0x9;
	_ =	strace $0x80000048  }
0xbb: {  	_ =	swait.ge [sflag:s29], $0x1  }
0xbc: {  	[sflag:s29] =	ssyncadd.s32 $0xFFFFFFFF  }
0xbd: {  	_ =	strace $0x90000048  }
0xbe: {  	_ =	sfence  }
0xbf: {  	s30 =	sld [smem:$0x0];
	_ =	sdelay $0x2  }
0xc0: {  	s31 =	sshll.u32 s1, $0xD;
	s1 =	sshrl.u32 s1, $0x2  }
0xc1: {  	s3 =	sand.u32 $0x4000, s31;
	s1 =	sadd.s32 s1, s30  }
0xc2: {  	s0 =	sor.u32 s3, s0;
	s1 =	sshll.u32 s1, $0x11  }
0xc3: {  	s0 =	sor.u32 s1, s0  }
0xc4: {  	s0 =	sadd.s32 $0x8F2B, s0  }
0xc5: {  	[sflag:s0] =	ssyncadd.remote.s32 $0x1  }
0xc6: {  	_ =	sfence.sel $0xFFFF  }
0xc7: {  	[dreg:$0x0] =	wrdreg $0xFFFFFFFF;
	(pc) =	sbr.abs _section_cstart, $3  }
0xc8: {  	[dreg:$0x1] =	wrdreg $0xFFFFFFFF  }
0xc9: {  	_ =	task.clear_ibuf [dreg:s11], $0x2FFFF;
	_ =	strace $0x9FFFFFFF  }
0xca: {  	(tm) =	ssettm $0x7FFFFFFF  }
0xcb: {  	_ =	shalt  }
tec
execute0_lowered:
.L_overlay_start_1:
0x0: {  	(tag) =	ssettag $0x1  }
0x1: {  	s7 =	rddreg [dreg:$0x0]  }
0x2: {  	s0 =	rddreg [dreg:$0x1]  }
0x3: {  	s1 =	rddreg [dreg:$0x4]  }
0x4: {  	s6 =	rddreg [dreg:$0x5];
	s4 =	simm.s32 $0x0  }
0x5: {  	s3 =	simm.s32 $0x800;
	[smem:$0x7FF] =	sst s4  }
0x6: {  	s11 =	simm.s32 $0x8800;
	_ =	strace $0x80000047;
	[dreg:$0x7] =	wrdreg s3  }
0x7: {  	s12 =	simm.s32 $0xC00;
	[dreg:$0x8] =	wrdreg s11  }
0x8: {  	s13 =	simm.s32 $0x8C00;
	[dreg:$0x9] =	wrdreg s12  }
0x9: {  	s14 =	simm.s32 $0x1000;
	[dreg:$0xa] =	wrdreg s13  }
0xa: {  	s15 =	simm.s32 $0x9000;
	[dreg:$0xb] =	wrdreg s14  }
0xb: {  	s16 =	simm.s32 $0x1400;
	[dreg:$0xc] =	wrdreg s15  }
0xc: {  	s17 =	simm.s32 $0x9400;
	[dreg:$0xd] =	wrdreg s16  }
0xd: {  	s18 =	simm.s32 $0x1800;
	[dreg:$0xe] =	wrdreg s17  }
0xe: {  	s19 =	simm.s32 $0x9800;
	[dreg:$0xf] =	wrdreg s18  }
0xf: {  	s20 =	simm.s32 $0x1C00;
	[dreg:$0x10] =	wrdreg s19  }
0x10: {  	s21 =	simm.s32 $0x9C00;
	[dreg:$0x11] =	wrdreg s20  }
0x11: {  	s22 =	simm.s32 $0x2000;
	[dreg:$0x12] =	wrdreg s21  }
0x12: {  	s23 =	simm.s32 $0xA000;
	[dreg:$0x13] =	wrdreg s22  }
0x13: {  	s24 =	simm.s32 $0x2400;
	[dreg:$0x14] =	wrdreg s23  }
0x14: {  	s25 =	simm.s32 $0xA400;
	[dreg:$0x15] =	wrdreg s24  }
0x15: {  	s26 =	simm.s32 $0x2800;
	[dreg:$0x16] =	wrdreg s25  }
0x16: {  	s28 =	simm.s32 $0xA800;
	[dreg:$0x17] =	wrdreg s26  }
0x17: {  	s29 =	simm.s32 $0x2C00;
	[dreg:$0x18] =	wrdreg s28  }
0x18: {  	s31 =	simm.s32 $0xAC00;
	[dreg:$0x19] =	wrdreg s29  }
0x19: {  	s2 =	simm.s32 $0x3000;
	[dreg:$0x1a] =	wrdreg s31  }
0x1a: {  	s5 =	simm.s32 $0xB000;
	[dreg:$0x1b] =	wrdreg s2  }
0x1b: {  	s8 =	simm.s32 $0x3400;
	[dreg:$0x1c] =	wrdreg s5  }
0x1c: {  	s9 =	simm.s32 $0xB400;
	[dreg:$0x1d] =	wrdreg s8  }
0x1d: {  	s10 =	simm.s32 $0x3800;
	[dreg:$0x1e] =	wrdreg s9  }
0x1e: {  	s1 =	sadd.s32 $0x1EA00, s1;
	[dreg:$0x1f] =	wrdreg s10  }
0x1f: {  	s11 =	simm.s32 $0xB800;
	[smem:$0x7DC] =	sst s1  }
0x20: {  	s12 =	simm.s32 $0x3C00;
	[smem:$0x7D4] =	sst s11  }
0x21: {  	s13 =	simm.s32 $0xBC00;
	[smem:$0x7D5] =	sst s12  }
0x22: {  	s14 =	simm.s32 $0x4000;
	[smem:$0x7D6] =	sst s13  }
0x23: {  	s15 =	simm.s32 $0xC000;
	[smem:$0x7D7] =	sst s14  }
0x24: {  	s16 =	simm.s32 $0x4400;
	[smem:$0x7D8] =	sst s15  }
0x25: {  	s17 =	simm.s32 $0xC400;
	[smem:$0x7D9] =	sst s16  }
0x26: {  	s18 =	simm.s32 $0x4800;
	[smem:$0x7DA] =	sst s17  }
0x27: {  	s19 =	simm.s32 $0xC800;
	[smem:$0x7DB] =	sst s18  }
0x28: {  	s20 =	simm.s32 $0x4C00;
	[smem:$0x7DD] =	sst s19  }
0x29: {  	s21 =	simm.s32 $0xCC00;
	[smem:$0x7DE] =	sst s20  }
0x2a: {  	s23 =	simm.s32 $0x5000;
	[smem:$0x7DF] =	sst s21  }
0x2b: {  	s24 =	simm.s32 $0xD000;
	[smem:$0x7E0] =	sst s23  }
0x2c: {  	s25 =	simm.s32 $0x5400;
	[smem:$0x7E1] =	sst s24  }
0x2d: {  	s26 =	simm.s32 $0xD400;
	[smem:$0x7E2] =	sst s25  }
0x2e: {  	s28 =	simm.s32 $0x5800;
	[smem:$0x7E3] =	sst s26  }
0x2f: {  	s31 =	simm.s32 $0xD800;
	[smem:$0x7E4] =	sst s28  }
0x30: {  	s1 =	simm.s32 $0x5C00;
	[smem:$0x7E5] =	sst s31  }
0x31: {  	s2 =	simm.s32 $0xDC00;
	[smem:$0x7E6] =	sst s1  }
0x32: {  	s10 =	simm.s32 $0x6000;
	[smem:$0x7E8] =	sst s2  }
0x33: {  	[smem:$0x7EA] =	sst s10;
	s11 =	simm.s32 $0xE000  }
0x34: {  	s13 =	simm.s32 $0x6400;
	[smem:$0x7EC] =	sst s11  }
0x35: {  	s15 =	simm.s32 $0xE400;
	[smem:$0x7EE] =	sst s13  }
0x36: {  	s16 =	simm.s32 $0x6800;
	[smem:$0x7EF] =	sst s15  }
0x37: {  	s17 =	simm.s32 $0xE800;
	[smem:$0x7F0] =	sst s16  }
0x38: {  	s18 =	simm.s32 $0x6C00;
	[smem:$0x7F1] =	sst s17  }
0x39: {  	s19 =	simm.s32 $0xEC00;
	[smem:$0x7F2] =	sst s18  }
0x3a: {  	s20 =	simm.s32 $0x7000;
	[smem:$0x7F3] =	sst s19  }
0x3b: {  	s22 =	stileid.u32;
	s21 =	simm.s32 $0xF000;
	[smem:$0x7F4] =	sst s20  }
0x3c: {  	s29 =	sshll.u32 s22, $0x7;
	s22 =	simm.s32 $0x7400;
	[smem:$0x7F5] =	sst s21  }
0x3d: {  	s23 =	simm.s32 $0xF400;
	[smem:$0x7F6] =	sst s22  }
0x3e: {  	s24 =	simm.s32 $0x7800;
	[smem:$0x7F7] =	sst s23  }
0x3f: {  	s25 =	simm.s32 $0xF800;
	[smem:$0x7F8] =	sst s24  }
0x40: {  	s26 =	simm.s32 $0x7C00;
	[smem:$0x7F9] =	sst s25  }
0x41: {  	s5 =	srdreg.scid;
	s28 =	simm.s32 $0xFC00;
	[smem:$0x7FA] =	sst s26  }
0x42: {  	v0 =	vlaneseq.u32;
	s5 =	sand.u32 $0x1, s5;
	s31 =	simm.s32 $0x10000;
	[smem:$0x7FB] =	sst s28  }
0x43: {  	v0 =	vmul.u32 $0x800, v0;
	s8 =	ssub.s32 $0x2, s5;
	s5 =	sshll.u32 s5, $0x6;
	[smem:$0x7FD] =	sst s31  }
0x44: {  	s9 =	sshrl.u32 s8, $0x1;
	s5 =	sor.u32 s5, s29;
	s29 =	simm.s32 $0x8000  }
0x45: {  	v1 =	vor.u32 $0x80, v0;
	v2 =	vor.u32 $0x100, v0;
	v3 =	vor.u32 $0x180, v0;
	s8 =	ssub.s32 s8, s9;
	s9 =	sadd.s32 s7, s5;
	[smem:$0x7FC] =	sst s29  }
0x46: {  	v4 =	vor.u32 $0x200, v0;
	v5 =	vor.u32 $0x280, v0;
	v6 =	vor.u32 $0x300, v0;
	s0 =	sadd.s32 s0, s5;
	[smem:$0x7E7] =	sst s9  }
0x47: {  	v7 =	vor.u32 $0x380, v0;
	v8 =	vor.u32 $0x400, v0;
	v9 =	vor.u32 $0x480, v0;
	s12 =	sadd.s32 s6, s5;
	[smem:$0x7E9] =	sst s0  }
0x48: {  	v10 =	vor.u32 $0x500, v0;
	v11 =	vor.u32 $0x580, v0;
	v12 =	vor.u32 $0x600, v0;
	[smem:$0x7EB] =	sst s12;
	s14 =	smax.u32 s8, $0x1  }
0x49: {  	s30 =	simm.s32 $0x2;
	v13 =	vor.u32 $0x680, v0;
	v14 =	vor.u32 $0x700, v0;
	v15 =	vor.u32 $0x780, v0;
	s2 =	simm.s32 $0x0;
	[smem:$0x7ED] =	sst s14  }
.LBB2_1:
0x4a: {  	s0 =	sld [smem:$0x7E7];
	_ =	sdelay $0x1  }
0x4b: {  	s12 =	sld [smem:$0x7E9]  }
0x4c: {  	[tilespmem:s4], [sflag:$0x1] =	stream.linear.gather [hbm4b:s0+s4], $0x200, $0x38;
	[tilespmem:$0x10A00] =	vst v63  }
0x4d: {  	[smem:$0x7D3] =	sst s2;
	s13 =	simm.s32 $0x200;
	s3 =	simm.s32 $0x1  }
0x4e: {  	[tilespmem:s13], [sflag:$0x1] =	stream.linear.gather [hbm4b:s12+s4], $0x200, $0x38;
	[tilespmem:$0x10A00] =	vst v63  }
0x4f: {  	_ =	swait.ge [sflag:s3], $0x200  }
0x50: {  	[sflag:s3] =	ssyncset.done $0x0  }
0x51: {  	[sflag:s3] =	ssyncadd.s32 $0xFFFFFE00  }
0x52: {  	_ =	swait.ge [sflag:s3], $0x200  }
0x53: {  	[sflag:s3] =	ssyncset.done $0x0  }
0x54: {  	s15 =	sld [smem:$0x7DC];
	[sflag:s3] =	ssyncadd.s32 $0xFFFFFE00  }
0x55: {  	s5 =	simm.s32 $0x80;
	s1 =	simm.s32 $0x10400;
	s14 =	rddreg [dreg:$0x4]  }
0x56: {  	[tilespmem:s1], [sflag:$0x1] =	stream.indirect.gather [hbm4b:s14+s5], $0x1, s4, s5, $0xb8;
	[tilespmem:$0x10A00] =	vst v63  }
0x57: {  	s6 =	simm.s32 $0x10600  }
0x58: {  	[tilespmem:s6], [sflag:$0x1] =	stream.indirect.gather [hbm4b:s15+s5], $0x1, s13, s5, $0xb8;
	[tilespmem:$0x10A00] =	vst v63  }
0x59: {  	s16 =	simm.s32 $0x10480  }
0x5a: {  	[tilespmem:s16], [sflag:$0x1] =	stream.indirect.gather [hbm4b:s14+s5], $0x1, s5, s5, $0xb8;
	[tilespmem:$0x10A00] =	vst v63  }
0x5b: {  	s17 =	simm.s32 $0x280;
	s18 =	simm.s32 $0x10680  }
0x5c: {  	[tilespmem:s18], [sflag:$0x1] =	stream.indirect.gather [hbm4b:s15+s5], $0x1, s17, s5, $0xb8;
	[tilespmem:$0x10A00] =	vst v63  }
0x5d: {  	s19 =	simm.s32 $0x100;
	s20 =	simm.s32 $0x10500  }
0x5e: {  	[tilespmem:s20], [sflag:$0x1] =	stream.indirect.gather [hbm4b:s14+s5], $0x1, s19, s5, $0xb8;
	[tilespmem:$0x10A00] =	vst v63  }
0x5f: {  	s21 =	simm.s32 $0x300;
	s22 =	simm.s32 $0x10700  }
0x60: {  	[tilespmem:s22], [sflag:$0x1] =	stream.indirect.gather [hbm4b:s15+s5], $0x1, s21, s5, $0xb8;
	[tilespmem:$0x10A00] =	vst v63  }
0x61: {  	s23 =	simm.s32 $0x180;
	s24 =	simm.s32 $0x10580  }
0x62: {  	[tilespmem:s24], [sflag:$0x1] =	stream.indirect.gather [hbm4b:s14+s5], $0x1, s23, s5, $0xb8;
	[tilespmem:$0x10A00] =	vst v63  }
0x63: {  	s25 =	simm.s32 $0x380;
	s26 =	simm.s32 $0x10780  }
0x64: {  	[tilespmem:s26], [sflag:$0x1] =	stream.indirect.gather [hbm4b:s15+s5], $0x1, s25, s5, $0xb8;
	[tilespmem:$0x10A00] =	vst v63  }
0x65: {  	_ =	swait.ge [sflag:s3], $0x80  }
0x66: {  	[sflag:s3] =	ssyncset.done $0x0  }
0x67: {  	[sflag:s3] =	ssyncadd.s32 $0xFFFFFF80  }
0x68: {  	_ =	swait.ge [sflag:s3], $0x80  }
0x69: {  	[sflag:s3] =	ssyncset.done $0x0  }
0x6a: {  	[sflag:s3] =	ssyncadd.s32 $0xFFFFFF80  }
0x6b: {  	_ =	swait.ge [sflag:s3], $0x80  }
0x6c: {  	[sflag:s3] =	ssyncset.done $0x0  }
0x6d: {  	[sflag:s3] =	ssyncadd.s32 $0xFFFFFF80  }
0x6e: {  	_ =	swait.ge [sflag:s3], $0x80  }
0x6f: {  	[sflag:s3] =	ssyncset.done $0x0  }
0x70: {  	[sflag:s3] =	ssyncadd.s32 $0xFFFFFF80  }
0x71: {  	_ =	swait.ge [sflag:s3], $0x80  }
0x72: {  	[sflag:s3] =	ssyncset.done $0x0  }
0x73: {  	[sflag:s3] =	ssyncadd.s32 $0xFFFFFF80  }
0x74: {  	_ =	swait.ge [sflag:s3], $0x80  }
0x75: {  	[sflag:s3] =	ssyncset.done $0x0  }
0x76: {  	[sflag:s3] =	ssyncadd.s32 $0xFFFFFF80  }
0x77: {  	_ =	swait.ge [sflag:s3], $0x80  }
0x78: {  	[sflag:s3] =	ssyncset.done $0x0  }
0x79: {  	[sflag:s3] =	ssyncadd.s32 $0xFFFFFF80  }
0x7a: {  	_ =	swait.ge [sflag:s3], $0x80  }
0x7b: {  	[sflag:s3] =	ssyncset.done $0x0  }
0x7c: {  	s16 =	simm.s32 $0x0;
	[sflag:s3] =	ssyncadd.s32 $0xFFFFFF80  }
0x7d: {  	v17 =	vld [tilespmem:s16+$0x0];
	_ =	sdelay $0x1  }
0x7e: {  	v16 =	vld [tilespmem:s16+$0x200];
	_ =	sdelay $0x2  }
0x7f: {  	(v2sf) =	vpush v17, $0x0  }
0x80: {  	(v2sf) =	vpush v17, $0x1  }
0x81: {  	(v2sf) =	vpush v16, $0x0;
	_ =	sdelay $0x6  }
0x82: {  	s7 =	rddreg [dreg:$0x1d];
	(v2sf) =	vpush v16, $0x1  }
0x83: {  	s8 =	rddreg [dreg:$0x19]  }
0x84: {  	s0 =	rddreg [dreg:$0x15]  }
0x85: {  	s5 =	rddreg [dreg:$0x11]  }
0x86: {  	s9 =	rddreg [dreg:$0xd];
	(v2sf) =	vpush v17, $0x2  }
0x87: {  	s11 =	rddreg [dreg:$0x9]  }
0x88: {  	s12 =	simm.s32 $0x400;
	s13 =	rddreg [dreg:$0x7];
	s28 =	spop (v2sf)  }
0x89: {  	s1 =	rddreg [dreg:$0x2];
	s3 =	sand.u32 $0xFFFFF80, s28;
	s29 =	spop (v2sf)  }
0x8a: {  	s15 =	rddreg [dreg:$0x8];
	(v2sf) =	vpush v16, $0x2;
	s3 =	sadd.s32 s1, s3;
	s10 =	spop (v2sf)  }
0x8b: {  	[tilespmem:s12], [sflag:$0x2] =	stream.linear.gather [hbm4b:s3+s4], $0x400, $0x38;
	[tilespmem:$0x10A00] =	vst v63  }
0x8c: {  	s2 =	rddreg [dreg:$0x3];
	s10 =	sand.u32 $0xFFFFF80, s10  }
0x8d: {  	s14 =	simm.s32 $0x8400;
	s17 =	rddreg [dreg:$0xa];
	s10 =	sadd.s32 s2, s10  }
0x8e: {  	[tilespmem:s14], [sflag:$0x2] =	stream.linear.gather [hbm4b:s10+s4], $0x400, $0x38;
	[tilespmem:$0x10A00] =	vst v63  }
0x8f: {  	s18 =	rddreg [dreg:$0xb];
	s3 =	sadd.s32 $0xF4280, s3  }
0x90: {  	(v2sf) =	vpush v17, $0x3;
	[tilespmem:s13], [sflag:$0x2] =	stream.linear.gather [hbm4b:s3+s4], $0x400, $0x38;
	[tilespmem:$0x10A00] =	vst v63  }
0x91: {  	s6 =	sand.u32 $0xFFFFF80, s29;
	s10 =	sadd.s32 $0xF4280, s10;
	s13 =	spop (v2sf)  }
0x92: {  	(v2sf) =	vpush v16, $0x3;
	[tilespmem:s15], [sflag:$0x2] =	stream.linear.gather [hbm4b:s10+s4], $0x400, $0x38;
	[tilespmem:$0x10A00] =	vst v63  }
0x93: {  	s19 =	rddreg [dreg:$0xc];
	s6 =	sadd.s32 s1, s6;
	s3 =	sand.u32 $0xFFFFF80, s13  }
0x94: {  	[tilespmem:s11], [sflag:$0x2] =	stream.linear.gather [hbm4b:s6+s4], $0x400, $0x38;
	[tilespmem:$0x10A00] =	vst v63  }
0x95: {  	s23 =	rddreg [dreg:$0xe];
	s20 =	spop (v2sf);
	s3 =	sadd.s32 s2, s3  }
0x96: {  	(v2sf) =	vpush v17, $0x4;
	[tilespmem:s17], [sflag:$0x2] =	stream.linear.gather [hbm4b:s3+s4], $0x400, $0x38;
	[tilespmem:$0x10A00] =	vst v63  }
0x97: {  	s25 =	rddreg [dreg:$0xf];
	s6 =	sadd.s32 $0xF4280, s6  }
0x98: {  	[tilespmem:s18], [sflag:$0x2] =	stream.linear.gather [hbm4b:s6+s4], $0x400, $0x38;
	[tilespmem:$0x10A00] =	vst v63  }
0x99: {  	s21 =	sand.u32 $0xFFFFF80, s20;
	s3 =	sadd.s32 $0xF4280, s3;
	s22 =	spop (v2sf)  }
0x9a: {  	(v2sf) =	vpush v16, $0x4;
	[tilespmem:s19], [sflag:$0x2] =	stream.linear.gather [hbm4b:s3+s4], $0x400, $0x38;
	[tilespmem:$0x10A00] =	vst v63  }
0x9b: {  	s26 =	rddreg [dreg:$0x10];
	s6 =	sadd.s32 s1, s21;
	s24 =	sand.u32 $0xFFFFF80, s22  }
0x9c: {  	[tilespmem:s9], [sflag:$0x2] =	stream.linear.gather [hbm4b:s6+s4], $0x400, $0x38;
	[tilespmem:$0x10A00] =	vst v63  }
0x9d: {  	s15 =	rddreg [dreg:$0x12];
	s10 =	sadd.s32 s2, s24  }
0x9e: {  	[tilespmem:s23], [sflag:$0x2] =	stream.linear.gather [hbm4b:s10+s4], $0x400, $0x38;
	[tilespmem:$0x10A00] =	vst v63  }
0x9f: {  	s20 =	rddreg [dreg:$0x14];
	s28 =	spop (v2sf);
	s6 =	sadd.s32 $0xF4280, s6  }
0xa0: {  	(v2sf) =	vpush v17, $0x5;
	[tilespmem:s25], [sflag:$0x2] =	stream.linear.gather [hbm4b:s6+s4], $0x400, $0x38;
	[tilespmem:$0x10A00] =	vst v63  }
0xa1: {  	s13 =	sand.u32 $0xFFFFF80, s28;
	s10 =	sadd.s32 $0xF4280, s10;
	s29 =	spop (v2sf)  }
0xa2: {  	(v2sf) =	vpush v16, $0x5;
	[tilespmem:s26], [sflag:$0x2] =	stream.linear.gather [hbm4b:s10+s4], $0x400, $0x38;
	[tilespmem:$0x10A00] =	vst v63  }
0xa3: {  	s19 =	rddreg [dreg:$0x13];
	s17 =	sadd.s32 s1, s13;
	s6 =	sand.u32 $0xFFFFF80, s29  }
0xa4: {  	[tilespmem:s5], [sflag:$0x2] =	stream.linear.gather [hbm4b:s17+s4], $0x400, $0x38;
	[tilespmem:$0x10A00] =	vst v63  }
0xa5: {  	s24 =	rddreg [dreg:$0x16];
	s21 =	spop (v2sf);
	s18 =	sadd.s32 s2, s6  }
0xa6: {  	[tilespmem:s15], [sflag:$0x2] =	stream.linear.gather [hbm4b:s18+s4], $0x400, $0x38;
	[tilespmem:$0x10A00] =	vst v63  }
0xa7: {  	s28 =	rddreg [dreg:$0x18];
	s9 =	sadd.s32 $0xF4280, s17;
	s22 =	sand.u32 $0xFFFFF80, s21  }
0xa8: {  	(v2sf) =	vpush v17, $0x6;
	[tilespmem:s19], [sflag:$0x2] =	stream.linear.gather [hbm4b:s9+s4], $0x400, $0x38;
	[tilespmem:$0x10A00] =	vst v63  }
0xa9: {  	s23 =	spop (v2sf);
	s21 =	rddreg [dreg:$0x1e];
	s5 =	sadd.s32 $0xF4280, s18  }
0xaa: {  	(v2sf) =	vpush v16, $0x6;
	[tilespmem:s20], [sflag:$0x2] =	stream.linear.gather [hbm4b:s5+s4], $0x400, $0x38;
	[tilespmem:$0x10A00] =	vst v63  }
0xab: {  	s25 =	sand.u32 $0xFFFFF80, s23;
	s6 =	sadd.s32 s1, s22;
	s26 =	rddreg [dreg:$0x17]  }
0xac: {  	[tilespmem:s0], [sflag:$0x2] =	stream.linear.gather [hbm4b:s6+s4], $0x400, $0x38;
	[tilespmem:$0x10A00] =	vst v63  }
0xad: {  	s22 =	rddreg [dreg:$0x1f];
	s5 =	sadd.s32 s2, s25  }
0xae: {  	(v2sf) =	vpush v17, $0x7;
	[tilespmem:s24], [sflag:$0x2] =	stream.linear.gather [hbm4b:s5+s4], $0x400, $0x38;
	[tilespmem:$0x10A00] =	vst v63  }
0xaf: {  	s17 =	rddreg [dreg:$0x1b];
	s29 =	spop (v2sf);
	s6 =	sadd.s32 $0xF4280, s6  }
0xb0: {  	[tilespmem:s26], [sflag:$0x2] =	stream.linear.gather [hbm4b:s6+s4], $0x400, $0x38;
	[tilespmem:$0x10A00] =	vst v63  }
0xb1: {  	s10 =	sand.u32 $0xFFFFF80, s29;
	s11 =	spop (v2sf);
	s5 =	sadd.s32 $0xF4280, s5  }
0xb2: {  	(v2sf) =	vpush v16, $0x7;
	[tilespmem:s28], [sflag:$0x2] =	stream.linear.gather [hbm4b:s5+s4], $0x400, $0x38;
	[tilespmem:$0x10A00] =	vst v63  }
0xb3: {  	s15 =	rddreg [dreg:$0x1a];
	s13 =	sand.u32 $0xFFFFF80, s11;
	s0 =	sadd.s32 s1, s10  }
0xb4: {  	[tilespmem:s8], [sflag:$0x2] =	stream.linear.gather [hbm4b:s0+s4], $0x400, $0x38;
	[tilespmem:$0x10A00] =	vst v63  }
0xb5: {  	s19 =	rddreg [dreg:$0x1c];
	s3 =	sadd.s32 s2, s13  }
0xb6: {  	[tilespmem:s15], [sflag:$0x2] =	stream.linear.gather [hbm4b:s3+s4], $0x400, $0x38;
	[tilespmem:$0x10A00] =	vst v63  }
0xb7: {  	s9 =	sld [smem:$0x7D7];
	s18 =	spop (v2sf);
	s0 =	sadd.s32 $0xF4280, s0  }
0xb8: {  	(v2sf) =	vpush v17, $0x8;
	[tilespmem:s17], [sflag:$0x2] =	stream.linear.gather [hbm4b:s0+s4], $0x400, $0x38;
	[tilespmem:$0x10A00] =	vst v63  }
0xb9: {  	s20 =	spop (v2sf);
	s5 =	sand.u32 $0xFFFFF80, s18;
	s3 =	sadd.s32 $0xF4280, s3  }
0xba: {  	(v2sf) =	vpush v16, $0x8;
	[tilespmem:s19], [sflag:$0x2] =	stream.linear.gather [hbm4b:s3+s4], $0x400, $0x38;
	[tilespmem:$0x10A00] =	vst v63  }
0xbb: {  	s13 =	sld [smem:$0x7D8];
	s5 =	sadd.s32 s1, s5;
	s0 =	sand.u32 $0xFFFFF80, s20  }
0xbc: {  	[tilespmem:s7], [sflag:$0x2] =	stream.linear.gather [hbm4b:s5+s4], $0x400, $0x38;
	[tilespmem:$0x10A00] =	vst v63  }
0xbd: {  	s24 =	sld [smem:$0x7D4];
	s23 =	spop (v2sf);
	s0 =	sadd.s32 s2, s0  }
0xbe: {  	(v2sf) =	vpush v17, $0x9;
	[tilespmem:s21], [sflag:$0x2] =	stream.linear.gather [hbm4b:s0+s4], $0x400, $0x38;
	[tilespmem:$0x10A00] =	vst v63  }
0xbf: {  	s26 =	sld [smem:$0x7D5];
	s5 =	sadd.s32 $0xF4280, s5  }
0xc0: {  	[tilespmem:s22], [sflag:$0x2] =	stream.linear.gather [hbm4b:s5+s4], $0x400, $0x38;
	[tilespmem:$0x10A00] =	vst v63  }
0xc1: {  	s25 =	spop (v2sf);
	s7 =	sand.u32 $0xFFFFF80, s23;
	s0 =	sadd.s32 $0xF4280, s0  }
0xc2: {  	(v2sf) =	vpush v16, $0x9;
	[tilespmem:s24], [sflag:$0x2] =	stream.linear.gather [hbm4b:s0+s4], $0x400, $0x38;
	[tilespmem:$0x10A00] =	vst v63  }
0xc3: {  	s8 =	sld [smem:$0x7D6];
	s28 =	sand.u32 $0xFFFFF80, s25;
	s29 =	sadd.s32 s1, s7  }
0xc4: {  	[tilespmem:s26], [sflag:$0x2] =	stream.linear.gather [hbm4b:s29+s4], $0x400, $0x38;
	[tilespmem:$0x10A00] =	vst v63  }
0xc5: {  	s6 =	sld [smem:$0x7DF];
	s0 =	sadd.s32 s2, s28  }
0xc6: {  	[tilespmem:s8], [sflag:$0x2] =	stream.linear.gather [hbm4b:s0+s4], $0x400, $0x38;
	[tilespmem:$0x10A00] =	vst v63  }
0xc7: {  	s10 =	spop (v2sf);
	s17 =	sld [smem:$0x7D9];
	s3 =	sadd.s32 $0xF4280, s29  }
0xc8: {  	(v2sf) =	vpush v17, $0xA;
	[tilespmem:s9], [sflag:$0x2] =	stream.linear.gather [hbm4b:s3+s4], $0x400, $0x38;
	[tilespmem:$0x10A00] =	vst v63  }
0xc9: {  	s11 =	sand.u32 $0xFFFFF80, s10;
	s15 =	spop (v2sf);
	s0 =	sadd.s32 $0xF4280, s0  }
0xca: {  	(v2sf) =	vpush v16, $0xA;
	[tilespmem:s13], [sflag:$0x2] =	stream.linear.gather [hbm4b:s0+s4], $0x400, $0x38;
	[tilespmem:$0x10A00] =	vst v63  }
0xcb: {  	s20 =	sld [smem:$0x7DA];
	s19 =	sadd.s32 s1, s11;
	s18 =	sand.u32 $0xFFFFF80, s15  }
0xcc: {  	[tilespmem:s17], [sflag:$0x2] =	stream.linear.gather [hbm4b:s19+s4], $0x400, $0x38;
	[tilespmem:$0x10A00] =	vst v63  }
0xcd: {  	s21 =	spop (v2sf);
	s22 =	sld [smem:$0x7DB];
	s0 =	sadd.s32 s2, s18  }
0xce: {  	(v2sf) =	vpush v17, $0xB;
	[tilespmem:s20], [sflag:$0x2] =	stream.linear.gather [hbm4b:s0+s4], $0x400, $0x38;
	[tilespmem:$0x10A00] =	vst v63  }
0xcf: {  	s23 =	sand.u32 $0xFFFFF80, s21;
	s24 =	sld [smem:$0x7DD];
	s3 =	sadd.s32 $0xF4280, s19  }
0xd0: {  	[tilespmem:s22], [sflag:$0x2] =	stream.linear.gather [hbm4b:s3+s4], $0x400, $0x38;
	[tilespmem:$0x10A00] =	vst v63  }
0xd1: {  	s26 =	sld [smem:$0x7DE];
	s25 =	spop (v2sf);
	s0 =	sadd.s32 $0xF4280, s0  }
0xd2: {  	(v2sf) =	vpush v16, $0xB;
	[tilespmem:s24], [sflag:$0x2] =	stream.linear.gather [hbm4b:s0+s4], $0x400, $0x38;
	[tilespmem:$0x10A00] =	vst v63  }
0xd3: {  	s11 =	sld [smem:$0x7E1];
	s29 =	sadd.s32 s1, s23;
	s28 =	sand.u32 $0xFFFFF80, s25  }
0xd4: {  	[tilespmem:s26], [sflag:$0x2] =	stream.linear.gather [hbm4b:s29+s4], $0x400, $0x38;
	[tilespmem:$0x10A00] =	vst v63  }
0xd5: {  	s9 =	sld [smem:$0x7E0];
	s0 =	sadd.s32 s2, s28  }
0xd6: {  	(v2sf) =	vpush v17, $0xC;
	[tilespmem:s6], [sflag:$0x2] =	stream.linear.gather [hbm4b:s0+s4], $0x400, $0x38;
	[tilespmem:$0x10A00] =	vst v63  }
0xd7: {  	s15 =	sld [smem:$0x7E2];
	s8 =	spop (v2sf);
	s3 =	sadd.s32 $0xF4280, s29  }
0xd8: {  	[tilespmem:s9], [sflag:$0x2] =	stream.linear.gather [hbm4b:s3+s4], $0x400, $0x38;
	[tilespmem:$0x10A00] =	vst v63  }
0xd9: {  	s10 =	spop (v2sf);
	s13 =	sand.u32 $0xFFFFF80, s8;
	s0 =	sadd.s32 $0xF4280, s0  }
0xda: {  	(v2sf) =	vpush v16, $0xC;
	[tilespmem:s11], [sflag:$0x2] =	stream.linear.gather [hbm4b:s0+s4], $0x400, $0x38;
	[tilespmem:$0x10A00] =	vst v63  }
0xdb: {  	s18 =	sld [smem:$0x7E3];
	s17 =	sand.u32 $0xFFFFF80, s10;
	s3 =	sadd.s32 s1, s13  }
0xdc: {  	[tilespmem:s15], [sflag:$0x2] =	stream.linear.gather [hbm4b:s3+s4], $0x400, $0x38;
	[tilespmem:$0x10A00] =	vst v63  }
0xdd: {  	s19 =	spop (v2sf);
	s20 =	sld [smem:$0x7E4];
	s0 =	sadd.s32 s2, s17  }
0xde: {  	(v2sf) =	vpush v17, $0xD;
	[tilespmem:s18], [sflag:$0x2] =	stream.linear.gather [hbm4b:s0+s4], $0x400, $0x38;
	[tilespmem:$0x10A00] =	vst v63  }
0xdf: {  	s23 =	sand.u32 $0xFFFFF80, s19;
	s22 =	sld [smem:$0x7E5];
	s3 =	sadd.s32 $0xF4280, s3  }
0xe0: {  	[tilespmem:s20], [sflag:$0x2] =	stream.linear.gather [hbm4b:s3+s4], $0x400, $0x38;
	[tilespmem:$0x10A00] =	vst v63  }
0xe1: {  	s21 =	spop (v2sf);
	s24 =	sld [smem:$0x7E6];
	s0 =	sadd.s32 $0xF4280, s0  }
0xe2: {  	(v2sf) =	vpush v16, $0xD;
	[tilespmem:s22], [sflag:$0x2] =	stream.linear.gather [hbm4b:s0+s4], $0x400, $0x38;
	[tilespmem:$0x10A00] =	vst v63  }
0xe3: {  	s25 =	sand.u32 $0xFFFFF80, s21;
	s26 =	sld [smem:$0x7E8];
	s3 =	sadd.s32 s1, s23  }
0xe4: {  	[tilespmem:s24], [sflag:$0x2] =	stream.linear.gather [hbm4b:s3+s4], $0x400, $0x38;
	[tilespmem:$0x10A00] =	vst v63  }
0xe5: {  	s29 =	sld [smem:$0x7EA];
	s28 =	spop (v2sf);
	s0 =	sadd.s32 s2, s25  }
0xe6: {  	(v2sf) =	vpush v17, $0xE;
	[tilespmem:s26], [sflag:$0x2] =	stream.linear.gather [hbm4b:s0+s4], $0x400, $0x38;
	[tilespmem:$0x10A00] =	vst v63  }
0xe7: {  	s8 =	sand.u32 $0xFFFFF80, s28;
	s9 =	sld [smem:$0x7EC];
	s3 =	sadd.s32 $0xF4280, s3  }
0xe8: {  	[tilespmem:s29], [sflag:$0x2] =	stream.linear.gather [hbm4b:s3+s4], $0x400, $0x38;
	[tilespmem:$0x10A00] =	vst v63  }
0xe9: {  	s10 =	spop (v2sf);
	s11 =	sld [smem:$0x7EE];
	s0 =	sadd.s32 $0xF4280, s0  }
0xea: {  	(v2sf) =	vpush v16, $0xE;
	[tilespmem:s9], [sflag:$0x2] =	stream.linear.gather [hbm4b:s0+s4], $0x400, $0x38;
	[tilespmem:$0x10A00] =	vst v63  }
0xeb: {  	s13 =	sand.u32 $0xFFFFF80, s10;
	s17 =	sld [smem:$0x7EF];
	s15 =	sadd.s32 s1, s8  }
0xec: {  	[tilespmem:s11], [sflag:$0x2] =	stream.linear.gather [hbm4b:s15+s4], $0x400, $0x38;
	[tilespmem:$0x10A00] =	vst v63  }
0xed: {  	s19 =	sld [smem:$0x7F0];
	s18 =	spop (v2sf);
	s0 =	sadd.s32 s2, s13  }
0xee: {  	(v2sf) =	vpush v17, $0xF;
	[tilespmem:s17], [sflag:$0x2] =	stream.linear.gather [hbm4b:s0+s4], $0x400, $0x38;
	[tilespmem:$0x10A00] =	vst v63  }
0xef: {  	s21 =	sld [smem:$0x7F1];
	s20 =	sand.u32 $0xFFFFF80, s18;
	s3 =	sadd.s32 $0xF4280, s15  }
0xf0: {  	[tilespmem:s19], [sflag:$0x2] =	stream.linear.gather [hbm4b:s3+s4], $0x400, $0x38;
	[tilespmem:$0x10A00] =	vst v63  }
0xf1: {  	s23 =	sld [smem:$0x7F2];
	s22 =	spop (v2sf);
	s0 =	sadd.s32 $0xF4280, s0  }
0xf2: {  	(v2sf) =	vpush v16, $0xF;
	[tilespmem:s21], [sflag:$0x2] =	stream.linear.gather [hbm4b:s0+s4], $0x400, $0x38;
	[tilespmem:$0x10A00] =	vst v63  }
0xf3: {  	s25 =	sadd.s32 s1, s20;
	s24 =	sand.u32 $0xFFFFF80, s22;
	s26 =	sld [smem:$0x7F3]  }
0xf4: {  	[tilespmem:s23], [sflag:$0x2] =	stream.linear.gather [hbm4b:s25+s4], $0x400, $0x38;
	[tilespmem:$0x10A00] =	vst v63  }
0xf5: {  	s28 =	spop (v2sf);
	s29 =	sld [smem:$0x7F4];
	s0 =	sadd.s32 s2, s24  }
0xf6: {  	[tilespmem:s26], [sflag:$0x2] =	stream.linear.gather [hbm4b:s0+s4], $0x400, $0x38;
	[tilespmem:$0x10A00] =	vst v63  }
0xf7: {  	s8 =	sand.u32 $0xFFFFF80, s28;
	s9 =	sld [smem:$0x7F5];
	s3 =	sadd.s32 $0xF4280, s25  }
0xf8: {  	[tilespmem:s29], [sflag:$0x2] =	stream.linear.gather [hbm4b:s3+s4], $0x400, $0x38;
	[tilespmem:$0x10A00] =	vst v63  }
0xf9: {  	s10 =	spop (v2sf);
	s11 =	sld [smem:$0x7F6];
	s0 =	sadd.s32 $0xF4280, s0  }
0xfa: {  	[tilespmem:s9], [sflag:$0x2] =	stream.linear.gather [hbm4b:s0+s4], $0x400, $0x38;
	[tilespmem:$0x10A00] =	vst v63  }
0xfb: {  	s13 =	sand.u32 $0xFFFFF80, s10;
	s15 =	sadd.s32 s1, s8;
	s17 =	sld [smem:$0x7F7]  }
0xfc: {  	[tilespmem:s11], [sflag:$0x2] =	stream.linear.gather [hbm4b:s15+s4], $0x400, $0x38;
	[tilespmem:$0x10A00] =	vst v63  }
0xfd: {  	s18 =	spop (v2sf);
	s19 =	sld [smem:$0x7F8];
	s0 =	sadd.s32 s2, s13  }
0xfe: {  	[tilespmem:s17], [sflag:$0x2] =	stream.linear.gather [hbm4b:s0+s4], $0x400, $0x38;
	[tilespmem:$0x10A00] =	vst v63  }
0xff: {  	s20 =	sand.u32 $0xFFFFF80, s18;
	s21 =	sld [smem:$0x7F9];
	s3 =	sadd.s32 $0xF4280, s15  }
0x100: {  	[tilespmem:s19], [sflag:$0x2] =	stream.linear.gather [hbm4b:s3+s4], $0x400, $0x38;
	[tilespmem:$0x10A00] =	vst v63  }
0x101: {  	s22 =	spop (v2sf);
	s23 =	sld [smem:$0x7FA];
	s0 =	sadd.s32 $0xF4280, s0  }
0x102: {  	[tilespmem:s21], [sflag:$0x2] =	stream.linear.gather [hbm4b:s0+s4], $0x400, $0x38;
	[tilespmem:$0x10A00] =	vst v63  }
0x103: {  	s24 =	sand.u32 $0xFFFFF80, s22;
	s25 =	sadd.s32 s1, s20;
	s26 =	sld [smem:$0x7FB]  }
0x104: {  	[tilespmem:s23], [sflag:$0x2] =	stream.linear.gather [hbm4b:s25+s4], $0x400, $0x38;
	[tilespmem:$0x10A00] =	vst v63  }
0x105: {  	s28 =	sld [smem:$0x7FC];
	s0 =	sadd.s32 s2, s24  }
0x106: {  	[tilespmem:s26], [sflag:$0x2] =	stream.linear.gather [hbm4b:s0+s4], $0x400, $0x38;
	[tilespmem:$0x10A00] =	vst v63  }
0x107: {  	s29 =	sld [smem:$0x7FD];
	s3 =	sadd.s32 $0xF4280, s25  }
0x108: {  	[tilespmem:s28], [sflag:$0x2] =	stream.linear.gather [hbm4b:s3+s4], $0x400, $0x38;
	[tilespmem:$0x10A00] =	vst v63  }
0x109: {  	s0 =	sadd.s32 $0xF4280, s0  }
0x10a: {  	[tilespmem:s29], [sflag:$0x2] =	stream.linear.gather [hbm4b:s0+s4], $0x400, $0x38;
	[tilespmem:$0x10A00] =	vst v63  }
0x10b: {  	_ =	swait.ge [sflag:s30], $0x400  }
0x10c: {  	[sflag:s30] =	ssyncset.done $0x0  }
0x10d: {  	[sflag:s30] =	ssyncadd.s32 $0xFFFFFC00  }
0x10e: {  	_ =	swait.ge [sflag:s30], $0x400  }
0x10f: {  	[sflag:s30] =	ssyncset.done $0x0  }
0x110: {  	[sflag:s30] =	ssyncadd.s32 $0xFFFFFC00  }
0x111: {  	_ =	swait.ge [sflag:s30], $0x400  }
0x112: {  	[sflag:s30] =	ssyncset.done $0x0  }
0x113: {  	[sflag:s30] =	ssyncadd.s32 $0xFFFFFC00  }
0x114: {  	_ =	swait.ge [sflag:s30], $0x400  }
0x115: {  	[sflag:s30] =	ssyncset.done $0x0  }
0x116: {  	[sflag:s30] =	ssyncadd.s32 $0xFFFFFC00  }
0x117: {  	_ =	swait.ge [sflag:s30], $0x400  }
0x118: {  	[sflag:s30] =	ssyncset.done $0x0  }
0x119: {  	[sflag:s30] =	ssyncadd.s32 $0xFFFFFC00  }
0x11a: {  	_ =	swait.ge [sflag:s30], $0x400  }
0x11b: {  	[sflag:s30] =	ssyncset.done $0x0  }
0x11c: {  	[sflag:s30] =	ssyncadd.s32 $0xFFFFFC00  }
0x11d: {  	_ =	swait.ge [sflag:s30], $0x400  }
0x11e: {  	[sflag:s30] =	ssyncset.done $0x0  }
0x11f: {  	[sflag:s30] =	ssyncadd.s32 $0xFFFFFC00  }
0x120: {  	_ =	swait.ge [sflag:s30], $0x400  }
0x121: {  	[sflag:s30] =	ssyncset.done $0x0  }
0x122: {  	[sflag:s30] =	ssyncadd.s32 $0xFFFFFC00  }
0x123: {  	_ =	swait.ge [sflag:s30], $0x400  }
0x124: {  	[sflag:s30] =	ssyncset.done $0x0  }
0x125: {  	[sflag:s30] =	ssyncadd.s32 $0xFFFFFC00  }
0x126: {  	_ =	swait.ge [sflag:s30], $0x400  }
0x127: {  	[sflag:s30] =	ssyncset.done $0x0  }
0x128: {  	[sflag:s30] =	ssyncadd.s32 $0xFFFFFC00  }
0x129: {  	_ =	swait.ge [sflag:s30], $0x400  }
0x12a: {  	[sflag:s30] =	ssyncset.done $0x0  }
0x12b: {  	[sflag:s30] =	ssyncadd.s32 $0xFFFFFC00  }
0x12c: {  	_ =	swait.ge [sflag:s30], $0x400  }
0x12d: {  	[sflag:s30] =	ssyncset.done $0x0  }
0x12e: {  	[sflag:s30] =	ssyncadd.s32 $0xFFFFFC00  }
0x12f: {  	_ =	swait.ge [sflag:s30], $0x400  }
0x130: {  	[sflag:s30] =	ssyncset.done $0x0  }
0x131: {  	[sflag:s30] =	ssyncadd.s32 $0xFFFFFC00  }
0x132: {  	_ =	swait.ge [sflag:s30], $0x400  }
0x133: {  	[sflag:s30] =	ssyncset.done $0x0  }
0x134: {  	[sflag:s30] =	ssyncadd.s32 $0xFFFFFC00  }
0x135: {  	_ =	swait.ge [sflag:s30], $0x400  }
0x136: {  	[sflag:s30] =	ssyncset.done $0x0  }
0x137: {  	[sflag:s30] =	ssyncadd.s32 $0xFFFFFC00  }
0x138: {  	_ =	swait.ge [sflag:s30], $0x400  }
0x139: {  	[sflag:s30] =	ssyncset.done $0x0  }
0x13a: {  	[sflag:s30] =	ssyncadd.s32 $0xFFFFFC00  }
0x13b: {  	_ =	swait.ge [sflag:s30], $0x400  }
0x13c: {  	[sflag:s30] =	ssyncset.done $0x0  }
0x13d: {  	[sflag:s30] =	ssyncadd.s32 $0xFFFFFC00  }
0x13e: {  	_ =	swait.ge [sflag:s30], $0x400  }
0x13f: {  	[sflag:s30] =	ssyncset.done $0x0  }
0x140: {  	[sflag:s30] =	ssyncadd.s32 $0xFFFFFC00  }
0x141: {  	_ =	swait.ge [sflag:s30], $0x400  }
0x142: {  	[sflag:s30] =	ssyncset.done $0x0  }
0x143: {  	[sflag:s30] =	ssyncadd.s32 $0xFFFFFC00  }
0x144: {  	_ =	swait.ge [sflag:s30], $0x400  }
0x145: {  	[sflag:s30] =	ssyncset.done $0x0  }
0x146: {  	[sflag:s30] =	ssyncadd.s32 $0xFFFFFC00  }
0x147: {  	_ =	swait.ge [sflag:s30], $0x400  }
0x148: {  	[sflag:s30] =	ssyncset.done $0x0  }
0x149: {  	[sflag:s30] =	ssyncadd.s32 $0xFFFFFC00  }
0x14a: {  	_ =	swait.ge [sflag:s30], $0x400  }
0x14b: {  	[sflag:s30] =	ssyncset.done $0x0  }
0x14c: {  	[sflag:s30] =	ssyncadd.s32 $0xFFFFFC00  }
0x14d: {  	_ =	swait.ge [sflag:s30], $0x400  }
0x14e: {  	[sflag:s30] =	ssyncset.done $0x0  }
0x14f: {  	[sflag:s30] =	ssyncadd.s32 $0xFFFFFC00  }
0x150: {  	_ =	swait.ge [sflag:s30], $0x400  }
0x151: {  	[sflag:s30] =	ssyncset.done $0x0  }
0x152: {  	[sflag:s30] =	ssyncadd.s32 $0xFFFFFC00  }
0x153: {  	_ =	swait.ge [sflag:s30], $0x400  }
0x154: {  	[sflag:s30] =	ssyncset.done $0x0  }
0x155: {  	[sflag:s30] =	ssyncadd.s32 $0xFFFFFC00  }
0x156: {  	_ =	swait.ge [sflag:s30], $0x400  }
0x157: {  	[sflag:s30] =	ssyncset.done $0x0  }
0x158: {  	[sflag:s30] =	ssyncadd.s32 $0xFFFFFC00  }
0x159: {  	_ =	swait.ge [sflag:s30], $0x400  }
0x15a: {  	[sflag:s30] =	ssyncset.done $0x0  }
0x15b: {  	[sflag:s30] =	ssyncadd.s32 $0xFFFFFC00  }
0x15c: {  	_ =	swait.ge [sflag:s30], $0x400  }
0x15d: {  	[sflag:s30] =	ssyncset.done $0x0  }
0x15e: {  	[sflag:s30] =	ssyncadd.s32 $0xFFFFFC00  }
0x15f: {  	_ =	swait.ge [sflag:s30], $0x400  }
0x160: {  	[sflag:s30] =	ssyncset.done $0x0  }
0x161: {  	[sflag:s30] =	ssyncadd.s32 $0xFFFFFC00  }
0x162: {  	_ =	swait.ge [sflag:s30], $0x400  }
0x163: {  	[sflag:s30] =	ssyncset.done $0x0  }
0x164: {  	[sflag:s30] =	ssyncadd.s32 $0xFFFFFC00  }
0x165: {  	_ =	swait.ge [sflag:s30], $0x400  }
0x166: {  	[sflag:s30] =	ssyncset.done $0x0  }
0x167: {  	[sflag:s30] =	ssyncadd.s32 $0xFFFFFC00  }
0x168: {  	_ =	swait.ge [sflag:s30], $0x400  }
0x169: {  	[sflag:s30] =	ssyncset.done $0x0  }
0x16a: {  	[sflag:s30] =	ssyncadd.s32 $0xFFFFFC00  }
0x16b: {  	_ =	swait.ge [sflag:s30], $0x400  }
0x16c: {  	[sflag:s30] =	ssyncset.done $0x0  }
0x16d: {  	[sflag:s30] =	ssyncadd.s32 $0xFFFFFC00  }
0x16e: {  	_ =	swait.ge [sflag:s30], $0x400  }
0x16f: {  	[sflag:s30] =	ssyncset.done $0x0  }
0x170: {  	[sflag:s30] =	ssyncadd.s32 $0xFFFFFC00  }
0x171: {  	_ =	swait.ge [sflag:s30], $0x400  }
0x172: {  	[sflag:s30] =	ssyncset.done $0x0  }
0x173: {  	[sflag:s30] =	ssyncadd.s32 $0xFFFFFC00  }
0x174: {  	_ =	swait.ge [sflag:s30], $0x400  }
0x175: {  	[sflag:s30] =	ssyncset.done $0x0  }
0x176: {  	[sflag:s30] =	ssyncadd.s32 $0xFFFFFC00  }
0x177: {  	_ =	swait.ge [sflag:s30], $0x400  }
0x178: {  	[sflag:s30] =	ssyncset.done $0x0  }
0x179: {  	[sflag:s30] =	ssyncadd.s32 $0xFFFFFC00  }
0x17a: {  	_ =	swait.ge [sflag:s30], $0x400  }
0x17b: {  	[sflag:s30] =	ssyncset.done $0x0  }
0x17c: {  	[sflag:s30] =	ssyncadd.s32 $0xFFFFFC00  }
0x17d: {  	_ =	swait.ge [sflag:s30], $0x400  }
0x17e: {  	[sflag:s30] =	ssyncset.done $0x0  }
0x17f: {  	[sflag:s30] =	ssyncadd.s32 $0xFFFFFC00  }
0x180: {  	_ =	swait.ge [sflag:s30], $0x400  }
0x181: {  	[sflag:s30] =	ssyncset.done $0x0  }
0x182: {  	[sflag:s30] =	ssyncadd.s32 $0xFFFFFC00  }
0x183: {  	_ =	swait.ge [sflag:s30], $0x400  }
0x184: {  	[sflag:s30] =	ssyncset.done $0x0  }
0x185: {  	[sflag:s30] =	ssyncadd.s32 $0xFFFFFC00  }
0x186: {  	_ =	swait.ge [sflag:s30], $0x400  }
0x187: {  	[sflag:s30] =	ssyncset.done $0x0  }
0x188: {  	[sflag:s30] =	ssyncadd.s32 $0xFFFFFC00  }
0x189: {  	_ =	swait.ge [sflag:s30], $0x400  }
0x18a: {  	[sflag:s30] =	ssyncset.done $0x0  }
0x18b: {  	[sflag:s30] =	ssyncadd.s32 $0xFFFFFC00  }
0x18c: {  	_ =	swait.ge [sflag:s30], $0x400  }
0x18d: {  	[sflag:s30] =	ssyncset.done $0x0  }
0x18e: {  	[sflag:s30] =	ssyncadd.s32 $0xFFFFFC00  }
0x18f: {  	_ =	swait.ge [sflag:s30], $0x400  }
0x190: {  	[sflag:s30] =	ssyncset.done $0x0  }
0x191: {  	[sflag:s30] =	ssyncadd.s32 $0xFFFFFC00  }
0x192: {  	_ =	swait.ge [sflag:s30], $0x400  }
0x193: {  	[sflag:s30] =	ssyncset.done $0x0  }
0x194: {  	[sflag:s30] =	ssyncadd.s32 $0xFFFFFC00  }
0x195: {  	_ =	swait.ge [sflag:s30], $0x400  }
0x196: {  	[sflag:s30] =	ssyncset.done $0x0  }
0x197: {  	[sflag:s30] =	ssyncadd.s32 $0xFFFFFC00  }
0x198: {  	_ =	swait.ge [sflag:s30], $0x400  }
0x199: {  	[sflag:s30] =	ssyncset.done $0x0  }
0x19a: {  	[sflag:s30] =	ssyncadd.s32 $0xFFFFFC00  }
0x19b: {  	_ =	swait.ge [sflag:s30], $0x400  }
0x19c: {  	[sflag:s30] =	ssyncset.done $0x0  }
0x19d: {  	[sflag:s30] =	ssyncadd.s32 $0xFFFFFC00  }
0x19e: {  	_ =	swait.ge [sflag:s30], $0x400  }
0x19f: {  	[sflag:s30] =	ssyncset.done $0x0  }
0x1a0: {  	[sflag:s30] =	ssyncadd.s32 $0xFFFFFC00  }
0x1a1: {  	_ =	swait.ge [sflag:s30], $0x400  }
0x1a2: {  	[sflag:s30] =	ssyncset.done $0x0  }
0x1a3: {  	[sflag:s30] =	ssyncadd.s32 $0xFFFFFC00  }
0x1a4: {  	_ =	swait.ge [sflag:s30], $0x400  }
0x1a5: {  	[sflag:s30] =	ssyncset.done $0x0  }
0x1a6: {  	[sflag:s30] =	ssyncadd.s32 $0xFFFFFC00  }
0x1a7: {  	_ =	swait.ge [sflag:s30], $0x400  }
0x1a8: {  	[sflag:s30] =	ssyncset.done $0x0  }
0x1a9: {  	[sflag:s30] =	ssyncadd.s32 $0xFFFFFC00  }
0x1aa: {  	_ =	swait.ge [sflag:s30], $0x400  }
0x1ab: {  	[sflag:s30] =	ssyncset.done $0x0  }
0x1ac: {  	[sflag:s30] =	ssyncadd.s32 $0xFFFFFC00  }
0x1ad: {  	_ =	swait.ge [sflag:s30], $0x400  }
0x1ae: {  	[sflag:s30] =	ssyncset.done $0x0  }
0x1af: {  	[sflag:s30] =	ssyncadd.s32 $0xFFFFFC00  }
0x1b0: {  	_ =	swait.ge [sflag:s30], $0x400  }
0x1b1: {  	[sflag:s30] =	ssyncset.done $0x0  }
0x1b2: {  	[sflag:s30] =	ssyncadd.s32 $0xFFFFFC00  }
0x1b3: {  	_ =	swait.ge [sflag:s30], $0x400  }
0x1b4: {  	[sflag:s30] =	ssyncset.done $0x0  }
0x1b5: {  	[sflag:s30] =	ssyncadd.s32 $0xFFFFFC00  }
0x1b6: {  	_ =	swait.ge [sflag:s30], $0x400  }
0x1b7: {  	[sflag:s30] =	ssyncset.done $0x0  }
0x1b8: {  	[sflag:s30] =	ssyncadd.s32 $0xFFFFFC00  }
0x1b9: {  	_ =	swait.ge [sflag:s30], $0x400  }
0x1ba: {  	[sflag:s30] =	ssyncset.done $0x0  }
0x1bb: {  	[sflag:s30] =	ssyncadd.s32 $0xFFFFFC00  }
0x1bc: {  	_ =	swait.ge [sflag:s30], $0x400  }
0x1bd: {  	[sflag:s30] =	ssyncset.done $0x0  }
0x1be: {  	[sflag:s30] =	ssyncadd.s32 $0xFFFFFC00  }
0x1bf: {  	_ =	swait.ge [sflag:s30], $0x400  }
0x1c0: {  	[sflag:s30] =	ssyncset.done $0x0  }
0x1c1: {  	[sflag:s30] =	ssyncadd.s32 $0xFFFFFC00  }
0x1c2: {  	_ =	swait.ge [sflag:s30], $0x400  }
0x1c3: {  	[sflag:s30] =	ssyncset.done $0x0  }
0x1c4: {  	[sflag:s30] =	ssyncadd.s32 $0xFFFFFC00  }
0x1c5: {  	v17 =	vand.u32 $0x7F, v17;
	_ =	swait.ge [sflag:s30], $0x400  }
0x1c6: {  	v18 =	vor.u32 v1, v17;
	[sflag:s30] =	ssyncset.done $0x0  }
0x1c7: {  	v19 =	vor.u32 v0, v17;
	v16 =	vand.u32 $0x7F, v16;
	[sflag:s30] =	ssyncadd.s32 $0xFFFFFC00  }
0x1c8: {  	v20 =	vor.u32 v0, v16;
	_ =	swait.ge [sflag:s30], $0x400  }
0x1c9: {  	v21 =	vor.u32 v1, v16;
	[sflag:s30] =	ssyncset.done $0x0  }
0x1ca: {  	v22 =	vor.u32 v2, v17;
	[sflag:s30] =	ssyncadd.s32 $0xFFFFFC00  }
0x1cb: {  	v23 =	vor.u32 v2, v16;
	v18 =	vld.idx.msk [tilespmem:v18+s12+$0x0], $0xffff  }
0x1cc: {  	v24 =	vor.u32 v3, v17;
	v19 =	vld.idx.msk [tilespmem:v19+s12+$0x0], $0xffff  }
0x1cd: {  	v25 =	vor.u32 v3, v16;
	v20 =	vld.idx.msk [tilespmem:v20+s14+$0x0], $0xffff  }
0x1ce: {  	v28 =	vor.u32 v5, v17;
	v21 =	vld.idx.msk [tilespmem:v21+s14+$0x0], $0xffff  }
0x1cf: {  	v26 =	vor.u32 v4, v17;
	v22 =	vld.idx.msk [tilespmem:v22+s12+$0x0], $0xffff  }
0x1d0: {  	v27 =	vor.u32 v4, v16;
	v23 =	vld.idx.msk [tilespmem:v23+s14+$0x0], $0xffff  }
0x1d1: {  	v42 =	vor.u32 v6, v16;
	v24 =	vld.idx.msk [tilespmem:v24+s12+$0x0], $0xffff  }
0x1d2: {  	v29 =	vor.u32 v5, v16;
	v25 =	vld.idx.msk [tilespmem:v25+s14+$0x0], $0xffff;
	v19 =	vmul.f32 v20, v19  }
0x1d3: {  	v44 =	vor.u32 v8, v17;
	v28 =	vld.idx.msk [tilespmem:v28+s12+$0x0], $0xffff  }
0x1d4: {  	v30 =	vor.u32 v6, v17;
	v20 =	vld.idx.msk [tilespmem:v26+s12+$0x0], $0xffff;
	v18 =	vmul.f32 v21, v18;
	v19 =	vadd.f32 $0.0e+00, v19  }
0x1d5: {  	v31 =	vor.u32 v7, v16;
	v21 =	vld.idx.msk [tilespmem:v27+s14+$0x0], $0xffff  }
0x1d6: {  	v43 =	vor.u32 v7, v17;
	v46 =	vld.idx.msk [tilespmem:v42+s14+$0x0], $0xffff;
	v22 =	vmul.f32 v23, v22;
	v18 =	vadd.f32 v18, v19  }
0x1d7: {  	v45 =	vor.u32 v8, v16;
	v23 =	vld.idx.msk [tilespmem:v29+s14+$0x0], $0xffff  }
0x1d8: {  	v48 =	vor.u32 v9, v16;
	v50 =	vld.idx.msk [tilespmem:v44+s12+$0x0], $0xffff;
	v24 =	vmul.f32 v25, v24;
	v18 =	vadd.f32 v22, v18  }
0x1d9: {  	v57 =	vor.u32 v12, v16;
	v19 =	vld.idx.msk [tilespmem:v30+s12+$0x0], $0xffff  }
0x1da: {  	v47 =	vor.u32 v9, v17;
	v20 =	vmul.f32 v21, v20;
	v21 =	vld.idx.msk [tilespmem:v31+s14+$0x0], $0xffff;
	v18 =	vadd.f32 v24, v18  }
0x1db: {  	v51 =	vor.u32 v10, v16;
	v22 =	vld.idx.msk [tilespmem:v43+s12+$0x0], $0xffff  }
0x1dc: {  	v49 =	vor.u32 v10, v17;
	v52 =	vld.idx.msk [tilespmem:v45+s14+$0x0], $0xffff;
	v23 =	vmul.f32 v23, v28;
	v18 =	vadd.f32 v20, v18  }
0x1dd: {  	v54 =	vor.u32 v11, v16;
	v55 =	vld.idx.msk [tilespmem:v48+s14+$0x0], $0xffff  }
0x1de: {  	v53 =	vor.u32 v11, v17;
	v62 =	vld.idx.msk [tilespmem:v57+s14+$0x0], $0xffff;
	v19 =	vmul.f32 v46, v19;
	v18 =	vadd.f32 v23, v18  }
0x1df: {  	v58 =	vor.u32 v13, v17;
	v20 =	vld.idx.msk [tilespmem:v47+s12+$0x0], $0xffff  }
0x1e0: {  	v56 =	vor.u32 v12, v17;
	v21 =	vmul.f32 v21, v22;
	v22 =	vld.idx.msk [tilespmem:v51+s14+$0x0], $0xffff;
	v18 =	vadd.f32 v19, v18  }
0x1e1: {  	v60 =	vor.u32 v14, v17;
	v17 =	vor.u32 v15, v17;
	v23 =	vld.idx.msk [tilespmem:v49+s12+$0x0], $0xffff  }
0x1e2: {  	v59 =	vor.u32 v13, v16;
	v26 =	vld.idx.msk [tilespmem:v54+s14+$0x0], $0xffff;
	v24 =	vmul.f32 v52, v50;
	v18 =	vadd.f32 v21, v18  }
0x1e3: {  	v61 =	vor.u32 v14, v16;
	v19 =	vld.idx.msk [tilespmem:v53+s12+$0x0], $0xffff  }
0x1e4: {  	v63 =	vld.idx.msk [tilespmem:v58+s12+$0x0], $0xffff;
	v20 =	vmul.f32 v55, v20;
	v18 =	vadd.f32 v24, v18  }
0x1e5: {  	v21 =	vld.idx.msk [tilespmem:v56+s12+$0x0], $0xffff  }
0x1e6: {  	v16 =	vor.u32 v15, v16;
	v17 =	vld.idx.msk [tilespmem:v17+s12+$0x0], $0xffff;
	v22 =	vmul.f32 v22, v23;
	v18 =	vadd.f32 v20, v18  }
0x1e7: {  	v23 =	vld.idx.msk [tilespmem:v59+s14+$0x0], $0xffff  }
0x1e8: {  	v27 =	vld.idx.msk [tilespmem:v61+s14+$0x0], $0xffff;
	v26 =	vmul.f32 v26, v19;
	v18 =	vadd.f32 v22, v18  }
0x1e9: {  	s17 =	simm.s32 $0x10;
	s13 =	sld [smem:$0x7D4];
	v20 =	vld.idx.msk [tilespmem:v60+s12+$0x0], $0xffff  }
0x1ea: {  	s20 =	rddreg [dreg:$0x1f];
	v19 =	vld [tilespmem:s17+$0x0];
	v21 =	vmul.f32 v62, v21;
	v22 =	vadd.f32 v26, v18  }
0x1eb: {  	s18 =	rddreg [dreg:$0x1e];
	v16 =	vld.idx.msk [tilespmem:v16+s14+$0x0], $0xffff  }
0x1ec: {  	s22 =	rddreg [dreg:$0x1d];
	v23 =	vmul.f32 v23, v63;
	v18 =	vld [tilespmem:s17+$0x200];
	v21 =	vadd.f32 v21, v22  }
0x1ed: {  	s23 =	rddreg [dreg:$0x1b]  }
0x1ee: {  	s24 =	rddreg [dreg:$0x19];
	v20 =	vmul.f32 v27, v20;
	v21 =	vadd.f32 v23, v21  }
0x1ef: {  	s25 =	rddreg [dreg:$0x18];
	(v2sf) =	vpush v19, $0x0;
	v22 =	vld [tilespmem:s16+$0x10400]  }
0x1f0: {  	s26 =	rddreg [dreg:$0x17];
	v16 =	vmul.f32 v16, v17;
	(v2sf) =	vpush v19, $0x1;
	v17 =	vadd.f32 v20, v21  }
0x1f1: {  	s31 =	rddreg [dreg:$0x16];
	(v2sf) =	vpush v18, $0x0  }
0x1f2: {  	s11 =	rddreg [dreg:$0x15];
	(v2sf) =	vpush v18, $0x1;
	v21 =	vadd.f32 v16, v17  }
0x1f3: {  	s7 =	rddreg [dreg:$0x14];
	(v2sf) =	vpush v19, $0x2;
	v16 =	vand.u32 $0x7F, v19  }
0x1f4: {  	s0 =	simm.s32 $0x80;
	s12 =	sld [smem:$0x7D7];
	v20 =	vld [tilespmem:s16+$0x10600];
	v17 =	vand.u32 $0x7F, v18;
	(v2sf) =	vpush v18, $0x2;
	v21 =	vadd.f32 v21, v22  }
.LBB2_2:
0x1f5: {  	s8 =	rddreg [dreg:$0x12]  }
0x1f6: {  	p0 =	sne.s32 s0, $0x7C0;
	s9 =	rddreg [dreg:$0x11]  }
0x1f7: {  	s1 =	smov.u32 s0;
	s10 =	sadd.s32 $0x40, s0;
	s0 =	rddreg [dreg:$0xf]  }
0x1f8: {  	s3 =	rddreg [dreg:$0xe]  }
0x1f9: {  	s5 =	rddreg [dreg:$0xd]  }
0x1fa: {  	s6 =	rddreg [dreg:$0xc]  }
0x1fb: {  	s19 =	smov.u32 s17;
	s17 =	rddreg [dreg:$0x9]  }
0x1fc: {  	s15 =	rddreg [dreg:$0x2]  }
0x1fd: {  	s21 =	rddreg [dreg:$0x3]  }
0x1fe: {  	(v2sf) =	vpush v19, $0x3;
	[smem:$0x7D2] =	sst s1;
	v20 =	vadd.f32 v21, v20  }
0x1ff: {  	[smem:$0x7D1] =	sst s10  }
0x200: {  	s2 =	simm.s32 $0x400;
	(v2sf) =	vpush v18, $0x3;
	[smem:$0x7D0] =	sst s12;
	v20 =	vadd.f32 $7.000000000e+00, v20;
	s12 =	spop (v2sf)  }
0x201: {  	[smem:$0x7CF] =	sst s13;
	s13 =	sand.u32 $0xFFFFF80, s12;
	s12 =	spop (v2sf)  }
0x202: {  	s10 =	rddreg [dreg:$0x10];
	[tilespmem:s16+$0x10800] =	vst v20;
	(v2sf) =	vpush v19, $0x4;
	s13 =	sadd.s32 s15, s13;
	s14 =	spop (v2sf)  }
0x203: {  	[tilespmem:s2], [sflag:$0x2] =	stream.linear.gather [hbm4b:s13+s4], $0x400, $0x38;
	[tilespmem:$0x10A00] =	vst v63  }
0x204: {  	s29 =	simm.s32 $0x8400;
	s1 =	rddreg [dreg:$0x8];
	(v2sf) =	vpush v18, $0x4;
	s16 =	sand.u32 $0xFFFFF80, s14  }
0x205: {  	s12 =	sand.u32 $0xFFFFF80, s12;
	s14 =	spop (v2sf);
	s16 =	sadd.s32 s21, s16  }
0x206: {  	(v2sf) =	vpush v19, $0x5;
	[tilespmem:s29], [sflag:$0x2] =	stream.linear.gather [hbm4b:s16+s4], $0x400, $0x38;
	[tilespmem:$0x10A00] =	vst v63  }
0x207: {  	s2 =	rddreg [dreg:$0x7];
	s13 =	sadd.s32 $0xF4280, s13;
	s28 =	spop (v2sf)  }
0x208: {  	[tilespmem:s2], [sflag:$0x2] =	stream.linear.gather [hbm4b:s13+s4], $0x400, $0x38;
	[tilespmem:$0x10A00] =	vst v63  }
0x209: {  	s14 =	sand.u32 $0xFFFFF80, s14;
	s28 =	sand.u32 $0xFFFFF80, s28;
	s16 =	sadd.s32 $0xF4280, s16  }
0x20a: {  	(v2sf) =	vpush v18, $0x5;
	[tilespmem:s1], [sflag:$0x2] =	stream.linear.gather [hbm4b:s16+s4], $0x400, $0x38;
	[tilespmem:$0x10A00] =	vst v63  }
0x20b: {  	s29 =	spop (v2sf);
	s14 =	sadd.s32 s21, s14;
	s1 =	sadd.s32 s15, s12  }
0x20c: {  	(v2sf) =	vpush v19, $0x6;
	[tilespmem:s17], [sflag:$0x2] =	stream.linear.gather [hbm4b:s1+s4], $0x400, $0x38;
	[tilespmem:$0x10A00] =	vst v63  }
0x20d: {  	s13 =	sand.u32 $0xFFFFF80, s29;
	s2 =	rddreg [dreg:$0xa];
	s12 =	spop (v2sf)  }
0x20e: {  	(v2sf) =	vpush v18, $0x6;
	[tilespmem:s2], [sflag:$0x2] =	stream.linear.gather [hbm4b:s14+s4], $0x400, $0x38;
	[tilespmem:$0x10A00] =	vst v63  }
0x20f: {  	s16 =	rddreg [dreg:$0xb];
	s29 =	spop (v2sf);
	s1 =	sadd.s32 $0xF4280, s1  }
0x210: {  	[tilespmem:s16], [sflag:$0x2] =	stream.linear.gather [hbm4b:s1+s4], $0x400, $0x38;
	[tilespmem:$0x10A00] =	vst v63  }
0x211: {  	s2 =	sand.u32 $0xFFFFF80, s29;
	s29 =	spop (v2sf);
	s16 =	sadd.s32 $0xF4280, s14  }
0x212: {  	(v2sf) =	vpush v19, $0x7;
	[tilespmem:s6], [sflag:$0x2] =	stream.linear.gather [hbm4b:s16+s4], $0x400, $0x38;
	[tilespmem:$0x10A00] =	vst v63  }
0x213: {  	s1 =	sadd.s32 s15, s28;
	s14 =	sand.u32 $0xFFFFF80, s29;
	s29 =	spop (v2sf)  }
0x214: {  	(v2sf) =	vpush v18, $0x7;
	[tilespmem:s5], [sflag:$0x2] =	stream.linear.gather [hbm4b:s1+s4], $0x400, $0x38;
	[tilespmem:$0x10A00] =	vst v63  }
0x215: {  	s28 =	sadd.s32 s21, s13;
	s14 =	sadd.s32 s15, s14;
	s17 =	spop (v2sf)  }
0x216: {  	(v2sf) =	vpush v19, $0x8;
	[tilespmem:s3], [sflag:$0x2] =	stream.linear.gather [hbm4b:s28+s4], $0x400, $0x38;
	[tilespmem:$0x10A00] =	vst v63  }
0x217: {  	s16 =	sand.u32 $0xFFFFF80, s29;
	s13 =	sand.u32 $0xFFFFF80, s17;
	s1 =	sadd.s32 $0xF4280, s1  }
0x218: {  	(v2sf) =	vpush v18, $0x8;
	[tilespmem:s0], [sflag:$0x2] =	stream.linear.gather [hbm4b:s1+s4], $0x400, $0x38;
	[tilespmem:$0x10A00] =	vst v63  }
0x219: {  	s29 =	spop (v2sf);
	s17 =	sadd.s32 $0xF4280, s28;
	s28 =	sand.u32 $0xFFFFF80, s12  }
0x21a: {  	(v2sf) =	vpush v19, $0x9;
	[tilespmem:s10], [sflag:$0x2] =	stream.linear.gather [hbm4b:s17+s4], $0x400, $0x38;
	[tilespmem:$0x10A00] =	vst v63  }
0x21b: {  	s6 =	sand.u32 $0xFFFFF80, s29;
	s3 =	spop (v2sf);
	s10 =	sadd.s32 s15, s28  }
0x21c: {  	(v2sf) =	vpush v18, $0x9;
	[tilespmem:s9], [sflag:$0x2] =	stream.linear.gather [hbm4b:s10+s4], $0x400, $0x38;
	[tilespmem:$0x10A00] =	vst v63  }
0x21d: {  	s12 =	sadd.s32 s21, s2;
	s6 =	sadd.s32 s21, s6;
	s29 =	spop (v2sf)  }
0x21e: {  	(v2sf) =	vpush v19, $0xA;
	[tilespmem:s8], [sflag:$0x2] =	stream.linear.gather [hbm4b:s12+s4], $0x400, $0x38;
	[tilespmem:$0x10A00] =	vst v63  }
0x21f: {  	s5 =	sand.u32 $0xFFFFF80, s3;
	s28 =	rddreg [dreg:$0x13];
	s9 =	sadd.s32 $0xF4280, s10  }
0x220: {  	(v2sf) =	vpush v18, $0xA;
	[tilespmem:s28], [sflag:$0x2] =	stream.linear.gather [hbm4b:s9+s4], $0x400, $0x38;
	[tilespmem:$0x10A00] =	vst v63  }
0x221: {  	s1 =	sadd.s32 $0xF4280, s12;
	s17 =	sand.u32 $0xFFFFF80, s29;
	s29 =	spop (v2sf)  }
0x222: {  	(v2sf) =	vpush v19, $0xB;
	[tilespmem:s7], [sflag:$0x2] =	stream.linear.gather [hbm4b:s1+s4], $0x400, $0x38;
	[tilespmem:$0x10A00] =	vst v63  }
0x223: {  	s0 =	sand.u32 $0xFFFFF80, s29;
	s29 =	sadd.s32 s21, s16;
	s10 =	spop (v2sf)  }
0x224: {  	(v2sf) =	vpush v18, $0xB;
	[tilespmem:s11], [sflag:$0x2] =	stream.linear.gather [hbm4b:s14+s4], $0x400, $0x38;
	[tilespmem:$0x10A00] =	vst v63  }
0x225: {  	s16 =	smov.u32 s19;
	s19 =	rddreg [dreg:$0x1a];
	s12 =	spop (v2sf)  }
0x226: {  	(v2sf) =	vpush v19, $0xC;
	[tilespmem:s31], [sflag:$0x2] =	stream.linear.gather [hbm4b:s29+s4], $0x400, $0x38;
	[tilespmem:$0x10A00] =	vst v63  }
0x227: {  	s0 =	sadd.s32 s15, s0;
	s28 =	spop (v2sf);
	s1 =	sadd.s32 $0xF4280, s14  }
0x228: {  	(v2sf) =	vpush v18, $0xC;
	[tilespmem:s26], [sflag:$0x2] =	stream.linear.gather [hbm4b:s1+s4], $0x400, $0x38;
	[tilespmem:$0x10A00] =	vst v63  }
0x229: {  	s7 =	sand.u32 $0xFFFFF80, s12;
	s12 =	sadd.s32 $0xF4280, s29;
	s9 =	spop (v2sf)  }
0x22a: {  	(v2sf) =	vpush v19, $0xD;
	[tilespmem:s25], [sflag:$0x2] =	stream.linear.gather [hbm4b:s12+s4], $0x400, $0x38;
	[tilespmem:$0x10A00] =	vst v63  }
0x22b: {  	s3 =	sand.u32 $0xFFFFF80, s10;
	s14 =	sadd.s32 s15, s13;
	s11 =	spop (v2sf)  }
0x22c: {  	(v2sf) =	vpush v18, $0xD;
	[tilespmem:s24], [sflag:$0x2] =	stream.linear.gather [hbm4b:s14+s4], $0x400, $0x38;
	[tilespmem:$0x10A00] =	vst v63  }
0x22d: {  	s3 =	sadd.s32 s21, s3;
	s10 =	sand.u32 $0xFFFFF80, s28;
	s26 =	spop (v2sf)  }
0x22e: {  	[tilespmem:s19], [sflag:$0x2] =	stream.linear.gather [hbm4b:s6+s4], $0x400, $0x38;
	[tilespmem:$0x10A00] =	vst v63  }
0x22f: {  	s28 =	rddreg [dreg:$0x1c];
	s1 =	sadd.s32 $0xF4280, s14;
	s25 =	spop (v2sf)  }
0x230: {  	(v2sf) =	vpush v19, $0xE;
	[tilespmem:s23], [sflag:$0x2] =	stream.linear.gather [hbm4b:s1+s4], $0x400, $0x38;
	[tilespmem:$0x10A00] =	vst v63  }
0x231: {  	s9 =	sand.u32 $0xFFFFF80, s9;
	s24 =	spop (v2sf);
	s6 =	sadd.s32 $0xF4280, s6  }
0x232: {  	[tilespmem:s28], [sflag:$0x2] =	stream.linear.gather [hbm4b:s6+s4], $0x400, $0x38;
	[tilespmem:$0x10A00] =	vst v63  }
0x233: {  	s31 =	sand.u32 $0xFFFFF80, s11;
	s12 =	sadd.s32 s15, s5;
	s29 =	spop (v2sf)  }
0x234: {  	(v2sf) =	vpush v18, $0xE;
	[tilespmem:s22], [sflag:$0x2] =	stream.linear.gather [hbm4b:s12+s4], $0x400, $0x38;
	[tilespmem:$0x10A00] =	vst v63  }
0x235: {  	s14 =	sadd.s32 s21, s17;
	s8 =	sand.u32 $0xFFFFF80, s29;
	s11 =	spop (v2sf)  }
0x236: {  	[tilespmem:s18], [sflag:$0x2] =	stream.linear.gather [hbm4b:s14+s4], $0x400, $0x38;
	[tilespmem:$0x10A00] =	vst v63  }
0x237: {  	s29 =	sld [smem:$0x7CF];
	s1 =	sadd.s32 $0xF4280, s12;
	s13 =	spop (v2sf)  }
0x238: {  	(v2sf) =	vpush v19, $0xF;
	[tilespmem:s20], [sflag:$0x2] =	stream.linear.gather [hbm4b:s1+s4], $0x400, $0x38;
	[tilespmem:$0x10A00] =	vst v63  }
0x239: {  	s19 =	sadd.s32 $0xF4280, s14;
	s17 =	spop (v2sf);
	s28 =	sld [smem:$0x7D5]  }
0x23a: {  	[tilespmem:s29], [sflag:$0x2] =	stream.linear.gather [hbm4b:s19+s4], $0x400, $0x38;
	[tilespmem:$0x10A00] =	vst v63  }
0x23b: {  	s23 =	sand.u32 $0xFFFFF80, s11;
	s6 =	sld [smem:$0x7D6];
	s18 =	spop (v2sf)  }
0x23c: {  	[tilespmem:s28], [sflag:$0x2] =	stream.linear.gather [hbm4b:s0+s4], $0x400, $0x38;
	[tilespmem:$0x10A00] =	vst v63  }
0x23d: {  	s22 =	sand.u32 $0xFFFFF80, s13;
	s20 =	sand.u32 $0xFFFFF80, s18;
	s18 =	sld [smem:$0x7D0]  }
0x23e: {  	(v2sf) =	vpush v18, $0xF;
	[tilespmem:s6], [sflag:$0x2] =	stream.linear.gather [hbm4b:s3+s4], $0x400, $0x38;
	[tilespmem:$0x10A00] =	vst v63  }
0x23f: {  	s14 =	sld [smem:$0x7D8];
	s12 =	spop (v2sf);
	s0 =	sadd.s32 $0xF4280, s0  }
0x240: {  	[tilespmem:s18], [sflag:$0x2] =	stream.linear.gather [hbm4b:s0+s4], $0x400, $0x38;
	[tilespmem:$0x10A00] =	vst v63  }
0x241: {  	s11 =	sand.u32 $0xFFFFF80, s12;
	s29 =	sld [smem:$0x7D9];
	s28 =	sadd.s32 $0xF4280, s3  }
0x242: {  	[tilespmem:s14], [sflag:$0x2] =	stream.linear.gather [hbm4b:s28+s4], $0x400, $0x38;
	[tilespmem:$0x10A00] =	vst v63  }
0x243: {  	s12 =	sld [smem:$0x7DA];
	s13 =	spop (v2sf);
	s6 =	sadd.s32 s15, s7  }
0x244: {  	[tilespmem:s29], [sflag:$0x2] =	stream.linear.gather [hbm4b:s6+s4], $0x400, $0x38;
	[tilespmem:$0x10A00] =	vst v63  }
0x245: {  	s19 =	sand.u32 $0xFFFFF80, s13;
	s13 =	sadd.s32 s21, s10;
	s14 =	sld [smem:$0x7DB]  }
0x246: {  	[tilespmem:s12], [sflag:$0x2] =	stream.linear.gather [hbm4b:s13+s4], $0x400, $0x38;
	[tilespmem:$0x10A00] =	vst v63  }
0x247: {  	s5 =	spop (v2sf);
	s0 =	sadd.s32 $0xF4280, s6;
	s29 =	sld [smem:$0x7DD]  }
0x248: {  	[tilespmem:s14], [sflag:$0x2] =	stream.linear.gather [hbm4b:s0+s4], $0x400, $0x38;
	[tilespmem:$0x10A00] =	vst v63  }
0x249: {  	s3 =	sadd.s32 $0xF4280, s13;
	s7 =	sand.u32 $0xFFFFF80, s5;
	s5 =	sld [smem:$0x7DE]  }
0x24a: {  	[tilespmem:s29], [sflag:$0x2] =	stream.linear.gather [hbm4b:s3+s4], $0x400, $0x38;
	[tilespmem:$0x10A00] =	vst v63  }
0x24b: {  	s6 =	sadd.s32 s15, s9;
	s9 =	sld [smem:$0x7DF]  }
0x24c: {  	[tilespmem:s5], [sflag:$0x2] =	stream.linear.gather [hbm4b:s6+s4], $0x400, $0x38;
	[tilespmem:$0x10A00] =	vst v63  }
0x24d: {  	s10 =	sadd.s32 s21, s31;
	s28 =	spop (v2sf);
	s12 =	sld [smem:$0x7E0]  }
0x24e: {  	[tilespmem:s9], [sflag:$0x2] =	stream.linear.gather [hbm4b:s10+s4], $0x400, $0x38;
	[tilespmem:$0x10A00] =	vst v63  }
0x24f: {  	s18 =	sand.u32 $0xFFFFF80, s28;
	s13 =	sld [smem:$0x7E1];
	s0 =	sadd.s32 $0xF4280, s6  }
0x250: {  	[tilespmem:s12], [sflag:$0x2] =	stream.linear.gather [hbm4b:s0+s4], $0x400, $0x38;
	[tilespmem:$0x10A00] =	vst v63  }
0x251: {  	s28 =	sand.u32 $0xFFFFF80, s26;
	s14 =	sadd.s32 $0xF4280, s10;
	s29 =	sld [smem:$0x7E2]  }
0x252: {  	[tilespmem:s13], [sflag:$0x2] =	stream.linear.gather [hbm4b:s14+s4], $0x400, $0x38;
	[tilespmem:$0x10A00] =	vst v63  }
0x253: {  	s25 =	sand.u32 $0xFFFFF80, s25;
	s5 =	sadd.s32 s15, s28;
	s6 =	sld [smem:$0x7E3]  }
0x254: {  	[tilespmem:s29], [sflag:$0x2] =	stream.linear.gather [hbm4b:s5+s4], $0x400, $0x38;
	[tilespmem:$0x10A00] =	vst v63  }
0x255: {  	s9 =	sadd.s32 s21, s25;
	s10 =	sld [smem:$0x7E4]  }
0x256: {  	[tilespmem:s6], [sflag:$0x2] =	stream.linear.gather [hbm4b:s9+s4], $0x400, $0x38;
	[tilespmem:$0x10A00] =	vst v63  }
0x257: {  	s0 =	sadd.s32 $0xF4280, s5;
	s12 =	sld [smem:$0x7E5]  }
0x258: {  	[tilespmem:s10], [sflag:$0x2] =	stream.linear.gather [hbm4b:s0+s4], $0x400, $0x38;
	[tilespmem:$0x10A00] =	vst v63  }
0x259: {  	s13 =	sadd.s32 $0xF4280, s9;
	s14 =	sand.u32 $0xFFFFF80, s24;
	s24 =	sld [smem:$0x7E6]  }
0x25a: {  	[tilespmem:s12], [sflag:$0x2] =	stream.linear.gather [hbm4b:s13+s4], $0x400, $0x38;
	[tilespmem:$0x10A00] =	vst v63  }
0x25b: {  	s26 =	sld [smem:$0x7E8];
	s25 =	sadd.s32 s15, s14  }
0x25c: {  	[tilespmem:s24], [sflag:$0x2] =	stream.linear.gather [hbm4b:s25+s4], $0x400, $0x38;
	[tilespmem:$0x10A00] =	vst v63  }
0x25d: {  	s28 =	sadd.s32 s21, s8;
	s29 =	sld [smem:$0x7EA]  }
0x25e: {  	[tilespmem:s26], [sflag:$0x2] =	stream.linear.gather [hbm4b:s28+s4], $0x400, $0x38;
	[tilespmem:$0x10A00] =	vst v63  }
0x25f: {  	s5 =	sld [smem:$0x7EC];
	s0 =	sadd.s32 $0xF4280, s25  }
0x260: {  	[tilespmem:s29], [sflag:$0x2] =	stream.linear.gather [hbm4b:s0+s4], $0x400, $0x38;
	[tilespmem:$0x10A00] =	vst v63  }
0x261: {  	s8 =	sld [smem:$0x7EE];
	s6 =	sadd.s32 $0xF4280, s28  }
0x262: {  	[tilespmem:s5], [sflag:$0x2] =	stream.linear.gather [hbm4b:s6+s4], $0x400, $0x38;
	[tilespmem:$0x10A00] =	vst v63  }
0x263: {  	s9 =	sadd.s32 s15, s23;
	s10 =	sld [smem:$0x7EF]  }
0x264: {  	[tilespmem:s8], [sflag:$0x2] =	stream.linear.gather [hbm4b:s9+s4], $0x400, $0x38;
	[tilespmem:$0x10A00] =	vst v63  }
0x265: {  	s12 =	sadd.s32 s21, s22;
	s13 =	sld [smem:$0x7F0]  }
0x266: {  	[tilespmem:s10], [sflag:$0x2] =	stream.linear.gather [hbm4b:s12+s4], $0x400, $0x38;
	[tilespmem:$0x10A00] =	vst v63  }
0x267: {  	s14 =	sld [smem:$0x7F1];
	s0 =	sadd.s32 $0xF4280, s9  }
0x268: {  	[tilespmem:s13], [sflag:$0x2] =	stream.linear.gather [hbm4b:s0+s4], $0x400, $0x38;
	[tilespmem:$0x10A00] =	vst v63  }
0x269: {  	s17 =	sand.u32 $0xFFFFF80, s17;
	s23 =	sld [smem:$0x7F2];
	s22 =	sadd.s32 $0xF4280, s12  }
0x26a: {  	[tilespmem:s14], [sflag:$0x2] =	stream.linear.gather [hbm4b:s22+s4], $0x400, $0x38;
	[tilespmem:$0x10A00] =	vst v63  }
0x26b: {  	s24 =	sadd.s32 s15, s17;
	s25 =	sld [smem:$0x7F3]  }
0x26c: {  	[tilespmem:s23], [sflag:$0x2] =	stream.linear.gather [hbm4b:s24+s4], $0x400, $0x38;
	[tilespmem:$0x10A00] =	vst v63  }
0x26d: {  	s26 =	sadd.s32 s21, s20;
	s28 =	sld [smem:$0x7F4]  }
0x26e: {  	[tilespmem:s25], [sflag:$0x2] =	stream.linear.gather [hbm4b:s26+s4], $0x400, $0x38;
	[tilespmem:$0x10A00] =	vst v63  }
0x26f: {  	s29 =	sld [smem:$0x7F5];
	s0 =	sadd.s32 $0xF4280, s24  }
0x270: {  	[tilespmem:s28], [sflag:$0x2] =	stream.linear.gather [hbm4b:s0+s4], $0x400, $0x38;
	[tilespmem:$0x10A00] =	vst v63  }
0x271: {  	s5 =	sadd.s32 $0xF4280, s26;
	s6 =	sld [smem:$0x7F6]  }
0x272: {  	[tilespmem:s29], [sflag:$0x2] =	stream.linear.gather [hbm4b:s5+s4], $0x400, $0x38;
	[tilespmem:$0x10A00] =	vst v63  }
0x273: {  	s8 =	sadd.s32 s15, s11;
	s9 =	sld [smem:$0x7F7]  }
0x274: {  	[tilespmem:s6], [sflag:$0x2] =	stream.linear.gather [hbm4b:s8+s4], $0x400, $0x38;
	[tilespmem:$0x10A00] =	vst v63  }
0x275: {  	s11 =	sld [smem:$0x7F8];
	s10 =	sadd.s32 s21, s19  }
0x276: {  	[tilespmem:s9], [sflag:$0x2] =	stream.linear.gather [hbm4b:s10+s4], $0x400, $0x38;
	[tilespmem:$0x10A00] =	vst v63  }
0x277: {  	s12 =	sld [smem:$0x7F9];
	s0 =	sadd.s32 $0xF4280, s8  }
0x278: {  	[tilespmem:s11], [sflag:$0x2] =	stream.linear.gather [hbm4b:s0+s4], $0x400, $0x38;
	[tilespmem:$0x10A00] =	vst v63  }
0x279: {  	s13 =	sadd.s32 $0xF4280, s10;
	s14 =	sld [smem:$0x7FA]  }
0x27a: {  	[tilespmem:s12], [sflag:$0x2] =	stream.linear.gather [hbm4b:s13+s4], $0x400, $0x38;
	[tilespmem:$0x10A00] =	vst v63  }
0x27b: {  	s17 =	sadd.s32 s15, s7;
	s19 =	sld [smem:$0x7FB]  }
0x27c: {  	[tilespmem:s14], [sflag:$0x2] =	stream.linear.gather [hbm4b:s17+s4], $0x400, $0x38;
	[tilespmem:$0x10A00] =	vst v63  }
0x27d: {  	s20 =	sadd.s32 s21, s18;
	s21 =	sld [smem:$0x7FC]  }
0x27e: {  	[tilespmem:s19], [sflag:$0x2] =	stream.linear.gather [hbm4b:s20+s4], $0x400, $0x38;
	[tilespmem:$0x10A00] =	vst v63  }
0x27f: {  	s22 =	sld [smem:$0x7FD];
	s0 =	sadd.s32 $0xF4280, s17  }
0x280: {  	[tilespmem:s21], [sflag:$0x2] =	stream.linear.gather [hbm4b:s0+s4], $0x400, $0x38;
	[tilespmem:$0x10A00] =	vst v63  }
0x281: {  	s23 =	sadd.s32 $0xF4280, s20  }
0x282: {  	[tilespmem:s22], [sflag:$0x2] =	stream.linear.gather [hbm4b:s23+s4], $0x400, $0x38;
	[tilespmem:$0x10A00] =	vst v63  }
0x283: {  	s0 =	sld [smem:$0x7D1];
	_ =	swait.ge [sflag:s30], $0x400  }
0x284: {  	[sflag:s30] =	ssyncset.done $0x0  }
0x285: {  	[sflag:s30] =	ssyncadd.s32 $0xFFFFFC00  }
0x286: {  	_ =	swait.ge [sflag:s30], $0x400  }
0x287: {  	[sflag:s30] =	ssyncset.done $0x0  }
0x288: {  	[sflag:s30] =	ssyncadd.s32 $0xFFFFFC00  }
0x289: {  	_ =	swait.ge [sflag:s30], $0x400  }
0x28a: {  	[sflag:s30] =	ssyncset.done $0x0  }
0x28b: {  	[sflag:s30] =	ssyncadd.s32 $0xFFFFFC00  }
0x28c: {  	_ =	swait.ge [sflag:s30], $0x400  }
0x28d: {  	[sflag:s30] =	ssyncset.done $0x0  }
0x28e: {  	[sflag:s30] =	ssyncadd.s32 $0xFFFFFC00  }
0x28f: {  	_ =	swait.ge [sflag:s30], $0x400  }
0x290: {  	[sflag:s30] =	ssyncset.done $0x0  }
0x291: {  	[sflag:s30] =	ssyncadd.s32 $0xFFFFFC00  }
0x292: {  	_ =	swait.ge [sflag:s30], $0x400  }
0x293: {  	[sflag:s30] =	ssyncset.done $0x0  }
0x294: {  	[sflag:s30] =	ssyncadd.s32 $0xFFFFFC00  }
0x295: {  	_ =	swait.ge [sflag:s30], $0x400  }
0x296: {  	[sflag:s30] =	ssyncset.done $0x0  }
0x297: {  	[sflag:s30] =	ssyncadd.s32 $0xFFFFFC00  }
0x298: {  	_ =	swait.ge [sflag:s30], $0x400  }
0x299: {  	[sflag:s30] =	ssyncset.done $0x0  }
0x29a: {  	[sflag:s30] =	ssyncadd.s32 $0xFFFFFC00  }
0x29b: {  	_ =	swait.ge [sflag:s30], $0x400  }
0x29c: {  	[sflag:s30] =	ssyncset.done $0x0  }
0x29d: {  	[sflag:s30] =	ssyncadd.s32 $0xFFFFFC00  }
0x29e: {  	_ =	swait.ge [sflag:s30], $0x400  }
0x29f: {  	[sflag:s30] =	ssyncset.done $0x0  }
0x2a0: {  	[sflag:s30] =	ssyncadd.s32 $0xFFFFFC00  }
0x2a1: {  	_ =	swait.ge [sflag:s30], $0x400  }
0x2a2: {  	[sflag:s30] =	ssyncset.done $0x0  }
0x2a3: {  	[sflag:s30] =	ssyncadd.s32 $0xFFFFFC00  }
0x2a4: {  	_ =	swait.ge [sflag:s30], $0x400  }
0x2a5: {  	[sflag:s30] =	ssyncset.done $0x0  }
0x2a6: {  	[sflag:s30] =	ssyncadd.s32 $0xFFFFFC00  }
0x2a7: {  	_ =	swait.ge [sflag:s30], $0x400  }
0x2a8: {  	[sflag:s30] =	ssyncset.done $0x0  }
0x2a9: {  	[sflag:s30] =	ssyncadd.s32 $0xFFFFFC00  }
0x2aa: {  	_ =	swait.ge [sflag:s30], $0x400  }
0x2ab: {  	[sflag:s30] =	ssyncset.done $0x0  }
0x2ac: {  	[sflag:s30] =	ssyncadd.s32 $0xFFFFFC00  }
0x2ad: {  	_ =	swait.ge [sflag:s30], $0x400  }
0x2ae: {  	[sflag:s30] =	ssyncset.done $0x0  }
0x2af: {  	[sflag:s30] =	ssyncadd.s32 $0xFFFFFC00  }
0x2b0: {  	_ =	swait.ge [sflag:s30], $0x400  }
0x2b1: {  	[sflag:s30] =	ssyncset.done $0x0  }
0x2b2: {  	[sflag:s30] =	ssyncadd.s32 $0xFFFFFC00  }
0x2b3: {  	_ =	swait.ge [sflag:s30], $0x400  }
0x2b4: {  	[sflag:s30] =	ssyncset.done $0x0  }
0x2b5: {  	[sflag:s30] =	ssyncadd.s32 $0xFFFFFC00  }
0x2b6: {  	_ =	swait.ge [sflag:s30], $0x400  }
0x2b7: {  	[sflag:s30] =	ssyncset.done $0x0  }
0x2b8: {  	[sflag:s30] =	ssyncadd.s32 $0xFFFFFC00  }
0x2b9: {  	_ =	swait.ge [sflag:s30], $0x400  }
0x2ba: {  	[sflag:s30] =	ssyncset.done $0x0  }
0x2bb: {  	[sflag:s30] =	ssyncadd.s32 $0xFFFFFC00  }
0x2bc: {  	_ =	swait.ge [sflag:s30], $0x400  }
0x2bd: {  	[sflag:s30] =	ssyncset.done $0x0  }
0x2be: {  	[sflag:s30] =	ssyncadd.s32 $0xFFFFFC00  }
0x2bf: {  	_ =	swait.ge [sflag:s30], $0x400  }
0x2c0: {  	[sflag:s30] =	ssyncset.done $0x0  }
0x2c1: {  	[sflag:s30] =	ssyncadd.s32 $0xFFFFFC00  }
0x2c2: {  	_ =	swait.ge [sflag:s30], $0x400  }
0x2c3: {  	[sflag:s30] =	ssyncset.done $0x0  }
0x2c4: {  	[sflag:s30] =	ssyncadd.s32 $0xFFFFFC00  }
0x2c5: {  	_ =	swait.ge [sflag:s30], $0x400  }
0x2c6: {  	[sflag:s30] =	ssyncset.done $0x0  }
0x2c7: {  	[sflag:s30] =	ssyncadd.s32 $0xFFFFFC00  }
0x2c8: {  	_ =	swait.ge [sflag:s30], $0x400  }
0x2c9: {  	[sflag:s30] =	ssyncset.done $0x0  }
0x2ca: {  	[sflag:s30] =	ssyncadd.s32 $0xFFFFFC00  }
0x2cb: {  	_ =	swait.ge [sflag:s30], $0x400  }
0x2cc: {  	[sflag:s30] =	ssyncset.done $0x0  }
0x2cd: {  	[sflag:s30] =	ssyncadd.s32 $0xFFFFFC00  }
0x2ce: {  	_ =	swait.ge [sflag:s30], $0x400  }
0x2cf: {  	[sflag:s30] =	ssyncset.done $0x0  }
0x2d0: {  	[sflag:s30] =	ssyncadd.s32 $0xFFFFFC00  }
0x2d1: {  	_ =	swait.ge [sflag:s30], $0x400  }
0x2d2: {  	[sflag:s30] =	ssyncset.done $0x0  }
0x2d3: {  	[sflag:s30] =	ssyncadd.s32 $0xFFFFFC00  }
0x2d4: {  	_ =	swait.ge [sflag:s30], $0x400  }
0x2d5: {  	[sflag:s30] =	ssyncset.done $0x0  }
0x2d6: {  	[sflag:s30] =	ssyncadd.s32 $0xFFFFFC00  }
0x2d7: {  	_ =	swait.ge [sflag:s30], $0x400  }
0x2d8: {  	[sflag:s30] =	ssyncset.done $0x0  }
0x2d9: {  	[sflag:s30] =	ssyncadd.s32 $0xFFFFFC00  }
0x2da: {  	_ =	swait.ge [sflag:s30], $0x400  }
0x2db: {  	[sflag:s30] =	ssyncset.done $0x0  }
0x2dc: {  	[sflag:s30] =	ssyncadd.s32 $0xFFFFFC00  }
0x2dd: {  	_ =	swait.ge [sflag:s30], $0x400  }
0x2de: {  	[sflag:s30] =	ssyncset.done $0x0  }
0x2df: {  	[sflag:s30] =	ssyncadd.s32 $0xFFFFFC00  }
0x2e0: {  	_ =	swait.ge [sflag:s30], $0x400  }
0x2e1: {  	[sflag:s30] =	ssyncset.done $0x0  }
0x2e2: {  	[sflag:s30] =	ssyncadd.s32 $0xFFFFFC00  }
0x2e3: {  	_ =	swait.ge [sflag:s30], $0x400  }
0x2e4: {  	[sflag:s30] =	ssyncset.done $0x0  }
0x2e5: {  	[sflag:s30] =	ssyncadd.s32 $0xFFFFFC00  }
0x2e6: {  	_ =	swait.ge [sflag:s30], $0x400  }
0x2e7: {  	[sflag:s30] =	ssyncset.done $0x0  }
0x2e8: {  	[sflag:s30] =	ssyncadd.s32 $0xFFFFFC00  }
0x2e9: {  	_ =	swait.ge [sflag:s30], $0x400  }
0x2ea: {  	[sflag:s30] =	ssyncset.done $0x0  }
0x2eb: {  	[sflag:s30] =	ssyncadd.s32 $0xFFFFFC00  }
0x2ec: {  	_ =	swait.ge [sflag:s30], $0x400  }
0x2ed: {  	[sflag:s30] =	ssyncset.done $0x0  }
0x2ee: {  	[sflag:s30] =	ssyncadd.s32 $0xFFFFFC00  }
0x2ef: {  	_ =	swait.ge [sflag:s30], $0x400  }
0x2f0: {  	[sflag:s30] =	ssyncset.done $0x0  }
0x2f1: {  	[sflag:s30] =	ssyncadd.s32 $0xFFFFFC00  }
0x2f2: {  	_ =	swait.ge [sflag:s30], $0x400  }
0x2f3: {  	[sflag:s30] =	ssyncset.done $0x0  }
0x2f4: {  	[sflag:s30] =	ssyncadd.s32 $0xFFFFFC00  }
0x2f5: {  	_ =	swait.ge [sflag:s30], $0x400  }
0x2f6: {  	[sflag:s30] =	ssyncset.done $0x0  }
0x2f7: {  	[sflag:s30] =	ssyncadd.s32 $0xFFFFFC00  }
0x2f8: {  	_ =	swait.ge [sflag:s30], $0x400  }
0x2f9: {  	[sflag:s30] =	ssyncset.done $0x0  }
0x2fa: {  	[sflag:s30] =	ssyncadd.s32 $0xFFFFFC00  }
0x2fb: {  	_ =	swait.ge [sflag:s30], $0x400  }
0x2fc: {  	[sflag:s30] =	ssyncset.done $0x0  }
0x2fd: {  	[sflag:s30] =	ssyncadd.s32 $0xFFFFFC00  }
0x2fe: {  	_ =	swait.ge [sflag:s30], $0x400  }
0x2ff: {  	[sflag:s30] =	ssyncset.done $0x0  }
0x300: {  	[sflag:s30] =	ssyncadd.s32 $0xFFFFFC00  }
0x301: {  	_ =	swait.ge [sflag:s30], $0x400  }
0x302: {  	[sflag:s30] =	ssyncset.done $0x0  }
0x303: {  	[sflag:s30] =	ssyncadd.s32 $0xFFFFFC00  }
0x304: {  	_ =	swait.ge [sflag:s30], $0x400  }
0x305: {  	[sflag:s30] =	ssyncset.done $0x0  }
0x306: {  	[sflag:s30] =	ssyncadd.s32 $0xFFFFFC00  }
0x307: {  	_ =	swait.ge [sflag:s30], $0x400  }
0x308: {  	[sflag:s30] =	ssyncset.done $0x0  }
0x309: {  	[sflag:s30] =	ssyncadd.s32 $0xFFFFFC00  }
0x30a: {  	_ =	swait.ge [sflag:s30], $0x400  }
0x30b: {  	[sflag:s30] =	ssyncset.done $0x0  }
0x30c: {  	[sflag:s30] =	ssyncadd.s32 $0xFFFFFC00  }
0x30d: {  	_ =	swait.ge [sflag:s30], $0x400  }
0x30e: {  	[sflag:s30] =	ssyncset.done $0x0  }
0x30f: {  	[sflag:s30] =	ssyncadd.s32 $0xFFFFFC00  }
0x310: {  	_ =	swait.ge [sflag:s30], $0x400  }
0x311: {  	[sflag:s30] =	ssyncset.done $0x0  }
0x312: {  	[sflag:s30] =	ssyncadd.s32 $0xFFFFFC00  }
0x313: {  	_ =	swait.ge [sflag:s30], $0x400  }
0x314: {  	[sflag:s30] =	ssyncset.done $0x0  }
0x315: {  	[sflag:s30] =	ssyncadd.s32 $0xFFFFFC00  }
0x316: {  	_ =	swait.ge [sflag:s30], $0x400  }
0x317: {  	[sflag:s30] =	ssyncset.done $0x0  }
0x318: {  	[sflag:s30] =	ssyncadd.s32 $0xFFFFFC00  }
0x319: {  	_ =	swait.ge [sflag:s30], $0x400  }
0x31a: {  	[sflag:s30] =	ssyncset.done $0x0  }
0x31b: {  	[sflag:s30] =	ssyncadd.s32 $0xFFFFFC00  }
0x31c: {  	_ =	swait.ge [sflag:s30], $0x400  }
0x31d: {  	[sflag:s30] =	ssyncset.done $0x0  }
0x31e: {  	[sflag:s30] =	ssyncadd.s32 $0xFFFFFC00  }
0x31f: {  	_ =	swait.ge [sflag:s30], $0x400  }
0x320: {  	[sflag:s30] =	ssyncset.done $0x0  }
0x321: {  	[sflag:s30] =	ssyncadd.s32 $0xFFFFFC00  }
0x322: {  	_ =	swait.ge [sflag:s30], $0x400  }
0x323: {  	[sflag:s30] =	ssyncset.done $0x0  }
0x324: {  	[sflag:s30] =	ssyncadd.s32 $0xFFFFFC00  }
0x325: {  	_ =	swait.ge [sflag:s30], $0x400  }
0x326: {  	[sflag:s30] =	ssyncset.done $0x0  }
0x327: {  	[sflag:s30] =	ssyncadd.s32 $0xFFFFFC00  }
0x328: {  	_ =	swait.ge [sflag:s30], $0x400  }
0x329: {  	[sflag:s30] =	ssyncset.done $0x0  }
0x32a: {  	[sflag:s30] =	ssyncadd.s32 $0xFFFFFC00  }
0x32b: {  	_ =	swait.ge [sflag:s30], $0x400  }
0x32c: {  	[sflag:s30] =	ssyncset.done $0x0  }
0x32d: {  	[sflag:s30] =	ssyncadd.s32 $0xFFFFFC00  }
0x32e: {  	_ =	swait.ge [sflag:s30], $0x400  }
0x32f: {  	[sflag:s30] =	ssyncset.done $0x0  }
0x330: {  	[sflag:s30] =	ssyncadd.s32 $0xFFFFFC00  }
0x331: {  	_ =	swait.ge [sflag:s30], $0x400  }
0x332: {  	[sflag:s30] =	ssyncset.done $0x0  }
0x333: {  	[sflag:s30] =	ssyncadd.s32 $0xFFFFFC00  }
0x334: {  	_ =	swait.ge [sflag:s30], $0x400  }
0x335: {  	[sflag:s30] =	ssyncset.done $0x0  }
0x336: {  	[sflag:s30] =	ssyncadd.s32 $0xFFFFFC00  }
0x337: {  	_ =	swait.ge [sflag:s30], $0x400  }
0x338: {  	[sflag:s30] =	ssyncset.done $0x0  }
0x339: {  	[sflag:s30] =	ssyncadd.s32 $0xFFFFFC00  }
0x33a: {  	_ =	swait.ge [sflag:s30], $0x400  }
0x33b: {  	[sflag:s30] =	ssyncset.done $0x0  }
0x33c: {  	[sflag:s30] =	ssyncadd.s32 $0xFFFFFC00  }
0x33d: {  	_ =	swait.ge [sflag:s30], $0x400  }
0x33e: {  	v18 =	vor.u32 v1, v16;
	[sflag:s30] =	ssyncset.done $0x0  }
0x33f: {  	v19 =	vor.u32 v0, v16;
	[sflag:s30] =	ssyncadd.s32 $0xFFFFFC00  }
0x340: {  	v20 =	vor.u32 v0, v17;
	_ =	swait.ge [sflag:s30], $0x400  }
0x341: {  	v21 =	vor.u32 v1, v17;
	[sflag:s30] =	ssyncset.done $0x0  }
0x342: {  	v22 =	vor.u32 v2, v16;
	s24 =	simm.s32 $0x400;
	[sflag:s30] =	ssyncadd.s32 $0xFFFFFC00  }
0x343: {  	v23 =	vor.u32 v2, v17;
	v18 =	vld.idx.msk [tilespmem:v18+s24+$0x0], $0xffff  }
0x344: {  	v24 =	vor.u32 v3, v16;
	s25 =	simm.s32 $0x8400;
	v19 =	vld.idx.msk [tilespmem:v19+s24+$0x0], $0xffff  }
0x345: {  	v25 =	vor.u32 v3, v17;
	v20 =	vld.idx.msk [tilespmem:v20+s25+$0x0], $0xffff  }
0x346: {  	v28 =	vor.u32 v5, v16;
	v21 =	vld.idx.msk [tilespmem:v21+s25+$0x0], $0xffff  }
0x347: {  	v26 =	vor.u32 v4, v16;
	v22 =	vld.idx.msk [tilespmem:v22+s24+$0x0], $0xffff  }
0x348: {  	v27 =	vor.u32 v4, v17;
	v23 =	vld.idx.msk [tilespmem:v23+s25+$0x0], $0xffff  }
0x349: {  	v30 =	vor.u32 v6, v16;
	v24 =	vld.idx.msk [tilespmem:v24+s24+$0x0], $0xffff  }
0x34a: {  	v29 =	vor.u32 v5, v17;
	v25 =	vld.idx.msk [tilespmem:v25+s25+$0x0], $0xffff;
	v19 =	vmul.f32 v20, v19  }
0x34b: {  	v42 =	vor.u32 v6, v17;
	v28 =	vld.idx.msk [tilespmem:v28+s24+$0x0], $0xffff  }
0x34c: {  	v43 =	vor.u32 v7, v16;
	v18 =	vmul.f32 v21, v18;
	v21 =	vld.idx.msk [tilespmem:v26+s24+$0x0], $0xffff;
	v19 =	vadd.f32 $0.0e+00, v19  }
0x34d: {  	v48 =	vor.u32 v9, v17;
	v20 =	vld.idx.msk [tilespmem:v27+s25+$0x0], $0xffff  }
0x34e: {  	v31 =	vor.u32 v7, v17;
	v30 =	vld.idx.msk [tilespmem:v30+s24+$0x0], $0xffff;
	v22 =	vmul.f32 v23, v22;
	v18 =	vadd.f32 v18, v19  }
0x34f: {  	v44 =	vor.u32 v8, v16;
	v23 =	vld.idx.msk [tilespmem:v29+s25+$0x0], $0xffff  }
0x350: {  	v32 =	vor.u32 v8, v17;
	v45 =	vld.idx.msk [tilespmem:v42+s25+$0x0], $0xffff;
	v19 =	vmul.f32 v25, v24;
	v18 =	vadd.f32 v22, v18  }
0x351: {  	v54 =	vor.u32 v12, v17;
	v47 =	vld.idx.msk [tilespmem:v43+s24+$0x0], $0xffff  }
0x352: {  	v46 =	vor.u32 v9, v16;
	v52 =	vld.idx.msk [tilespmem:v48+s25+$0x0], $0xffff;
	v20 =	vmul.f32 v20, v21;
	v18 =	vadd.f32 v19, v18  }
0x353: {  	v21 =	vld.idx.msk [tilespmem:v31+s25+$0x0], $0xffff;
	v22 =	vor.u32 v10, v16  }
0x354: {  	v49 =	vor.u32 v10, v17;
	v29 =	vld.idx.msk [tilespmem:v44+s24+$0x0], $0xffff;
	v19 =	vmul.f32 v23, v28;
	v18 =	vadd.f32 v20, v18  }
0x355: {  	v50 =	vor.u32 v11, v16;
	v23 =	vld.idx.msk [tilespmem:v32+s25+$0x0], $0xffff  }
0x356: {  	v51 =	vor.u32 v11, v17;
	v59 =	vld.idx.msk [tilespmem:v54+s25+$0x0], $0xffff;
	v20 =	vmul.f32 v45, v30;
	v18 =	vadd.f32 v19, v18  }
0x357: {  	v55 =	vor.u32 v13, v16;
	v25 =	vld.idx.msk [tilespmem:v46+s24+$0x0], $0xffff  }
0x358: {  	v53 =	vor.u32 v12, v16;
	v22 =	vld.idx.msk [tilespmem:v22+s24+$0x0], $0xffff;
	v19 =	vmul.f32 v21, v47;
	v18 =	vadd.f32 v20, v18  }
0x359: {  	v58 =	vor.u32 v14, v17;
	v21 =	vld.idx.msk [tilespmem:v49+s25+$0x0], $0xffff  }
0x35a: {  	v56 =	vor.u32 v13, v17;
	v28 =	vld.idx.msk [tilespmem:v50+s24+$0x0], $0xffff;
	v20 =	vmul.f32 v23, v29;
	v18 =	vadd.f32 v19, v18  }
0x35b: {  	v57 =	vor.u32 v14, v16;
	v16 =	vor.u32 v15, v16;
	v23 =	vld.idx.msk [tilespmem:v51+s25+$0x0], $0xffff  }
0x35c: {  	v60 =	vld.idx.msk [tilespmem:v55+s24+$0x0], $0xffff;
	v19 =	vmul.f32 v52, v25;
	v18 =	vadd.f32 v20, v18  }
0x35d: {  	v27 =	vld.idx.msk [tilespmem:v53+s24+$0x0], $0xffff  }
0x35e: {  	v17 =	vor.u32 v15, v17;
	s29 =	sld [smem:$0x7D2];
	v61 =	vld.idx.msk [tilespmem:v58+s25+$0x0], $0xffff;
	v20 =	vmul.f32 v21, v22;
	v18 =	vadd.f32 v19, v18  }
0x35f: {  	s26 =	simm.s32 $0x400;
	v21 =	vld.idx.msk [tilespmem:v56+s25+$0x0], $0xffff  }
0x360: {  	v62 =	vld.idx.msk [tilespmem:v16+s26+$0x0], $0xffff;
	v23 =	vmul.f32 v23, v28;
	v16 =	vadd.f32 v20, v18  }
0x361: {  	s12 =	sld [smem:$0x7D7];
	s17 =	sshra.s32 s29, $0x2;
	v22 =	vld.idx.msk [tilespmem:v57+s24+$0x0], $0xffff  }
0x362: {  	s28 =	simm.s32 $0x8400;
	s13 =	sld [smem:$0x7D4];
	v19 =	vld [tilespmem:s17+$0x0];
	v20 =	vmul.f32 v59, v27;
	v16 =	vadd.f32 v23, v16  }
0x363: {  	s20 =	rddreg [dreg:$0x1f];
	v63 =	vld.idx.msk [tilespmem:v17+s28+$0x0], $0xffff  }
0x364: {  	s18 =	rddreg [dreg:$0x1e];
	v18 =	vld [tilespmem:s17+$0x200];
	v17 =	vmul.f32 v21, v60;
	v23 =	vadd.f32 v20, v16  }
0x365: {  	s22 =	rddreg [dreg:$0x1d]  }
0x366: {  	s23 =	rddreg [dreg:$0x1b];
	v22 =	vmul.f32 v61, v22;
	v23 =	vadd.f32 v17, v23  }
0x367: {  	s31 =	rddreg [dreg:$0x16];
	v21 =	vld [tilespmem:s16+$0x10400];
	(v2sf) =	vpush v19, $0x0  }
.Ltmp0:
0x368: {  	s11 =	rddreg [dreg:$0x15];
	v24 =	vmul.f32 v63, v62;
	(v2sf) =	vpush v19, $0x1;
	v22 =	vadd.f32 v22, v23;
	(pc) =	sbr.rel @p0 .LBB2_2-.Ltmp0, $4  }
0x369: {  	s7 =	rddreg [dreg:$0x14];
	(v2sf) =	vpush v18, $0x0  }
0x36a: {  	s26 =	rddreg [dreg:$0x17];
	(v2sf) =	vpush v18, $0x1;
	v22 =	vadd.f32 v24, v22  }
0x36b: {  	s24 =	rddreg [dreg:$0x19];
	v16 =	vand.u32 $0x7F, v19;
	(v2sf) =	vpush v19, $0x2  }
0x36c: {  	s25 =	rddreg [dreg:$0x18];
	v20 =	vld [tilespmem:s16+$0x10600];
	v17 =	vand.u32 $0x7F, v18;
	(v2sf) =	vpush v18, $0x2;
	v21 =	vadd.f32 v22, v21  }
0x36d: {  	_ =	sdelay $0x6  }
0x36e: {  	v20 =	vadd.f32 v21, v20;
	_ =	sdelay $0x1  }
0x36f: {  	s6 =	rddreg [dreg:$0x2];
	v20 =	vadd.f32 $7.000000000e+00, v20;
	s0 =	spop (v2sf)  }
0x370: {  	s9 =	simm.s32 $0x400;
	s0 =	sand.u32 $0xFFFFF80, s0;
	s1 =	spop (v2sf)  }
0x371: {  	s3 =	rddreg [dreg:$0x7];
	[tilespmem:s16+$0x10800] =	vst v20;
	s0 =	sadd.s32 s6, s0;
	s2 =	spop (v2sf)  }
0x372: {  	[tilespmem:s9], [sflag:$0x2] =	stream.linear.gather [hbm4b:s0+s4], $0x400, $0x38;
	[tilespmem:$0x10A00] =	vst v63  }
0x373: {  	s8 =	rddreg [dreg:$0x3];
	s2 =	sand.u32 $0xFFFFF80, s2  }
0x374: {  	s10 =	simm.s32 $0x8400;
	s5 =	rddreg [dreg:$0x8];
	s2 =	sadd.s32 s8, s2  }
0x375: {  	[tilespmem:s10], [sflag:$0x2] =	stream.linear.gather [hbm4b:s2+s4], $0x400, $0x38;
	[tilespmem:$0x10A00] =	vst v63  }
0x376: {  	s14 =	rddreg [dreg:$0x9];
	s0 =	sadd.s32 $0xF4280, s0;
	s15 =	spop (v2sf)  }
0x377: {  	(v2sf) =	vpush v19, $0x3;
	[tilespmem:s3], [sflag:$0x2] =	stream.linear.gather [hbm4b:s0+s4], $0x400, $0x38;
	[tilespmem:$0x10A00] =	vst v63  }
0x378: {  	s21 =	rddreg [dreg:$0xb];
	s1 =	sand.u32 $0xFFFFF80, s1;
	s2 =	sadd.s32 $0xF4280, s2  }
0x379: {  	(v2sf) =	vpush v18, $0x3;
	[tilespmem:s5], [sflag:$0x2] =	stream.linear.gather [hbm4b:s2+s4], $0x400, $0x38;
	[tilespmem:$0x10A00] =	vst v63  }
0x37a: {  	s28 =	rddreg [dreg:$0xc];
	s1 =	sadd.s32 s6, s1;
	s2 =	sand.u32 $0xFFFFF80, s15  }
0x37b: {  	[tilespmem:s14], [sflag:$0x2] =	stream.linear.gather [hbm4b:s1+s4], $0x400, $0x38;
	[tilespmem:$0x10A00] =	vst v63  }
0x37c: {  	s16 =	rddreg [dreg:$0xa];
	s5 =	spop (v2sf);
	s19 =	sadd.s32 s8, s2  }
0x37d: {  	(v2sf) =	vpush v19, $0x4;
	[tilespmem:s16], [sflag:$0x2] =	stream.linear.gather [hbm4b:s19+s4], $0x400, $0x38;
	[tilespmem:$0x10A00] =	vst v63  }
0x37e: {  	s29 =	rddreg [dreg:$0xd];
	s1 =	sadd.s32 $0xF4280, s1  }
0x37f: {  	[tilespmem:s21], [sflag:$0x2] =	stream.linear.gather [hbm4b:s1+s4], $0x400, $0x38;
	[tilespmem:$0x10A00] =	vst v63  }
0x380: {  	s15 =	spop (v2sf);
	s0 =	sadd.s32 $0xF4280, s19;
	s14 =	sand.u32 $0xFFFFF80, s5  }
0x381: {  	[tilespmem:s28], [sflag:$0x2] =	stream.linear.gather [hbm4b:s0+s4], $0x400, $0x38;
	[tilespmem:$0x10A00] =	vst v63  }
0x382: {  	s2 =	sand.u32 $0xFFFFF80, s15;
	s16 =	rddreg [dreg:$0xe];
	s0 =	sadd.s32 s6, s14  }
0x383: {  	(v2sf) =	vpush v18, $0x4;
	[tilespmem:s29], [sflag:$0x2] =	stream.linear.gather [hbm4b:s0+s4], $0x400, $0x38;
	[tilespmem:$0x10A00] =	vst v63  }
0x384: {  	s2 =	sadd.s32 s8, s2;
	s19 =	rddreg [dreg:$0xf]  }
0x385: {  	[tilespmem:s16], [sflag:$0x2] =	stream.linear.gather [hbm4b:s2+s4], $0x400, $0x38;
	[tilespmem:$0x10A00] =	vst v63  }
0x386: {  	s21 =	rddreg [dreg:$0x10];
	s0 =	sadd.s32 $0xF4280, s0;
	s29 =	spop (v2sf)  }
0x387: {  	[tilespmem:s19], [sflag:$0x2] =	stream.linear.gather [hbm4b:s0+s4], $0x400, $0x38;
	[tilespmem:$0x10A00] =	vst v63  }
0x388: {  	s3 =	spop (v2sf);
	s1 =	sand.u32 $0xFFFFF80, s29;
	s2 =	sadd.s32 $0xF4280, s2  }
0x389: {  	[tilespmem:s21], [sflag:$0x2] =	stream.linear.gather [hbm4b:s2+s4], $0x400, $0x38;
	[tilespmem:$0x10A00] =	vst v63  }
0x38a: {  	s28 =	rddreg [dreg:$0x11];
	s1 =	sadd.s32 s6, s1;
	s2 =	sand.u32 $0xFFFFF80, s3  }
0x38b: {  	[tilespmem:s28], [sflag:$0x2] =	stream.linear.gather [hbm4b:s1+s4], $0x400, $0x38;
	[tilespmem:$0x10A00] =	vst v63  }
0x38c: {  	s5 =	rddreg [dreg:$0x12];
	(v2sf) =	vpush v19, $0x5;
	s16 =	spop (v2sf);
	s14 =	sadd.s32 s8, s2  }
0x38d: {  	(v2sf) =	vpush v18, $0x5;
	[tilespmem:s5], [sflag:$0x2] =	stream.linear.gather [hbm4b:s14+s4], $0x400, $0x38;
	[tilespmem:$0x10A00] =	vst v63  }
0x38e: {  	s15 =	rddreg [dreg:$0x13];
	s1 =	sadd.s32 $0xF4280, s1  }
0x38f: {  	[tilespmem:s15], [sflag:$0x2] =	stream.linear.gather [hbm4b:s1+s4], $0x400, $0x38;
	[tilespmem:$0x10A00] =	vst v63  }
0x390: {  	s0 =	sadd.s32 $0xF4280, s14  }
0x391: {  	[tilespmem:s7], [sflag:$0x2] =	stream.linear.gather [hbm4b:s0+s4], $0x400, $0x38;
	[tilespmem:$0x10A00] =	vst v63  }
0x392: {  	s19 =	spop (v2sf);
	(v2sf) =	vpush v19, $0x6;
	s0 =	sand.u32 $0xFFFFF80, s16  }
0x393: {  	s1 =	sand.u32 $0xFFFFF80, s19;
	s0 =	sadd.s32 s6, s0  }
0x394: {  	[tilespmem:s11], [sflag:$0x2] =	stream.linear.gather [hbm4b:s0+s4], $0x400, $0x38;
	[tilespmem:$0x10A00] =	vst v63  }
0x395: {  	s1 =	sadd.s32 s8, s1  }
0x396: {  	[tilespmem:s31], [sflag:$0x2] =	stream.linear.gather [hbm4b:s1+s4], $0x400, $0x38;
	[tilespmem:$0x10A00] =	vst v63  }
0x397: {  	s0 =	sadd.s32 $0xF4280, s0  }
0x398: {  	[tilespmem:s26], [sflag:$0x2] =	stream.linear.gather [hbm4b:s0+s4], $0x400, $0x38;
	[tilespmem:$0x10A00] =	vst v63  }
0x399: {  	s21 =	sadd.s32 $0xF4280, s1  }
0x39a: {  	[tilespmem:s25], [sflag:$0x2] =	stream.linear.gather [hbm4b:s21+s4], $0x400, $0x38;
	[tilespmem:$0x10A00] =	vst v63  }
0x39b: {  	s25 =	spop (v2sf);
	(v2sf) =	vpush v18, $0x6  }
0x39c: {  	s0 =	sand.u32 $0xFFFFF80, s25;
	s26 =	spop (v2sf)  }
0x39d: {  	s0 =	sadd.s32 s6, s0;
	s1 =	sand.u32 $0xFFFFF80, s26  }
0x39e: {  	[tilespmem:s24], [sflag:$0x2] =	stream.linear.gather [hbm4b:s0+s4], $0x400, $0x38;
	[tilespmem:$0x10A00] =	vst v63  }
0x39f: {  	s28 =	rddreg [dreg:$0x1a];
	(v2sf) =	vpush v19, $0x7;
	s1 =	sadd.s32 s8, s1  }
0x3a0: {  	[tilespmem:s28], [sflag:$0x2] =	stream.linear.gather [hbm4b:s1+s4], $0x400, $0x38;
	[tilespmem:$0x10A00] =	vst v63  }
0x3a1: {  	s31 =	sadd.s32 $0xF4280, s1;
	s1 =	spop (v2sf);
	(v2sf) =	vpush v18, $0x7;
	_ =	sdelay $0x2  }
0x3a2: {  	s29 =	rddreg [dreg:$0x1c];
	s0 =	sadd.s32 $0xF4280, s0  }
0x3a3: {  	[tilespmem:s23], [sflag:$0x2] =	stream.linear.gather [hbm4b:s0+s4], $0x400, $0x38;
	[tilespmem:$0x10A00] =	vst v63  }
0x3a4: {  	s14 =	sld [smem:$0x7D8];
	s0 =	sand.u32 $0xFFFFF80, s1  }
0x3a5: {  	[tilespmem:s29], [sflag:$0x2] =	stream.linear.gather [hbm4b:s31+s4], $0x400, $0x38;
	[tilespmem:$0x10A00] =	vst v63  }
0x3a6: {  	s19 =	sld [smem:$0x7DA];
	s0 =	sadd.s32 s6, s0  }
0x3a7: {  	(v2sf) =	vpush v19, $0x8;
	[tilespmem:s22], [sflag:$0x2] =	stream.linear.gather [hbm4b:s0+s4], $0x400, $0x38;
	[tilespmem:$0x10A00] =	vst v63  }
0x3a8: {  	s7 =	sld [smem:$0x7D5];
	s2 =	spop (v2sf)  }
0x3a9: {  	s16 =	sld [smem:$0x7D9];
	(v2sf) =	vpush v18, $0x8;
	s1 =	sand.u32 $0xFFFFF80, s2  }
0x3aa: {  	s21 =	sld [smem:$0x7DD];
	s1 =	sadd.s32 s8, s1  }
0x3ab: {  	[tilespmem:s18], [sflag:$0x2] =	stream.linear.gather [hbm4b:s1+s4], $0x400, $0x38;
	[tilespmem:$0x10A00] =	vst v63  }
0x3ac: {  	s25 =	sld [smem:$0x7DF];
	s0 =	sadd.s32 $0xF4280, s0;
	s5 =	spop (v2sf)  }
0x3ad: {  	[tilespmem:s20], [sflag:$0x2] =	stream.linear.gather [hbm4b:s0+s4], $0x400, $0x38;
	[tilespmem:$0x10A00] =	vst v63  }
0x3ae: {  	(v2sf) =	vpush v19, $0x9;
	s3 =	sadd.s32 $0xF4280, s1;
	s0 =	sand.u32 $0xFFFFF80, s5;
	s11 =	spop (v2sf)  }
0x3af: {  	[tilespmem:s13], [sflag:$0x2] =	stream.linear.gather [hbm4b:s3+s4], $0x400, $0x38;
	[tilespmem:$0x10A00] =	vst v63  }
0x3b0: {  	(v2sf) =	vpush v18, $0x9;
	s0 =	sadd.s32 s6, s0;
	s1 =	sand.u32 $0xFFFFF80, s11;
	s13 =	sld [smem:$0x7D6]  }
0x3b1: {  	[tilespmem:s7], [sflag:$0x2] =	stream.linear.gather [hbm4b:s0+s4], $0x400, $0x38;
	[tilespmem:$0x10A00] =	vst v63  }
0x3b2: {  	s26 =	sld [smem:$0x7E0];
	s1 =	sadd.s32 s8, s1  }
0x3b3: {  	[tilespmem:s13], [sflag:$0x2] =	stream.linear.gather [hbm4b:s1+s4], $0x400, $0x38;
	[tilespmem:$0x10A00] =	vst v63  }
0x3b4: {  	s28 =	sld [smem:$0x7E1];
	s0 =	sadd.s32 $0xF4280, s0  }
0x3b5: {  	[tilespmem:s12], [sflag:$0x2] =	stream.linear.gather [hbm4b:s0+s4], $0x400, $0x38;
	[tilespmem:$0x10A00] =	vst v63  }
0x3b6: {  	s23 =	sld [smem:$0x7DE];
	s15 =	spop (v2sf);
	(v2sf) =	vpush v19, $0xA;
	s1 =	sadd.s32 $0xF4280, s1  }
0x3b7: {  	[tilespmem:s14], [sflag:$0x2] =	stream.linear.gather [hbm4b:s1+s4], $0x400, $0x38;
	[tilespmem:$0x10A00] =	vst v63  }
0x3b8: {  	s31 =	sld [smem:$0x7E2];
	s0 =	sand.u32 $0xFFFFF80, s15;
	s18 =	spop (v2sf);
	(v2sf) =	vpush v18, $0xA  }
0x3b9: {  	s20 =	sld [smem:$0x7DB];
	s0 =	sadd.s32 s6, s0;
	s1 =	sand.u32 $0xFFFFF80, s18  }
0x3ba: {  	[tilespmem:s16], [sflag:$0x2] =	stream.linear.gather [hbm4b:s0+s4], $0x400, $0x38;
	[tilespmem:$0x10A00] =	vst v63  }
0x3bb: {  	s11 =	sld [smem:$0x7E4];
	s1 =	sadd.s32 s8, s1  }
0x3bc: {  	[tilespmem:s19], [sflag:$0x2] =	stream.linear.gather [hbm4b:s1+s4], $0x400, $0x38;
	[tilespmem:$0x10A00] =	vst v63  }
0x3bd: {  	s7 =	sld [smem:$0x7E3];
	s22 =	spop (v2sf);
	s0 =	sadd.s32 $0xF4280, s0  }
0x3be: {  	(v2sf) =	vpush v19, $0xB;
	[tilespmem:s20], [sflag:$0x2] =	stream.linear.gather [hbm4b:s0+s4], $0x400, $0x38;
	[tilespmem:$0x10A00] =	vst v63  }
0x3bf: {  	s1 =	sadd.s32 $0xF4280, s1;
	s24 =	spop (v2sf);
	s0 =	sand.u32 $0xFFFFF80, s22  }
0x3c0: {  	(v2sf) =	vpush v18, $0xB;
	[tilespmem:s21], [sflag:$0x2] =	stream.linear.gather [hbm4b:s1+s4], $0x400, $0x38;
	[tilespmem:$0x10A00] =	vst v63  }
0x3c1: {  	s12 =	sld [smem:$0x7E5];
	s0 =	sadd.s32 s6, s0;
	s1 =	sand.u32 $0xFFFFF80, s24  }
0x3c2: {  	[tilespmem:s23], [sflag:$0x2] =	stream.linear.gather [hbm4b:s0+s4], $0x400, $0x38;
	[tilespmem:$0x10A00] =	vst v63  }
0x3c3: {  	s14 =	sld [smem:$0x7E6];
	s1 =	sadd.s32 s8, s1  }
0x3c4: {  	[tilespmem:s25], [sflag:$0x2] =	stream.linear.gather [hbm4b:s1+s4], $0x400, $0x38;
	[tilespmem:$0x10A00] =	vst v63  }
0x3c5: {  	s18 =	sld [smem:$0x7EA];
	s29 =	spop (v2sf);
	s0 =	sadd.s32 $0xF4280, s0  }
0x3c6: {  	(v2sf) =	vpush v19, $0xC;
	[tilespmem:s26], [sflag:$0x2] =	stream.linear.gather [hbm4b:s0+s4], $0x400, $0x38;
	[tilespmem:$0x10A00] =	vst v63  }
0x3c7: {  	s1 =	sadd.s32 $0xF4280, s1;
	s0 =	sand.u32 $0xFFFFF80, s29;
	s5 =	spop (v2sf)  }
0x3c8: {  	(v2sf) =	vpush v18, $0xC;
	[tilespmem:s28], [sflag:$0x2] =	stream.linear.gather [hbm4b:s1+s4], $0x400, $0x38;
	[tilespmem:$0x10A00] =	vst v63  }
0x3c9: {  	s16 =	sld [smem:$0x7E8];
	s0 =	sadd.s32 s6, s0;
	s1 =	sand.u32 $0xFFFFF80, s5  }
0x3ca: {  	[tilespmem:s31], [sflag:$0x2] =	stream.linear.gather [hbm4b:s0+s4], $0x400, $0x38;
	[tilespmem:$0x10A00] =	vst v63  }
0x3cb: {  	s19 =	sld [smem:$0x7EC];
	s1 =	sadd.s32 s8, s1  }
0x3cc: {  	[tilespmem:s7], [sflag:$0x2] =	stream.linear.gather [hbm4b:s1+s4], $0x400, $0x38;
	[tilespmem:$0x10A00] =	vst v63  }
0x3cd: {  	s21 =	sld [smem:$0x7EE];
	s13 =	spop (v2sf);
	s0 =	sadd.s32 $0xF4280, s0  }
0x3ce: {  	(v2sf) =	vpush v19, $0xD;
	[tilespmem:s11], [sflag:$0x2] =	stream.linear.gather [hbm4b:s0+s4], $0x400, $0x38;
	[tilespmem:$0x10A00] =	vst v63  }
0x3cf: {  	s1 =	sadd.s32 $0xF4280, s1;
	s15 =	spop (v2sf);
	s0 =	sand.u32 $0xFFFFF80, s13  }
0x3d0: {  	(v2sf) =	vpush v18, $0xD;
	[tilespmem:s12], [sflag:$0x2] =	stream.linear.gather [hbm4b:s1+s4], $0x400, $0x38;
	[tilespmem:$0x10A00] =	vst v63  }
0x3d1: {  	s24 =	sld [smem:$0x7F0];
	s0 =	sadd.s32 s6, s0;
	s1 =	sand.u32 $0xFFFFF80, s15  }
0x3d2: {  	[tilespmem:s14], [sflag:$0x2] =	stream.linear.gather [hbm4b:s0+s4], $0x400, $0x38;
	[tilespmem:$0x10A00] =	vst v63  }
0x3d3: {  	s23 =	sld [smem:$0x7EF];
	s1 =	sadd.s32 s8, s1  }
0x3d4: {  	[tilespmem:s16], [sflag:$0x2] =	stream.linear.gather [hbm4b:s1+s4], $0x400, $0x38;
	[tilespmem:$0x10A00] =	vst v63  }
0x3d5: {  	s25 =	sld [smem:$0x7F1];
	s20 =	spop (v2sf);
	s0 =	sadd.s32 $0xF4280, s0  }
0x3d6: {  	(v2sf) =	vpush v19, $0xE;
	[tilespmem:s18], [sflag:$0x2] =	stream.linear.gather [hbm4b:s0+s4], $0x400, $0x38;
	[tilespmem:$0x10A00] =	vst v63  }
0x3d7: {  	s1 =	sadd.s32 $0xF4280, s1;
	s0 =	sand.u32 $0xFFFFF80, s20;
	s22 =	spop (v2sf)  }
0x3d8: {  	(v2sf) =	vpush v18, $0xE;
	[tilespmem:s19], [sflag:$0x2] =	stream.linear.gather [hbm4b:s1+s4], $0x400, $0x38;
	[tilespmem:$0x10A00] =	vst v63  }
0x3d9: {  	s28 =	sld [smem:$0x7F2];
	s0 =	sadd.s32 s6, s0;
	s1 =	sand.u32 $0xFFFFF80, s22  }
0x3da: {  	[tilespmem:s21], [sflag:$0x2] =	stream.linear.gather [hbm4b:s0+s4], $0x400, $0x38;
	[tilespmem:$0x10A00] =	vst v63  }
0x3db: {  	s5 =	sld [smem:$0x7F4];
	s1 =	sadd.s32 s8, s1  }
0x3dc: {  	[tilespmem:s23], [sflag:$0x2] =	stream.linear.gather [hbm4b:s1+s4], $0x400, $0x38;
	[tilespmem:$0x10A00] =	vst v63  }
0x3dd: {  	s31 =	sld [smem:$0x7F3];
	s26 =	spop (v2sf);
	s0 =	sadd.s32 $0xF4280, s0  }
0x3de: {  	(v2sf) =	vpush v19, $0xF;
	[tilespmem:s24], [sflag:$0x2] =	stream.linear.gather [hbm4b:s0+s4], $0x400, $0x38;
	[tilespmem:$0x10A00] =	vst v63  }
0x3df: {  	s29 =	spop (v2sf);
	s1 =	sadd.s32 $0xF4280, s1;
	s0 =	sand.u32 $0xFFFFF80, s26  }
0x3e0: {  	(v2sf) =	vpush v18, $0xF;
	[tilespmem:s25], [sflag:$0x2] =	stream.linear.gather [hbm4b:s1+s4], $0x400, $0x38;
	[tilespmem:$0x10A00] =	vst v63  }
0x3e1: {  	s7 =	sld [smem:$0x7F5];
	s0 =	sadd.s32 s6, s0;
	s1 =	sand.u32 $0xFFFFF80, s29  }
0x3e2: {  	[tilespmem:s28], [sflag:$0x2] =	stream.linear.gather [hbm4b:s0+s4], $0x400, $0x38;
	[tilespmem:$0x10A00] =	vst v63  }
0x3e3: {  	s12 =	sld [smem:$0x7F6];
	s1 =	sadd.s32 s8, s1  }
0x3e4: {  	[tilespmem:s31], [sflag:$0x2] =	stream.linear.gather [hbm4b:s1+s4], $0x400, $0x38;
	[tilespmem:$0x10A00] =	vst v63  }
0x3e5: {  	s15 =	sld [smem:$0x7F8];
	s11 =	spop (v2sf);
	s0 =	sadd.s32 $0xF4280, s0  }
0x3e6: {  	[tilespmem:s5], [sflag:$0x2] =	stream.linear.gather [hbm4b:s0+s4], $0x400, $0x38;
	[tilespmem:$0x10A00] =	vst v63  }
0x3e7: {  	s1 =	sadd.s32 $0xF4280, s1;
	s13 =	spop (v2sf);
	s0 =	sand.u32 $0xFFFFF80, s11  }
0x3e8: {  	[tilespmem:s7], [sflag:$0x2] =	stream.linear.gather [hbm4b:s1+s4], $0x400, $0x38;
	[tilespmem:$0x10A00] =	vst v63  }
0x3e9: {  	s14 =	sld [smem:$0x7F7];
	s0 =	sadd.s32 s6, s0;
	s1 =	sand.u32 $0xFFFFF80, s13  }
0x3ea: {  	[tilespmem:s12], [sflag:$0x2] =	stream.linear.gather [hbm4b:s0+s4], $0x400, $0x38;
	[tilespmem:$0x10A00] =	vst v63  }
0x3eb: {  	s16 =	sld [smem:$0x7F9];
	s1 =	sadd.s32 s8, s1  }
0x3ec: {  	[tilespmem:s14], [sflag:$0x2] =	stream.linear.gather [hbm4b:s1+s4], $0x400, $0x38;
	[tilespmem:$0x10A00] =	vst v63  }
0x3ed: {  	s19 =	sld [smem:$0x7FA];
	s18 =	spop (v2sf);
	s0 =	sadd.s32 $0xF4280, s0  }
0x3ee: {  	[tilespmem:s15], [sflag:$0x2] =	stream.linear.gather [hbm4b:s0+s4], $0x400, $0x38;
	[tilespmem:$0x10A00] =	vst v63  }
0x3ef: {  	s20 =	spop (v2sf);
	s1 =	sadd.s32 $0xF4280, s1;
	s0 =	sand.u32 $0xFFFFF80, s18  }
0x3f0: {  	[tilespmem:s16], [sflag:$0x2] =	stream.linear.gather [hbm4b:s1+s4], $0x400, $0x38;
	[tilespmem:$0x10A00] =	vst v63  }
0x3f1: {  	s21 =	sld [smem:$0x7FB];
	s0 =	sadd.s32 s6, s0;
	s1 =	sand.u32 $0xFFFFF80, s20  }
0x3f2: {  	[tilespmem:s19], [sflag:$0x2] =	stream.linear.gather [hbm4b:s0+s4], $0x400, $0x38;
	[tilespmem:$0x10A00] =	vst v63  }
0x3f3: {  	s22 =	sld [smem:$0x7FC];
	s1 =	sadd.s32 s8, s1  }
0x3f4: {  	[tilespmem:s21], [sflag:$0x2] =	stream.linear.gather [hbm4b:s1+s4], $0x400, $0x38;
	[tilespmem:$0x10A00] =	vst v63  }
0x3f5: {  	s23 =	sld [smem:$0x7FD];
	s0 =	sadd.s32 $0xF4280, s0  }
0x3f6: {  	[tilespmem:s22], [sflag:$0x2] =	stream.linear.gather [hbm4b:s0+s4], $0x400, $0x38;
	[tilespmem:$0x10A00] =	vst v63  }
0x3f7: {  	s24 =	sadd.s32 $0xF4280, s1  }
0x3f8: {  	[tilespmem:s23], [sflag:$0x2] =	stream.linear.gather [hbm4b:s24+s4], $0x400, $0x38;
	[tilespmem:$0x10A00] =	vst v63  }
0x3f9: {  	_ =	swait.ge [sflag:s30], $0x400  }
0x3fa: {  	[sflag:s30] =	ssyncset.done $0x0  }
0x3fb: {  	[sflag:s30] =	ssyncadd.s32 $0xFFFFFC00  }
0x3fc: {  	_ =	swait.ge [sflag:s30], $0x400  }
0x3fd: {  	[sflag:s30] =	ssyncset.done $0x0  }
0x3fe: {  	[sflag:s30] =	ssyncadd.s32 $0xFFFFFC00  }
0x3ff: {  	_ =	swait.ge [sflag:s30], $0x400  }
0x400: {  	[sflag:s30] =	ssyncset.done $0x0  }
0x401: {  	[sflag:s30] =	ssyncadd.s32 $0xFFFFFC00  }
0x402: {  	_ =	swait.ge [sflag:s30], $0x400  }
0x403: {  	[sflag:s30] =	ssyncset.done $0x0  }
0x404: {  	[sflag:s30] =	ssyncadd.s32 $0xFFFFFC00  }
0x405: {  	_ =	swait.ge [sflag:s30], $0x400  }
0x406: {  	[sflag:s30] =	ssyncset.done $0x0  }
0x407: {  	[sflag:s30] =	ssyncadd.s32 $0xFFFFFC00  }
0x408: {  	_ =	swait.ge [sflag:s30], $0x400  }
0x409: {  	[sflag:s30] =	ssyncset.done $0x0  }
0x40a: {  	[sflag:s30] =	ssyncadd.s32 $0xFFFFFC00  }
0x40b: {  	_ =	swait.ge [sflag:s30], $0x400  }
0x40c: {  	[sflag:s30] =	ssyncset.done $0x0  }
0x40d: {  	[sflag:s30] =	ssyncadd.s32 $0xFFFFFC00  }
0x40e: {  	_ =	swait.ge [sflag:s30], $0x400  }
0x40f: {  	[sflag:s30] =	ssyncset.done $0x0  }
0x410: {  	[sflag:s30] =	ssyncadd.s32 $0xFFFFFC00  }
0x411: {  	_ =	swait.ge [sflag:s30], $0x400  }
0x412: {  	[sflag:s30] =	ssyncset.done $0x0  }
0x413: {  	[sflag:s30] =	ssyncadd.s32 $0xFFFFFC00  }
0x414: {  	_ =	swait.ge [sflag:s30], $0x400  }
0x415: {  	[sflag:s30] =	ssyncset.done $0x0  }
0x416: {  	[sflag:s30] =	ssyncadd.s32 $0xFFFFFC00  }
0x417: {  	_ =	swait.ge [sflag:s30], $0x400  }
0x418: {  	[sflag:s30] =	ssyncset.done $0x0  }
0x419: {  	[sflag:s30] =	ssyncadd.s32 $0xFFFFFC00  }
0x41a: {  	_ =	swait.ge [sflag:s30], $0x400  }
0x41b: {  	[sflag:s30] =	ssyncset.done $0x0  }
0x41c: {  	[sflag:s30] =	ssyncadd.s32 $0xFFFFFC00  }
0x41d: {  	_ =	swait.ge [sflag:s30], $0x400  }
0x41e: {  	[sflag:s30] =	ssyncset.done $0x0  }
0x41f: {  	[sflag:s30] =	ssyncadd.s32 $0xFFFFFC00  }
0x420: {  	_ =	swait.ge [sflag:s30], $0x400  }
0x421: {  	[sflag:s30] =	ssyncset.done $0x0  }
0x422: {  	[sflag:s30] =	ssyncadd.s32 $0xFFFFFC00  }
0x423: {  	_ =	swait.ge [sflag:s30], $0x400  }
0x424: {  	[sflag:s30] =	ssyncset.done $0x0  }
0x425: {  	[sflag:s30] =	ssyncadd.s32 $0xFFFFFC00  }
0x426: {  	_ =	swait.ge [sflag:s30], $0x400  }
0x427: {  	[sflag:s30] =	ssyncset.done $0x0  }
0x428: {  	[sflag:s30] =	ssyncadd.s32 $0xFFFFFC00  }
0x429: {  	_ =	swait.ge [sflag:s30], $0x400  }
0x42a: {  	[sflag:s30] =	ssyncset.done $0x0  }
0x42b: {  	[sflag:s30] =	ssyncadd.s32 $0xFFFFFC00  }
0x42c: {  	_ =	swait.ge [sflag:s30], $0x400  }
0x42d: {  	[sflag:s30] =	ssyncset.done $0x0  }
0x42e: {  	[sflag:s30] =	ssyncadd.s32 $0xFFFFFC00  }
0x42f: {  	_ =	swait.ge [sflag:s30], $0x400  }
0x430: {  	[sflag:s30] =	ssyncset.done $0x0  }
0x431: {  	[sflag:s30] =	ssyncadd.s32 $0xFFFFFC00  }
0x432: {  	_ =	swait.ge [sflag:s30], $0x400  }
0x433: {  	[sflag:s30] =	ssyncset.done $0x0  }
0x434: {  	[sflag:s30] =	ssyncadd.s32 $0xFFFFFC00  }
0x435: {  	_ =	swait.ge [sflag:s30], $0x400  }
0x436: {  	[sflag:s30] =	ssyncset.done $0x0  }
0x437: {  	[sflag:s30] =	ssyncadd.s32 $0xFFFFFC00  }
0x438: {  	_ =	swait.ge [sflag:s30], $0x400  }
0x439: {  	[sflag:s30] =	ssyncset.done $0x0  }
0x43a: {  	[sflag:s30] =	ssyncadd.s32 $0xFFFFFC00  }
0x43b: {  	_ =	swait.ge [sflag:s30], $0x400  }
0x43c: {  	[sflag:s30] =	ssyncset.done $0x0  }
0x43d: {  	[sflag:s30] =	ssyncadd.s32 $0xFFFFFC00  }
0x43e: {  	_ =	swait.ge [sflag:s30], $0x400  }
0x43f: {  	[sflag:s30] =	ssyncset.done $0x0  }
0x440: {  	[sflag:s30] =	ssyncadd.s32 $0xFFFFFC00  }
0x441: {  	_ =	swait.ge [sflag:s30], $0x400  }
0x442: {  	[sflag:s30] =	ssyncset.done $0x0  }
0x443: {  	[sflag:s30] =	ssyncadd.s32 $0xFFFFFC00  }
0x444: {  	_ =	swait.ge [sflag:s30], $0x400  }
0x445: {  	[sflag:s30] =	ssyncset.done $0x0  }
0x446: {  	[sflag:s30] =	ssyncadd.s32 $0xFFFFFC00  }
0x447: {  	_ =	swait.ge [sflag:s30], $0x400  }
0x448: {  	[sflag:s30] =	ssyncset.done $0x0  }
0x449: {  	[sflag:s30] =	ssyncadd.s32 $0xFFFFFC00  }
0x44a: {  	_ =	swait.ge [sflag:s30], $0x400  }
0x44b: {  	[sflag:s30] =	ssyncset.done $0x0  }
0x44c: {  	[sflag:s30] =	ssyncadd.s32 $0xFFFFFC00  }
0x44d: {  	_ =	swait.ge [sflag:s30], $0x400  }
0x44e: {  	[sflag:s30] =	ssyncset.done $0x0  }
0x44f: {  	[sflag:s30] =	ssyncadd.s32 $0xFFFFFC00  }
0x450: {  	_ =	swait.ge [sflag:s30], $0x400  }
0x451: {  	[sflag:s30] =	ssyncset.done $0x0  }
0x452: {  	[sflag:s30] =	ssyncadd.s32 $0xFFFFFC00  }
0x453: {  	_ =	swait.ge [sflag:s30], $0x400  }
0x454: {  	[sflag:s30] =	ssyncset.done $0x0  }
0x455: {  	[sflag:s30] =	ssyncadd.s32 $0xFFFFFC00  }
0x456: {  	_ =	swait.ge [sflag:s30], $0x400  }
0x457: {  	[sflag:s30] =	ssyncset.done $0x0  }
0x458: {  	[sflag:s30] =	ssyncadd.s32 $0xFFFFFC00  }
0x459: {  	_ =	swait.ge [sflag:s30], $0x400  }
0x45a: {  	[sflag:s30] =	ssyncset.done $0x0  }
0x45b: {  	[sflag:s30] =	ssyncadd.s32 $0xFFFFFC00  }
0x45c: {  	_ =	swait.ge [sflag:s30], $0x400  }
0x45d: {  	[sflag:s30] =	ssyncset.done $0x0  }
0x45e: {  	[sflag:s30] =	ssyncadd.s32 $0xFFFFFC00  }
0x45f: {  	_ =	swait.ge [sflag:s30], $0x400  }
0x460: {  	[sflag:s30] =	ssyncset.done $0x0  }
0x461: {  	[sflag:s30] =	ssyncadd.s32 $0xFFFFFC00  }
0x462: {  	_ =	swait.ge [sflag:s30], $0x400  }
0x463: {  	[sflag:s30] =	ssyncset.done $0x0  }
0x464: {  	[sflag:s30] =	ssyncadd.s32 $0xFFFFFC00  }
0x465: {  	_ =	swait.ge [sflag:s30], $0x400  }
0x466: {  	[sflag:s30] =	ssyncset.done $0x0  }
0x467: {  	[sflag:s30] =	ssyncadd.s32 $0xFFFFFC00  }
0x468: {  	_ =	swait.ge [sflag:s30], $0x400  }
0x469: {  	[sflag:s30] =	ssyncset.done $0x0  }
0x46a: {  	[sflag:s30] =	ssyncadd.s32 $0xFFFFFC00  }
0x46b: {  	_ =	swait.ge [sflag:s30], $0x400  }
0x46c: {  	[sflag:s30] =	ssyncset.done $0x0  }
0x46d: {  	[sflag:s30] =	ssyncadd.s32 $0xFFFFFC00  }
0x46e: {  	_ =	swait.ge [sflag:s30], $0x400  }
0x46f: {  	[sflag:s30] =	ssyncset.done $0x0  }
0x470: {  	[sflag:s30] =	ssyncadd.s32 $0xFFFFFC00  }
0x471: {  	_ =	swait.ge [sflag:s30], $0x400  }
0x472: {  	[sflag:s30] =	ssyncset.done $0x0  }
0x473: {  	[sflag:s30] =	ssyncadd.s32 $0xFFFFFC00  }
0x474: {  	_ =	swait.ge [sflag:s30], $0x400  }
0x475: {  	[sflag:s30] =	ssyncset.done $0x0  }
0x476: {  	[sflag:s30] =	ssyncadd.s32 $0xFFFFFC00  }
0x477: {  	_ =	swait.ge [sflag:s30], $0x400  }
0x478: {  	[sflag:s30] =	ssyncset.done $0x0  }
0x479: {  	[sflag:s30] =	ssyncadd.s32 $0xFFFFFC00  }
0x47a: {  	_ =	swait.ge [sflag:s30], $0x400  }
0x47b: {  	[sflag:s30] =	ssyncset.done $0x0  }
0x47c: {  	[sflag:s30] =	ssyncadd.s32 $0xFFFFFC00  }
0x47d: {  	_ =	swait.ge [sflag:s30], $0x400  }
0x47e: {  	[sflag:s30] =	ssyncset.done $0x0  }
0x47f: {  	[sflag:s30] =	ssyncadd.s32 $0xFFFFFC00  }
0x480: {  	_ =	swait.ge [sflag:s30], $0x400  }
0x481: {  	[sflag:s30] =	ssyncset.done $0x0  }
0x482: {  	[sflag:s30] =	ssyncadd.s32 $0xFFFFFC00  }
0x483: {  	_ =	swait.ge [sflag:s30], $0x400  }
0x484: {  	[sflag:s30] =	ssyncset.done $0x0  }
0x485: {  	[sflag:s30] =	ssyncadd.s32 $0xFFFFFC00  }
0x486: {  	_ =	swait.ge [sflag:s30], $0x400  }
0x487: {  	[sflag:s30] =	ssyncset.done $0x0  }
0x488: {  	[sflag:s30] =	ssyncadd.s32 $0xFFFFFC00  }
0x489: {  	_ =	swait.ge [sflag:s30], $0x400  }
0x48a: {  	[sflag:s30] =	ssyncset.done $0x0  }
0x48b: {  	[sflag:s30] =	ssyncadd.s32 $0xFFFFFC00  }
0x48c: {  	_ =	swait.ge [sflag:s30], $0x400  }
0x48d: {  	[sflag:s30] =	ssyncset.done $0x0  }
0x48e: {  	[sflag:s30] =	ssyncadd.s32 $0xFFFFFC00  }
0x48f: {  	_ =	swait.ge [sflag:s30], $0x400  }
0x490: {  	[sflag:s30] =	ssyncset.done $0x0  }
0x491: {  	[sflag:s30] =	ssyncadd.s32 $0xFFFFFC00  }
0x492: {  	_ =	swait.ge [sflag:s30], $0x400  }
0x493: {  	[sflag:s30] =	ssyncset.done $0x0  }
0x494: {  	[sflag:s30] =	ssyncadd.s32 $0xFFFFFC00  }
0x495: {  	_ =	swait.ge [sflag:s30], $0x400  }
0x496: {  	[sflag:s30] =	ssyncset.done $0x0  }
0x497: {  	[sflag:s30] =	ssyncadd.s32 $0xFFFFFC00  }
0x498: {  	_ =	swait.ge [sflag:s30], $0x400  }
0x499: {  	[sflag:s30] =	ssyncset.done $0x0  }
0x49a: {  	[sflag:s30] =	ssyncadd.s32 $0xFFFFFC00  }
0x49b: {  	_ =	swait.ge [sflag:s30], $0x400  }
0x49c: {  	[sflag:s30] =	ssyncset.done $0x0  }
0x49d: {  	[sflag:s30] =	ssyncadd.s32 $0xFFFFFC00  }
0x49e: {  	_ =	swait.ge [sflag:s30], $0x400  }
0x49f: {  	[sflag:s30] =	ssyncset.done $0x0  }
0x4a0: {  	[sflag:s30] =	ssyncadd.s32 $0xFFFFFC00  }
0x4a1: {  	_ =	swait.ge [sflag:s30], $0x400  }
0x4a2: {  	[sflag:s30] =	ssyncset.done $0x0  }
0x4a3: {  	[sflag:s30] =	ssyncadd.s32 $0xFFFFFC00  }
0x4a4: {  	_ =	swait.ge [sflag:s30], $0x400  }
0x4a5: {  	[sflag:s30] =	ssyncset.done $0x0  }
0x4a6: {  	[sflag:s30] =	ssyncadd.s32 $0xFFFFFC00  }
0x4a7: {  	_ =	swait.ge [sflag:s30], $0x400  }
0x4a8: {  	[sflag:s30] =	ssyncset.done $0x0  }
0x4a9: {  	[sflag:s30] =	ssyncadd.s32 $0xFFFFFC00  }
0x4aa: {  	_ =	swait.ge [sflag:s30], $0x400  }
0x4ab: {  	[sflag:s30] =	ssyncset.done $0x0  }
0x4ac: {  	[sflag:s30] =	ssyncadd.s32 $0xFFFFFC00  }
0x4ad: {  	_ =	swait.ge [sflag:s30], $0x400  }
0x4ae: {  	[sflag:s30] =	ssyncset.done $0x0  }
0x4af: {  	[sflag:s30] =	ssyncadd.s32 $0xFFFFFC00  }
0x4b0: {  	_ =	swait.ge [sflag:s30], $0x400  }
0x4b1: {  	[sflag:s30] =	ssyncset.done $0x0  }
0x4b2: {  	[sflag:s30] =	ssyncadd.s32 $0xFFFFFC00  }
0x4b3: {  	_ =	swait.ge [sflag:s30], $0x400  }
0x4b4: {  	v57 =	vor.u32 v0, v16;
	[sflag:s30] =	ssyncset.done $0x0  }
0x4b5: {  	v58 =	vor.u32 v0, v17;
	[sflag:s30] =	ssyncadd.s32 $0xFFFFFC00  }
0x4b6: {  	v59 =	vor.u32 v1, v16;
	_ =	swait.ge [sflag:s30], $0x400  }
0x4b7: {  	v60 =	vor.u32 v1, v17;
	[sflag:s30] =	ssyncset.done $0x0  }
0x4b8: {  	v22 =	vor.u32 v2, v16;
	[sflag:s30] =	ssyncadd.s32 $0xFFFFFC00  }
0x4b9: {  	v23 =	vor.u32 v2, v17;
	v18 =	vld.idx.msk [tilespmem:v57+s9+$0x0], $0xffff  }
0x4ba: {  	v24 =	vor.u32 v3, v16;
	v19 =	vld.idx.msk [tilespmem:v58+s10+$0x0], $0xffff  }
0x4bb: {  	v25 =	vor.u32 v3, v17;
	v20 =	vld.idx.msk [tilespmem:v59+s9+$0x0], $0xffff  }
0x4bc: {  	v26 =	vor.u32 v4, v16;
	v21 =	vld.idx.msk [tilespmem:v60+s10+$0x0], $0xffff  }
0x4bd: {  	v27 =	vor.u32 v4, v17;
	v22 =	vld.idx.msk [tilespmem:v22+s9+$0x0], $0xffff  }
0x4be: {  	v28 =	vor.u32 v5, v16;
	v23 =	vld.idx.msk [tilespmem:v23+s10+$0x0], $0xffff  }
0x4bf: {  	v29 =	vor.u32 v5, v17;
	v24 =	vld.idx.msk [tilespmem:v24+s9+$0x0], $0xffff;
	v18 =	vmul.f32 v19, v18  }
0x4c0: {  	v62 =	vor.u32 v6, v16;
	v61 =	vld.idx.msk [tilespmem:v25+s10+$0x0], $0xffff  }
0x4c1: {  	v33 =	vor.u32 v6, v17;
	v63 =	vld.idx.msk [tilespmem:v26+s9+$0x0], $0xffff;
	v20 =	vmul.f32 v21, v20;
	v18 =	vadd.f32 $0.0e+00, v18  }
0x4c2: {  	v30 =	vor.u32 v7, v16;
	v27 =	vld.idx.msk [tilespmem:v27+s10+$0x0], $0xffff  }
0x4c3: {  	v31 =	vor.u32 v7, v17;
	v28 =	vld.idx.msk [tilespmem:v28+s9+$0x0], $0xffff;
	v22 =	vmul.f32 v23, v22;
	v18 =	vadd.f32 v20, v18  }
0x4c4: {  	v36 =	vor.u32 v8, v17;
	v34 =	vld.idx.msk [tilespmem:v29+s10+$0x0], $0xffff  }
0x4c5: {  	v35 =	vor.u32 v8, v16;
	v25 =	vld.idx.msk [tilespmem:v62+s9+$0x0], $0xffff;
	v19 =	vmul.f32 v61, v24;
	v18 =	vadd.f32 v22, v18  }
0x4c6: {  	v40 =	vor.u32 v9, v17;
	v37 =	vld.idx.msk [tilespmem:v33+s10+$0x0], $0xffff  }
0x4c7: {  	v38 =	vor.u32 v9, v16;
	v39 =	vld.idx.msk [tilespmem:v30+s9+$0x0], $0xffff;
	v21 =	vmul.f32 v27, v63;
	v18 =	vadd.f32 v19, v18  }
0x4c8: {  	v43 =	vor.u32 v10, v17;
	v41 =	vld.idx.msk [tilespmem:v31+s10+$0x0], $0xffff  }
0x4c9: {  	v42 =	vor.u32 v10, v16;
	v44 =	vld.idx.msk [tilespmem:v36+s10+$0x0], $0xffff;
	v20 =	vmul.f32 v34, v28;
	v18 =	vadd.f32 v21, v18  }
0x4ca: {  	v46 =	vor.u32 v11, v17;
	v23 =	vld.idx.msk [tilespmem:v35+s9+$0x0], $0xffff  }
0x4cb: {  	v45 =	vor.u32 v11, v16;
	v47 =	vld.idx.msk [tilespmem:v40+s10+$0x0], $0xffff;
	v22 =	vmul.f32 v37, v25;
	v18 =	vadd.f32 v20, v18  }
0x4cc: {  	v49 =	vor.u32 v12, v17;
	v24 =	vld.idx.msk [tilespmem:v38+s9+$0x0], $0xffff  }
0x4cd: {  	v48 =	vor.u32 v12, v16;
	v50 =	vld.idx.msk [tilespmem:v43+s10+$0x0], $0xffff;
	v19 =	vmul.f32 v41, v39;
	v18 =	vadd.f32 v22, v18  }
0x4ce: {  	v51 =	vor.u32 v13, v16;
	v27 =	vld.idx.msk [tilespmem:v42+s9+$0x0], $0xffff  }
0x4cf: {  	v52 =	vor.u32 v13, v17;
	v53 =	vld.idx.msk [tilespmem:v46+s10+$0x0], $0xffff;
	v21 =	vmul.f32 v44, v23;
	v18 =	vadd.f32 v19, v18  }
0x4d0: {  	v55 =	vor.u32 v14, v17;
	v28 =	vld.idx.msk [tilespmem:v45+s9+$0x0], $0xffff  }
0x4d1: {  	v54 =	vor.u32 v14, v16;
	v56 =	vld.idx.msk [tilespmem:v49+s10+$0x0], $0xffff;
	v20 =	vmul.f32 v47, v24;
	v18 =	vadd.f32 v21, v18  }
0x4d2: {  	v16 =	vor.u32 v15, v16;
	v25 =	vld.idx.msk [tilespmem:v48+s9+$0x0], $0xffff  }
0x4d3: {  	v17 =	vor.u32 v15, v17;
	v57 =	vld.idx.msk [tilespmem:v51+s9+$0x0], $0xffff;
	v22 =	vmul.f32 v50, v27;
	v18 =	vadd.f32 v20, v18  }
0x4d4: {  	v58 =	vld.idx.msk [tilespmem:v52+s10+$0x0], $0xffff  }
0x4d5: {  	v59 =	vld.idx.msk [tilespmem:v55+s10+$0x0], $0xffff;
	v19 =	vmul.f32 v53, v28;
	v18 =	vadd.f32 v22, v18  }
0x4d6: {  	v23 =	vld.idx.msk [tilespmem:v54+s9+$0x0], $0xffff  }
0x4d7: {  	v16 =	vld.idx.msk [tilespmem:v16+s9+$0x0], $0xffff;
	v21 =	vmul.f32 v56, v25;
	v18 =	vadd.f32 v19, v18  }
0x4d8: {  	v17 =	vld.idx.msk [tilespmem:v17+s10+$0x0], $0xffff  }
0x4d9: {  	v60 =	vmul.f32 v58, v57;
	v18 =	vadd.f32 v21, v18;
	_ =	sdelay $0x1  }
0x4da: {  	v61 =	vmul.f32 v59, v23;
	v18 =	vadd.f32 v60, v18  }
0x4db: {  	v62 =	vld [tilespmem:s17+$0x10400]  }
0x4dc: {  	v16 =	vmul.f32 v17, v16;
	v17 =	vadd.f32 v61, v18  }
0x4dd: {  	v63 =	vld [tilespmem:s17+$0x10600]  }
0x4de: {  	v16 =	vadd.f32 v16, v17;
	_ =	sdelay $0x1  }
0x4df: {  	v16 =	vadd.f32 v16, v62;
	_ =	sdelay $0x1  }
0x4e0: {  	v16 =	vadd.f32 v16, v63;
	_ =	sdelay $0x1  }
0x4e1: {  	s25 =	sld [smem:$0x7EB];
	v16 =	vadd.f32 $7.000000000e+00, v16;
	_ =	sdelay $0x1  }
0x4e2: {  	s26 =	simm.s32 $0x10800;
	s28 =	simm.s32 $0x3;
	[tilespmem:s17+$0x10800] =	vst v16  }
0x4e3: {  	[hbm4b:s25+s4] =	stream.linear.scatter [tilespmem:s26], [sflag:$0x3], $0x200, $0x38;
	[tilespmem:$0x10A00] =	vst v63  }
0x4e4: {  	_ =	swait.ge [sflag:s28], $0x200  }
0x4e5: {  	s29 =	sld [smem:$0x7D3]  }
0x4e6: {  	s31 =	sld [smem:$0x7ED];
	_ =	sdelay $0x1  }
0x4e7: {  	s2 =	sadd.s32 $0x1, s29  }
0x4e8: {  	p0 =	sne.s32 s2, s31  }
.Ltmp1:
0x4e9: {  	_ = 	snop;
	(pc) =	sbr.rel @p0 .LBB2_1-.Ltmp1, $3  }
0x4ea: {  	_ =	sdelay $0x1  }
0x4eb: {  	[sflag:s28] =	ssyncset.done $0x0  }
0x4ec: {  	[sflag:s28] =	ssyncadd.s32 $0xFFFFFE00  }
0x4ed: {  	_ =	sfence.sel $0x180000  }
0x4ee: {  	[bflag:$0x0] =	sbarrier.arrive $0xFFFF  }
0x4ef: {  	_ =	strace $0x90000047  }
0x4f0: {  	s0 =	stileid.u32;
	[bflag:$0x2] =	sbarrier.arrive $0xFFFF  }
0x4f1: {  	p0 =	sne.s32 s0, $0x0;
	s0 =	rddreg [dreg:$0x6]  }
0x4f2: {  	s0 =	sadd.s32 @!p0 $0x100000, s0  }
0x4f3: {  	[sflag:s0] =	ssyncadd.tile.s32 @!p0 $0x1;
	_ =	shalt  }
.Lfunc_end2:
_tile_overlayer_lowered:
.L_overlay_start_2:
0x4f4: {  	(tag) =	ssettag $0x2  }
0x4f5: {  	s0 =	rddreg [dreg:$0x0];
	s2 =	stileid.u32  }
0x4f6: {  	s1 =	rddreg [dreg:$0x1];
	p0 =	sne.s32 s2, $0x0  }
0x4f7: {  	s3 =	rddreg [dreg:$0x2];
	[bflag:$0x3] =	sbarrier.arrive $0xFFFF;
	s2 =	simm.s32 @!p0 $0x1C03  }
0x4f8: {  	[timem:s3], [sflag:s2] =	dma.local @!p0 [hbm:s0], s1  }
0x4f9: {  	s0 =	simm.s32 @!p0 $0x3  }
0x4fa: {  	_ =	swait.ge @!p0 [sflag:s0], s1  }
0x4fb: {  	s1 =	ssub.s32 @!p0 $0x0, s1;
	[sflag:s0] =	ssyncset.done @!p0 $0x0  }
0x4fc: {  	[sflag:s0] =	ssyncadd.s32 @!p0 s1  }
0x4fd: {  	[bflag:$0x3] =	sbarrier.arrive $0xFFFF  }
0x4fe: {  	_ =	shalt  }

</sc_bundles>
